<compile_context>
chip_gen: v7x
topology: tpu7x:2x2x1
jax: 0.10.2.dev20260603
libtpu: 0.0.44.dev20260713+nightly
codegen_flags: <defaults>
</compile_context>

<pallas_src>
import functools

import jax
import jax.numpy as jnp
from jax import lax
from jax.experimental import pallas as pl
from jax.experimental.pallas import tpu as pltpu
from jax.experimental.pallas import tpu_sc as plsc

_NUM_ROWS = 4096 * 200
_DIM = 32
_VOCAB = 1000000
_FULL_TILES = _VOCAB // 128
_REM = _VOCAB - _FULL_TILES * 128

_INFO = plsc.get_sparse_core_info()
_NC = _INFO.num_cores
_NS = _INFO.num_subcores
_NW = _NC * _NS
_ROWS_PER_W = _NUM_ROWS // _NW
_CHUNK = 1600
_NCHUNK = _ROWS_PER_W // _CHUNK

_TPW = _FULL_TILES // _NW
_TXTRA = _FULL_TILES - _TPW * _NW

_mesh = plsc.VectorSubcoreMesh(core_axis_name="c", subcore_axis_name="s")


@functools.partial(
    pl.kernel,
    mesh=_mesh,
    out_type=jax.ShapeDtypeStruct((_VOCAB * _DIM,), jnp.float32),
    scratch_types=[
        pltpu.VMEM((4, 32, 129), jnp.float32),
        pltpu.VMEM((4096,), jnp.float32),
        pltpu.VMEM((4096,), jnp.float32),
        pltpu.VMEM((4096,), jnp.float32),
        pltpu.VMEM((4096,), jnp.float32),
        pltpu.SemaphoreType.DMA,
        pltpu.SemaphoreType.DMA,
        pltpu.SemaphoreType.DMA,
        pltpu.SemaphoreType.DMA,
        pltpu.SemaphoreType.DMA,
        pltpu.SemaphoreType.DMA,
        pltpu.SemaphoreType.DMA,
        pltpu.SemaphoreType.DMA,
    ],
    compiler_params=pltpu.CompilerParams(use_tc_tiling_on_sc=True,
                                         needs_layout_passes=False),
)
def _format_kernel(wt_hbm, out_hbm, in_v, tr0, tr1, tr2, tr3,
                   s_i0, s_i1, s_i2, s_i3, s_o0, s_o1, s_o2, s_o3):
    wid = lax.axis_index("s") * _NC + lax.axis_index("c")
    c0 = wid * _TPW
    s_in = (s_i0, s_i1, s_i2, s_i3)
    s_out = (s_o0, s_o1, s_o2, s_o3)
    tr = (tr0, tr1, tr2, tr3)

    iota = lax.iota(jnp.int32, 16)
    d_lo = iota
    d_hi = iota + 16

    def start_in(c, b):
        pltpu.async_copy(wt_hbm.at[:, pl.ds(c * 128, 128)],
                         in_v.at[b, :, pl.ds(0, 128)], s_in[b])

    def wait_in(b):
        pltpu.make_async_copy(wt_hbm.at[:, pl.ds(0, 128)],
                              in_v.at[b, :, pl.ds(0, 128)], s_in[b]).wait()

    def start_out(c, b):
        pltpu.async_copy(tr[b], out_hbm.at[pl.ds(c * 4096, 4096)], s_out[b])

    def wait_out(b):
        pltpu.make_async_copy(tr[b], out_hbm.at[pl.ds(0, 4096)],
                              s_out[b]).wait()

    def transpose_chunk(b):
        src_ref = in_v.at[b]
        dst = tr[b]

        @plsc.parallel_loop(0, 128, unroll=32)
        def body(v):
            vv = jnp.full((16,), v, jnp.int32)
            lo = plsc.load_gather(src_ref, [d_lo, vv])
            hi = plsc.load_gather(src_ref, [d_hi, vv])
            dst[pl.ds(v * 32, 16)] = lo
            dst[pl.ds(v * 32 + 16, 16)] = hi

    start_in(c0, 0)
    start_in(c0 + 1, 1)
    start_in(c0 + 2, 2)

    def quad_body(k, carry):
        for b in (0, 1, 2, 3):
            i = 4 * k + b
            c = c0 + i
            start_in(c + 3, (b + 3) % 4)
            wait_in(b)

            @pl.when(k >= 1)
            def _wout():
                wait_out(b)

            transpose_chunk(b)
            start_out(c, b)
        return carry

    lax.fori_loop(0, _TPW // 4, quad_body, 0)
    for b in range(4):
        wait_out(b)
    for b in range(3):
        wait_in(b)

    @pl.when(wid < _TXTRA)
    def _extra():
        c = _FULL_TILES - _TXTRA + wid
        start_in(c, 3)
        wait_in(3)
        transpose_chunk(3)
        start_out(c, 3)
        wait_out(3)



@functools.partial(
    pl.kernel,
    mesh=_mesh,
    out_type=jax.ShapeDtypeStruct((_NUM_ROWS, _DIM), jnp.float32),
    scratch_types=[
        pltpu.VMEM((2, _CHUNK), jnp.int32),
        pltpu.VMEM((2, _CHUNK, _DIM), jnp.float32),
        pltpu.SemaphoreType.DMA,
        pltpu.SemaphoreType.DMA,
        pltpu.SemaphoreType.DMA,
        pltpu.SemaphoreType.DMA,
        pltpu.SemaphoreType.DMA,
        pltpu.SemaphoreType.DMA,
    ],
    compiler_params=pltpu.CompilerParams(use_tc_tiling_on_sc=False),
)
def _gather_kernel(idx_hbm, table_hbm, out_hbm, idx_v, rows_v,
                   s_i0, s_i1, s_g0, s_g1, s_o0, s_o1):
    wid = lax.axis_index("s") * _NC + lax.axis_index("c")
    base = wid * _ROWS_PER_W
    s_idx = (s_i0, s_i1)
    s_gat = (s_g0, s_g1)
    s_out = (s_o0, s_o1)

    def start_idx(i):
        b = i % 2
        return pltpu.async_copy(
            idx_hbm.at[pl.ds(base + i * _CHUNK, _CHUNK)], idx_v.at[b], s_idx[b])

    def start_gather(i):
        b = i % 2
        return pltpu.async_copy(table_hbm.at[idx_v.at[b]], rows_v.at[b], s_gat[b])

    def start_out(i):
        b = i % 2
        return pltpu.async_copy(
            rows_v.at[b], out_hbm.at[pl.ds(base + i * _CHUNK, _CHUNK)], s_out[b])

    idx_h = [None] * _NCHUNK
    gat_h = [None] * _NCHUNK
    out_h = [None] * _NCHUNK

    idx_h[0] = start_idx(0)
    idx_h[1] = start_idx(1)
    for i in range(_NCHUNK):
        b = i % 2
        idx_h[i].wait()
        if i >= 2:
            out_h[i - 2].wait()
        gat_h[i] = start_gather(i)
        if i >= 1:
            gat_h[i - 1].wait()
            out_h[i - 1] = start_out(i - 1)
            if i + 1 < _NCHUNK:
                idx_h[i + 1] = start_idx(i + 1)
    gat_h[_NCHUNK - 1].wait()
    out_h[_NCHUNK - 1] = start_out(_NCHUNK - 1)
    out_h[_NCHUNK - 2].wait()
    out_h[_NCHUNK - 1].wait()


def kernel(input_, weight):
    idx = input_.reshape(-1).astype(jnp.int32)
    table_flat = _format_kernel(weight.T)
    tail = weight[_FULL_TILES * 128:, :].reshape(-1)
    table_flat = lax.dynamic_update_slice(
        table_flat, tail, (_FULL_TILES * 128 * _DIM,))
    table = table_flat.reshape(_VOCAB, _DIM)
    out = _gather_kernel(idx, table)
    return out.reshape(input_.shape + (weight.shape[1],))

# --- scband reference (transcript-rebuilt; emitter-appended) ---
"""Pipeline reference for scband-vocab-parallel-embedding-481036337619 (READ-ONLY COPY).

The authoritative reference and input builder live on the scoring server;
editing this copy changes nothing except your own understanding.
"""

import jax, jax.numpy as jnp
import numpy as np

NUM_EMBEDDINGS = 1000000
EMBEDDING_DIM = 32
VOCAB_START_IDX = 0
VOCAB_END_IDX = NUM_EMBEDDINGS  # world_size = 1


def setup_inputs(seed: int = 0) -> dict:
    key = jax.random.key(seed)
    k_idx, k_w = jax.random.split(key)
    input_ = jax.random.randint(k_idx, (4096, 200), 0, NUM_EMBEDDINGS, dtype=jnp.int64 if jax.config.jax_enable_x64 else jnp.int32)
    weight = jax.random.normal(k_w, (NUM_EMBEDDINGS, EMBEDDING_DIM), dtype=jnp.float32) * 0.02
    return {"input_": input_, "weight": weight}


def reference(input_, weight):
    # Vocab-parallel embedding, world_size=1 so start=0, end=num_embeddings.
    input_mask = (input_ < VOCAB_START_IDX) | (input_ >= VOCAB_END_IDX)
    masked_input = jnp.where(input_mask, 0, input_ - VOCAB_START_IDX)
    output_parallel = jnp.take(weight, masked_input, axis=0)
    output_parallel = jnp.where(input_mask[..., None], 0.0, output_parallel)
    # all-reduce across tensor-parallel group is identity for world_size=1
    return output_parallel

if __name__ == "__main__":
    import jax
    _d = setup_inputs()
    print(jax.jit(kernel)(*tuple(_d.values())))

</pallas_src>

<mosaic_0001>
#map = affine_map<(d0, d1) -> (0, 0)>
#map1 = affine_map<(d0, d1) -> (0)>
module attributes {stable_mosaic.version = 14 : i64} {
  func.func @_format_kernel(%arg0: i32, %arg1: i32, %arg2: memref<32x1000000xf32, #tpu.memory_space<hbm>>, %arg3: memref<32000000xf32, #tpu.memory_space<hbm>>, %arg4: memref<4x32x129xf32, #tpu.memory_space<vmem>>, %arg5: memref<4096xf32, #tpu.memory_space<vmem>>, %arg6: memref<4096xf32, #tpu.memory_space<vmem>>, %arg7: memref<4096xf32, #tpu.memory_space<vmem>>, %arg8: memref<4096xf32, #tpu.memory_space<vmem>>, %arg9: memref<!tpu.dma_semaphore, #tpu.memory_space<semaphore_mem>>, %arg10: memref<!tpu.dma_semaphore, #tpu.memory_space<semaphore_mem>>, %arg11: memref<!tpu.dma_semaphore, #tpu.memory_space<semaphore_mem>>, %arg12: memref<!tpu.dma_semaphore, #tpu.memory_space<semaphore_mem>>, %arg13: memref<!tpu.dma_semaphore, #tpu.memory_space<semaphore_mem>>, %arg14: memref<!tpu.dma_semaphore, #tpu.memory_space<semaphore_mem>>, %arg15: memref<!tpu.dma_semaphore, #tpu.memory_space<semaphore_mem>>, %arg16: memref<!tpu.dma_semaphore, #tpu.memory_space<semaphore_mem>>) attributes {dimension_semantics = [#tpu.dimension_semantics<core_parallel>, #tpu.dimension_semantics<subcore_parallel>], iteration_bounds = array<i64: 2, 16>, scalar_prefetch = 0 : i64, scratch_operands = 13 : i64, tpu.core_type = #tpu.core_type<sc_vector_subcore>, window_params = [{transform_indices = #map}, {transform_indices = #map1}]} {
    %mul3A = arith.constant 2 : i32
    %mul3A_0 = arith.muli %arg1, %mul3A : i32
    %add3A = arith.addi %mul3A_0, %arg0 : i32
    %mul3A_1 = arith.constant 244 : i32
    %mul3A_2 = arith.muli %add3A, %mul3A_1 : i32
    %iota3A = tpu.iota {dimensions = array<i32: 0>} : vector<16xi32>
    %add3A_3 = arith.constant 16 : i32
    %add3A_4 = vector.broadcast %add3A_3 : i32 to vector<16xi32>
    %add3A_5 = arith.addi %iota3A, %add3A_4 : vector<16xi32>
    %mul3A_6 = arith.constant 128 : i32
    %mul3A_7 = arith.muli %mul3A_2, %mul3A_6 : i32
    %dma_start3A = arith.constant 0 : i32
    %dma_start3A_8 = arith.constant 0 : i32
    %dma_start3A_9 = arith.constant 0 : i32
    %dma_start3A_10 = tpu.memref_slice %arg4[%dma_start3A, %dma_start3A_8, %dma_start3A_9] : memref<4x32x129xf32, #tpu.memory_space<vmem>> -> memref<1x32x128xf32, #tpu.memory_space<vmem>>
    %dma_start3A_11 = tpu.memref_squeeze %dma_start3A_10 : memref<1x32x128xf32, #tpu.memory_space<vmem>> -> memref<32x128xf32, #tpu.memory_space<vmem>>
    %dma_start3A_12 = arith.constant 0 : i32
    %dma_start3A_13 = tpu.memref_slice %arg2[%dma_start3A_12, %mul3A_7] : memref<32x1000000xf32, #tpu.memory_space<hbm>> -> memref<32x128xf32, #tpu.memory_space<hbm>>
    %dma_start3A_14 = arith.constant 0 : i32
    %dma_start3A_15 = arith.constant 0 : i32
    %dma_start3A_16 = tpu.memref_slice %arg4[%dma_start3A, %dma_start3A_14, %dma_start3A_15] : memref<4x32x129xf32, #tpu.memory_space<vmem>> -> memref<1x32x128xf32, #tpu.memory_space<vmem>>
    %dma_start3A_17 = tpu.memref_squeeze %dma_start3A_16 : memref<1x32x128xf32, #tpu.memory_space<vmem>> -> memref<32x128xf32, #tpu.memory_space<vmem>>
    %dma_start3A_18 = arith.constant 0 : i32
    %dma_start3A_19 = tpu.memref_slice %arg2[%dma_start3A_18, %mul3A_7] : memref<32x1000000xf32, #tpu.memory_space<hbm>> -> memref<32x128xf32, #tpu.memory_space<hbm>>
    tpu.enqueue_dma source(%dma_start3A_19 : memref<32x128xf32, #tpu.memory_space<hbm>>) target(%dma_start3A_17 : memref<32x128xf32, #tpu.memory_space<vmem>>) target_semaphore(%arg9 : memref<!tpu.dma_semaphore, #tpu.memory_space<semaphore_mem>>)
    %add3A_20 = arith.constant 1 : i32
    %add3A_21 = arith.addi %mul3A_2, %add3A_20 : i32
    %mul3A_22 = arith.constant 128 : i32
    %mul3A_23 = arith.muli %add3A_21, %mul3A_22 : i32
    %dma_start3A_24 = arith.constant 1 : i32
    %dma_start3A_25 = arith.constant 0 : i32
    %dma_start3A_26 = arith.constant 0 : i32
    %dma_start3A_27 = tpu.memref_slice %arg4[%dma_start3A_24, %dma_start3A_25, %dma_start3A_26] : memref<4x32x129xf32, #tpu.memory_space<vmem>> -> memref<1x32x128xf32, #tpu.memory_space<vmem>>
    %dma_start3A_28 = tpu.memref_squeeze %dma_start3A_27 : memref<1x32x128xf32, #tpu.memory_space<vmem>> -> memref<32x128xf32, #tpu.memory_space<vmem>>
    %dma_start3A_29 = arith.constant 0 : i32
    %dma_start3A_30 = tpu.memref_slice %arg2[%dma_start3A_29, %mul3A_23] : memref<32x1000000xf32, #tpu.memory_space<hbm>> -> memref<32x128xf32, #tpu.memory_space<hbm>>
    %dma_start3A_31 = arith.constant 0 : i32
    %dma_start3A_32 = arith.constant 0 : i32
    %dma_start3A_33 = tpu.memref_slice %arg4[%dma_start3A_24, %dma_start3A_31, %dma_start3A_32] : memref<4x32x129xf32, #tpu.memory_space<vmem>> -> memref<1x32x128xf32, #tpu.memory_space<vmem>>
    %dma_start3A_34 = tpu.memref_squeeze %dma_start3A_33 : memref<1x32x128xf32, #tpu.memory_space<vmem>> -> memref<32x128xf32, #tpu.memory_space<vmem>>
    %dma_start3A_35 = arith.constant 0 : i32
    %dma_start3A_36 = tpu.memref_slice %arg2[%dma_start3A_35, %mul3A_23] : memref<32x1000000xf32, #tpu.memory_space<hbm>> -> memref<32x128xf32, #tpu.memory_space<hbm>>
    tpu.enqueue_dma source(%dma_start3A_36 : memref<32x128xf32, #tpu.memory_space<hbm>>) target(%dma_start3A_34 : memref<32x128xf32, #tpu.memory_space<vmem>>) target_semaphore(%arg10 : memref<!tpu.dma_semaphore, #tpu.memory_space<semaphore_mem>>)
    %add3A_37 = arith.constant 2 : i32
    %add3A_38 = arith.addi %mul3A_2, %add3A_37 : i32
    %mul3A_39 = arith.constant 128 : i32
    %mul3A_40 = arith.muli %add3A_38, %mul3A_39 : i32
    %dma_start3A_41 = arith.constant 2 : i32
    %dma_start3A_42 = arith.constant 0 : i32
    %dma_start3A_43 = arith.constant 0 : i32
    %dma_start3A_44 = tpu.memref_slice %arg4[%dma_start3A_41, %dma_start3A_42, %dma_start3A_43] : memref<4x32x129xf32, #tpu.memory_space<vmem>> -> memref<1x32x128xf32, #tpu.memory_space<vmem>>
    %dma_start3A_45 = tpu.memref_squeeze %dma_start3A_44 : memref<1x32x128xf32, #tpu.memory_space<vmem>> -> memref<32x128xf32, #tpu.memory_space<vmem>>
    %dma_start3A_46 = arith.constant 0 : i32
    %dma_start3A_47 = tpu.memref_slice %arg2[%dma_start3A_46, %mul3A_40] : memref<32x1000000xf32, #tpu.memory_space<hbm>> -> memref<32x128xf32, #tpu.memory_space<hbm>>
    %dma_start3A_48 = arith.constant 0 : i32
    %dma_start3A_49 = arith.constant 0 : i32
    %dma_start3A_50 = tpu.memref_slice %arg4[%dma_start3A_41, %dma_start3A_48, %dma_start3A_49] : memref<4x32x129xf32, #tpu.memory_space<vmem>> -> memref<1x32x128xf32, #tpu.memory_space<vmem>>
    %dma_start3A_51 = tpu.memref_squeeze %dma_start3A_50 : memref<1x32x128xf32, #tpu.memory_space<vmem>> -> memref<32x128xf32, #tpu.memory_space<vmem>>
    %dma_start3A_52 = arith.constant 0 : i32
    %dma_start3A_53 = tpu.memref_slice %arg2[%dma_start3A_52, %mul3A_40] : memref<32x1000000xf32, #tpu.memory_space<hbm>> -> memref<32x128xf32, #tpu.memory_space<hbm>>
    tpu.enqueue_dma source(%dma_start3A_53 : memref<32x128xf32, #tpu.memory_space<hbm>>) target(%dma_start3A_51 : memref<32x128xf32, #tpu.memory_space<vmem>>) target_semaphore(%arg11 : memref<!tpu.dma_semaphore, #tpu.memory_space<semaphore_mem>>)
    %scan3A = arith.constant 0 : i32
    %scan3A_54 = arith.constant 0 : i32
    %scan3A_55 = arith.constant 61 : i32
    %scan3A_56 = arith.addi %scan3A_54, %scan3A_55 : i32
    %scan3A_57 = arith.constant 1 : i32
    scf.for %scan3A_121 = %scan3A_54 to %scan3A_56 step %scan3A_57  : i32 {
      %mul3A_122 = arith.constant 4 : i32
      %mul3A_123 = arith.muli %mul3A_122, %scan3A_121 : i32
      %add3A_124 = arith.constant 0 : i32
      %add3A_125 = arith.addi %mul3A_123, %add3A_124 : i32
      %add3A_126 = arith.addi %mul3A_2, %add3A_125 : i32
      %add3A_127 = arith.constant 3 : i32
      %add3A_128 = arith.addi %add3A_126, %add3A_127 : i32
      %mul3A_129 = arith.constant 128 : i32
      %mul3A_130 = arith.muli %add3A_128, %mul3A_129 : i32
      %dma_start3A_131 = arith.constant 3 : i32
      %dma_start3A_132 = arith.constant 0 : i32
      %dma_start3A_133 = arith.constant 0 : i32
      %dma_start3A_134 = tpu.memref_slice %arg4[%dma_start3A_131, %dma_start3A_132, %dma_start3A_133] : memref<4x32x129xf32, #tpu.memory_space<vmem>> -> memref<1x32x128xf32, #tpu.memory_space<vmem>>
      %dma_start3A_135 = tpu.memref_squeeze %dma_start3A_134 : memref<1x32x128xf32, #tpu.memory_space<vmem>> -> memref<32x128xf32, #tpu.memory_space<vmem>>
      %dma_start3A_136 = arith.constant 0 : i32
      %dma_start3A_137 = tpu.memref_slice %arg2[%dma_start3A_136, %mul3A_130] : memref<32x1000000xf32, #tpu.memory_space<hbm>> -> memref<32x128xf32, #tpu.memory_space<hbm>>
      %dma_start3A_138 = arith.constant 0 : i32
      %dma_start3A_139 = arith.constant 0 : i32
      %dma_start3A_140 = tpu.memref_slice %arg4[%dma_start3A_131, %dma_start3A_138, %dma_start3A_139] : memref<4x32x129xf32, #tpu.memory_space<vmem>> -> memref<1x32x128xf32, #tpu.memory_space<vmem>>
      %dma_start3A_141 = tpu.memref_squeeze %dma_start3A_140 : memref<1x32x128xf32, #tpu.memory_space<vmem>> -> memref<32x128xf32, #tpu.memory_space<vmem>>
      %dma_start3A_142 = arith.constant 0 : i32
      %dma_start3A_143 = tpu.memref_slice %arg2[%dma_start3A_142, %mul3A_130] : memref<32x1000000xf32, #tpu.memory_space<hbm>> -> memref<32x128xf32, #tpu.memory_space<hbm>>
      tpu.enqueue_dma source(%dma_start3A_143 : memref<32x128xf32, #tpu.memory_space<hbm>>) target(%dma_start3A_141 : memref<32x128xf32, #tpu.memory_space<vmem>>) target_semaphore(%arg12 : memref<!tpu.dma_semaphore, #tpu.memory_space<semaphore_mem>>)
      %dma_wait3A_144 = arith.constant 0 : i32
      %dma_wait3A_145 = arith.constant 0 : i32
      %dma_wait3A_146 = arith.constant 0 : i32
      %dma_wait3A_147 = tpu.memref_slice %arg4[%dma_wait3A_144, %dma_wait3A_145, %dma_wait3A_146] : memref<4x32x129xf32, #tpu.memory_space<vmem>> -> memref<1x32x128xf32, #tpu.memory_space<vmem>>
      %dma_wait3A_148 = tpu.memref_squeeze %dma_wait3A_147 : memref<1x32x128xf32, #tpu.memory_space<vmem>> -> memref<32x128xf32, #tpu.memory_space<vmem>>
      %dma_wait3A_149 = arith.constant 0 : i32
      %dma_wait3A_150 = arith.constant 0 : i32
      %dma_wait3A_151 = tpu.memref_slice %arg2[%dma_wait3A_149, %dma_wait3A_150] : memref<32x1000000xf32, #tpu.memory_space<hbm>> -> memref<32x128xf32, #tpu.memory_space<hbm>>
      %dma_wait3A_152 = arith.constant 0 : i32
      %dma_wait3A_153 = arith.constant 0 : i32
      %dma_wait3A_154 = tpu.memref_slice %arg4[%dma_wait3A_144, %dma_wait3A_152, %dma_wait3A_153] : memref<4x32x129xf32, #tpu.memory_space<vmem>> -> memref<1x32x128xf32, #tpu.memory_space<vmem>>
      %dma_wait3A_155 = tpu.memref_squeeze %dma_wait3A_154 : memref<1x32x128xf32, #tpu.memory_space<vmem>> -> memref<32x128xf32, #tpu.memory_space<vmem>>
      %dma_wait3A_156 = arith.constant 0 : i32
      %dma_wait3A_157 = arith.constant 0 : i32
      %dma_wait3A_158 = tpu.memref_slice %arg2[%dma_wait3A_156, %dma_wait3A_157] : memref<32x1000000xf32, #tpu.memory_space<hbm>> -> memref<32x128xf32, #tpu.memory_space<hbm>>
      tpu.wait_dma2 semaphore(%arg9 : memref<!tpu.dma_semaphore, #tpu.memory_space<semaphore_mem>>) src(%dma_wait3A_158 : memref<32x128xf32, #tpu.memory_space<hbm>>) dst(%dma_wait3A_155 : memref<32x128xf32, #tpu.memory_space<vmem>>)
      %ge3A = arith.constant 1 : i32
      %ge3A_159 = arith.cmpi sge, %scan3A_121, %ge3A : i32
      %convert_element_type3A_160 = arith.extui %ge3A_159 : i1 to i32
      %cond3A_161 = arith.constant 0 : i32
      %cond3A_162 = arith.cmpi ne, %convert_element_type3A_160, %cond3A_161 : i32
      scf.if %cond3A_162 {
        %dma_wait3A_320 = arith.constant 0 : i32
        %dma_wait3A_321 = tpu.memref_slice %arg3[%dma_wait3A_320] : memref<32000000xf32, #tpu.memory_space<hbm>> -> memref<4096xf32, #tpu.memory_space<hbm>>
        %dma_wait3A_322 = arith.constant 0 : i32
        %dma_wait3A_323 = tpu.memref_slice %arg3[%dma_wait3A_322] : memref<32000000xf32, #tpu.memory_space<hbm>> -> memref<4096xf32, #tpu.memory_space<hbm>>
        tpu.wait_dma2 semaphore(%arg13 : memref<!tpu.dma_semaphore, #tpu.memory_space<semaphore_mem>>) src(%arg5 : memref<4096xf32, #tpu.memory_space<vmem>>) dst(%dma_wait3A_323 : memref<4096xf32, #tpu.memory_space<hbm>>)
      } else {
      }
      %parallel_loop3A = arith.constant 0 : i32
      %parallel_loop3A_163 = arith.constant 128 : i32
      %parallel_loop3A_164 = arith.constant 1 : i32
      %parallel_loop3A_165 = arith.constant 0 : i32
      scf.for %parallel_loop3A_320 = %parallel_loop3A to %parallel_loop3A_163 step %parallel_loop3A_164  : i32 {
        %parallel_loop3A_321 = vector.broadcast %parallel_loop3A_320 : i32 to vector<16xi32>
        %parallel_loop3A_322 = arith.constant 0 : i32
        %parallel_loop3A_323 = arith.constant 0 : i32
        %parallel_loop3A_324 = tpu.memref_slice %arg4[%parallel_loop3A_165, %parallel_loop3A_322, %parallel_loop3A_323] : memref<4x32x129xf32, #tpu.memory_space<vmem>> -> memref<1x32x129xf32, #tpu.memory_space<vmem>>
        %parallel_loop3A_325 = tpu.memref_squeeze %parallel_loop3A_324 : memref<1x32x129xf32, #tpu.memory_space<vmem>> -> memref<32x129xf32, #tpu.memory_space<vmem>>
        %parallel_loop3A_326 = tpu.vector_load_idx %parallel_loop3A_325[%iota3A, %parallel_loop3A_321] : memref<32x129xf32, #tpu.memory_space<vmem>>[vector<16xi32>, vector<16xi32>], vector<16xf32>,
        %parallel_loop3A_327 = arith.constant 0 : i32
        %parallel_loop3A_328 = arith.constant 0 : i32
        %parallel_loop3A_329 = tpu.memref_slice %arg4[%parallel_loop3A_165, %parallel_loop3A_327, %parallel_loop3A_328] : memref<4x32x129xf32, #tpu.memory_space<vmem>> -> memref<1x32x129xf32, #tpu.memory_space<vmem>>
        %parallel_loop3A_330 = tpu.memref_squeeze %parallel_loop3A_329 : memref<1x32x129xf32, #tpu.memory_space<vmem>> -> memref<32x129xf32, #tpu.memory_space<vmem>>
        %parallel_loop3A_331 = tpu.vector_load_idx %parallel_loop3A_330[%add3A_5, %parallel_loop3A_321] : memref<32x129xf32, #tpu.memory_space<vmem>>[vector<16xi32>, vector<16xi32>], vector<16xf32>,
        %parallel_loop3A_332 = arith.constant 32 : i32
        %parallel_loop3A_333 = arith.muli %parallel_loop3A_320, %parallel_loop3A_332 : i32
        %parallel_loop3A_334 = arith.index_cast %parallel_loop3A_333 : i32 to index
        %parallel_loop3A_335 = tpu.vector_load %arg5[%parallel_loop3A_334] {strides = array<i32>} : memref<4096xf32, #tpu.memory_space<vmem>>, vector<16xf32>,
        tpu.vector_store %arg5[%parallel_loop3A_334], %parallel_loop3A_326 {strides = array<i32>} : memref<4096xf32, #tpu.memory_space<vmem>>, vector<16xf32>,
        %parallel_loop3A_336 = arith.constant 32 : i32
        %parallel_loop3A_337 = arith.muli %parallel_loop3A_320, %parallel_loop3A_336 : i32
        %parallel_loop3A_338 = arith.constant 16 : i32
        %parallel_loop3A_339 = arith.addi %parallel_loop3A_337, %parallel_loop3A_338 : i32
        %parallel_loop3A_340 = arith.index_cast %parallel_loop3A_339 : i32 to index
        %parallel_loop3A_341 = tpu.vector_load %arg5[%parallel_loop3A_340] {strides = array<i32>} : memref<4096xf32, #tpu.memory_space<vmem>>, vector<16xf32>,
        tpu.vector_store %arg5[%parallel_loop3A_340], %parallel_loop3A_331 {strides = array<i32>} : memref<4096xf32, #tpu.memory_space<vmem>>, vector<16xf32>,
      } {sc.loop_unroll_factor = 32 : i64, sc.parallel_access}
      %mul3A_166 = arith.constant 4096 : i32
      %mul3A_167 = arith.muli %add3A_126, %mul3A_166 : i32
      %dma_start3A_168 = tpu.memref_slice %arg3[%mul3A_167] : memref<32000000xf32, #tpu.memory_space<hbm>> -> memref<4096xf32, #tpu.memory_space<hbm>>
      %dma_start3A_169 = tpu.memref_slice %arg3[%mul3A_167] : memref<32000000xf32, #tpu.memory_space<hbm>> -> memref<4096xf32, #tpu.memory_space<hbm>>
      tpu.enqueue_dma source(%arg5 : memref<4096xf32, #tpu.memory_space<vmem>>) target(%dma_start3A_169 : memref<4096xf32, #tpu.memory_space<hbm>>) target_semaphore(%arg13 : memref<!tpu.dma_semaphore, #tpu.memory_space<semaphore_mem>>)
      %mul3A_170 = arith.constant 4 : i32
      %mul3A_171 = arith.muli %mul3A_170, %scan3A_121 : i32
      %add3A_172 = arith.constant 1 : i32
      %add3A_173 = arith.addi %mul3A_171, %add3A_172 : i32
      %add3A_174 = arith.addi %mul3A_2, %add3A_173 : i32
      %add3A_175 = arith.constant 3 : i32
      %add3A_176 = arith.addi %add3A_174, %add3A_175 : i32
      %mul3A_177 = arith.constant 128 : i32
      %mul3A_178 = arith.muli %add3A_176, %mul3A_177 : i32
      %dma_start3A_179 = arith.constant 0 : i32
      %dma_start3A_180 = arith.constant 0 : i32
      %dma_start3A_181 = arith.constant 0 : i32
      %dma_start3A_182 = tpu.memref_slice %arg4[%dma_start3A_179, %dma_start3A_180, %dma_start3A_181] : memref<4x32x129xf32, #tpu.memory_space<vmem>> -> memref<1x32x128xf32, #tpu.memory_space<vmem>>
      %dma_start3A_183 = tpu.memref_squeeze %dma_start3A_182 : memref<1x32x128xf32, #tpu.memory_space<vmem>> -> memref<32x128xf32, #tpu.memory_space<vmem>>
      %dma_start3A_184 = arith.constant 0 : i32
      %dma_start3A_185 = tpu.memref_slice %arg2[%dma_start3A_184, %mul3A_178] : memref<32x1000000xf32, #tpu.memory_space<hbm>> -> memref<32x128xf32, #tpu.memory_space<hbm>>
      %dma_start3A_186 = arith.constant 0 : i32
      %dma_start3A_187 = arith.constant 0 : i32
      %dma_start3A_188 = tpu.memref_slice %arg4[%dma_start3A_179, %dma_start3A_186, %dma_start3A_187] : memref<4x32x129xf32, #tpu.memory_space<vmem>> -> memref<1x32x128xf32, #tpu.memory_space<vmem>>
      %dma_start3A_189 = tpu.memref_squeeze %dma_start3A_188 : memref<1x32x128xf32, #tpu.memory_space<vmem>> -> memref<32x128xf32, #tpu.memory_space<vmem>>
      %dma_start3A_190 = arith.constant 0 : i32
      %dma_start3A_191 = tpu.memref_slice %arg2[%dma_start3A_190, %mul3A_178] : memref<32x1000000xf32, #tpu.memory_space<hbm>> -> memref<32x128xf32, #tpu.memory_space<hbm>>
      tpu.enqueue_dma source(%dma_start3A_191 : memref<32x128xf32, #tpu.memory_space<hbm>>) target(%dma_start3A_189 : memref<32x128xf32, #tpu.memory_space<vmem>>) target_semaphore(%arg9 : memref<!tpu.dma_semaphore, #tpu.memory_space<semaphore_mem>>)
      %dma_wait3A_192 = arith.constant 1 : i32
      %dma_wait3A_193 = arith.constant 0 : i32
      %dma_wait3A_194 = arith.constant 0 : i32
      %dma_wait3A_195 = tpu.memref_slice %arg4[%dma_wait3A_192, %dma_wait3A_193, %dma_wait3A_194] : memref<4x32x129xf32, #tpu.memory_space<vmem>> -> memref<1x32x128xf32, #tpu.memory_space<vmem>>
      %dma_wait3A_196 = tpu.memref_squeeze %dma_wait3A_195 : memref<1x32x128xf32, #tpu.memory_space<vmem>> -> memref<32x128xf32, #tpu.memory_space<vmem>>
      %dma_wait3A_197 = arith.constant 0 : i32
      %dma_wait3A_198 = arith.constant 0 : i32
      %dma_wait3A_199 = tpu.memref_slice %arg2[%dma_wait3A_197, %dma_wait3A_198] : memref<32x1000000xf32, #tpu.memory_space<hbm>> -> memref<32x128xf32, #tpu.memory_space<hbm>>
      %dma_wait3A_200 = arith.constant 0 : i32
      %dma_wait3A_201 = arith.constant 0 : i32
      %dma_wait3A_202 = tpu.memref_slice %arg4[%dma_wait3A_192, %dma_wait3A_200, %dma_wait3A_201] : memref<4x32x129xf32, #tpu.memory_space<vmem>> -> memref<1x32x128xf32, #tpu.memory_space<vmem>>
      %dma_wait3A_203 = tpu.memref_squeeze %dma_wait3A_202 : memref<1x32x128xf32, #tpu.memory_space<vmem>> -> memref<32x128xf32, #tpu.memory_space<vmem>>
      %dma_wait3A_204 = arith.constant 0 : i32
      %dma_wait3A_205 = arith.constant 0 : i32
      %dma_wait3A_206 = tpu.memref_slice %arg2[%dma_wait3A_204, %dma_wait3A_205] : memref<32x1000000xf32, #tpu.memory_space<hbm>> -> memref<32x128xf32, #tpu.memory_space<hbm>>
      tpu.wait_dma2 semaphore(%arg10 : memref<!tpu.dma_semaphore, #tpu.memory_space<semaphore_mem>>) src(%dma_wait3A_206 : memref<32x128xf32, #tpu.memory_space<hbm>>) dst(%dma_wait3A_203 : memref<32x128xf32, #tpu.memory_space<vmem>>)
      %ge3A_207 = arith.constant 1 : i32
      %ge3A_208 = arith.cmpi sge, %scan3A_121, %ge3A_207 : i32
      %convert_element_type3A_209 = arith.extui %ge3A_208 : i1 to i32
      %cond3A_210 = arith.constant 0 : i32
      %cond3A_211 = arith.cmpi ne, %convert_element_type3A_209, %cond3A_210 : i32
      scf.if %cond3A_211 {
        %dma_wait3A_320 = arith.constant 0 : i32
        %dma_wait3A_321 = tpu.memref_slice %arg3[%dma_wait3A_320] : memref<32000000xf32, #tpu.memory_space<hbm>> -> memref<4096xf32, #tpu.memory_space<hbm>>
        %dma_wait3A_322 = arith.constant 0 : i32
        %dma_wait3A_323 = tpu.memref_slice %arg3[%dma_wait3A_322] : memref<32000000xf32, #tpu.memory_space<hbm>> -> memref<4096xf32, #tpu.memory_space<hbm>>
        tpu.wait_dma2 semaphore(%arg14 : memref<!tpu.dma_semaphore, #tpu.memory_space<semaphore_mem>>) src(%arg6 : memref<4096xf32, #tpu.memory_space<vmem>>) dst(%dma_wait3A_323 : memref<4096xf32, #tpu.memory_space<hbm>>)
      } else {
      }
      %parallel_loop3A_212 = arith.constant 0 : i32
      %parallel_loop3A_213 = arith.constant 128 : i32
      %parallel_loop3A_214 = arith.constant 1 : i32
      %parallel_loop3A_215 = arith.constant 1 : i32
      scf.for %parallel_loop3A_320 = %parallel_loop3A_212 to %parallel_loop3A_213 step %parallel_loop3A_214  : i32 {
        %parallel_loop3A_321 = vector.broadcast %parallel_loop3A_320 : i32 to vector<16xi32>
        %parallel_loop3A_322 = arith.constant 0 : i32
        %parallel_loop3A_323 = arith.constant 0 : i32
        %parallel_loop3A_324 = tpu.memref_slice %arg4[%parallel_loop3A_215, %parallel_loop3A_322, %parallel_loop3A_323] : memref<4x32x129xf32, #tpu.memory_space<vmem>> -> memref<1x32x129xf32, #tpu.memory_space<vmem>>
        %parallel_loop3A_325 = tpu.memref_squeeze %parallel_loop3A_324 : memref<1x32x129xf32, #tpu.memory_space<vmem>> -> memref<32x129xf32, #tpu.memory_space<vmem>>
        %parallel_loop3A_326 = tpu.vector_load_idx %parallel_loop3A_325[%iota3A, %parallel_loop3A_321] : memref<32x129xf32, #tpu.memory_space<vmem>>[vector<16xi32>, vector<16xi32>], vector<16xf32>,
        %parallel_loop3A_327 = arith.constant 0 : i32
        %parallel_loop3A_328 = arith.constant 0 : i32
        %parallel_loop3A_329 = tpu.memref_slice %arg4[%parallel_loop3A_215, %parallel_loop3A_327, %parallel_loop3A_328] : memref<4x32x129xf32, #tpu.memory_space<vmem>> -> memref<1x32x129xf32, #tpu.memory_space<vmem>>
        %parallel_loop3A_330 = tpu.memref_squeeze %parallel_loop3A_329 : memref<1x32x129xf32, #tpu.memory_space<vmem>> -> memref<32x129xf32, #tpu.memory_space<vmem>>
        %parallel_loop3A_331 = tpu.vector_load_idx %parallel_loop3A_330[%add3A_5, %parallel_loop3A_321] : memref<32x129xf32, #tpu.memory_space<vmem>>[vector<16xi32>, vector<16xi32>], vector<16xf32>,
        %parallel_loop3A_332 = arith.constant 32 : i32
        %parallel_loop3A_333 = arith.muli %parallel_loop3A_320, %parallel_loop3A_332 : i32
        %parallel_loop3A_334 = arith.index_cast %parallel_loop3A_333 : i32 to index
        %parallel_loop3A_335 = tpu.vector_load %arg6[%parallel_loop3A_334] {strides = array<i32>} : memref<4096xf32, #tpu.memory_space<vmem>>, vector<16xf32>,
        tpu.vector_store %arg6[%parallel_loop3A_334], %parallel_loop3A_326 {strides = array<i32>} : memref<4096xf32, #tpu.memory_space<vmem>>, vector<16xf32>,
        %parallel_loop3A_336 = arith.constant 32 : i32
        %parallel_loop3A_337 = arith.muli %parallel_loop3A_320, %parallel_loop3A_336 : i32
        %parallel_loop3A_338 = arith.constant 16 : i32
        %parallel_loop3A_339 = arith.addi %parallel_loop3A_337, %parallel_loop3A_338 : i32
        %parallel_loop3A_340 = arith.index_cast %parallel_loop3A_339 : i32 to index
        %parallel_loop3A_341 = tpu.vector_load %arg6[%parallel_loop3A_340] {strides = array<i32>} : memref<4096xf32, #tpu.memory_space<vmem>>, vector<16xf32>,
        tpu.vector_store %arg6[%parallel_loop3A_340], %parallel_loop3A_331 {strides = array<i32>} : memref<4096xf32, #tpu.memory_space<vmem>>, vector<16xf32>,
      } {sc.loop_unroll_factor = 32 : i64, sc.parallel_access}
      %mul3A_216 = arith.constant 4096 : i32
      %mul3A_217 = arith.muli %add3A_174, %mul3A_216 : i32
      %dma_start3A_218 = tpu.memref_slice %arg3[%mul3A_217] : memref<32000000xf32, #tpu.memory_space<hbm>> -> memref<4096xf32, #tpu.memory_space<hbm>>
      %dma_start3A_219 = tpu.memref_slice %arg3[%mul3A_217] : memref<32000000xf32, #tpu.memory_space<hbm>> -> memref<4096xf32, #tpu.memory_space<hbm>>
      tpu.enqueue_dma source(%arg6 : memref<4096xf32, #tpu.memory_space<vmem>>) target(%dma_start3A_219 : memref<4096xf32, #tpu.memory_space<hbm>>) target_semaphore(%arg14 : memref<!tpu.dma_semaphore, #tpu.memory_space<semaphore_mem>>)
      %mul3A_220 = arith.constant 4 : i32
      %mul3A_221 = arith.muli %mul3A_220, %scan3A_121 : i32
      %add3A_222 = arith.constant 2 : i32
      %add3A_223 = arith.addi %mul3A_221, %add3A_222 : i32
      %add3A_224 = arith.addi %mul3A_2, %add3A_223 : i32
      %add3A_225 = arith.constant 3 : i32
      %add3A_226 = arith.addi %add3A_224, %add3A_225 : i32
      %mul3A_227 = arith.constant 128 : i32
      %mul3A_228 = arith.muli %add3A_226, %mul3A_227 : i32
      %dma_start3A_229 = arith.constant 1 : i32
      %dma_start3A_230 = arith.constant 0 : i32
      %dma_start3A_231 = arith.constant 0 : i32
      %dma_start3A_232 = tpu.memref_slice %arg4[%dma_start3A_229, %dma_start3A_230, %dma_start3A_231] : memref<4x32x129xf32, #tpu.memory_space<vmem>> -> memref<1x32x128xf32, #tpu.memory_space<vmem>>
      %dma_start3A_233 = tpu.memref_squeeze %dma_start3A_232 : memref<1x32x128xf32, #tpu.memory_space<vmem>> -> memref<32x128xf32, #tpu.memory_space<vmem>>
      %dma_start3A_234 = arith.constant 0 : i32
      %dma_start3A_235 = tpu.memref_slice %arg2[%dma_start3A_234, %mul3A_228] : memref<32x1000000xf32, #tpu.memory_space<hbm>> -> memref<32x128xf32, #tpu.memory_space<hbm>>
      %dma_start3A_236 = arith.constant 0 : i32
      %dma_start3A_237 = arith.constant 0 : i32
      %dma_start3A_238 = tpu.memref_slice %arg4[%dma_start3A_229, %dma_start3A_236, %dma_start3A_237] : memref<4x32x129xf32, #tpu.memory_space<vmem>> -> memref<1x32x128xf32, #tpu.memory_space<vmem>>
      %dma_start3A_239 = tpu.memref_squeeze %dma_start3A_238 : memref<1x32x128xf32, #tpu.memory_space<vmem>> -> memref<32x128xf32, #tpu.memory_space<vmem>>
      %dma_start3A_240 = arith.constant 0 : i32
      %dma_start3A_241 = tpu.memref_slice %arg2[%dma_start3A_240, %mul3A_228] : memref<32x1000000xf32, #tpu.memory_space<hbm>> -> memref<32x128xf32, #tpu.memory_space<hbm>>
      tpu.enqueue_dma source(%dma_start3A_241 : memref<32x128xf32, #tpu.memory_space<hbm>>) target(%dma_start3A_239 : memref<32x128xf32, #tpu.memory_space<vmem>>) target_semaphore(%arg10 : memref<!tpu.dma_semaphore, #tpu.memory_space<semaphore_mem>>)
      %dma_wait3A_242 = arith.constant 2 : i32
      %dma_wait3A_243 = arith.constant 0 : i32
      %dma_wait3A_244 = arith.constant 0 : i32
      %dma_wait3A_245 = tpu.memref_slice %arg4[%dma_wait3A_242, %dma_wait3A_243, %dma_wait3A_244] : memref<4x32x129xf32, #tpu.memory_space<vmem>> -> memref<1x32x128xf32, #tpu.memory_space<vmem>>
      %dma_wait3A_246 = tpu.memref_squeeze %dma_wait3A_245 : memref<1x32x128xf32, #tpu.memory_space<vmem>> -> memref<32x128xf32, #tpu.memory_space<vmem>>
      %dma_wait3A_247 = arith.constant 0 : i32
      %dma_wait3A_248 = arith.constant 0 : i32
      %dma_wait3A_249 = tpu.memref_slice %arg2[%dma_wait3A_247, %dma_wait3A_248] : memref<32x1000000xf32, #tpu.memory_space<hbm>> -> memref<32x128xf32, #tpu.memory_space<hbm>>
      %dma_wait3A_250 = arith.constant 0 : i32
      %dma_wait3A_251 = arith.constant 0 : i32
      %dma_wait3A_252 = tpu.memref_slice %arg4[%dma_wait3A_242, %dma_wait3A_250, %dma_wait3A_251] : memref<4x32x129xf32, #tpu.memory_space<vmem>> -> memref<1x32x128xf32, #tpu.memory_space<vmem>>
      %dma_wait3A_253 = tpu.memref_squeeze %dma_wait3A_252 : memref<1x32x128xf32, #tpu.memory_space<vmem>> -> memref<32x128xf32, #tpu.memory_space<vmem>>
      %dma_wait3A_254 = arith.constant 0 : i32
      %dma_wait3A_255 = arith.constant 0 : i32
      %dma_wait3A_256 = tpu.memref_slice %arg2[%dma_wait3A_254, %dma_wait3A_255] : memref<32x1000000xf32, #tpu.memory_space<hbm>> -> memref<32x128xf32, #tpu.memory_space<hbm>>
      tpu.wait_dma2 semaphore(%arg11 : memref<!tpu.dma_semaphore, #tpu.memory_space<semaphore_mem>>) src(%dma_wait3A_256 : memref<32x128xf32, #tpu.memory_space<hbm>>) dst(%dma_wait3A_253 : memref<32x128xf32, #tpu.memory_space<vmem>>)
      %ge3A_257 = arith.constant 1 : i32
      %ge3A_258 = arith.cmpi sge, %scan3A_121, %ge3A_257 : i32
      %convert_element_type3A_259 = arith.extui %ge3A_258 : i1 to i32
      %cond3A_260 = arith.constant 0 : i32
      %cond3A_261 = arith.cmpi ne, %convert_element_type3A_259, %cond3A_260 : i32
      scf.if %cond3A_261 {
        %dma_wait3A_320 = arith.constant 0 : i32
        %dma_wait3A_321 = tpu.memref_slice %arg3[%dma_wait3A_320] : memref<32000000xf32, #tpu.memory_space<hbm>> -> memref<4096xf32, #tpu.memory_space<hbm>>
        %dma_wait3A_322 = arith.constant 0 : i32
        %dma_wait3A_323 = tpu.memref_slice %arg3[%dma_wait3A_322] : memref<32000000xf32, #tpu.memory_space<hbm>> -> memref<4096xf32, #tpu.memory_space<hbm>>
        tpu.wait_dma2 semaphore(%arg15 : memref<!tpu.dma_semaphore, #tpu.memory_space<semaphore_mem>>) src(%arg7 : memref<4096xf32, #tpu.memory_space<vmem>>) dst(%dma_wait3A_323 : memref<4096xf32, #tpu.memory_space<hbm>>)
      } else {
      }
      %parallel_loop3A_262 = arith.constant 0 : i32
      %parallel_loop3A_263 = arith.constant 128 : i32
      %parallel_loop3A_264 = arith.constant 1 : i32
      %parallel_loop3A_265 = arith.constant 2 : i32
      scf.for %parallel_loop3A_320 = %parallel_loop3A_262 to %parallel_loop3A_263 step %parallel_loop3A_264  : i32 {
        %parallel_loop3A_321 = vector.broadcast %parallel_loop3A_320 : i32 to vector<16xi32>
        %parallel_loop3A_322 = arith.constant 0 : i32
        %parallel_loop3A_323 = arith.constant 0 : i32
        %parallel_loop3A_324 = tpu.memref_slice %arg4[%parallel_loop3A_265, %parallel_loop3A_322, %parallel_loop3A_323] : memref<4x32x129xf32, #tpu.memory_space<vmem>> -> memref<1x32x129xf32, #tpu.memory_space<vmem>>
        %parallel_loop3A_325 = tpu.memref_squeeze %parallel_loop3A_324 : memref<1x32x129xf32, #tpu.memory_space<vmem>> -> memref<32x129xf32, #tpu.memory_space<vmem>>
        %parallel_loop3A_326 = tpu.vector_load_idx %parallel_loop3A_325[%iota3A, %parallel_loop3A_321] : memref<32x129xf32, #tpu.memory_space<vmem>>[vector<16xi32>, vector<16xi32>], vector<16xf32>,
        %parallel_loop3A_327 = arith.constant 0 : i32
        %parallel_loop3A_328 = arith.constant 0 : i32
        %parallel_loop3A_329 = tpu.memref_slice %arg4[%parallel_loop3A_265, %parallel_loop3A_327, %parallel_loop3A_328] : memref<4x32x129xf32, #tpu.memory_space<vmem>> -> memref<1x32x129xf32, #tpu.memory_space<vmem>>
        %parallel_loop3A_330 = tpu.memref_squeeze %parallel_loop3A_329 : memref<1x32x129xf32, #tpu.memory_space<vmem>> -> memref<32x129xf32, #tpu.memory_space<vmem>>
        %parallel_loop3A_331 = tpu.vector_load_idx %parallel_loop3A_330[%add3A_5, %parallel_loop3A_321] : memref<32x129xf32, #tpu.memory_space<vmem>>[vector<16xi32>, vector<16xi32>], vector<16xf32>,
        %parallel_loop3A_332 = arith.constant 32 : i32
        %parallel_loop3A_333 = arith.muli %parallel_loop3A_320, %parallel_loop3A_332 : i32
        %parallel_loop3A_334 = arith.index_cast %parallel_loop3A_333 : i32 to index
        %parallel_loop3A_335 = tpu.vector_load %arg7[%parallel_loop3A_334] {strides = array<i32>} : memref<4096xf32, #tpu.memory_space<vmem>>, vector<16xf32>,
        tpu.vector_store %arg7[%parallel_loop3A_334], %parallel_loop3A_326 {strides = array<i32>} : memref<4096xf32, #tpu.memory_space<vmem>>, vector<16xf32>,
        %parallel_loop3A_336 = arith.constant 32 : i32
        %parallel_loop3A_337 = arith.muli %parallel_loop3A_320, %parallel_loop3A_336 : i32
        %parallel_loop3A_338 = arith.constant 16 : i32
        %parallel_loop3A_339 = arith.addi %parallel_loop3A_337, %parallel_loop3A_338 : i32
        %parallel_loop3A_340 = arith.index_cast %parallel_loop3A_339 : i32 to index
        %parallel_loop3A_341 = tpu.vector_load %arg7[%parallel_loop3A_340] {strides = array<i32>} : memref<4096xf32, #tpu.memory_space<vmem>>, vector<16xf32>,
        tpu.vector_store %arg7[%parallel_loop3A_340], %parallel_loop3A_331 {strides = array<i32>} : memref<4096xf32, #tpu.memory_space<vmem>>, vector<16xf32>,
      } {sc.loop_unroll_factor = 32 : i64, sc.parallel_access}
      %mul3A_266 = arith.constant 4096 : i32
      %mul3A_267 = arith.muli %add3A_224, %mul3A_266 : i32
      %dma_start3A_268 = tpu.memref_slice %arg3[%mul3A_267] : memref<32000000xf32, #tpu.memory_space<hbm>> -> memref<4096xf32, #tpu.memory_space<hbm>>
      %dma_start3A_269 = tpu.memref_slice %arg3[%mul3A_267] : memref<32000000xf32, #tpu.memory_space<hbm>> -> memref<4096xf32, #tpu.memory_space<hbm>>
      tpu.enqueue_dma source(%arg7 : memref<4096xf32, #tpu.memory_space<vmem>>) target(%dma_start3A_269 : memref<4096xf32, #tpu.memory_space<hbm>>) target_semaphore(%arg15 : memref<!tpu.dma_semaphore, #tpu.memory_space<semaphore_mem>>)
      %mul3A_270 = arith.constant 4 : i32
      %mul3A_271 = arith.muli %mul3A_270, %scan3A_121 : i32
      %add3A_272 = arith.constant 3 : i32
      %add3A_273 = arith.addi %mul3A_271, %add3A_272 : i32
      %add3A_274 = arith.addi %mul3A_2, %add3A_273 : i32
      %add3A_275 = arith.constant 3 : i32
      %add3A_276 = arith.addi %add3A_274, %add3A_275 : i32
      %mul3A_277 = arith.constant 128 : i32
      %mul3A_278 = arith.muli %add3A_276, %mul3A_277 : i32
      %dma_start3A_279 = arith.constant 2 : i32
      %dma_start3A_280 = arith.constant 0 : i32
      %dma_start3A_281 = arith.constant 0 : i32
      %dma_start3A_282 = tpu.memref_slice %arg4[%dma_start3A_279, %dma_start3A_280, %dma_start3A_281] : memref<4x32x129xf32, #tpu.memory_space<vmem>> -> memref<1x32x128xf32, #tpu.memory_space<vmem>>
      %dma_start3A_283 = tpu.memref_squeeze %dma_start3A_282 : memref<1x32x128xf32, #tpu.memory_space<vmem>> -> memref<32x128xf32, #tpu.memory_space<vmem>>
      %dma_start3A_284 = arith.constant 0 : i32
      %dma_start3A_285 = tpu.memref_slice %arg2[%dma_start3A_284, %mul3A_278] : memref<32x1000000xf32, #tpu.memory_space<hbm>> -> memref<32x128xf32, #tpu.memory_space<hbm>>
      %dma_start3A_286 = arith.constant 0 : i32
      %dma_start3A_287 = arith.constant 0 : i32
      %dma_start3A_288 = tpu.memref_slice %arg4[%dma_start3A_279, %dma_start3A_286, %dma_start3A_287] : memref<4x32x129xf32, #tpu.memory_space<vmem>> -> memref<1x32x128xf32, #tpu.memory_space<vmem>>
      %dma_start3A_289 = tpu.memref_squeeze %dma_start3A_288 : memref<1x32x128xf32, #tpu.memory_space<vmem>> -> memref<32x128xf32, #tpu.memory_space<vmem>>
      %dma_start3A_290 = arith.constant 0 : i32
      %dma_start3A_291 = tpu.memref_slice %arg2[%dma_start3A_290, %mul3A_278] : memref<32x1000000xf32, #tpu.memory_space<hbm>> -> memref<32x128xf32, #tpu.memory_space<hbm>>
      tpu.enqueue_dma source(%dma_start3A_291 : memref<32x128xf32, #tpu.memory_space<hbm>>) target(%dma_start3A_289 : memref<32x128xf32, #tpu.memory_space<vmem>>) target_semaphore(%arg11 : memref<!tpu.dma_semaphore, #tpu.memory_space<semaphore_mem>>)
      %dma_wait3A_292 = arith.constant 3 : i32
      %dma_wait3A_293 = arith.constant 0 : i32
      %dma_wait3A_294 = arith.constant 0 : i32
      %dma_wait3A_295 = tpu.memref_slice %arg4[%dma_wait3A_292, %dma_wait3A_293, %dma_wait3A_294] : memref<4x32x129xf32, #tpu.memory_space<vmem>> -> memref<1x32x128xf32, #tpu.memory_space<vmem>>
      %dma_wait3A_296 = tpu.memref_squeeze %dma_wait3A_295 : memref<1x32x128xf32, #tpu.memory_space<vmem>> -> memref<32x128xf32, #tpu.memory_space<vmem>>
      %dma_wait3A_297 = arith.constant 0 : i32
      %dma_wait3A_298 = arith.constant 0 : i32
      %dma_wait3A_299 = tpu.memref_slice %arg2[%dma_wait3A_297, %dma_wait3A_298] : memref<32x1000000xf32, #tpu.memory_space<hbm>> -> memref<32x128xf32, #tpu.memory_space<hbm>>
      %dma_wait3A_300 = arith.constant 0 : i32
      %dma_wait3A_301 = arith.constant 0 : i32
      %dma_wait3A_302 = tpu.memref_slice %arg4[%dma_wait3A_292, %dma_wait3A_300, %dma_wait3A_301] : memref<4x32x129xf32, #tpu.memory_space<vmem>> -> memref<1x32x128xf32, #tpu.memory_space<vmem>>
      %dma_wait3A_303 = tpu.memref_squeeze %dma_wait3A_302 : memref<1x32x128xf32, #tpu.memory_space<vmem>> -> memref<32x128xf32, #tpu.memory_space<vmem>>
      %dma_wait3A_304 = arith.constant 0 : i32
      %dma_wait3A_305 = arith.constant 0 : i32
      %dma_wait3A_306 = tpu.memref_slice %arg2[%dma_wait3A_304, %dma_wait3A_305] : memref<32x1000000xf32, #tpu.memory_space<hbm>> -> memref<32x128xf32, #tpu.memory_space<hbm>>
      tpu.wait_dma2 semaphore(%arg12 : memref<!tpu.dma_semaphore, #tpu.memory_space<semaphore_mem>>) src(%dma_wait3A_306 : memref<32x128xf32, #tpu.memory_space<hbm>>) dst(%dma_wait3A_303 : memref<32x128xf32, #tpu.memory_space<vmem>>)
      %ge3A_307 = arith.constant 1 : i32
      %ge3A_308 = arith.cmpi sge, %scan3A_121, %ge3A_307 : i32
      %convert_element_type3A_309 = arith.extui %ge3A_308 : i1 to i32
      %cond3A_310 = arith.constant 0 : i32
      %cond3A_311 = arith.cmpi ne, %convert_element_type3A_309, %cond3A_310 : i32
      scf.if %cond3A_311 {
        %dma_wait3A_320 = arith.constant 0 : i32
        %dma_wait3A_321 = tpu.memref_slice %arg3[%dma_wait3A_320] : memref<32000000xf32, #tpu.memory_space<hbm>> -> memref<4096xf32, #tpu.memory_space<hbm>>
        %dma_wait3A_322 = arith.constant 0 : i32
        %dma_wait3A_323 = tpu.memref_slice %arg3[%dma_wait3A_322] : memref<32000000xf32, #tpu.memory_space<hbm>> -> memref<4096xf32, #tpu.memory_space<hbm>>
        tpu.wait_dma2 semaphore(%arg16 : memref<!tpu.dma_semaphore, #tpu.memory_space<semaphore_mem>>) src(%arg8 : memref<4096xf32, #tpu.memory_space<vmem>>) dst(%dma_wait3A_323 : memref<4096xf32, #tpu.memory_space<hbm>>)
      } else {
      }
      %parallel_loop3A_312 = arith.constant 0 : i32
      %parallel_loop3A_313 = arith.constant 128 : i32
      %parallel_loop3A_314 = arith.constant 1 : i32
      %parallel_loop3A_315 = arith.constant 3 : i32
      scf.for %parallel_loop3A_320 = %parallel_loop3A_312 to %parallel_loop3A_313 step %parallel_loop3A_314  : i32 {
        %parallel_loop3A_321 = vector.broadcast %parallel_loop3A_320 : i32 to vector<16xi32>
        %parallel_loop3A_322 = arith.constant 0 : i32
        %parallel_loop3A_323 = arith.constant 0 : i32
        %parallel_loop3A_324 = tpu.memref_slice %arg4[%parallel_loop3A_315, %parallel_loop3A_322, %parallel_loop3A_323] : memref<4x32x129xf32, #tpu.memory_space<vmem>> -> memref<1x32x129xf32, #tpu.memory_space<vmem>>
        %parallel_loop3A_325 = tpu.memref_squeeze %parallel_loop3A_324 : memref<1x32x129xf32, #tpu.memory_space<vmem>> -> memref<32x129xf32, #tpu.memory_space<vmem>>
        %parallel_loop3A_326 = tpu.vector_load_idx %parallel_loop3A_325[%iota3A, %parallel_loop3A_321] : memref<32x129xf32, #tpu.memory_space<vmem>>[vector<16xi32>, vector<16xi32>], vector<16xf32>,
        %parallel_loop3A_327 = arith.constant 0 : i32
        %parallel_loop3A_328 = arith.constant 0 : i32
        %parallel_loop3A_329 = tpu.memref_slice %arg4[%parallel_loop3A_315, %parallel_loop3A_327, %parallel_loop3A_328] : memref<4x32x129xf32, #tpu.memory_space<vmem>> -> memref<1x32x129xf32, #tpu.memory_space<vmem>>
        %parallel_loop3A_330 = tpu.memref_squeeze %parallel_loop3A_329 : memref<1x32x129xf32, #tpu.memory_space<vmem>> -> memref<32x129xf32, #tpu.memory_space<vmem>>
        %parallel_loop3A_331 = tpu.vector_load_idx %parallel_loop3A_330[%add3A_5, %parallel_loop3A_321] : memref<32x129xf32, #tpu.memory_space<vmem>>[vector<16xi32>, vector<16xi32>], vector<16xf32>,
        %parallel_loop3A_332 = arith.constant 32 : i32
        %parallel_loop3A_333 = arith.muli %parallel_loop3A_320, %parallel_loop3A_332 : i32
        %parallel_loop3A_334 = arith.index_cast %parallel_loop3A_333 : i32 to index
        %parallel_loop3A_335 = tpu.vector_load %arg8[%parallel_loop3A_334] {strides = array<i32>} : memref<4096xf32, #tpu.memory_space<vmem>>, vector<16xf32>,
        tpu.vector_store %arg8[%parallel_loop3A_334], %parallel_loop3A_326 {strides = array<i32>} : memref<4096xf32, #tpu.memory_space<vmem>>, vector<16xf32>,
        %parallel_loop3A_336 = arith.constant 32 : i32
        %parallel_loop3A_337 = arith.muli %parallel_loop3A_320, %parallel_loop3A_336 : i32
        %parallel_loop3A_338 = arith.constant 16 : i32
        %parallel_loop3A_339 = arith.addi %parallel_loop3A_337, %parallel_loop3A_338 : i32
        %parallel_loop3A_340 = arith.index_cast %parallel_loop3A_339 : i32 to index
        %parallel_loop3A_341 = tpu.vector_load %arg8[%parallel_loop3A_340] {strides = array<i32>} : memref<4096xf32, #tpu.memory_space<vmem>>, vector<16xf32>,
        tpu.vector_store %arg8[%parallel_loop3A_340], %parallel_loop3A_331 {strides = array<i32>} : memref<4096xf32, #tpu.memory_space<vmem>>, vector<16xf32>,
      } {sc.loop_unroll_factor = 32 : i64, sc.parallel_access}
      %mul3A_316 = arith.constant 4096 : i32
      %mul3A_317 = arith.muli %add3A_274, %mul3A_316 : i32
      %dma_start3A_318 = tpu.memref_slice %arg3[%mul3A_317] : memref<32000000xf32, #tpu.memory_space<hbm>> -> memref<4096xf32, #tpu.memory_space<hbm>>
      %dma_start3A_319 = tpu.memref_slice %arg3[%mul3A_317] : memref<32000000xf32, #tpu.memory_space<hbm>> -> memref<4096xf32, #tpu.memory_space<hbm>>
      tpu.enqueue_dma source(%arg8 : memref<4096xf32, #tpu.memory_space<vmem>>) target(%dma_start3A_319 : memref<4096xf32, #tpu.memory_space<hbm>>) target_semaphore(%arg16 : memref<!tpu.dma_semaphore, #tpu.memory_space<semaphore_mem>>)
    }
    %scan3A_58 = arith.constant 61 : i32
    %dma_wait3A = arith.constant 0 : i32
    %dma_wait3A_59 = tpu.memref_slice %arg3[%dma_wait3A] : memref<32000000xf32, #tpu.memory_space<hbm>> -> memref<4096xf32, #tpu.memory_space<hbm>>
    %dma_wait3A_60 = arith.constant 0 : i32
    %dma_wait3A_61 = tpu.memref_slice %arg3[%dma_wait3A_60] : memref<32000000xf32, #tpu.memory_space<hbm>> -> memref<4096xf32, #tpu.memory_space<hbm>>
    tpu.wait_dma2 semaphore(%arg13 : memref<!tpu.dma_semaphore, #tpu.memory_space<semaphore_mem>>) src(%arg5 : memref<4096xf32, #tpu.memory_space<vmem>>) dst(%dma_wait3A_61 : memref<4096xf32, #tpu.memory_space<hbm>>)
    %dma_wait3A_62 = arith.constant 0 : i32
    %dma_wait3A_63 = tpu.memref_slice %arg3[%dma_wait3A_62] : memref<32000000xf32, #tpu.memory_space<hbm>> -> memref<4096xf32, #tpu.memory_space<hbm>>
    %dma_wait3A_64 = arith.constant 0 : i32
    %dma_wait3A_65 = tpu.memref_slice %arg3[%dma_wait3A_64] : memref<32000000xf32, #tpu.memory_space<hbm>> -> memref<4096xf32, #tpu.memory_space<hbm>>
    tpu.wait_dma2 semaphore(%arg14 : memref<!tpu.dma_semaphore, #tpu.memory_space<semaphore_mem>>) src(%arg6 : memref<4096xf32, #tpu.memory_space<vmem>>) dst(%dma_wait3A_65 : memref<4096xf32, #tpu.memory_space<hbm>>)
    %dma_wait3A_66 = arith.constant 0 : i32
    %dma_wait3A_67 = tpu.memref_slice %arg3[%dma_wait3A_66] : memref<32000000xf32, #tpu.memory_space<hbm>> -> memref<4096xf32, #tpu.memory_space<hbm>>
    %dma_wait3A_68 = arith.constant 0 : i32
    %dma_wait3A_69 = tpu.memref_slice %arg3[%dma_wait3A_68] : memref<32000000xf32, #tpu.memory_space<hbm>> -> memref<4096xf32, #tpu.memory_space<hbm>>
    tpu.wait_dma2 semaphore(%arg15 : memref<!tpu.dma_semaphore, #tpu.memory_space<semaphore_mem>>) src(%arg7 : memref<4096xf32, #tpu.memory_space<vmem>>) dst(%dma_wait3A_69 : memref<4096xf32, #tpu.memory_space<hbm>>)
    %dma_wait3A_70 = arith.constant 0 : i32
    %dma_wait3A_71 = tpu.memref_slice %arg3[%dma_wait3A_70] : memref<32000000xf32, #tpu.memory_space<hbm>> -> memref<4096xf32, #tpu.memory_space<hbm>>
    %dma_wait3A_72 = arith.constant 0 : i32
    %dma_wait3A_73 = tpu.memref_slice %arg3[%dma_wait3A_72] : memref<32000000xf32, #tpu.memory_space<hbm>> -> memref<4096xf32, #tpu.memory_space<hbm>>
    tpu.wait_dma2 semaphore(%arg16 : memref<!tpu.dma_semaphore, #tpu.memory_space<semaphore_mem>>) src(%arg8 : memref<4096xf32, #tpu.memory_space<vmem>>) dst(%dma_wait3A_73 : memref<4096xf32, #tpu.memory_space<hbm>>)
    %dma_wait3A_74 = arith.constant 0 : i32
    %dma_wait3A_75 = arith.constant 0 : i32
    %dma_wait3A_76 = arith.constant 0 : i32
    %dma_wait3A_77 = tpu.memref_slice %arg4[%dma_wait3A_74, %dma_wait3A_75, %dma_wait3A_76] : memref<4x32x129xf32, #tpu.memory_space<vmem>> -> memref<1x32x128xf32, #tpu.memory_space<vmem>>
    %dma_wait3A_78 = tpu.memref_squeeze %dma_wait3A_77 : memref<1x32x128xf32, #tpu.memory_space<vmem>> -> memref<32x128xf32, #tpu.memory_space<vmem>>
    %dma_wait3A_79 = arith.constant 0 : i32
    %dma_wait3A_80 = arith.constant 0 : i32
    %dma_wait3A_81 = tpu.memref_slice %arg2[%dma_wait3A_79, %dma_wait3A_80] : memref<32x1000000xf32, #tpu.memory_space<hbm>> -> memref<32x128xf32, #tpu.memory_space<hbm>>
    %dma_wait3A_82 = arith.constant 0 : i32
    %dma_wait3A_83 = arith.constant 0 : i32
    %dma_wait3A_84 = tpu.memref_slice %arg4[%dma_wait3A_74, %dma_wait3A_82, %dma_wait3A_83] : memref<4x32x129xf32, #tpu.memory_space<vmem>> -> memref<1x32x128xf32, #tpu.memory_space<vmem>>
    %dma_wait3A_85 = tpu.memref_squeeze %dma_wait3A_84 : memref<1x32x128xf32, #tpu.memory_space<vmem>> -> memref<32x128xf32, #tpu.memory_space<vmem>>
    %dma_wait3A_86 = arith.constant 0 : i32
    %dma_wait3A_87 = arith.constant 0 : i32
    %dma_wait3A_88 = tpu.memref_slice %arg2[%dma_wait3A_86, %dma_wait3A_87] : memref<32x1000000xf32, #tpu.memory_space<hbm>> -> memref<32x128xf32, #tpu.memory_space<hbm>>
    tpu.wait_dma2 semaphore(%arg9 : memref<!tpu.dma_semaphore, #tpu.memory_space<semaphore_mem>>) src(%dma_wait3A_88 : memref<32x128xf32, #tpu.memory_space<hbm>>) dst(%dma_wait3A_85 : memref<32x128xf32, #tpu.memory_space<vmem>>)
    %dma_wait3A_89 = arith.constant 1 : i32
    %dma_wait3A_90 = arith.constant 0 : i32
    %dma_wait3A_91 = arith.constant 0 : i32
    %dma_wait3A_92 = tpu.memref_slice %arg4[%dma_wait3A_89, %dma_wait3A_90, %dma_wait3A_91] : memref<4x32x129xf32, #tpu.memory_space<vmem>> -> memref<1x32x128xf32, #tpu.memory_space<vmem>>
    %dma_wait3A_93 = tpu.memref_squeeze %dma_wait3A_92 : memref<1x32x128xf32, #tpu.memory_space<vmem>> -> memref<32x128xf32, #tpu.memory_space<vmem>>
    %dma_wait3A_94 = arith.constant 0 : i32
    %dma_wait3A_95 = arith.constant 0 : i32
    %dma_wait3A_96 = tpu.memref_slice %arg2[%dma_wait3A_94, %dma_wait3A_95] : memref<32x1000000xf32, #tpu.memory_space<hbm>> -> memref<32x128xf32, #tpu.memory_space<hbm>>
    %dma_wait3A_97 = arith.constant 0 : i32
    %dma_wait3A_98 = arith.constant 0 : i32
    %dma_wait3A_99 = tpu.memref_slice %arg4[%dma_wait3A_89, %dma_wait3A_97, %dma_wait3A_98] : memref<4x32x129xf32, #tpu.memory_space<vmem>> -> memref<1x32x128xf32, #tpu.memory_space<vmem>>
    %dma_wait3A_100 = tpu.memref_squeeze %dma_wait3A_99 : memref<1x32x128xf32, #tpu.memory_space<vmem>> -> memref<32x128xf32, #tpu.memory_space<vmem>>
    %dma_wait3A_101 = arith.constant 0 : i32
    %dma_wait3A_102 = arith.constant 0 : i32
    %dma_wait3A_103 = tpu.memref_slice %arg2[%dma_wait3A_101, %dma_wait3A_102] : memref<32x1000000xf32, #tpu.memory_space<hbm>> -> memref<32x128xf32, #tpu.memory_space<hbm>>
    tpu.wait_dma2 semaphore(%arg10 : memref<!tpu.dma_semaphore, #tpu.memory_space<semaphore_mem>>) src(%dma_wait3A_103 : memref<32x128xf32, #tpu.memory_space<hbm>>) dst(%dma_wait3A_100 : memref<32x128xf32, #tpu.memory_space<vmem>>)
    %dma_wait3A_104 = arith.constant 2 : i32
    %dma_wait3A_105 = arith.constant 0 : i32
    %dma_wait3A_106 = arith.constant 0 : i32
    %dma_wait3A_107 = tpu.memref_slice %arg4[%dma_wait3A_104, %dma_wait3A_105, %dma_wait3A_106] : memref<4x32x129xf32, #tpu.memory_space<vmem>> -> memref<1x32x128xf32, #tpu.memory_space<vmem>>
    %dma_wait3A_108 = tpu.memref_squeeze %dma_wait3A_107 : memref<1x32x128xf32, #tpu.memory_space<vmem>> -> memref<32x128xf32, #tpu.memory_space<vmem>>
    %dma_wait3A_109 = arith.constant 0 : i32
    %dma_wait3A_110 = arith.constant 0 : i32
    %dma_wait3A_111 = tpu.memref_slice %arg2[%dma_wait3A_109, %dma_wait3A_110] : memref<32x1000000xf32, #tpu.memory_space<hbm>> -> memref<32x128xf32, #tpu.memory_space<hbm>>
    %dma_wait3A_112 = arith.constant 0 : i32
    %dma_wait3A_113 = arith.constant 0 : i32
    %dma_wait3A_114 = tpu.memref_slice %arg4[%dma_wait3A_104, %dma_wait3A_112, %dma_wait3A_113] : memref<4x32x129xf32, #tpu.memory_space<vmem>> -> memref<1x32x128xf32, #tpu.memory_space<vmem>>
    %dma_wait3A_115 = tpu.memref_squeeze %dma_wait3A_114 : memref<1x32x128xf32, #tpu.memory_space<vmem>> -> memref<32x128xf32, #tpu.memory_space<vmem>>
    %dma_wait3A_116 = arith.constant 0 : i32
    %dma_wait3A_117 = arith.constant 0 : i32
    %dma_wait3A_118 = tpu.memref_slice %arg2[%dma_wait3A_116, %dma_wait3A_117] : memref<32x1000000xf32, #tpu.memory_space<hbm>> -> memref<32x128xf32, #tpu.memory_space<hbm>>
    tpu.wait_dma2 semaphore(%arg11 : memref<!tpu.dma_semaphore, #tpu.memory_space<semaphore_mem>>) src(%dma_wait3A_118 : memref<32x128xf32, #tpu.memory_space<hbm>>) dst(%dma_wait3A_115 : memref<32x128xf32, #tpu.memory_space<vmem>>)
    %lt3A = arith.constant 4 : i32
    %lt3A_119 = arith.cmpi slt, %add3A, %lt3A : i32
    %convert_element_type3A = arith.extui %lt3A_119 : i1 to i32
    %cond3A = arith.constant 0 : i32
    %cond3A_120 = arith.cmpi ne, %convert_element_type3A, %cond3A : i32
    scf.if %cond3A_120 {
      %add3A_121 = arith.constant 7808 : i32
      %add3A_122 = arith.addi %add3A_121, %add3A : i32
      %mul3A_123 = arith.constant 128 : i32
      %mul3A_124 = arith.muli %add3A_122, %mul3A_123 : i32
      %dma_start3A_125 = arith.constant 3 : i32
      %dma_start3A_126 = arith.constant 0 : i32
      %dma_start3A_127 = arith.constant 0 : i32
      %dma_start3A_128 = tpu.memref_slice %arg4[%dma_start3A_125, %dma_start3A_126, %dma_start3A_127] : memref<4x32x129xf32, #tpu.memory_space<vmem>> -> memref<1x32x128xf32, #tpu.memory_space<vmem>>
      %dma_start3A_129 = tpu.memref_squeeze %dma_start3A_128 : memref<1x32x128xf32, #tpu.memory_space<vmem>> -> memref<32x128xf32, #tpu.memory_space<vmem>>
      %dma_start3A_130 = arith.constant 0 : i32
      %dma_start3A_131 = tpu.memref_slice %arg2[%dma_start3A_130, %mul3A_124] : memref<32x1000000xf32, #tpu.memory_space<hbm>> -> memref<32x128xf32, #tpu.memory_space<hbm>>
      %dma_start3A_132 = arith.constant 0 : i32
      %dma_start3A_133 = arith.constant 0 : i32
      %dma_start3A_134 = tpu.memref_slice %arg4[%dma_start3A_125, %dma_start3A_132, %dma_start3A_133] : memref<4x32x129xf32, #tpu.memory_space<vmem>> -> memref<1x32x128xf32, #tpu.memory_space<vmem>>
      %dma_start3A_135 = tpu.memref_squeeze %dma_start3A_134 : memref<1x32x128xf32, #tpu.memory_space<vmem>> -> memref<32x128xf32, #tpu.memory_space<vmem>>
      %dma_start3A_136 = arith.constant 0 : i32
      %dma_start3A_137 = tpu.memref_slice %arg2[%dma_start3A_136, %mul3A_124] : memref<32x1000000xf32, #tpu.memory_space<hbm>> -> memref<32x128xf32, #tpu.memory_space<hbm>>
      tpu.enqueue_dma source(%dma_start3A_137 : memref<32x128xf32, #tpu.memory_space<hbm>>) target(%dma_start3A_135 : memref<32x128xf32, #tpu.memory_space<vmem>>) target_semaphore(%arg12 : memref<!tpu.dma_semaphore, #tpu.memory_space<semaphore_mem>>)
      %dma_wait3A_138 = arith.constant 3 : i32
      %dma_wait3A_139 = arith.constant 0 : i32
      %dma_wait3A_140 = arith.constant 0 : i32
      %dma_wait3A_141 = tpu.memref_slice %arg4[%dma_wait3A_138, %dma_wait3A_139, %dma_wait3A_140] : memref<4x32x129xf32, #tpu.memory_space<vmem>> -> memref<1x32x128xf32, #tpu.memory_space<vmem>>
      %dma_wait3A_142 = tpu.memref_squeeze %dma_wait3A_141 : memref<1x32x128xf32, #tpu.memory_space<vmem>> -> memref<32x128xf32, #tpu.memory_space<vmem>>
      %dma_wait3A_143 = arith.constant 0 : i32
      %dma_wait3A_144 = arith.constant 0 : i32
      %dma_wait3A_145 = tpu.memref_slice %arg2[%dma_wait3A_143, %dma_wait3A_144] : memref<32x1000000xf32, #tpu.memory_space<hbm>> -> memref<32x128xf32, #tpu.memory_space<hbm>>
      %dma_wait3A_146 = arith.constant 0 : i32
      %dma_wait3A_147 = arith.constant 0 : i32
      %dma_wait3A_148 = tpu.memref_slice %arg4[%dma_wait3A_138, %dma_wait3A_146, %dma_wait3A_147] : memref<4x32x129xf32, #tpu.memory_space<vmem>> -> memref<1x32x128xf32, #tpu.memory_space<vmem>>
      %dma_wait3A_149 = tpu.memref_squeeze %dma_wait3A_148 : memref<1x32x128xf32, #tpu.memory_space<vmem>> -> memref<32x128xf32, #tpu.memory_space<vmem>>
      %dma_wait3A_150 = arith.constant 0 : i32
      %dma_wait3A_151 = arith.constant 0 : i32
      %dma_wait3A_152 = tpu.memref_slice %arg2[%dma_wait3A_150, %dma_wait3A_151] : memref<32x1000000xf32, #tpu.memory_space<hbm>> -> memref<32x128xf32, #tpu.memory_space<hbm>>
      tpu.wait_dma2 semaphore(%arg12 : memref<!tpu.dma_semaphore, #tpu.memory_space<semaphore_mem>>) src(%dma_wait3A_152 : memref<32x128xf32, #tpu.memory_space<hbm>>) dst(%dma_wait3A_149 : memref<32x128xf32, #tpu.memory_space<vmem>>)
      %parallel_loop3A = arith.constant 0 : i32
      %parallel_loop3A_153 = arith.constant 128 : i32
      %parallel_loop3A_154 = arith.constant 1 : i32
      %parallel_loop3A_155 = arith.constant 3 : i32
      scf.for %parallel_loop3A_164 = %parallel_loop3A to %parallel_loop3A_153 step %parallel_loop3A_154  : i32 {
        %parallel_loop3A_165 = vector.broadcast %parallel_loop3A_164 : i32 to vector<16xi32>
        %parallel_loop3A_166 = arith.constant 0 : i32
        %parallel_loop3A_167 = arith.constant 0 : i32
        %parallel_loop3A_168 = tpu.memref_slice %arg4[%parallel_loop3A_155, %parallel_loop3A_166, %parallel_loop3A_167] : memref<4x32x129xf32, #tpu.memory_space<vmem>> -> memref<1x32x129xf32, #tpu.memory_space<vmem>>
        %parallel_loop3A_169 = tpu.memref_squeeze %parallel_loop3A_168 : memref<1x32x129xf32, #tpu.memory_space<vmem>> -> memref<32x129xf32, #tpu.memory_space<vmem>>
        %parallel_loop3A_170 = tpu.vector_load_idx %parallel_loop3A_169[%iota3A, %parallel_loop3A_165] : memref<32x129xf32, #tpu.memory_space<vmem>>[vector<16xi32>, vector<16xi32>], vector<16xf32>,
        %parallel_loop3A_171 = arith.constant 0 : i32
        %parallel_loop3A_172 = arith.constant 0 : i32
        %parallel_loop3A_173 = tpu.memref_slice %arg4[%parallel_loop3A_155, %parallel_loop3A_171, %parallel_loop3A_172] : memref<4x32x129xf32, #tpu.memory_space<vmem>> -> memref<1x32x129xf32, #tpu.memory_space<vmem>>
        %parallel_loop3A_174 = tpu.memref_squeeze %parallel_loop3A_173 : memref<1x32x129xf32, #tpu.memory_space<vmem>> -> memref<32x129xf32, #tpu.memory_space<vmem>>
        %parallel_loop3A_175 = tpu.vector_load_idx %parallel_loop3A_174[%add3A_5, %parallel_loop3A_165] : memref<32x129xf32, #tpu.memory_space<vmem>>[vector<16xi32>, vector<16xi32>], vector<16xf32>,
        %parallel_loop3A_176 = arith.constant 32 : i32
        %parallel_loop3A_177 = arith.muli %parallel_loop3A_164, %parallel_loop3A_176 : i32
        %parallel_loop3A_178 = arith.index_cast %parallel_loop3A_177 : i32 to index
        %parallel_loop3A_179 = tpu.vector_load %arg8[%parallel_loop3A_178] {strides = array<i32>} : memref<4096xf32, #tpu.memory_space<vmem>>, vector<16xf32>,
        tpu.vector_store %arg8[%parallel_loop3A_178], %parallel_loop3A_170 {strides = array<i32>} : memref<4096xf32, #tpu.memory_space<vmem>>, vector<16xf32>,
        %parallel_loop3A_180 = arith.constant 32 : i32
        %parallel_loop3A_181 = arith.muli %parallel_loop3A_164, %parallel_loop3A_180 : i32
        %parallel_loop3A_182 = arith.constant 16 : i32
        %parallel_loop3A_183 = arith.addi %parallel_loop3A_181, %parallel_loop3A_182 : i32
        %parallel_loop3A_184 = arith.index_cast %parallel_loop3A_183 : i32 to index
        %parallel_loop3A_185 = tpu.vector_load %arg8[%parallel_loop3A_184] {strides = array<i32>} : memref<4096xf32, #tpu.memory_space<vmem>>, vector<16xf32>,
        tpu.vector_store %arg8[%parallel_loop3A_184], %parallel_loop3A_175 {strides = array<i32>} : memref<4096xf32, #tpu.memory_space<vmem>>, vector<16xf32>,
      } {sc.loop_unroll_factor = 32 : i64, sc.parallel_access}
      %mul3A_156 = arith.constant 4096 : i32
      %mul3A_157 = arith.muli %add3A_122, %mul3A_156 : i32
      %dma_start3A_158 = tpu.memref_slice %arg3[%mul3A_157] : memref<32000000xf32, #tpu.memory_space<hbm>> -> memref<4096xf32, #tpu.memory_space<hbm>>
      %dma_start3A_159 = tpu.memref_slice %arg3[%mul3A_157] : memref<32000000xf32, #tpu.memory_space<hbm>> -> memref<4096xf32, #tpu.memory_space<hbm>>
      tpu.enqueue_dma source(%arg8 : memref<4096xf32, #tpu.memory_space<vmem>>) target(%dma_start3A_159 : memref<4096xf32, #tpu.memory_space<hbm>>) target_semaphore(%arg16 : memref<!tpu.dma_semaphore, #tpu.memory_space<semaphore_mem>>)
      %dma_wait3A_160 = arith.constant 0 : i32
      %dma_wait3A_161 = tpu.memref_slice %arg3[%dma_wait3A_160] : memref<32000000xf32, #tpu.memory_space<hbm>> -> memref<4096xf32, #tpu.memory_space<hbm>>
      %dma_wait3A_162 = arith.constant 0 : i32
      %dma_wait3A_163 = tpu.memref_slice %arg3[%dma_wait3A_162] : memref<32000000xf32, #tpu.memory_space<hbm>> -> memref<4096xf32, #tpu.memory_space<hbm>>
      tpu.wait_dma2 semaphore(%arg16 : memref<!tpu.dma_semaphore, #tpu.memory_space<semaphore_mem>>) src(%arg8 : memref<4096xf32, #tpu.memory_space<vmem>>) dst(%dma_wait3A_163 : memref<4096xf32, #tpu.memory_space<hbm>>)
    } else {
    }
    return
  }
}

#map = affine_map<(d0, d1) -> (0)>
#map1 = affine_map<(d0, d1) -> (0, 0)>
module attributes {stable_mosaic.version = 14 : i64} {
  func.func @_gather_kernel(%arg0: i32, %arg1: i32, %arg2: memref<819200xi32, #tpu.memory_space<hbm>>, %arg3: memref<1000000x32xf32, #tpu.memory_space<hbm>>, %arg4: memref<819200x32xf32, #tpu.memory_space<hbm>>, %arg5: memref<2x1600xi32, #tpu.memory_space<vmem>>, %arg6: memref<2x1600x32xf32, #tpu.memory_space<vmem>>, %arg7: memref<!tpu.dma_semaphore, #tpu.memory_space<semaphore_mem>>, %arg8: memref<!tpu.dma_semaphore, #tpu.memory_space<semaphore_mem>>, %arg9: memref<!tpu.dma_semaphore, #tpu.memory_space<semaphore_mem>>, %arg10: memref<!tpu.dma_semaphore, #tpu.memory_space<semaphore_mem>>, %arg11: memref<!tpu.dma_semaphore, #tpu.memory_space<semaphore_mem>>, %arg12: memref<!tpu.dma_semaphore, #tpu.memory_space<semaphore_mem>>) attributes {dimension_semantics = [#tpu.dimension_semantics<core_parallel>, #tpu.dimension_semantics<subcore_parallel>], iteration_bounds = array<i64: 2, 16>, scalar_prefetch = 0 : i64, scratch_operands = 8 : i64, tpu.core_type = #tpu.core_type<sc_vector_subcore>, window_params = [{transform_indices = #map}, {transform_indices = #map1}, {transform_indices = #map1}]} {
    %mul3A = arith.constant 2 : i32
    %mul3A_0 = arith.muli %arg1, %mul3A : i32
    %add3A = arith.addi %mul3A_0, %arg0 : i32
    %mul3A_1 = arith.constant 25600 : i32
    %mul3A_2 = arith.muli %add3A, %mul3A_1 : i32
    %add3A_3 = arith.constant 0 : i32
    %add3A_4 = arith.addi %mul3A_2, %add3A_3 : i32
    %dma_start3A = arith.constant 0 : i32
    %dma_start3A_5 = arith.constant 0 : i32
    %dma_start3A_6 = tpu.memref_slice %arg5[%dma_start3A, %dma_start3A_5] : memref<2x1600xi32, #tpu.memory_space<vmem>> -> memref<1x1600xi32, #tpu.memory_space<vmem>>
    %dma_start3A_7 = tpu.memref_squeeze %dma_start3A_6 : memref<1x1600xi32, #tpu.memory_space<vmem>> -> memref<1600xi32, #tpu.memory_space<vmem>>
    %dma_start3A_8 = tpu.memref_slice %arg2[%add3A_4] : memref<819200xi32, #tpu.memory_space<hbm>> -> memref<1600xi32, #tpu.memory_space<hbm>>
    %dma_start3A_9 = arith.constant 0 : i32
    %dma_start3A_10 = tpu.memref_slice %arg5[%dma_start3A, %dma_start3A_9] : memref<2x1600xi32, #tpu.memory_space<vmem>> -> memref<1x1600xi32, #tpu.memory_space<vmem>>
    %dma_start3A_11 = tpu.memref_squeeze %dma_start3A_10 : memref<1x1600xi32, #tpu.memory_space<vmem>> -> memref<1600xi32, #tpu.memory_space<vmem>>
    %dma_start3A_12 = tpu.memref_slice %arg2[%add3A_4] : memref<819200xi32, #tpu.memory_space<hbm>> -> memref<1600xi32, #tpu.memory_space<hbm>>
    tpu.enqueue_dma source(%dma_start3A_12 : memref<1600xi32, #tpu.memory_space<hbm>>) target(%dma_start3A_11 : memref<1600xi32, #tpu.memory_space<vmem>>) target_semaphore(%arg7 : memref<!tpu.dma_semaphore, #tpu.memory_space<semaphore_mem>>)
    %add3A_13 = arith.constant 1600 : i32
    %add3A_14 = arith.addi %mul3A_2, %add3A_13 : i32
    %dma_start3A_15 = arith.constant 1 : i32
    %dma_start3A_16 = arith.constant 0 : i32
    %dma_start3A_17 = tpu.memref_slice %arg5[%dma_start3A_15, %dma_start3A_16] : memref<2x1600xi32, #tpu.memory_space<vmem>> -> memref<1x1600xi32, #tpu.memory_space<vmem>>
    %dma_start3A_18 = tpu.memref_squeeze %dma_start3A_17 : memref<1x1600xi32, #tpu.memory_space<vmem>> -> memref<1600xi32, #tpu.memory_space<vmem>>
    %dma_start3A_19 = tpu.memref_slice %arg2[%add3A_14] : memref<819200xi32, #tpu.memory_space<hbm>> -> memref<1600xi32, #tpu.memory_space<hbm>>
    %dma_start3A_20 = arith.constant 0 : i32
    %dma_start3A_21 = tpu.memref_slice %arg5[%dma_start3A_15, %dma_start3A_20] : memref<2x1600xi32, #tpu.memory_space<vmem>> -> memref<1x1600xi32, #tpu.memory_space<vmem>>
    %dma_start3A_22 = tpu.memref_squeeze %dma_start3A_21 : memref<1x1600xi32, #tpu.memory_space<vmem>> -> memref<1600xi32, #tpu.memory_space<vmem>>
    %dma_start3A_23 = tpu.memref_slice %arg2[%add3A_14] : memref<819200xi32, #tpu.memory_space<hbm>> -> memref<1600xi32, #tpu.memory_space<hbm>>
    tpu.enqueue_dma source(%dma_start3A_23 : memref<1600xi32, #tpu.memory_space<hbm>>) target(%dma_start3A_22 : memref<1600xi32, #tpu.memory_space<vmem>>) target_semaphore(%arg8 : memref<!tpu.dma_semaphore, #tpu.memory_space<semaphore_mem>>)
    %dma_wait3A = arith.constant 0 : i32
    %dma_wait3A_24 = arith.constant 0 : i32
    %dma_wait3A_25 = tpu.memref_slice %arg5[%dma_wait3A, %dma_wait3A_24] : memref<2x1600xi32, #tpu.memory_space<vmem>> -> memref<1x1600xi32, #tpu.memory_space<vmem>>
    %dma_wait3A_26 = tpu.memref_squeeze %dma_wait3A_25 : memref<1x1600xi32, #tpu.memory_space<vmem>> -> memref<1600xi32, #tpu.memory_space<vmem>>
    %dma_wait3A_27 = tpu.memref_slice %arg2[%add3A_4] : memref<819200xi32, #tpu.memory_space<hbm>> -> memref<1600xi32, #tpu.memory_space<hbm>>
    %dma_wait3A_28 = arith.constant 0 : i32
    %dma_wait3A_29 = tpu.memref_slice %arg5[%dma_wait3A, %dma_wait3A_28] : memref<2x1600xi32, #tpu.memory_space<vmem>> -> memref<1x1600xi32, #tpu.memory_space<vmem>>
    %dma_wait3A_30 = tpu.memref_squeeze %dma_wait3A_29 : memref<1x1600xi32, #tpu.memory_space<vmem>> -> memref<1600xi32, #tpu.memory_space<vmem>>
    %dma_wait3A_31 = tpu.memref_slice %arg2[%add3A_4] : memref<819200xi32, #tpu.memory_space<hbm>> -> memref<1600xi32, #tpu.memory_space<hbm>>
    tpu.wait_dma2 semaphore(%arg7 : memref<!tpu.dma_semaphore, #tpu.memory_space<semaphore_mem>>) src(%dma_wait3A_31 : memref<1600xi32, #tpu.memory_space<hbm>>) dst(%dma_wait3A_30 : memref<1600xi32, #tpu.memory_space<vmem>>)
    %dma_start3A_32 = arith.constant 0 : i32
    %dma_start3A_33 = arith.constant 0 : i32
    %dma_start3A_34 = arith.constant 0 : i32
    %dma_start3A_35 = arith.constant 0 : i32
    %dma_start3A_36 = tpu.memref_slice %arg6[%dma_start3A_33, %dma_start3A_34, %dma_start3A_35] : memref<2x1600x32xf32, #tpu.memory_space<vmem>> -> memref<1x1600x32xf32, #tpu.memory_space<vmem>>
    %dma_start3A_37 = tpu.memref_squeeze %dma_start3A_36 : memref<1x1600x32xf32, #tpu.memory_space<vmem>> -> memref<1600x32xf32, #tpu.memory_space<vmem>>
    %dma_start3A_38 = arith.constant 0 : i32
    %dma_start3A_39 = tpu.memref_slice %arg5[%dma_start3A_32, %dma_start3A_38] : memref<2x1600xi32, #tpu.memory_space<vmem>> -> memref<1x1600xi32, #tpu.memory_space<vmem>>
    %dma_start3A_40 = tpu.memref_squeeze %dma_start3A_39 : memref<1x1600xi32, #tpu.memory_space<vmem>> -> memref<1600xi32, #tpu.memory_space<vmem>>
    %dma_start3A_41 = arith.constant 0 : i32
    %dma_start3A_42 = arith.constant 0 : i32
    %dma_start3A_43 = tpu.memref_slice %arg3[%dma_start3A_41, %dma_start3A_42] : memref<1000000x32xf32, #tpu.memory_space<hbm>> -> memref<1000000x32xf32, #tpu.memory_space<hbm>>
    tpu.enqueue_indirect_dma source(%dma_start3A_43 : memref<1000000x32xf32, #tpu.memory_space<hbm>>) target(%dma_start3A_37 : memref<1600x32xf32, #tpu.memory_space<vmem>>) offsets(%dma_start3A_40 : memref<1600xi32, #tpu.memory_space<vmem>>) semaphore(%arg9 : memref<!tpu.dma_semaphore, #tpu.memory_space<semaphore_mem>>)
    %dma_wait3A_44 = arith.constant 1 : i32
    %dma_wait3A_45 = arith.constant 0 : i32
    %dma_wait3A_46 = tpu.memref_slice %arg5[%dma_wait3A_44, %dma_wait3A_45] : memref<2x1600xi32, #tpu.memory_space<vmem>> -> memref<1x1600xi32, #tpu.memory_space<vmem>>
    %dma_wait3A_47 = tpu.memref_squeeze %dma_wait3A_46 : memref<1x1600xi32, #tpu.memory_space<vmem>> -> memref<1600xi32, #tpu.memory_space<vmem>>
    %dma_wait3A_48 = tpu.memref_slice %arg2[%add3A_14] : memref<819200xi32, #tpu.memory_space<hbm>> -> memref<1600xi32, #tpu.memory_space<hbm>>
    %dma_wait3A_49 = arith.constant 0 : i32
    %dma_wait3A_50 = tpu.memref_slice %arg5[%dma_wait3A_44, %dma_wait3A_49] : memref<2x1600xi32, #tpu.memory_space<vmem>> -> memref<1x1600xi32, #tpu.memory_space<vmem>>
    %dma_wait3A_51 = tpu.memref_squeeze %dma_wait3A_50 : memref<1x1600xi32, #tpu.memory_space<vmem>> -> memref<1600xi32, #tpu.memory_space<vmem>>
    %dma_wait3A_52 = tpu.memref_slice %arg2[%add3A_14] : memref<819200xi32, #tpu.memory_space<hbm>> -> memref<1600xi32, #tpu.memory_space<hbm>>
    tpu.wait_dma2 semaphore(%arg8 : memref<!tpu.dma_semaphore, #tpu.memory_space<semaphore_mem>>) src(%dma_wait3A_52 : memref<1600xi32, #tpu.memory_space<hbm>>) dst(%dma_wait3A_51 : memref<1600xi32, #tpu.memory_space<vmem>>)
    %dma_start3A_53 = arith.constant 1 : i32
    %dma_start3A_54 = arith.constant 1 : i32
    %dma_start3A_55 = arith.constant 0 : i32
    %dma_start3A_56 = arith.constant 0 : i32
    %dma_start3A_57 = tpu.memref_slice %arg6[%dma_start3A_54, %dma_start3A_55, %dma_start3A_56] : memref<2x1600x32xf32, #tpu.memory_space<vmem>> -> memref<1x1600x32xf32, #tpu.memory_space<vmem>>
    %dma_start3A_58 = tpu.memref_squeeze %dma_start3A_57 : memref<1x1600x32xf32, #tpu.memory_space<vmem>> -> memref<1600x32xf32, #tpu.memory_space<vmem>>
    %dma_start3A_59 = arith.constant 0 : i32
    %dma_start3A_60 = tpu.memref_slice %arg5[%dma_start3A_53, %dma_start3A_59] : memref<2x1600xi32, #tpu.memory_space<vmem>> -> memref<1x1600xi32, #tpu.memory_space<vmem>>
    %dma_start3A_61 = tpu.memref_squeeze %dma_start3A_60 : memref<1x1600xi32, #tpu.memory_space<vmem>> -> memref<1600xi32, #tpu.memory_space<vmem>>
    %dma_start3A_62 = arith.constant 0 : i32
    %dma_start3A_63 = arith.constant 0 : i32
    %dma_start3A_64 = tpu.memref_slice %arg3[%dma_start3A_62, %dma_start3A_63] : memref<1000000x32xf32, #tpu.memory_space<hbm>> -> memref<1000000x32xf32, #tpu.memory_space<hbm>>
    tpu.enqueue_indirect_dma source(%dma_start3A_64 : memref<1000000x32xf32, #tpu.memory_space<hbm>>) target(%dma_start3A_58 : memref<1600x32xf32, #tpu.memory_space<vmem>>) offsets(%dma_start3A_61 : memref<1600xi32, #tpu.memory_space<vmem>>) semaphore(%arg10 : memref<!tpu.dma_semaphore, #tpu.memory_space<semaphore_mem>>)
    %dma_wait3A_65 = arith.constant 0 : i32
    %dma_wait3A_66 = arith.constant 0 : i32
    %dma_wait3A_67 = arith.constant 0 : i32
    %dma_wait3A_68 = arith.constant 0 : i32
    %dma_wait3A_69 = tpu.memref_slice %arg6[%dma_wait3A_66, %dma_wait3A_67, %dma_wait3A_68] : memref<2x1600x32xf32, #tpu.memory_space<vmem>> -> memref<1x1600x32xf32, #tpu.memory_space<vmem>>
    %dma_wait3A_70 = tpu.memref_squeeze %dma_wait3A_69 : memref<1x1600x32xf32, #tpu.memory_space<vmem>> -> memref<1600x32xf32, #tpu.memory_space<vmem>>
    %dma_wait3A_71 = arith.constant 0 : i32
    %dma_wait3A_72 = tpu.memref_slice %arg5[%dma_wait3A_65, %dma_wait3A_71] : memref<2x1600xi32, #tpu.memory_space<vmem>> -> memref<1x1600xi32, #tpu.memory_space<vmem>>
    %dma_wait3A_73 = tpu.memref_squeeze %dma_wait3A_72 : memref<1x1600xi32, #tpu.memory_space<vmem>> -> memref<1600xi32, #tpu.memory_space<vmem>>
    %dma_wait3A_74 = arith.constant 0 : i32
    %dma_wait3A_75 = arith.constant 0 : i32
    %dma_wait3A_76 = tpu.memref_slice %arg3[%dma_wait3A_74, %dma_wait3A_75] : memref<1000000x32xf32, #tpu.memory_space<hbm>> -> memref<1000000x32xf32, #tpu.memory_space<hbm>>
    tpu.wait_indirect_dma semaphore(%arg9 : memref<!tpu.dma_semaphore, #tpu.memory_space<semaphore_mem>>) src(%dma_wait3A_76 : memref<1000000x32xf32, #tpu.memory_space<hbm>>) dst(%dma_wait3A_70 : memref<1600x32xf32, #tpu.memory_space<vmem>>)
    %add3A_77 = arith.constant 0 : i32
    %add3A_78 = arith.addi %mul3A_2, %add3A_77 : i32
    %dma_start3A_79 = arith.constant 0 : i32
    %dma_start3A_80 = arith.constant 0 : i32
    %dma_start3A_81 = arith.constant 0 : i32
    %dma_start3A_82 = tpu.memref_slice %arg6[%dma_start3A_79, %dma_start3A_80, %dma_start3A_81] : memref<2x1600x32xf32, #tpu.memory_space<vmem>> -> memref<1x1600x32xf32, #tpu.memory_space<vmem>>
    %dma_start3A_83 = tpu.memref_squeeze %dma_start3A_82 : memref<1x1600x32xf32, #tpu.memory_space<vmem>> -> memref<1600x32xf32, #tpu.memory_space<vmem>>
    %dma_start3A_84 = arith.constant 0 : i32
    %dma_start3A_85 = tpu.memref_slice %arg4[%add3A_78, %dma_start3A_84] : memref<819200x32xf32, #tpu.memory_space<hbm>> -> memref<1600x32xf32, #tpu.memory_space<hbm>>
    %dma_start3A_86 = arith.constant 0 : i32
    %dma_start3A_87 = tpu.memref_slice %arg4[%add3A_78, %dma_start3A_86] : memref<819200x32xf32, #tpu.memory_space<hbm>> -> memref<1600x32xf32, #tpu.memory_space<hbm>>
    %dma_start3A_88 = arith.constant 0 : i32
    %dma_start3A_89 = arith.constant 0 : i32
    %dma_start3A_90 = tpu.memref_slice %arg6[%dma_start3A_79, %dma_start3A_88, %dma_start3A_89] : memref<2x1600x32xf32, #tpu.memory_space<vmem>> -> memref<1x1600x32xf32, #tpu.memory_space<vmem>>
    %dma_start3A_91 = tpu.memref_squeeze %dma_start3A_90 : memref<1x1600x32xf32, #tpu.memory_space<vmem>> -> memref<1600x32xf32, #tpu.memory_space<vmem>>
    tpu.enqueue_dma source(%dma_start3A_91 : memref<1600x32xf32, #tpu.memory_space<vmem>>) target(%dma_start3A_87 : memref<1600x32xf32, #tpu.memory_space<hbm>>) target_semaphore(%arg11 : memref<!tpu.dma_semaphore, #tpu.memory_space<semaphore_mem>>)
    %add3A_92 = arith.constant 3200 : i32
    %add3A_93 = arith.addi %mul3A_2, %add3A_92 : i32
    %dma_start3A_94 = arith.constant 0 : i32
    %dma_start3A_95 = arith.constant 0 : i32
    %dma_start3A_96 = tpu.memref_slice %arg5[%dma_start3A_94, %dma_start3A_95] : memref<2x1600xi32, #tpu.memory_space<vmem>> -> memref<1x1600xi32, #tpu.memory_space<vmem>>
    %dma_start3A_97 = tpu.memref_squeeze %dma_start3A_96 : memref<1x1600xi32, #tpu.memory_space<vmem>> -> memref<1600xi32, #tpu.memory_space<vmem>>
    %dma_start3A_98 = tpu.memref_slice %arg2[%add3A_93] : memref<819200xi32, #tpu.memory_space<hbm>> -> memref<1600xi32, #tpu.memory_space<hbm>>
    %dma_start3A_99 = arith.constant 0 : i32
    %dma_start3A_100 = tpu.memref_slice %arg5[%dma_start3A_94, %dma_start3A_99] : memref<2x1600xi32, #tpu.memory_space<vmem>> -> memref<1x1600xi32, #tpu.memory_space<vmem>>
    %dma_start3A_101 = tpu.memref_squeeze %dma_start3A_100 : memref<1x1600xi32, #tpu.memory_space<vmem>> -> memref<1600xi32, #tpu.memory_space<vmem>>
    %dma_start3A_102 = tpu.memref_slice %arg2[%add3A_93] : memref<819200xi32, #tpu.memory_space<hbm>> -> memref<1600xi32, #tpu.memory_space<hbm>>
    tpu.enqueue_dma source(%dma_start3A_102 : memref<1600xi32, #tpu.memory_space<hbm>>) target(%dma_start3A_101 : memref<1600xi32, #tpu.memory_space<vmem>>) target_semaphore(%arg7 : memref<!tpu.dma_semaphore, #tpu.memory_space<semaphore_mem>>)
    %dma_wait3A_103 = arith.constant 0 : i32
    %dma_wait3A_104 = arith.constant 0 : i32
    %dma_wait3A_105 = tpu.memref_slice %arg5[%dma_wait3A_103, %dma_wait3A_104] : memref<2x1600xi32, #tpu.memory_space<vmem>> -> memref<1x1600xi32, #tpu.memory_space<vmem>>
    %dma_wait3A_106 = tpu.memref_squeeze %dma_wait3A_105 : memref<1x1600xi32, #tpu.memory_space<vmem>> -> memref<1600xi32, #tpu.memory_space<vmem>>
    %dma_wait3A_107 = tpu.memref_slice %arg2[%add3A_93] : memref<819200xi32, #tpu.memory_space<hbm>> -> memref<1600xi32, #tpu.memory_space<hbm>>
    %dma_wait3A_108 = arith.constant 0 : i32
    %dma_wait3A_109 = tpu.memref_slice %arg5[%dma_wait3A_103, %dma_wait3A_108] : memref<2x1600xi32, #tpu.memory_space<vmem>> -> memref<1x1600xi32, #tpu.memory_space<vmem>>
    %dma_wait3A_110 = tpu.memref_squeeze %dma_wait3A_109 : memref<1x1600xi32, #tpu.memory_space<vmem>> -> memref<1600xi32, #tpu.memory_space<vmem>>
    %dma_wait3A_111 = tpu.memref_slice %arg2[%add3A_93] : memref<819200xi32, #tpu.memory_space<hbm>> -> memref<1600xi32, #tpu.memory_space<hbm>>
    tpu.wait_dma2 semaphore(%arg7 : memref<!tpu.dma_semaphore, #tpu.memory_space<semaphore_mem>>) src(%dma_wait3A_111 : memref<1600xi32, #tpu.memory_space<hbm>>) dst(%dma_wait3A_110 : memref<1600xi32, #tpu.memory_space<vmem>>)
    %dma_wait3A_112 = arith.constant 0 : i32
    %dma_wait3A_113 = arith.constant 0 : i32
    %dma_wait3A_114 = arith.constant 0 : i32
    %dma_wait3A_115 = tpu.memref_slice %arg6[%dma_wait3A_112, %dma_wait3A_113, %dma_wait3A_114] : memref<2x1600x32xf32, #tpu.memory_space<vmem>> -> memref<1x1600x32xf32, #tpu.memory_space<vmem>>
    %dma_wait3A_116 = tpu.memref_squeeze %dma_wait3A_115 : memref<1x1600x32xf32, #tpu.memory_space<vmem>> -> memref<1600x32xf32, #tpu.memory_space<vmem>>
    %dma_wait3A_117 = arith.constant 0 : i32
    %dma_wait3A_118 = tpu.memref_slice %arg4[%add3A_78, %dma_wait3A_117] : memref<819200x32xf32, #tpu.memory_space<hbm>> -> memref<1600x32xf32, #tpu.memory_space<hbm>>
    %dma_wait3A_119 = arith.constant 0 : i32
    %dma_wait3A_120 = tpu.memref_slice %arg4[%add3A_78, %dma_wait3A_119] : memref<819200x32xf32, #tpu.memory_space<hbm>> -> memref<1600x32xf32, #tpu.memory_space<hbm>>
    %dma_wait3A_121 = arith.constant 0 : i32
    %dma_wait3A_122 = arith.constant 0 : i32
    %dma_wait3A_123 = tpu.memref_slice %arg6[%dma_wait3A_112, %dma_wait3A_121, %dma_wait3A_122] : memref<2x1600x32xf32, #tpu.memory_space<vmem>> -> memref<1x1600x32xf32, #tpu.memory_space<vmem>>
    %dma_wait3A_124 = tpu.memref_squeeze %dma_wait3A_123 : memref<1x1600x32xf32, #tpu.memory_space<vmem>> -> memref<1600x32xf32, #tpu.memory_space<vmem>>
    tpu.wait_dma2 semaphore(%arg11 : memref<!tpu.dma_semaphore, #tpu.memory_space<semaphore_mem>>) src(%dma_wait3A_124 : memref<1600x32xf32, #tpu.memory_space<vmem>>) dst(%dma_wait3A_120 : memref<1600x32xf32, #tpu.memory_space<hbm>>)
    %dma_start3A_125 = arith.constant 0 : i32
    %dma_start3A_126 = arith.constant 0 : i32
    %dma_start3A_127 = arith.constant 0 : i32
    %dma_start3A_128 = arith.constant 0 : i32
    %dma_start3A_129 = tpu.memref_slice %arg6[%dma_start3A_126, %dma_start3A_127, %dma_start3A_128] : memref<2x1600x32xf32, #tpu.memory_space<vmem>> -> memref<1x1600x32xf32, #tpu.memory_space<vmem>>
    %dma_start3A_130 = tpu.memref_squeeze %dma_start3A_129 : memref<1x1600x32xf32, #tpu.memory_space<vmem>> -> memref<1600x32xf32, #tpu.memory_space<vmem>>
    %dma_start3A_131 = arith.constant 0 : i32
    %dma_start3A_132 = tpu.memref_slice %arg5[%dma_start3A_125, %dma_start3A_131] : memref<2x1600xi32, #tpu.memory_space<vmem>> -> memref<1x1600xi32, #tpu.memory_space<vmem>>
    %dma_start3A_133 = tpu.memref_squeeze %dma_start3A_132 : memref<1x1600xi32, #tpu.memory_space<vmem>> -> memref<1600xi32, #tpu.memory_space<vmem>>
    %dma_start3A_134 = arith.constant 0 : i32
    %dma_start3A_135 = arith.constant 0 : i32
    %dma_start3A_136 = tpu.memref_slice %arg3[%dma_start3A_134, %dma_start3A_135] : memref<1000000x32xf32, #tpu.memory_space<hbm>> -> memref<1000000x32xf32, #tpu.memory_space<hbm>>
    tpu.enqueue_indirect_dma source(%dma_start3A_136 : memref<1000000x32xf32, #tpu.memory_space<hbm>>) target(%dma_start3A_130 : memref<1600x32xf32, #tpu.memory_space<vmem>>) offsets(%dma_start3A_133 : memref<1600xi32, #tpu.memory_space<vmem>>) semaphore(%arg9 : memref<!tpu.dma_semaphore, #tpu.memory_space<semaphore_mem>>)
    %dma_wait3A_137 = arith.constant 1 : i32
    %dma_wait3A_138 = arith.constant 1 : i32
    %dma_wait3A_139 = arith.constant 0 : i32
    %dma_wait3A_140 = arith.constant 0 : i32
    %dma_wait3A_141 = tpu.memref_slice %arg6[%dma_wait3A_138, %dma_wait3A_139, %dma_wait3A_140] : memref<2x1600x32xf32, #tpu.memory_space<vmem>> -> memref<1x1600x32xf32, #tpu.memory_space<vmem>>
    %dma_wait3A_142 = tpu.memref_squeeze %dma_wait3A_141 : memref<1x1600x32xf32, #tpu.memory_space<vmem>> -> memref<1600x32xf32, #tpu.memory_space<vmem>>
    %dma_wait3A_143 = arith.constant 0 : i32
    %dma_wait3A_144 = tpu.memref_slice %arg5[%dma_wait3A_137, %dma_wait3A_143] : memref<2x1600xi32, #tpu.memory_space<vmem>> -> memref<1x1600xi32, #tpu.memory_space<vmem>>
    %dma_wait3A_145 = tpu.memref_squeeze %dma_wait3A_144 : memref<1x1600xi32, #tpu.memory_space<vmem>> -> memref<1600xi32, #tpu.memory_space<vmem>>
    %dma_wait3A_146 = arith.constant 0 : i32
    %dma_wait3A_147 = arith.constant 0 : i32
    %dma_wait3A_148 = tpu.memref_slice %arg3[%dma_wait3A_146, %dma_wait3A_147] : memref<1000000x32xf32, #tpu.memory_space<hbm>> -> memref<1000000x32xf32, #tpu.memory_space<hbm>>
    tpu.wait_indirect_dma semaphore(%arg10 : memref<!tpu.dma_semaphore, #tpu.memory_space<semaphore_mem>>) src(%dma_wait3A_148 : memref<1000000x32xf32, #tpu.memory_space<hbm>>) dst(%dma_wait3A_142 : memref<1600x32xf32, #tpu.memory_space<vmem>>)
    %add3A_149 = arith.constant 1600 : i32
    %add3A_150 = arith.addi %mul3A_2, %add3A_149 : i32
    %dma_start3A_151 = arith.constant 1 : i32
    %dma_start3A_152 = arith.constant 0 : i32
    %dma_start3A_153 = arith.constant 0 : i32
    %dma_start3A_154 = tpu.memref_slice %arg6[%dma_start3A_151, %dma_start3A_152, %dma_start3A_153] : memref<2x1600x32xf32, #tpu.memory_space<vmem>> -> memref<1x1600x32xf32, #tpu.memory_space<vmem>>
    %dma_start3A_155 = tpu.memref_squeeze %dma_start3A_154 : memref<1x1600x32xf32, #tpu.memory_space<vmem>> -> memref<1600x32xf32, #tpu.memory_space<vmem>>
    %dma_start3A_156 = arith.constant 0 : i32
    %dma_start3A_157 = tpu.memref_slice %arg4[%add3A_150, %dma_start3A_156] : memref<819200x32xf32, #tpu.memory_space<hbm>> -> memref<1600x32xf32, #tpu.memory_space<hbm>>
    %dma_start3A_158 = arith.constant 0 : i32
    %dma_start3A_159 = tpu.memref_slice %arg4[%add3A_150, %dma_start3A_158] : memref<819200x32xf32, #tpu.memory_space<hbm>> -> memref<1600x32xf32, #tpu.memory_space<hbm>>
    %dma_start3A_160 = arith.constant 0 : i32
    %dma_start3A_161 = arith.constant 0 : i32
    %dma_start3A_162 = tpu.memref_slice %arg6[%dma_start3A_151, %dma_start3A_160, %dma_start3A_161] : memref<2x1600x32xf32, #tpu.memory_space<vmem>> -> memref<1x1600x32xf32, #tpu.memory_space<vmem>>
    %dma_start3A_163 = tpu.memref_squeeze %dma_start3A_162 : memref<1x1600x32xf32, #tpu.memory_space<vmem>> -> memref<1600x32xf32, #tpu.memory_space<vmem>>
    tpu.enqueue_dma source(%dma_start3A_163 : memref<1600x32xf32, #tpu.memory_space<vmem>>) target(%dma_start3A_159 : memref<1600x32xf32, #tpu.memory_space<hbm>>) target_semaphore(%arg12 : memref<!tpu.dma_semaphore, #tpu.memory_space<semaphore_mem>>)
    %add3A_164 = arith.constant 4800 : i32
    %add3A_165 = arith.addi %mul3A_2, %add3A_164 : i32
    %dma_start3A_166 = arith.constant 1 : i32
    %dma_start3A_167 = arith.constant 0 : i32
    %dma_start3A_168 = tpu.memref_slice %arg5[%dma_start3A_166, %dma_start3A_167] : memref<2x1600xi32, #tpu.memory_space<vmem>> -> memref<1x1600xi32, #tpu.memory_space<vmem>>
    %dma_start3A_169 = tpu.memref_squeeze %dma_start3A_168 : memref<1x1600xi32, #tpu.memory_space<vmem>> -> memref<1600xi32, #tpu.memory_space<vmem>>
    %dma_start3A_170 = tpu.memref_slice %arg2[%add3A_165] : memref<819200xi32, #tpu.memory_space<hbm>> -> memref<1600xi32, #tpu.memory_space<hbm>>
    %dma_start3A_171 = arith.constant 0 : i32
    %dma_start3A_172 = tpu.memref_slice %arg5[%dma_start3A_166, %dma_start3A_171] : memref<2x1600xi32, #tpu.memory_space<vmem>> -> memref<1x1600xi32, #tpu.memory_space<vmem>>
    %dma_start3A_173 = tpu.memref_squeeze %dma_start3A_172 : memref<1x1600xi32, #tpu.memory_space<vmem>> -> memref<1600xi32, #tpu.memory_space<vmem>>
    %dma_start3A_174 = tpu.memref_slice %arg2[%add3A_165] : memref<819200xi32, #tpu.memory_space<hbm>> -> memref<1600xi32, #tpu.memory_space<hbm>>
    tpu.enqueue_dma source(%dma_start3A_174 : memref<1600xi32, #tpu.memory_space<hbm>>) target(%dma_start3A_173 : memref<1600xi32, #tpu.memory_space<vmem>>) target_semaphore(%arg8 : memref<!tpu.dma_semaphore, #tpu.memory_space<semaphore_mem>>)
    %dma_wait3A_175 = arith.constant 1 : i32
    %dma_wait3A_176 = arith.constant 0 : i32
    %dma_wait3A_177 = tpu.memref_slice %arg5[%dma_wait3A_175, %dma_wait3A_176] : memref<2x1600xi32, #tpu.memory_space<vmem>> -> memref<1x1600xi32, #tpu.memory_space<vmem>>
    %dma_wait3A_178 = tpu.memref_squeeze %dma_wait3A_177 : memref<1x1600xi32, #tpu.memory_space<vmem>> -> memref<1600xi32, #tpu.memory_space<vmem>>
    %dma_wait3A_179 = tpu.memref_slice %arg2[%add3A_165] : memref<819200xi32, #tpu.memory_space<hbm>> -> memref<1600xi32, #tpu.memory_space<hbm>>
    %dma_wait3A_180 = arith.constant 0 : i32
    %dma_wait3A_181 = tpu.memref_slice %arg5[%dma_wait3A_175, %dma_wait3A_180] : memref<2x1600xi32, #tpu.memory_space<vmem>> -> memref<1x1600xi32, #tpu.memory_space<vmem>>
    %dma_wait3A_182 = tpu.memref_squeeze %dma_wait3A_181 : memref<1x1600xi32, #tpu.memory_space<vmem>> -> memref<1600xi32, #tpu.memory_space<vmem>>
    %dma_wait3A_183 = tpu.memref_slice %arg2[%add3A_165] : memref<819200xi32, #tpu.memory_space<hbm>> -> memref<1600xi32, #tpu.memory_space<hbm>>
    tpu.wait_dma2 semaphore(%arg8 : memref<!tpu.dma_semaphore, #tpu.memory_space<semaphore_mem>>) src(%dma_wait3A_183 : memref<1600xi32, #tpu.memory_space<hbm>>) dst(%dma_wait3A_182 : memref<1600xi32, #tpu.memory_space<vmem>>)
    %dma_wait3A_184 = arith.constant 1 : i32
    %dma_wait3A_185 = arith.constant 0 : i32
    %dma_wait3A_186 = arith.constant 0 : i32
    %dma_wait3A_187 = tpu.memref_slice %arg6[%dma_wait3A_184, %dma_wait3A_185, %dma_wait3A_186] : memref<2x1600x32xf32, #tpu.memory_space<vmem>> -> memref<1x1600x32xf32, #tpu.memory_space<vmem>>
    %dma_wait3A_188 = tpu.memref_squeeze %dma_wait3A_187 : memref<1x1600x32xf32, #tpu.memory_space<vmem>> -> memref<1600x32xf32, #tpu.memory_space<vmem>>
    %dma_wait3A_189 = arith.constant 0 : i32
    %dma_wait3A_190 = tpu.memref_slice %arg4[%add3A_150, %dma_wait3A_189] : memref<819200x32xf32, #tpu.memory_space<hbm>> -> memref<1600x32xf32, #tpu.memory_space<hbm>>
    %dma_wait3A_191 = arith.constant 0 : i32
    %dma_wait3A_192 = tpu.memref_slice %arg4[%add3A_150, %dma_wait3A_191] : memref<819200x32xf32, #tpu.memory_space<hbm>> -> memref<1600x32xf32, #tpu.memory_space<hbm>>
    %dma_wait3A_193 = arith.constant 0 : i32
    %dma_wait3A_194 = arith.constant 0 : i32
    %dma_wait3A_195 = tpu.memref_slice %arg6[%dma_wait3A_184, %dma_wait3A_193, %dma_wait3A_194] : memref<2x1600x32xf32, #tpu.memory_space<vmem>> -> memref<1x1600x32xf32, #tpu.memory_space<vmem>>
    %dma_wait3A_196 = tpu.memref_squeeze %dma_wait3A_195 : memref<1x1600x32xf32, #tpu.memory_space<vmem>> -> memref<1600x32xf32, #tpu.memory_space<vmem>>
    tpu.wait_dma2 semaphore(%arg12 : memref<!tpu.dma_semaphore, #tpu.memory_space<semaphore_mem>>) src(%dma_wait3A_196 : memref<1600x32xf32, #tpu.memory_space<vmem>>) dst(%dma_wait3A_192 : memref<1600x32xf32, #tpu.memory_space<hbm>>)
    %dma_start3A_197 = arith.constant 1 : i32
    %dma_start3A_198 = arith.constant 1 : i32
    %dma_start3A_199 = arith.constant 0 : i32
    %dma_start3A_200 = arith.constant 0 : i32
    %dma_start3A_201 = tpu.memref_slice %arg6[%dma_start3A_198, %dma_start3A_199, %dma_start3A_200] : memref<2x1600x32xf32, #tpu.memory_space<vmem>> -> memref<1x1600x32xf32, #tpu.memory_space<vmem>>
    %dma_start3A_202 = tpu.memref_squeeze %dma_start3A_201 : memref<1x1600x32xf32, #tpu.memory_space<vmem>> -> memref<1600x32xf32, #tpu.memory_space<vmem>>
    %dma_start3A_203 = arith.constant 0 : i32
    %dma_start3A_204 = tpu.memref_slice %arg5[%dma_start3A_197, %dma_start3A_203] : memref<2x1600xi32, #tpu.memory_space<vmem>> -> memref<1x1600xi32, #tpu.memory_space<vmem>>
    %dma_start3A_205 = tpu.memref_squeeze %dma_start3A_204 : memref<1x1600xi32, #tpu.memory_space<vmem>> -> memref<1600xi32, #tpu.memory_space<vmem>>
    %dma_start3A_206 = arith.constant 0 : i32
    %dma_start3A_207 = arith.constant 0 : i32
    %dma_start3A_208 = tpu.memref_slice %arg3[%dma_start3A_206, %dma_start3A_207] : memref<1000000x32xf32, #tpu.memory_space<hbm>> -> memref<1000000x32xf32, #tpu.memory_space<hbm>>
    tpu.enqueue_indirect_dma source(%dma_start3A_208 : memref<1000000x32xf32, #tpu.memory_space<hbm>>) target(%dma_start3A_202 : memref<1600x32xf32, #tpu.memory_space<vmem>>) offsets(%dma_start3A_205 : memref<1600xi32, #tpu.memory_space<vmem>>) semaphore(%arg10 : memref<!tpu.dma_semaphore, #tpu.memory_space<semaphore_mem>>)
    %dma_wait3A_209 = arith.constant 0 : i32
    %dma_wait3A_210 = arith.constant 0 : i32
    %dma_wait3A_211 = arith.constant 0 : i32
    %dma_wait3A_212 = arith.constant 0 : i32
    %dma_wait3A_213 = tpu.memref_slice %arg6[%dma_wait3A_210, %dma_wait3A_211, %dma_wait3A_212] : memref<2x1600x32xf32, #tpu.memory_space<vmem>> -> memref<1x1600x32xf32, #tpu.memory_space<vmem>>
    %dma_wait3A_214 = tpu.memref_squeeze %dma_wait3A_213 : memref<1x1600x32xf32, #tpu.memory_space<vmem>> -> memref<1600x32xf32, #tpu.memory_space<vmem>>
    %dma_wait3A_215 = arith.constant 0 : i32
    %dma_wait3A_216 = tpu.memref_slice %arg5[%dma_wait3A_209, %dma_wait3A_215] : memref<2x1600xi32, #tpu.memory_space<vmem>> -> memref<1x1600xi32, #tpu.memory_space<vmem>>
    %dma_wait3A_217 = tpu.memref_squeeze %dma_wait3A_216 : memref<1x1600xi32, #tpu.memory_space<vmem>> -> memref<1600xi32, #tpu.memory_space<vmem>>
    %dma_wait3A_218 = arith.constant 0 : i32
    %dma_wait3A_219 = arith.constant 0 : i32
    %dma_wait3A_220 = tpu.memref_slice %arg3[%dma_wait3A_218, %dma_wait3A_219] : memref<1000000x32xf32, #tpu.memory_space<hbm>> -> memref<1000000x32xf32, #tpu.memory_space<hbm>>
    tpu.wait_indirect_dma semaphore(%arg9 : memref<!tpu.dma_semaphore, #tpu.memory_space<semaphore_mem>>) src(%dma_wait3A_220 : memref<1000000x32xf32, #tpu.memory_space<hbm>>) dst(%dma_wait3A_214 : memref<1600x32xf32, #tpu.memory_space<vmem>>)
    %add3A_221 = arith.constant 3200 : i32
    %add3A_222 = arith.addi %mul3A_2, %add3A_221 : i32
    %dma_start3A_223 = arith.constant 0 : i32
    %dma_start3A_224 = arith.constant 0 : i32
    %dma_start3A_225 = arith.constant 0 : i32
    %dma_start3A_226 = tpu.memref_slice %arg6[%dma_start3A_223, %dma_start3A_224, %dma_start3A_225] : memref<2x1600x32xf32, #tpu.memory_space<vmem>> -> memref<1x1600x32xf32, #tpu.memory_space<vmem>>
    %dma_start3A_227 = tpu.memref_squeeze %dma_start3A_226 : memref<1x1600x32xf32, #tpu.memory_space<vmem>> -> memref<1600x32xf32, #tpu.memory_space<vmem>>
    %dma_start3A_228 = arith.constant 0 : i32
    %dma_start3A_229 = tpu.memref_slice %arg4[%add3A_222, %dma_start3A_228] : memref<819200x32xf32, #tpu.memory_space<hbm>> -> memref<1600x32xf32, #tpu.memory_space<hbm>>
    %dma_start3A_230 = arith.constant 0 : i32
    %dma_start3A_231 = tpu.memref_slice %arg4[%add3A_222, %dma_start3A_230] : memref<819200x32xf32, #tpu.memory_space<hbm>> -> memref<1600x32xf32, #tpu.memory_space<hbm>>
    %dma_start3A_232 = arith.constant 0 : i32
    %dma_start3A_233 = arith.constant 0 : i32
    %dma_start3A_234 = tpu.memref_slice %arg6[%dma_start3A_223, %dma_start3A_232, %dma_start3A_233] : memref<2x1600x32xf32, #tpu.memory_space<vmem>> -> memref<1x1600x32xf32, #tpu.memory_space<vmem>>
    %dma_start3A_235 = tpu.memref_squeeze %dma_start3A_234 : memref<1x1600x32xf32, #tpu.memory_space<vmem>> -> memref<1600x32xf32, #tpu.memory_space<vmem>>
    tpu.enqueue_dma source(%dma_start3A_235 : memref<1600x32xf32, #tpu.memory_space<vmem>>) target(%dma_start3A_231 : memref<1600x32xf32, #tpu.memory_space<hbm>>) target_semaphore(%arg11 : memref<!tpu.dma_semaphore, #tpu.memory_space<semaphore_mem>>)
    %add3A_236 = arith.constant 6400 : i32
    %add3A_237 = arith.addi %mul3A_2, %add3A_236 : i32
    %dma_start3A_238 = arith.constant 0 : i32
    %dma_start3A_239 = arith.constant 0 : i32
    %dma_start3A_240 = tpu.memref_slice %arg5[%dma_start3A_238, %dma_start3A_239] : memref<2x1600xi32, #tpu.memory_space<vmem>> -> memref<1x1600xi32, #tpu.memory_space<vmem>>
    %dma_start3A_241 = tpu.memref_squeeze %dma_start3A_240 : memref<1x1600xi32, #tpu.memory_space<vmem>> -> memref<1600xi32, #tpu.memory_space<vmem>>
    %dma_start3A_242 = tpu.memref_slice %arg2[%add3A_237] : memref<819200xi32, #tpu.memory_space<hbm>> -> memref<1600xi32, #tpu.memory_space<hbm>>
    %dma_start3A_243 = arith.constant 0 : i32
    %dma_start3A_244 = tpu.memref_slice %arg5[%dma_start3A_238, %dma_start3A_243] : memref<2x1600xi32, #tpu.memory_space<vmem>> -> memref<1x1600xi32, #tpu.memory_space<vmem>>
    %dma_start3A_245 = tpu.memref_squeeze %dma_start3A_244 : memref<1x1600xi32, #tpu.memory_space<vmem>> -> memref<1600xi32, #tpu.memory_space<vmem>>
    %dma_start3A_246 = tpu.memref_slice %arg2[%add3A_237] : memref<819200xi32, #tpu.memory_space<hbm>> -> memref<1600xi32, #tpu.memory_space<hbm>>
    tpu.enqueue_dma source(%dma_start3A_246 : memref<1600xi32, #tpu.memory_space<hbm>>) target(%dma_start3A_245 : memref<1600xi32, #tpu.memory_space<vmem>>) target_semaphore(%arg7 : memref<!tpu.dma_semaphore, #tpu.memory_space<semaphore_mem>>)
    %dma_wait3A_247 = arith.constant 0 : i32
    %dma_wait3A_248 = arith.constant 0 : i32
    %dma_wait3A_249 = tpu.memref_slice %arg5[%dma_wait3A_247, %dma_wait3A_248] : memref<2x1600xi32, #tpu.memory_space<vmem>> -> memref<1x1600xi32, #tpu.memory_space<vmem>>
    %dma_wait3A_250 = tpu.memref_squeeze %dma_wait3A_249 : memref<1x1600xi32, #tpu.memory_space<vmem>> -> memref<1600xi32, #tpu.memory_space<vmem>>
    %dma_wait3A_251 = tpu.memref_slice %arg2[%add3A_237] : memref<819200xi32, #tpu.memory_space<hbm>> -> memref<1600xi32, #tpu.memory_space<hbm>>
    %dma_wait3A_252 = arith.constant 0 : i32
    %dma_wait3A_253 = tpu.memref_slice %arg5[%dma_wait3A_247, %dma_wait3A_252] : memref<2x1600xi32, #tpu.memory_space<vmem>> -> memref<1x1600xi32, #tpu.memory_space<vmem>>
    %dma_wait3A_254 = tpu.memref_squeeze %dma_wait3A_253 : memref<1x1600xi32, #tpu.memory_space<vmem>> -> memref<1600xi32, #tpu.memory_space<vmem>>
    %dma_wait3A_255 = tpu.memref_slice %arg2[%add3A_237] : memref<819200xi32, #tpu.memory_space<hbm>> -> memref<1600xi32, #tpu.memory_space<hbm>>
    tpu.wait_dma2 semaphore(%arg7 : memref<!tpu.dma_semaphore, #tpu.memory_space<semaphore_mem>>) src(%dma_wait3A_255 : memref<1600xi32, #tpu.memory_space<hbm>>) dst(%dma_wait3A_254 : memref<1600xi32, #tpu.memory_space<vmem>>)
    %dma_wait3A_256 = arith.constant 0 : i32
    %dma_wait3A_257 = arith.constant 0 : i32
    %dma_wait3A_258 = arith.constant 0 : i32
    %dma_wait3A_259 = tpu.memref_slice %arg6[%dma_wait3A_256, %dma_wait3A_257, %dma_wait3A_258] : memref<2x1600x32xf32, #tpu.memory_space<vmem>> -> memref<1x1600x32xf32, #tpu.memory_space<vmem>>
    %dma_wait3A_260 = tpu.memref_squeeze %dma_wait3A_259 : memref<1x1600x32xf32, #tpu.memory_space<vmem>> -> memref<1600x32xf32, #tpu.memory_space<vmem>>
    %dma_wait3A_261 = arith.constant 0 : i32
    %dma_wait3A_262 = tpu.memref_slice %arg4[%add3A_222, %dma_wait3A_261] : memref<819200x32xf32, #tpu.memory_space<hbm>> -> memref<1600x32xf32, #tpu.memory_space<hbm>>
    %dma_wait3A_263 = arith.constant 0 : i32
    %dma_wait3A_264 = tpu.memref_slice %arg4[%add3A_222, %dma_wait3A_263] : memref<819200x32xf32, #tpu.memory_space<hbm>> -> memref<1600x32xf32, #tpu.memory_space<hbm>>
    %dma_wait3A_265 = arith.constant 0 : i32
    %dma_wait3A_266 = arith.constant 0 : i32
    %dma_wait3A_267 = tpu.memref_slice %arg6[%dma_wait3A_256, %dma_wait3A_265, %dma_wait3A_266] : memref<2x1600x32xf32, #tpu.memory_space<vmem>> -> memref<1x1600x32xf32, #tpu.memory_space<vmem>>
    %dma_wait3A_268 = tpu.memref_squeeze %dma_wait3A_267 : memref<1x1600x32xf32, #tpu.memory_space<vmem>> -> memref<1600x32xf32, #tpu.memory_space<vmem>>
    tpu.wait_dma2 semaphore(%arg11 : memref<!tpu.dma_semaphore, #tpu.memory_space<semaphore_mem>>) src(%dma_wait3A_268 : memref<1600x32xf32, #tpu.memory_space<vmem>>) dst(%dma_wait3A_264 : memref<1600x32xf32, #tpu.memory_space<hbm>>)
    %dma_start3A_269 = arith.constant 0 : i32
    %dma_start3A_270 = arith.constant 0 : i32
    %dma_start3A_271 = arith.constant 0 : i32
    %dma_start3A_272 = arith.constant 0 : i32
    %dma_start3A_273 = tpu.memref_slice %arg6[%dma_start3A_270, %dma_start3A_271, %dma_start3A_272] : memref<2x1600x32xf32, #tpu.memory_space<vmem>> -> memref<1x1600x32xf32, #tpu.memory_space<vmem>>
    %dma_start3A_274 = tpu.memref_squeeze %dma_start3A_273 : memref<1x1600x32xf32, #tpu.memory_space<vmem>> -> memref<1600x32xf32, #tpu.memory_space<vmem>>
    %dma_start3A_275 = arith.constant 0 : i32
    %dma_start3A_276 = tpu.memref_slice %arg5[%dma_start3A_269, %dma_start3A_275] : memref<2x1600xi32, #tpu.memory_space<vmem>> -> memref<1x1600xi32, #tpu.memory_space<vmem>>
    %dma_start3A_277 = tpu.memref_squeeze %dma_start3A_276 : memref<1x1600xi32, #tpu.memory_space<vmem>> -> memref<1600xi32, #tpu.memory_space<vmem>>
    %dma_start3A_278 = arith.constant 0 : i32
    %dma_start3A_279 = arith.constant 0 : i32
    %dma_start3A_280 = tpu.memref_slice %arg3[%dma_start3A_278, %dma_start3A_279] : memref<1000000x32xf32, #tpu.memory_space<hbm>> -> memref<1000000x32xf32, #tpu.memory_space<hbm>>
    tpu.enqueue_indirect_dma source(%dma_start3A_280 : memref<1000000x32xf32, #tpu.memory_space<hbm>>) target(%dma_start3A_274 : memref<1600x32xf32, #tpu.memory_space<vmem>>) offsets(%dma_start3A_277 : memref<1600xi32, #tpu.memory_space<vmem>>) semaphore(%arg9 : memref<!tpu.dma_semaphore, #tpu.memory_space<semaphore_mem>>)
    %dma_wait3A_281 = arith.constant 1 : i32
    %dma_wait3A_282 = arith.constant 1 : i32
    %dma_wait3A_283 = arith.constant 0 : i32
    %dma_wait3A_284 = arith.constant 0 : i32
    %dma_wait3A_285 = tpu.memref_slice %arg6[%dma_wait3A_282, %dma_wait3A_283, %dma_wait3A_284] : memref<2x1600x32xf32, #tpu.memory_space<vmem>> -> memref<1x1600x32xf32, #tpu.memory_space<vmem>>
    %dma_wait3A_286 = tpu.memref_squeeze %dma_wait3A_285 : memref<1x1600x32xf32, #tpu.memory_space<vmem>> -> memref<1600x32xf32, #tpu.memory_space<vmem>>
    %dma_wait3A_287 = arith.constant 0 : i32
    %dma_wait3A_288 = tpu.memref_slice %arg5[%dma_wait3A_281, %dma_wait3A_287] : memref<2x1600xi32, #tpu.memory_space<vmem>> -> memref<1x1600xi32, #tpu.memory_space<vmem>>
    %dma_wait3A_289 = tpu.memref_squeeze %dma_wait3A_288 : memref<1x1600xi32, #tpu.memory_space<vmem>> -> memref<1600xi32, #tpu.memory_space<vmem>>
    %dma_wait3A_290 = arith.constant 0 : i32
    %dma_wait3A_291 = arith.constant 0 : i32
    %dma_wait3A_292 = tpu.memref_slice %arg3[%dma_wait3A_290, %dma_wait3A_291] : memref<1000000x32xf32, #tpu.memory_space<hbm>> -> memref<1000000x32xf32, #tpu.memory_space<hbm>>
    tpu.wait_indirect_dma semaphore(%arg10 : memref<!tpu.dma_semaphore, #tpu.memory_space<semaphore_mem>>) src(%dma_wait3A_292 : memref<1000000x32xf32, #tpu.memory_space<hbm>>) dst(%dma_wait3A_286 : memref<1600x32xf32, #tpu.memory_space<vmem>>)
    %add3A_293 = arith.constant 4800 : i32
    %add3A_294 = arith.addi %mul3A_2, %add3A_293 : i32
    %dma_start3A_295 = arith.constant 1 : i32
    %dma_start3A_296 = arith.constant 0 : i32
    %dma_start3A_297 = arith.constant 0 : i32
    %dma_start3A_298 = tpu.memref_slice %arg6[%dma_start3A_295, %dma_start3A_296, %dma_start3A_297] : memref<2x1600x32xf32, #tpu.memory_space<vmem>> -> memref<1x1600x32xf32, #tpu.memory_space<vmem>>
    %dma_start3A_299 = tpu.memref_squeeze %dma_start3A_298 : memref<1x1600x32xf32, #tpu.memory_space<vmem>> -> memref<1600x32xf32, #tpu.memory_space<vmem>>
    %dma_start3A_300 = arith.constant 0 : i32
    %dma_start3A_301 = tpu.memref_slice %arg4[%add3A_294, %dma_start3A_300] : memref<819200x32xf32, #tpu.memory_space<hbm>> -> memref<1600x32xf32, #tpu.memory_space<hbm>>
    %dma_start3A_302 = arith.constant 0 : i32
    %dma_start3A_303 = tpu.memref_slice %arg4[%add3A_294, %dma_start3A_302] : memref<819200x32xf32, #tpu.memory_space<hbm>> -> memref<1600x32xf32, #tpu.memory_space<hbm>>
    %dma_start3A_304 = arith.constant 0 : i32
    %dma_start3A_305 = arith.constant 0 : i32
    %dma_start3A_306 = tpu.memref_slice %arg6[%dma_start3A_295, %dma_start3A_304, %dma_start3A_305] : memref<2x1600x32xf32, #tpu.memory_space<vmem>> -> memref<1x1600x32xf32, #tpu.memory_space<vmem>>
    %dma_start3A_307 = tpu.memref_squeeze %dma_start3A_306 : memref<1x1600x32xf32, #tpu.memory_space<vmem>> -> memref<1600x32xf32, #tpu.memory_space<vmem>>
    tpu.enqueue_dma source(%dma_start3A_307 : memref<1600x32xf32, #tpu.memory_space<vmem>>) target(%dma_start3A_303 : memref<1600x32xf32, #tpu.memory_space<hbm>>) target_semaphore(%arg12 : memref<!tpu.dma_semaphore, #tpu.memory_space<semaphore_mem>>)
    %add3A_308 = arith.constant 8000 : i32
    %add3A_309 = arith.addi %mul3A_2, %add3A_308 : i32
    %dma_start3A_310 = arith.constant 1 : i32
    %dma_start3A_311 = arith.constant 0 : i32
    %dma_start3A_312 = tpu.memref_slice %arg5[%dma_start3A_310, %dma_start3A_311] : memref<2x1600xi32, #tpu.memory_space<vmem>> -> memref<1x1600xi32, #tpu.memory_space<vmem>>
    %dma_start3A_313 = tpu.memref_squeeze %dma_start3A_312 : memref<1x1600xi32, #tpu.memory_space<vmem>> -> memref<1600xi32, #tpu.memory_space<vmem>>
    %dma_start3A_314 = tpu.memref_slice %arg2[%add3A_309] : memref<819200xi32, #tpu.memory_space<hbm>> -> memref<1600xi32, #tpu.memory_space<hbm>>
    %dma_start3A_315 = arith.constant 0 : i32
    %dma_start3A_316 = tpu.memref_slice %arg5[%dma_start3A_310, %dma_start3A_315] : memref<2x1600xi32, #tpu.memory_space<vmem>> -> memref<1x1600xi32, #tpu.memory_space<vmem>>
    %dma_start3A_317 = tpu.memref_squeeze %dma_start3A_316 : memref<1x1600xi32, #tpu.memory_space<vmem>> -> memref<1600xi32, #tpu.memory_space<vmem>>
    %dma_start3A_318 = tpu.memref_slice %arg2[%add3A_309] : memref<819200xi32, #tpu.memory_space<hbm>> -> memref<1600xi32, #tpu.memory_space<hbm>>
    tpu.enqueue_dma source(%dma_start3A_318 : memref<1600xi32, #tpu.memory_space<hbm>>) target(%dma_start3A_317 : memref<1600xi32, #tpu.memory_space<vmem>>) target_semaphore(%arg8 : memref<!tpu.dma_semaphore, #tpu.memory_space<semaphore_mem>>)
    %dma_wait3A_319 = arith.constant 1 : i32
    %dma_wait3A_320 = arith.constant 0 : i32
    %dma_wait3A_321 = tpu.memref_slice %arg5[%dma_wait3A_319, %dma_wait3A_320] : memref<2x1600xi32, #tpu.memory_space<vmem>> -> memref<1x1600xi32, #tpu.memory_space<vmem>>
    %dma_wait3A_322 = tpu.memref_squeeze %dma_wait3A_321 : memref<1x1600xi32, #tpu.memory_space<vmem>> -> memref<1600xi32, #tpu.memory_space<vmem>>
    %dma_wait3A_323 = tpu.memref_slice %arg2[%add3A_309] : memref<819200xi32, #tpu.memory_space<hbm>> -> memref<1600xi32, #tpu.memory_space<hbm>>
    %dma_wait3A_324 = arith.constant 0 : i32
    %dma_wait3A_325 = tpu.memref_slice %arg5[%dma_wait3A_319, %dma_wait3A_324] : memref<2x1600xi32, #tpu.memory_space<vmem>> -> memref<1x1600xi32, #tpu.memory_space<vmem>>
    %dma_wait3A_326 = tpu.memref_squeeze %dma_wait3A_325 : memref<1x1600xi32, #tpu.memory_space<vmem>> -> memref<1600xi32, #tpu.memory_space<vmem>>
    %dma_wait3A_327 = tpu.memref_slice %arg2[%add3A_309] : memref<819200xi32, #tpu.memory_space<hbm>> -> memref<1600xi32, #tpu.memory_space<hbm>>
    tpu.wait_dma2 semaphore(%arg8 : memref<!tpu.dma_semaphore, #tpu.memory_space<semaphore_mem>>) src(%dma_wait3A_327 : memref<1600xi32, #tpu.memory_space<hbm>>) dst(%dma_wait3A_326 : memref<1600xi32, #tpu.memory_space<vmem>>)
    %dma_wait3A_328 = arith.constant 1 : i32
    %dma_wait3A_329 = arith.constant 0 : i32
    %dma_wait3A_330 = arith.constant 0 : i32
    %dma_wait3A_331 = tpu.memref_slice %arg6[%dma_wait3A_328, %dma_wait3A_329, %dma_wait3A_330] : memref<2x1600x32xf32, #tpu.memory_space<vmem>> -> memref<1x1600x32xf32, #tpu.memory_space<vmem>>
    %dma_wait3A_332 = tpu.memref_squeeze %dma_wait3A_331 : memref<1x1600x32xf32, #tpu.memory_space<vmem>> -> memref<1600x32xf32, #tpu.memory_space<vmem>>
    %dma_wait3A_333 = arith.constant 0 : i32
    %dma_wait3A_334 = tpu.memref_slice %arg4[%add3A_294, %dma_wait3A_333] : memref<819200x32xf32, #tpu.memory_space<hbm>> -> memref<1600x32xf32, #tpu.memory_space<hbm>>
    %dma_wait3A_335 = arith.constant 0 : i32
    %dma_wait3A_336 = tpu.memref_slice %arg4[%add3A_294, %dma_wait3A_335] : memref<819200x32xf32, #tpu.memory_space<hbm>> -> memref<1600x32xf32, #tpu.memory_space<hbm>>
    %dma_wait3A_337 = arith.constant 0 : i32
    %dma_wait3A_338 = arith.constant 0 : i32
    %dma_wait3A_339 = tpu.memref_slice %arg6[%dma_wait3A_328, %dma_wait3A_337, %dma_wait3A_338] : memref<2x1600x32xf32, #tpu.memory_space<vmem>> -> memref<1x1600x32xf32, #tpu.memory_space<vmem>>
    %dma_wait3A_340 = tpu.memref_squeeze %dma_wait3A_339 : memref<1x1600x32xf32, #tpu.memory_space<vmem>> -> memref<1600x32xf32, #tpu.memory_space<vmem>>
    tpu.wait_dma2 semaphore(%arg12 : memref<!tpu.dma_semaphore, #tpu.memory_space<semaphore_mem>>) src(%dma_wait3A_340 : memref<1600x32xf32, #tpu.memory_space<vmem>>) dst(%dma_wait3A_336 : memref<1600x32xf32, #tpu.memory_space<hbm>>)
    %dma_start3A_341 = arith.constant 1 : i32
    %dma_start3A_342 = arith.constant 1 : i32
    %dma_start3A_343 = arith.constant 0 : i32
    %dma_start3A_344 = arith.constant 0 : i32
    %dma_start3A_345 = tpu.memref_slice %arg6[%dma_start3A_342, %dma_start3A_343, %dma_start3A_344] : memref<2x1600x32xf32, #tpu.memory_space<vmem>> -> memref<1x1600x32xf32, #tpu.memory_space<vmem>>
    %dma_start3A_346 = tpu.memref_squeeze %dma_start3A_345 : memref<1x1600x32xf32, #tpu.memory_space<vmem>> -> memref<1600x32xf32, #tpu.memory_space<vmem>>
    %dma_start3A_347 = arith.constant 0 : i32
    %dma_start3A_348 = tpu.memref_slice %arg5[%dma_start3A_341, %dma_start3A_347] : memref<2x1600xi32, #tpu.memory_space<vmem>> -> memref<1x1600xi32, #tpu.memory_space<vmem>>
    %dma_start3A_349 = tpu.memref_squeeze %dma_start3A_348 : memref<1x1600xi32, #tpu.memory_space<vmem>> -> memref<1600xi32, #tpu.memory_space<vmem>>
    %dma_start3A_350 = arith.constant 0 : i32
    %dma_start3A_351 = arith.constant 0 : i32
    %dma_start3A_352 = tpu.memref_slice %arg3[%dma_start3A_350, %dma_start3A_351] : memref<1000000x32xf32, #tpu.memory_space<hbm>> -> memref<1000000x32xf32, #tpu.memory_space<hbm>>
    tpu.enqueue_indirect_dma source(%dma_start3A_352 : memref<1000000x32xf32, #tpu.memory_space<hbm>>) target(%dma_start3A_346 : memref<1600x32xf32, #tpu.memory_space<vmem>>) offsets(%dma_start3A_349 : memref<1600xi32, #tpu.memory_space<vmem>>) semaphore(%arg10 : memref<!tpu.dma_semaphore, #tpu.memory_space<semaphore_mem>>)
    %dma_wait3A_353 = arith.constant 0 : i32
    %dma_wait3A_354 = arith.constant 0 : i32
    %dma_wait3A_355 = arith.constant 0 : i32
    %dma_wait3A_356 = arith.constant 0 : i32
    %dma_wait3A_357 = tpu.memref_slice %arg6[%dma_wait3A_354, %dma_wait3A_355, %dma_wait3A_356] : memref<2x1600x32xf32, #tpu.memory_space<vmem>> -> memref<1x1600x32xf32, #tpu.memory_space<vmem>>
    %dma_wait3A_358 = tpu.memref_squeeze %dma_wait3A_357 : memref<1x1600x32xf32, #tpu.memory_space<vmem>> -> memref<1600x32xf32, #tpu.memory_space<vmem>>
    %dma_wait3A_359 = arith.constant 0 : i32
    %dma_wait3A_360 = tpu.memref_slice %arg5[%dma_wait3A_353, %dma_wait3A_359] : memref<2x1600xi32, #tpu.memory_space<vmem>> -> memref<1x1600xi32, #tpu.memory_space<vmem>>
    %dma_wait3A_361 = tpu.memref_squeeze %dma_wait3A_360 : memref<1x1600xi32, #tpu.memory_space<vmem>> -> memref<1600xi32, #tpu.memory_space<vmem>>
    %dma_wait3A_362 = arith.constant 0 : i32
    %dma_wait3A_363 = arith.constant 0 : i32
    %dma_wait3A_364 = tpu.memref_slice %arg3[%dma_wait3A_362, %dma_wait3A_363] : memref<1000000x32xf32, #tpu.memory_space<hbm>> -> memref<1000000x32xf32, #tpu.memory_space<hbm>>
    tpu.wait_indirect_dma semaphore(%arg9 : memref<!tpu.dma_semaphore, #tpu.memory_space<semaphore_mem>>) src(%dma_wait3A_364 : memref<1000000x32xf32, #tpu.memory_space<hbm>>) dst(%dma_wait3A_358 : memref<1600x32xf32, #tpu.memory_space<vmem>>)
    %add3A_365 = arith.constant 6400 : i32
    %add3A_366 = arith.addi %mul3A_2, %add3A_365 : i32
    %dma_start3A_367 = arith.constant 0 : i32
    %dma_start3A_368 = arith.constant 0 : i32
    %dma_start3A_369 = arith.constant 0 : i32
    %dma_start3A_370 = tpu.memref_slice %arg6[%dma_start3A_367, %dma_start3A_368, %dma_start3A_369] : memref<2x1600x32xf32, #tpu.memory_space<vmem>> -> memref<1x1600x32xf32, #tpu.memory_space<vmem>>
    %dma_start3A_371 = tpu.memref_squeeze %dma_start3A_370 : memref<1x1600x32xf32, #tpu.memory_space<vmem>> -> memref<1600x32xf32, #tpu.memory_space<vmem>>
    %dma_start3A_372 = arith.constant 0 : i32
    %dma_start3A_373 = tpu.memref_slice %arg4[%add3A_366, %dma_start3A_372] : memref<819200x32xf32, #tpu.memory_space<hbm>> -> memref<1600x32xf32, #tpu.memory_space<hbm>>
    %dma_start3A_374 = arith.constant 0 : i32
    %dma_start3A_375 = tpu.memref_slice %arg4[%add3A_366, %dma_start3A_374] : memref<819200x32xf32, #tpu.memory_space<hbm>> -> memref<1600x32xf32, #tpu.memory_space<hbm>>
    %dma_start3A_376 = arith.constant 0 : i32
    %dma_start3A_377 = arith.constant 0 : i32
    %dma_start3A_378 = tpu.memref_slice %arg6[%dma_start3A_367, %dma_start3A_376, %dma_start3A_377] : memref<2x1600x32xf32, #tpu.memory_space<vmem>> -> memref<1x1600x32xf32, #tpu.memory_space<vmem>>
    %dma_start3A_379 = tpu.memref_squeeze %dma_start3A_378 : memref<1x1600x32xf32, #tpu.memory_space<vmem>> -> memref<1600x32xf32, #tpu.memory_space<vmem>>
    tpu.enqueue_dma source(%dma_start3A_379 : memref<1600x32xf32, #tpu.memory_space<vmem>>) target(%dma_start3A_375 : memref<1600x32xf32, #tpu.memory_space<hbm>>) target_semaphore(%arg11 : memref<!tpu.dma_semaphore, #tpu.memory_space<semaphore_mem>>)
    %add3A_380 = arith.constant 9600 : i32
    %add3A_381 = arith.addi %mul3A_2, %add3A_380 : i32
    %dma_start3A_382 = arith.constant 0 : i32
    %dma_start3A_383 = arith.constant 0 : i32
    %dma_start3A_384 = tpu.memref_slice %arg5[%dma_start3A_382, %dma_start3A_383] : memref<2x1600xi32, #tpu.memory_space<vmem>> -> memref<1x1600xi32, #tpu.memory_space<vmem>>
    %dma_start3A_385 = tpu.memref_squeeze %dma_start3A_384 : memref<1x1600xi32, #tpu.memory_space<vmem>> -> memref<1600xi32, #tpu.memory_space<vmem>>
    %dma_start3A_386 = tpu.memref_slice %arg2[%add3A_381] : memref<819200xi32, #tpu.memory_space<hbm>> -> memref<1600xi32, #tpu.memory_space<hbm>>
    %dma_start3A_387 = arith.constant 0 : i32
    %dma_start3A_388 = tpu.memref_slice %arg5[%dma_start3A_382, %dma_start3A_387] : memref<2x1600xi32, #tpu.memory_space<vmem>> -> memref<1x1600xi32, #tpu.memory_space<vmem>>
    %dma_start3A_389 = tpu.memref_squeeze %dma_start3A_388 : memref<1x1600xi32, #tpu.memory_space<vmem>> -> memref<1600xi32, #tpu.memory_space<vmem>>
    %dma_start3A_390 = tpu.memref_slice %arg2[%add3A_381] : memref<819200xi32, #tpu.memory_space<hbm>> -> memref<1600xi32, #tpu.memory_space<hbm>>
    tpu.enqueue_dma source(%dma_start3A_390 : memref<1600xi32, #tpu.memory_space<hbm>>) target(%dma_start3A_389 : memref<1600xi32, #tpu.memory_space<vmem>>) target_semaphore(%arg7 : memref<!tpu.dma_semaphore, #tpu.memory_space<semaphore_mem>>)
    %dma_wait3A_391 = arith.constant 0 : i32
    %dma_wait3A_392 = arith.constant 0 : i32
    %dma_wait3A_393 = tpu.memref_slice %arg5[%dma_wait3A_391, %dma_wait3A_392] : memref<2x1600xi32, #tpu.memory_space<vmem>> -> memref<1x1600xi32, #tpu.memory_space<vmem>>
    %dma_wait3A_394 = tpu.memref_squeeze %dma_wait3A_393 : memref<1x1600xi32, #tpu.memory_space<vmem>> -> memref<1600xi32, #tpu.memory_space<vmem>>
    %dma_wait3A_395 = tpu.memref_slice %arg2[%add3A_381] : memref<819200xi32, #tpu.memory_space<hbm>> -> memref<1600xi32, #tpu.memory_space<hbm>>
    %dma_wait3A_396 = arith.constant 0 : i32
    %dma_wait3A_397 = tpu.memref_slice %arg5[%dma_wait3A_391, %dma_wait3A_396] : memref<2x1600xi32, #tpu.memory_space<vmem>> -> memref<1x1600xi32, #tpu.memory_space<vmem>>
    %dma_wait3A_398 = tpu.memref_squeeze %dma_wait3A_397 : memref<1x1600xi32, #tpu.memory_space<vmem>> -> memref<1600xi32, #tpu.memory_space<vmem>>
    %dma_wait3A_399 = tpu.memref_slice %arg2[%add3A_381] : memref<819200xi32, #tpu.memory_space<hbm>> -> memref<1600xi32, #tpu.memory_space<hbm>>
    tpu.wait_dma2 semaphore(%arg7 : memref<!tpu.dma_semaphore, #tpu.memory_space<semaphore_mem>>) src(%dma_wait3A_399 : memref<1600xi32, #tpu.memory_space<hbm>>) dst(%dma_wait3A_398 : memref<1600xi32, #tpu.memory_space<vmem>>)
    %dma_wait3A_400 = arith.constant 0 : i32
    %dma_wait3A_401 = arith.constant 0 : i32
    %dma_wait3A_402 = arith.constant 0 : i32
    %dma_wait3A_403 = tpu.memref_slice %arg6[%dma_wait3A_400, %dma_wait3A_401, %dma_wait3A_402] : memref<2x1600x32xf32, #tpu.memory_space<vmem>> -> memref<1x1600x32xf32, #tpu.memory_space<vmem>>
    %dma_wait3A_404 = tpu.memref_squeeze %dma_wait3A_403 : memref<1x1600x32xf32, #tpu.memory_space<vmem>> -> memref<1600x32xf32, #tpu.memory_space<vmem>>
    %dma_wait3A_405 = arith.constant 0 : i32
    %dma_wait3A_406 = tpu.memref_slice %arg4[%add3A_366, %dma_wait3A_405] : memref<819200x32xf32, #tpu.memory_space<hbm>> -> memref<1600x32xf32, #tpu.memory_space<hbm>>
    %dma_wait3A_407 = arith.constant 0 : i32
    %dma_wait3A_408 = tpu.memref_slice %arg4[%add3A_366, %dma_wait3A_407] : memref<819200x32xf32, #tpu.memory_space<hbm>> -> memref<1600x32xf32, #tpu.memory_space<hbm>>
    %dma_wait3A_409 = arith.constant 0 : i32
    %dma_wait3A_410 = arith.constant 0 : i32
    %dma_wait3A_411 = tpu.memref_slice %arg6[%dma_wait3A_400, %dma_wait3A_409, %dma_wait3A_410] : memref<2x1600x32xf32, #tpu.memory_space<vmem>> -> memref<1x1600x32xf32, #tpu.memory_space<vmem>>
    %dma_wait3A_412 = tpu.memref_squeeze %dma_wait3A_411 : memref<1x1600x32xf32, #tpu.memory_space<vmem>> -> memref<1600x32xf32, #tpu.memory_space<vmem>>
    tpu.wait_dma2 semaphore(%arg11 : memref<!tpu.dma_semaphore, #tpu.memory_space<semaphore_mem>>) src(%dma_wait3A_412 : memref<1600x32xf32, #tpu.memory_space<vmem>>) dst(%dma_wait3A_408 : memref<1600x32xf32, #tpu.memory_space<hbm>>)
    %dma_start3A_413 = arith.constant 0 : i32
    %dma_start3A_414 = arith.constant 0 : i32
    %dma_start3A_415 = arith.constant 0 : i32
    %dma_start3A_416 = arith.constant 0 : i32
    %dma_start3A_417 = tpu.memref_slice %arg6[%dma_start3A_414, %dma_start3A_415, %dma_start3A_416] : memref<2x1600x32xf32, #tpu.memory_space<vmem>> -> memref<1x1600x32xf32, #tpu.memory_space<vmem>>
    %dma_start3A_418 = tpu.memref_squeeze %dma_start3A_417 : memref<1x1600x32xf32, #tpu.memory_space<vmem>> -> memref<1600x32xf32, #tpu.memory_space<vmem>>
    %dma_start3A_419 = arith.constant 0 : i32
    %dma_start3A_420 = tpu.memref_slice %arg5[%dma_start3A_413, %dma_start3A_419] : memref<2x1600xi32, #tpu.memory_space<vmem>> -> memref<1x1600xi32, #tpu.memory_space<vmem>>
    %dma_start3A_421 = tpu.memref_squeeze %dma_start3A_420 : memref<1x1600xi32, #tpu.memory_space<vmem>> -> memref<1600xi32, #tpu.memory_space<vmem>>
    %dma_start3A_422 = arith.constant 0 : i32
    %dma_start3A_423 = arith.constant 0 : i32
    %dma_start3A_424 = tpu.memref_slice %arg3[%dma_start3A_422, %dma_start3A_423] : memref<1000000x32xf32, #tpu.memory_space<hbm>> -> memref<1000000x32xf32, #tpu.memory_space<hbm>>
    tpu.enqueue_indirect_dma source(%dma_start3A_424 : memref<1000000x32xf32, #tpu.memory_space<hbm>>) target(%dma_start3A_418 : memref<1600x32xf32, #tpu.memory_space<vmem>>) offsets(%dma_start3A_421 : memref<1600xi32, #tpu.memory_space<vmem>>) semaphore(%arg9 : memref<!tpu.dma_semaphore, #tpu.memory_space<semaphore_mem>>)
    %dma_wait3A_425 = arith.constant 1 : i32
    %dma_wait3A_426 = arith.constant 1 : i32
    %dma_wait3A_427 = arith.constant 0 : i32
    %dma_wait3A_428 = arith.constant 0 : i32
    %dma_wait3A_429 = tpu.memref_slice %arg6[%dma_wait3A_426, %dma_wait3A_427, %dma_wait3A_428] : memref<2x1600x32xf32, #tpu.memory_space<vmem>> -> memref<1x1600x32xf32, #tpu.memory_space<vmem>>
    %dma_wait3A_430 = tpu.memref_squeeze %dma_wait3A_429 : memref<1x1600x32xf32, #tpu.memory_space<vmem>> -> memref<1600x32xf32, #tpu.memory_space<vmem>>
    %dma_wait3A_431 = arith.constant 0 : i32
    %dma_wait3A_432 = tpu.memref_slice %arg5[%dma_wait3A_425, %dma_wait3A_431] : memref<2x1600xi32, #tpu.memory_space<vmem>> -> memref<1x1600xi32, #tpu.memory_space<vmem>>
    %dma_wait3A_433 = tpu.memref_squeeze %dma_wait3A_432 : memref<1x1600xi32, #tpu.memory_space<vmem>> -> memref<1600xi32, #tpu.memory_space<vmem>>
    %dma_wait3A_434 = arith.constant 0 : i32
    %dma_wait3A_435 = arith.constant 0 : i32
    %dma_wait3A_436 = tpu.memref_slice %arg3[%dma_wait3A_434, %dma_wait3A_435] : memref<1000000x32xf32, #tpu.memory_space<hbm>> -> memref<1000000x32xf32, #tpu.memory_space<hbm>>
    tpu.wait_indirect_dma semaphore(%arg10 : memref<!tpu.dma_semaphore, #tpu.memory_space<semaphore_mem>>) src(%dma_wait3A_436 : memref<1000000x32xf32, #tpu.memory_space<hbm>>) dst(%dma_wait3A_430 : memref<1600x32xf32, #tpu.memory_space<vmem>>)
    %add3A_437 = arith.constant 8000 : i32
    %add3A_438 = arith.addi %mul3A_2, %add3A_437 : i32
    %dma_start3A_439 = arith.constant 1 : i32
    %dma_start3A_440 = arith.constant 0 : i32
    %dma_start3A_441 = arith.constant 0 : i32
    %dma_start3A_442 = tpu.memref_slice %arg6[%dma_start3A_439, %dma_start3A_440, %dma_start3A_441] : memref<2x1600x32xf32, #tpu.memory_space<vmem>> -> memref<1x1600x32xf32, #tpu.memory_space<vmem>>
    %dma_start3A_443 = tpu.memref_squeeze %dma_start3A_442 : memref<1x1600x32xf32, #tpu.memory_space<vmem>> -> memref<1600x32xf32, #tpu.memory_space<vmem>>
    %dma_start3A_444 = arith.constant 0 : i32
    %dma_start3A_445 = tpu.memref_slice %arg4[%add3A_438, %dma_start3A_444] : memref<819200x32xf32, #tpu.memory_space<hbm>> -> memref<1600x32xf32, #tpu.memory_space<hbm>>
    %dma_start3A_446 = arith.constant 0 : i32
    %dma_start3A_447 = tpu.memref_slice %arg4[%add3A_438, %dma_start3A_446] : memref<819200x32xf32, #tpu.memory_space<hbm>> -> memref<1600x32xf32, #tpu.memory_space<hbm>>
    %dma_start3A_448 = arith.constant 0 : i32
    %dma_start3A_449 = arith.constant 0 : i32
    %dma_start3A_450 = tpu.memref_slice %arg6[%dma_start3A_439, %dma_start3A_448, %dma_start3A_449] : memref<2x1600x32xf32, #tpu.memory_space<vmem>> -> memref<1x1600x32xf32, #tpu.memory_space<vmem>>
    %dma_start3A_451 = tpu.memref_squeeze %dma_start3A_450 : memref<1x1600x32xf32, #tpu.memory_space<vmem>> -> memref<1600x32xf32, #tpu.memory_space<vmem>>
    tpu.enqueue_dma source(%dma_start3A_451 : memref<1600x32xf32, #tpu.memory_space<vmem>>) target(%dma_start3A_447 : memref<1600x32xf32, #tpu.memory_space<hbm>>) target_semaphore(%arg12 : memref<!tpu.dma_semaphore, #tpu.memory_space<semaphore_mem>>)
    %add3A_452 = arith.constant 11200 : i32
    %add3A_453 = arith.addi %mul3A_2, %add3A_452 : i32
    %dma_start3A_454 = arith.constant 1 : i32
    %dma_start3A_455 = arith.constant 0 : i32
    %dma_start3A_456 = tpu.memref_slice %arg5[%dma_start3A_454, %dma_start3A_455] : memref<2x1600xi32, #tpu.memory_space<vmem>> -> memref<1x1600xi32, #tpu.memory_space<vmem>>
    %dma_start3A_457 = tpu.memref_squeeze %dma_start3A_456 : memref<1x1600xi32, #tpu.memory_space<vmem>> -> memref<1600xi32, #tpu.memory_space<vmem>>
    %dma_start3A_458 = tpu.memref_slice %arg2[%add3A_453] : memref<819200xi32, #tpu.memory_space<hbm>> -> memref<1600xi32, #tpu.memory_space<hbm>>
    %dma_start3A_459 = arith.constant 0 : i32
    %dma_start3A_460 = tpu.memref_slice %arg5[%dma_start3A_454, %dma_start3A_459] : memref<2x1600xi32, #tpu.memory_space<vmem>> -> memref<1x1600xi32, #tpu.memory_space<vmem>>
    %dma_start3A_461 = tpu.memref_squeeze %dma_start3A_460 : memref<1x1600xi32, #tpu.memory_space<vmem>> -> memref<1600xi32, #tpu.memory_space<vmem>>
    %dma_start3A_462 = tpu.memref_slice %arg2[%add3A_453] : memref<819200xi32, #tpu.memory_space<hbm>> -> memref<1600xi32, #tpu.memory_space<hbm>>
    tpu.enqueue_dma source(%dma_start3A_462 : memref<1600xi32, #tpu.memory_space<hbm>>) target(%dma_start3A_461 : memref<1600xi32, #tpu.memory_space<vmem>>) target_semaphore(%arg8 : memref<!tpu.dma_semaphore, #tpu.memory_space<semaphore_mem>>)
    %dma_wait3A_463 = arith.constant 1 : i32
    %dma_wait3A_464 = arith.constant 0 : i32
    %dma_wait3A_465 = tpu.memref_slice %arg5[%dma_wait3A_463, %dma_wait3A_464] : memref<2x1600xi32, #tpu.memory_space<vmem>> -> memref<1x1600xi32, #tpu.memory_space<vmem>>
    %dma_wait3A_466 = tpu.memref_squeeze %dma_wait3A_465 : memref<1x1600xi32, #tpu.memory_space<vmem>> -> memref<1600xi32, #tpu.memory_space<vmem>>
    %dma_wait3A_467 = tpu.memref_slice %arg2[%add3A_453] : memref<819200xi32, #tpu.memory_space<hbm>> -> memref<1600xi32, #tpu.memory_space<hbm>>
    %dma_wait3A_468 = arith.constant 0 : i32
    %dma_wait3A_469 = tpu.memref_slice %arg5[%dma_wait3A_463, %dma_wait3A_468] : memref<2x1600xi32, #tpu.memory_space<vmem>> -> memref<1x1600xi32, #tpu.memory_space<vmem>>
    %dma_wait3A_470 = tpu.memref_squeeze %dma_wait3A_469 : memref<1x1600xi32, #tpu.memory_space<vmem>> -> memref<1600xi32, #tpu.memory_space<vmem>>
    %dma_wait3A_471 = tpu.memref_slice %arg2[%add3A_453] : memref<819200xi32, #tpu.memory_space<hbm>> -> memref<1600xi32, #tpu.memory_space<hbm>>
    tpu.wait_dma2 semaphore(%arg8 : memref<!tpu.dma_semaphore, #tpu.memory_space<semaphore_mem>>) src(%dma_wait3A_471 : memref<1600xi32, #tpu.memory_space<hbm>>) dst(%dma_wait3A_470 : memref<1600xi32, #tpu.memory_space<vmem>>)
    %dma_wait3A_472 = arith.constant 1 : i32
    %dma_wait3A_473 = arith.constant 0 : i32
    %dma_wait3A_474 = arith.constant 0 : i32
    %dma_wait3A_475 = tpu.memref_slice %arg6[%dma_wait3A_472, %dma_wait3A_473, %dma_wait3A_474] : memref<2x1600x32xf32, #tpu.memory_space<vmem>> -> memref<1x1600x32xf32, #tpu.memory_space<vmem>>
    %dma_wait3A_476 = tpu.memref_squeeze %dma_wait3A_475 : memref<1x1600x32xf32, #tpu.memory_space<vmem>> -> memref<1600x32xf32, #tpu.memory_space<vmem>>
    %dma_wait3A_477 = arith.constant 0 : i32
    %dma_wait3A_478 = tpu.memref_slice %arg4[%add3A_438, %dma_wait3A_477] : memref<819200x32xf32, #tpu.memory_space<hbm>> -> memref<1600x32xf32, #tpu.memory_space<hbm>>
    %dma_wait3A_479 = arith.constant 0 : i32
    %dma_wait3A_480 = tpu.memref_slice %arg4[%add3A_438, %dma_wait3A_479] : memref<819200x32xf32, #tpu.memory_space<hbm>> -> memref<1600x32xf32, #tpu.memory_space<hbm>>
    %dma_wait3A_481 = arith.constant 0 : i32
    %dma_wait3A_482 = arith.constant 0 : i32
    %dma_wait3A_483 = tpu.memref_slice %arg6[%dma_wait3A_472, %dma_wait3A_481, %dma_wait3A_482] : memref<2x1600x32xf32, #tpu.memory_space<vmem>> -> memref<1x1600x32xf32, #tpu.memory_space<vmem>>
    %dma_wait3A_484 = tpu.memref_squeeze %dma_wait3A_483 : memref<1x1600x32xf32, #tpu.memory_space<vmem>> -> memref<1600x32xf32, #tpu.memory_space<vmem>>
    tpu.wait_dma2 semaphore(%arg12 : memref<!tpu.dma_semaphore, #tpu.memory_space<semaphore_mem>>) src(%dma_wait3A_484 : memref<1600x32xf32, #tpu.memory_space<vmem>>) dst(%dma_wait3A_480 : memref<1600x32xf32, #tpu.memory_space<hbm>>)
    %dma_start3A_485 = arith.constant 1 : i32
    %dma_start3A_486 = arith.constant 1 : i32
    %dma_start3A_487 = arith.constant 0 : i32
    %dma_start3A_488 = arith.constant 0 : i32
    %dma_start3A_489 = tpu.memref_slice %arg6[%dma_start3A_486, %dma_start3A_487, %dma_start3A_488] : memref<2x1600x32xf32, #tpu.memory_space<vmem>> -> memref<1x1600x32xf32, #tpu.memory_space<vmem>>
    %dma_start3A_490 = tpu.memref_squeeze %dma_start3A_489 : memref<1x1600x32xf32, #tpu.memory_space<vmem>> -> memref<1600x32xf32, #tpu.memory_space<vmem>>
    %dma_start3A_491 = arith.constant 0 : i32
    %dma_start3A_492 = tpu.memref_slice %arg5[%dma_start3A_485, %dma_start3A_491] : memref<2x1600xi32, #tpu.memory_space<vmem>> -> memref<1x1600xi32, #tpu.memory_space<vmem>>
    %dma_start3A_493 = tpu.memref_squeeze %dma_start3A_492 : memref<1x1600xi32, #tpu.memory_space<vmem>> -> memref<1600xi32, #tpu.memory_space<vmem>>
    %dma_start3A_494 = arith.constant 0 : i32
    %dma_start3A_495 = arith.constant 0 : i32
    %dma_start3A_496 = tpu.memref_slice %arg3[%dma_start3A_494, %dma_start3A_495] : memref<1000000x32xf32, #tpu.memory_space<hbm>> -> memref<1000000x32xf32, #tpu.memory_space<hbm>>
    tpu.enqueue_indirect_dma source(%dma_start3A_496 : memref<1000000x32xf32, #tpu.memory_space<hbm>>) target(%dma_start3A_490 : memref<1600x32xf32, #tpu.memory_space<vmem>>) offsets(%dma_start3A_493 : memref<1600xi32, #tpu.memory_space<vmem>>) semaphore(%arg10 : memref<!tpu.dma_semaphore, #tpu.memory_space<semaphore_mem>>)
    %dma_wait3A_497 = arith.constant 0 : i32
    %dma_wait3A_498 = arith.constant 0 : i32
    %dma_wait3A_499 = arith.constant 0 : i32
    %dma_wait3A_500 = arith.constant 0 : i32
    %dma_wait3A_501 = tpu.memref_slice %arg6[%dma_wait3A_498, %dma_wait3A_499, %dma_wait3A_500] : memref<2x1600x32xf32, #tpu.memory_space<vmem>> -> memref<1x1600x32xf32, #tpu.memory_space<vmem>>
    %dma_wait3A_502 = tpu.memref_squeeze %dma_wait3A_501 : memref<1x1600x32xf32, #tpu.memory_space<vmem>> -> memref<1600x32xf32, #tpu.memory_space<vmem>>
    %dma_wait3A_503 = arith.constant 0 : i32
    %dma_wait3A_504 = tpu.memref_slice %arg5[%dma_wait3A_497, %dma_wait3A_503] : memref<2x1600xi32, #tpu.memory_space<vmem>> -> memref<1x1600xi32, #tpu.memory_space<vmem>>
    %dma_wait3A_505 = tpu.memref_squeeze %dma_wait3A_504 : memref<1x1600xi32, #tpu.memory_space<vmem>> -> memref<1600xi32, #tpu.memory_space<vmem>>
    %dma_wait3A_506 = arith.constant 0 : i32
    %dma_wait3A_507 = arith.constant 0 : i32
    %dma_wait3A_508 = tpu.memref_slice %arg3[%dma_wait3A_506, %dma_wait3A_507] : memref<1000000x32xf32, #tpu.memory_space<hbm>> -> memref<1000000x32xf32, #tpu.memory_space<hbm>>
    tpu.wait_indirect_dma semaphore(%arg9 : memref<!tpu.dma_semaphore, #tpu.memory_space<semaphore_mem>>) src(%dma_wait3A_508 : memref<1000000x32xf32, #tpu.memory_space<hbm>>) dst(%dma_wait3A_502 : memref<1600x32xf32, #tpu.memory_space<vmem>>)
    %add3A_509 = arith.constant 9600 : i32
    %add3A_510 = arith.addi %mul3A_2, %add3A_509 : i32
    %dma_start3A_511 = arith.constant 0 : i32
    %dma_start3A_512 = arith.constant 0 : i32
    %dma_start3A_513 = arith.constant 0 : i32
    %dma_start3A_514 = tpu.memref_slice %arg6[%dma_start3A_511, %dma_start3A_512, %dma_start3A_513] : memref<2x1600x32xf32, #tpu.memory_space<vmem>> -> memref<1x1600x32xf32, #tpu.memory_space<vmem>>
    %dma_start3A_515 = tpu.memref_squeeze %dma_start3A_514 : memref<1x1600x32xf32, #tpu.memory_space<vmem>> -> memref<1600x32xf32, #tpu.memory_space<vmem>>
    %dma_start3A_516 = arith.constant 0 : i32
    %dma_start3A_517 = tpu.memref_slice %arg4[%add3A_510, %dma_start3A_516] : memref<819200x32xf32, #tpu.memory_space<hbm>> -> memref<1600x32xf32, #tpu.memory_space<hbm>>
    %dma_start3A_518 = arith.constant 0 : i32
    %dma_start3A_519 = tpu.memref_slice %arg4[%add3A_510, %dma_start3A_518] : memref<819200x32xf32, #tpu.memory_space<hbm>> -> memref<1600x32xf32, #tpu.memory_space<hbm>>
    %dma_start3A_520 = arith.constant 0 : i32
    %dma_start3A_521 = arith.constant 0 : i32
    %dma_start3A_522 = tpu.memref_slice %arg6[%dma_start3A_511, %dma_start3A_520, %dma_start3A_521] : memref<2x1600x32xf32, #tpu.memory_space<vmem>> -> memref<1x1600x32xf32, #tpu.memory_space<vmem>>
    %dma_start3A_523 = tpu.memref_squeeze %dma_start3A_522 : memref<1x1600x32xf32, #tpu.memory_space<vmem>> -> memref<1600x32xf32, #tpu.memory_space<vmem>>
    tpu.enqueue_dma source(%dma_start3A_523 : memref<1600x32xf32, #tpu.memory_space<vmem>>) target(%dma_start3A_519 : memref<1600x32xf32, #tpu.memory_space<hbm>>) target_semaphore(%arg11 : memref<!tpu.dma_semaphore, #tpu.memory_space<semaphore_mem>>)
    %add3A_524 = arith.constant 12800 : i32
    %add3A_525 = arith.addi %mul3A_2, %add3A_524 : i32
    %dma_start3A_526 = arith.constant 0 : i32
    %dma_start3A_527 = arith.constant 0 : i32
    %dma_start3A_528 = tpu.memref_slice %arg5[%dma_start3A_526, %dma_start3A_527] : memref<2x1600xi32, #tpu.memory_space<vmem>> -> memref<1x1600xi32, #tpu.memory_space<vmem>>
    %dma_start3A_529 = tpu.memref_squeeze %dma_start3A_528 : memref<1x1600xi32, #tpu.memory_space<vmem>> -> memref<1600xi32, #tpu.memory_space<vmem>>
    %dma_start3A_530 = tpu.memref_slice %arg2[%add3A_525] : memref<819200xi32, #tpu.memory_space<hbm>> -> memref<1600xi32, #tpu.memory_space<hbm>>
    %dma_start3A_531 = arith.constant 0 : i32
    %dma_start3A_532 = tpu.memref_slice %arg5[%dma_start3A_526, %dma_start3A_531] : memref<2x1600xi32, #tpu.memory_space<vmem>> -> memref<1x1600xi32, #tpu.memory_space<vmem>>
    %dma_start3A_533 = tpu.memref_squeeze %dma_start3A_532 : memref<1x1600xi32, #tpu.memory_space<vmem>> -> memref<1600xi32, #tpu.memory_space<vmem>>
    %dma_start3A_534 = tpu.memref_slice %arg2[%add3A_525] : memref<819200xi32, #tpu.memory_space<hbm>> -> memref<1600xi32, #tpu.memory_space<hbm>>
    tpu.enqueue_dma source(%dma_start3A_534 : memref<1600xi32, #tpu.memory_space<hbm>>) target(%dma_start3A_533 : memref<1600xi32, #tpu.memory_space<vmem>>) target_semaphore(%arg7 : memref<!tpu.dma_semaphore, #tpu.memory_space<semaphore_mem>>)
    %dma_wait3A_535 = arith.constant 0 : i32
    %dma_wait3A_536 = arith.constant 0 : i32
    %dma_wait3A_537 = tpu.memref_slice %arg5[%dma_wait3A_535, %dma_wait3A_536] : memref<2x1600xi32, #tpu.memory_space<vmem>> -> memref<1x1600xi32, #tpu.memory_space<vmem>>
    %dma_wait3A_538 = tpu.memref_squeeze %dma_wait3A_537 : memref<1x1600xi32, #tpu.memory_space<vmem>> -> memref<1600xi32, #tpu.memory_space<vmem>>
    %dma_wait3A_539 = tpu.memref_slice %arg2[%add3A_525] : memref<819200xi32, #tpu.memory_space<hbm>> -> memref<1600xi32, #tpu.memory_space<hbm>>
    %dma_wait3A_540 = arith.constant 0 : i32
    %dma_wait3A_541 = tpu.memref_slice %arg5[%dma_wait3A_535, %dma_wait3A_540] : memref<2x1600xi32, #tpu.memory_space<vmem>> -> memref<1x1600xi32, #tpu.memory_space<vmem>>
    %dma_wait3A_542 = tpu.memref_squeeze %dma_wait3A_541 : memref<1x1600xi32, #tpu.memory_space<vmem>> -> memref<1600xi32, #tpu.memory_space<vmem>>
    %dma_wait3A_543 = tpu.memref_slice %arg2[%add3A_525] : memref<819200xi32, #tpu.memory_space<hbm>> -> memref<1600xi32, #tpu.memory_space<hbm>>
    tpu.wait_dma2 semaphore(%arg7 : memref<!tpu.dma_semaphore, #tpu.memory_space<semaphore_mem>>) src(%dma_wait3A_543 : memref<1600xi32, #tpu.memory_space<hbm>>) dst(%dma_wait3A_542 : memref<1600xi32, #tpu.memory_space<vmem>>)
    %dma_wait3A_544 = arith.constant 0 : i32
    %dma_wait3A_545 = arith.constant 0 : i32
    %dma_wait3A_546 = arith.constant 0 : i32
    %dma_wait3A_547 = tpu.memref_slice %arg6[%dma_wait3A_544, %dma_wait3A_545, %dma_wait3A_546] : memref<2x1600x32xf32, #tpu.memory_space<vmem>> -> memref<1x1600x32xf32, #tpu.memory_space<vmem>>
    %dma_wait3A_548 = tpu.memref_squeeze %dma_wait3A_547 : memref<1x1600x32xf32, #tpu.memory_space<vmem>> -> memref<1600x32xf32, #tpu.memory_space<vmem>>
    %dma_wait3A_549 = arith.constant 0 : i32
    %dma_wait3A_550 = tpu.memref_slice %arg4[%add3A_510, %dma_wait3A_549] : memref<819200x32xf32, #tpu.memory_space<hbm>> -> memref<1600x32xf32, #tpu.memory_space<hbm>>
    %dma_wait3A_551 = arith.constant 0 : i32
    %dma_wait3A_552 = tpu.memref_slice %arg4[%add3A_510, %dma_wait3A_551] : memref<819200x32xf32, #tpu.memory_space<hbm>> -> memref<1600x32xf32, #tpu.memory_space<hbm>>
    %dma_wait3A_553 = arith.constant 0 : i32
    %dma_wait3A_554 = arith.constant 0 : i32
    %dma_wait3A_555 = tpu.memref_slice %arg6[%dma_wait3A_544, %dma_wait3A_553, %dma_wait3A_554] : memref<2x1600x32xf32, #tpu.memory_space<vmem>> -> memref<1x1600x32xf32, #tpu.memory_space<vmem>>
    %dma_wait3A_556 = tpu.memref_squeeze %dma_wait3A_555 : memref<1x1600x32xf32, #tpu.memory_space<vmem>> -> memref<1600x32xf32, #tpu.memory_space<vmem>>
    tpu.wait_dma2 semaphore(%arg11 : memref<!tpu.dma_semaphore, #tpu.memory_space<semaphore_mem>>) src(%dma_wait3A_556 : memref<1600x32xf32, #tpu.memory_space<vmem>>) dst(%dma_wait3A_552 : memref<1600x32xf32, #tpu.memory_space<hbm>>)
    %dma_start3A_557 = arith.constant 0 : i32
    %dma_start3A_558 = arith.constant 0 : i32
    %dma_start3A_559 = arith.constant 0 : i32
    %dma_start3A_560 = arith.constant 0 : i32
    %dma_start3A_561 = tpu.memref_slice %arg6[%dma_start3A_558, %dma_start3A_559, %dma_start3A_560] : memref<2x1600x32xf32, #tpu.memory_space<vmem>> -> memref<1x1600x32xf32, #tpu.memory_space<vmem>>
    %dma_start3A_562 = tpu.memref_squeeze %dma_start3A_561 : memref<1x1600x32xf32, #tpu.memory_space<vmem>> -> memref<1600x32xf32, #tpu.memory_space<vmem>>
    %dma_start3A_563 = arith.constant 0 : i32
    %dma_start3A_564 = tpu.memref_slice %arg5[%dma_start3A_557, %dma_start3A_563] : memref<2x1600xi32, #tpu.memory_space<vmem>> -> memref<1x1600xi32, #tpu.memory_space<vmem>>
    %dma_start3A_565 = tpu.memref_squeeze %dma_start3A_564 : memref<1x1600xi32, #tpu.memory_space<vmem>> -> memref<1600xi32, #tpu.memory_space<vmem>>
    %dma_start3A_566 = arith.constant 0 : i32
    %dma_start3A_567 = arith.constant 0 : i32
    %dma_start3A_568 = tpu.memref_slice %arg3[%dma_start3A_566, %dma_start3A_567] : memref<1000000x32xf32, #tpu.memory_space<hbm>> -> memref<1000000x32xf32, #tpu.memory_space<hbm>>
    tpu.enqueue_indirect_dma source(%dma_start3A_568 : memref<1000000x32xf32, #tpu.memory_space<hbm>>) target(%dma_start3A_562 : memref<1600x32xf32, #tpu.memory_space<vmem>>) offsets(%dma_start3A_565 : memref<1600xi32, #tpu.memory_space<vmem>>) semaphore(%arg9 : memref<!tpu.dma_semaphore, #tpu.memory_space<semaphore_mem>>)
    %dma_wait3A_569 = arith.constant 1 : i32
    %dma_wait3A_570 = arith.constant 1 : i32
    %dma_wait3A_571 = arith.constant 0 : i32
    %dma_wait3A_572 = arith.constant 0 : i32
    %dma_wait3A_573 = tpu.memref_slice %arg6[%dma_wait3A_570, %dma_wait3A_571, %dma_wait3A_572] : memref<2x1600x32xf32, #tpu.memory_space<vmem>> -> memref<1x1600x32xf32, #tpu.memory_space<vmem>>
    %dma_wait3A_574 = tpu.memref_squeeze %dma_wait3A_573 : memref<1x1600x32xf32, #tpu.memory_space<vmem>> -> memref<1600x32xf32, #tpu.memory_space<vmem>>
    %dma_wait3A_575 = arith.constant 0 : i32
    %dma_wait3A_576 = tpu.memref_slice %arg5[%dma_wait3A_569, %dma_wait3A_575] : memref<2x1600xi32, #tpu.memory_space<vmem>> -> memref<1x1600xi32, #tpu.memory_space<vmem>>
    %dma_wait3A_577 = tpu.memref_squeeze %dma_wait3A_576 : memref<1x1600xi32, #tpu.memory_space<vmem>> -> memref<1600xi32, #tpu.memory_space<vmem>>
    %dma_wait3A_578 = arith.constant 0 : i32
    %dma_wait3A_579 = arith.constant 0 : i32
    %dma_wait3A_580 = tpu.memref_slice %arg3[%dma_wait3A_578, %dma_wait3A_579] : memref<1000000x32xf32, #tpu.memory_space<hbm>> -> memref<1000000x32xf32, #tpu.memory_space<hbm>>
    tpu.wait_indirect_dma semaphore(%arg10 : memref<!tpu.dma_semaphore, #tpu.memory_space<semaphore_mem>>) src(%dma_wait3A_580 : memref<1000000x32xf32, #tpu.memory_space<hbm>>) dst(%dma_wait3A_574 : memref<1600x32xf32, #tpu.memory_space<vmem>>)
    %add3A_581 = arith.constant 11200 : i32
    %add3A_582 = arith.addi %mul3A_2, %add3A_581 : i32
    %dma_start3A_583 = arith.constant 1 : i32
    %dma_start3A_584 = arith.constant 0 : i32
    %dma_start3A_585 = arith.constant 0 : i32
    %dma_start3A_586 = tpu.memref_slice %arg6[%dma_start3A_583, %dma_start3A_584, %dma_start3A_585] : memref<2x1600x32xf32, #tpu.memory_space<vmem>> -> memref<1x1600x32xf32, #tpu.memory_space<vmem>>
    %dma_start3A_587 = tpu.memref_squeeze %dma_start3A_586 : memref<1x1600x32xf32, #tpu.memory_space<vmem>> -> memref<1600x32xf32, #tpu.memory_space<vmem>>
    %dma_start3A_588 = arith.constant 0 : i32
    %dma_start3A_589 = tpu.memref_slice %arg4[%add3A_582, %dma_start3A_588] : memref<819200x32xf32, #tpu.memory_space<hbm>> -> memref<1600x32xf32, #tpu.memory_space<hbm>>
    %dma_start3A_590 = arith.constant 0 : i32
    %dma_start3A_591 = tpu.memref_slice %arg4[%add3A_582, %dma_start3A_590] : memref<819200x32xf32, #tpu.memory_space<hbm>> -> memref<1600x32xf32, #tpu.memory_space<hbm>>
    %dma_start3A_592 = arith.constant 0 : i32
    %dma_start3A_593 = arith.constant 0 : i32
    %dma_start3A_594 = tpu.memref_slice %arg6[%dma_start3A_583, %dma_start3A_592, %dma_start3A_593] : memref<2x1600x32xf32, #tpu.memory_space<vmem>> -> memref<1x1600x32xf32, #tpu.memory_space<vmem>>
    %dma_start3A_595 = tpu.memref_squeeze %dma_start3A_594 : memref<1x1600x32xf32, #tpu.memory_space<vmem>> -> memref<1600x32xf32, #tpu.memory_space<vmem>>
    tpu.enqueue_dma source(%dma_start3A_595 : memref<1600x32xf32, #tpu.memory_space<vmem>>) target(%dma_start3A_591 : memref<1600x32xf32, #tpu.memory_space<hbm>>) target_semaphore(%arg12 : memref<!tpu.dma_semaphore, #tpu.memory_space<semaphore_mem>>)
    %add3A_596 = arith.constant 14400 : i32
    %add3A_597 = arith.addi %mul3A_2, %add3A_596 : i32
    %dma_start3A_598 = arith.constant 1 : i32
    %dma_start3A_599 = arith.constant 0 : i32
    %dma_start3A_600 = tpu.memref_slice %arg5[%dma_start3A_598, %dma_start3A_599] : memref<2x1600xi32, #tpu.memory_space<vmem>> -> memref<1x1600xi32, #tpu.memory_space<vmem>>
    %dma_start3A_601 = tpu.memref_squeeze %dma_start3A_600 : memref<1x1600xi32, #tpu.memory_space<vmem>> -> memref<1600xi32, #tpu.memory_space<vmem>>
    %dma_start3A_602 = tpu.memref_slice %arg2[%add3A_597] : memref<819200xi32, #tpu.memory_space<hbm>> -> memref<1600xi32, #tpu.memory_space<hbm>>
    %dma_start3A_603 = arith.constant 0 : i32
    %dma_start3A_604 = tpu.memref_slice %arg5[%dma_start3A_598, %dma_start3A_603] : memref<2x1600xi32, #tpu.memory_space<vmem>> -> memref<1x1600xi32, #tpu.memory_space<vmem>>
    %dma_start3A_605 = tpu.memref_squeeze %dma_start3A_604 : memref<1x1600xi32, #tpu.memory_space<vmem>> -> memref<1600xi32, #tpu.memory_space<vmem>>
    %dma_start3A_606 = tpu.memref_slice %arg2[%add3A_597] : memref<819200xi32, #tpu.memory_space<hbm>> -> memref<1600xi32, #tpu.memory_space<hbm>>
    tpu.enqueue_dma source(%dma_start3A_606 : memref<1600xi32, #tpu.memory_space<hbm>>) target(%dma_start3A_605 : memref<1600xi32, #tpu.memory_space<vmem>>) target_semaphore(%arg8 : memref<!tpu.dma_semaphore, #tpu.memory_space<semaphore_mem>>)
    %dma_wait3A_607 = arith.constant 1 : i32
    %dma_wait3A_608 = arith.constant 0 : i32
    %dma_wait3A_609 = tpu.memref_slice %arg5[%dma_wait3A_607, %dma_wait3A_608] : memref<2x1600xi32, #tpu.memory_space<vmem>> -> memref<1x1600xi32, #tpu.memory_space<vmem>>
    %dma_wait3A_610 = tpu.memref_squeeze %dma_wait3A_609 : memref<1x1600xi32, #tpu.memory_space<vmem>> -> memref<1600xi32, #tpu.memory_space<vmem>>
    %dma_wait3A_611 = tpu.memref_slice %arg2[%add3A_597] : memref<819200xi32, #tpu.memory_space<hbm>> -> memref<1600xi32, #tpu.memory_space<hbm>>
    %dma_wait3A_612 = arith.constant 0 : i32
    %dma_wait3A_613 = tpu.memref_slice %arg5[%dma_wait3A_607, %dma_wait3A_612] : memref<2x1600xi32, #tpu.memory_space<vmem>> -> memref<1x1600xi32, #tpu.memory_space<vmem>>
    %dma_wait3A_614 = tpu.memref_squeeze %dma_wait3A_613 : memref<1x1600xi32, #tpu.memory_space<vmem>> -> memref<1600xi32, #tpu.memory_space<vmem>>
    %dma_wait3A_615 = tpu.memref_slice %arg2[%add3A_597] : memref<819200xi32, #tpu.memory_space<hbm>> -> memref<1600xi32, #tpu.memory_space<hbm>>
    tpu.wait_dma2 semaphore(%arg8 : memref<!tpu.dma_semaphore, #tpu.memory_space<semaphore_mem>>) src(%dma_wait3A_615 : memref<1600xi32, #tpu.memory_space<hbm>>) dst(%dma_wait3A_614 : memref<1600xi32, #tpu.memory_space<vmem>>)
    %dma_wait3A_616 = arith.constant 1 : i32
    %dma_wait3A_617 = arith.constant 0 : i32
    %dma_wait3A_618 = arith.constant 0 : i32
    %dma_wait3A_619 = tpu.memref_slice %arg6[%dma_wait3A_616, %dma_wait3A_617, %dma_wait3A_618] : memref<2x1600x32xf32, #tpu.memory_space<vmem>> -> memref<1x1600x32xf32, #tpu.memory_space<vmem>>
    %dma_wait3A_620 = tpu.memref_squeeze %dma_wait3A_619 : memref<1x1600x32xf32, #tpu.memory_space<vmem>> -> memref<1600x32xf32, #tpu.memory_space<vmem>>
    %dma_wait3A_621 = arith.constant 0 : i32
    %dma_wait3A_622 = tpu.memref_slice %arg4[%add3A_582, %dma_wait3A_621] : memref<819200x32xf32, #tpu.memory_space<hbm>> -> memref<1600x32xf32, #tpu.memory_space<hbm>>
    %dma_wait3A_623 = arith.constant 0 : i32
    %dma_wait3A_624 = tpu.memref_slice %arg4[%add3A_582, %dma_wait3A_623] : memref<819200x32xf32, #tpu.memory_space<hbm>> -> memref<1600x32xf32, #tpu.memory_space<hbm>>
    %dma_wait3A_625 = arith.constant 0 : i32
    %dma_wait3A_626 = arith.constant 0 : i32
    %dma_wait3A_627 = tpu.memref_slice %arg6[%dma_wait3A_616, %dma_wait3A_625, %dma_wait3A_626] : memref<2x1600x32xf32, #tpu.memory_space<vmem>> -> memref<1x1600x32xf32, #tpu.memory_space<vmem>>
    %dma_wait3A_628 = tpu.memref_squeeze %dma_wait3A_627 : memref<1x1600x32xf32, #tpu.memory_space<vmem>> -> memref<1600x32xf32, #tpu.memory_space<vmem>>
    tpu.wait_dma2 semaphore(%arg12 : memref<!tpu.dma_semaphore, #tpu.memory_space<semaphore_mem>>) src(%dma_wait3A_628 : memref<1600x32xf32, #tpu.memory_space<vmem>>) dst(%dma_wait3A_624 : memref<1600x32xf32, #tpu.memory_space<hbm>>)
    %dma_start3A_629 = arith.constant 1 : i32
    %dma_start3A_630 = arith.constant 1 : i32
    %dma_start3A_631 = arith.constant 0 : i32
    %dma_start3A_632 = arith.constant 0 : i32
    %dma_start3A_633 = tpu.memref_slice %arg6[%dma_start3A_630, %dma_start3A_631, %dma_start3A_632] : memref<2x1600x32xf32, #tpu.memory_space<vmem>> -> memref<1x1600x32xf32, #tpu.memory_space<vmem>>
    %dma_start3A_634 = tpu.memref_squeeze %dma_start3A_633 : memref<1x1600x32xf32, #tpu.memory_space<vmem>> -> memref<1600x32xf32, #tpu.memory_space<vmem>>
    %dma_start3A_635 = arith.constant 0 : i32
    %dma_start3A_636 = tpu.memref_slice %arg5[%dma_start3A_629, %dma_start3A_635] : memref<2x1600xi32, #tpu.memory_space<vmem>> -> memref<1x1600xi32, #tpu.memory_space<vmem>>
    %dma_start3A_637 = tpu.memref_squeeze %dma_start3A_636 : memref<1x1600xi32, #tpu.memory_space<vmem>> -> memref<1600xi32, #tpu.memory_space<vmem>>
    %dma_start3A_638 = arith.constant 0 : i32
    %dma_start3A_639 = arith.constant 0 : i32
    %dma_start3A_640 = tpu.memref_slice %arg3[%dma_start3A_638, %dma_start3A_639] : memref<1000000x32xf32, #tpu.memory_space<hbm>> -> memref<1000000x32xf32, #tpu.memory_space<hbm>>
    tpu.enqueue_indirect_dma source(%dma_start3A_640 : memref<1000000x32xf32, #tpu.memory_space<hbm>>) target(%dma_start3A_634 : memref<1600x32xf32, #tpu.memory_space<vmem>>) offsets(%dma_start3A_637 : memref<1600xi32, #tpu.memory_space<vmem>>) semaphore(%arg10 : memref<!tpu.dma_semaphore, #tpu.memory_space<semaphore_mem>>)
    %dma_wait3A_641 = arith.constant 0 : i32
    %dma_wait3A_642 = arith.constant 0 : i32
    %dma_wait3A_643 = arith.constant 0 : i32
    %dma_wait3A_644 = arith.constant 0 : i32
    %dma_wait3A_645 = tpu.memref_slice %arg6[%dma_wait3A_642, %dma_wait3A_643, %dma_wait3A_644] : memref<2x1600x32xf32, #tpu.memory_space<vmem>> -> memref<1x1600x32xf32, #tpu.memory_space<vmem>>
    %dma_wait3A_646 = tpu.memref_squeeze %dma_wait3A_645 : memref<1x1600x32xf32, #tpu.memory_space<vmem>> -> memref<1600x32xf32, #tpu.memory_space<vmem>>
    %dma_wait3A_647 = arith.constant 0 : i32
    %dma_wait3A_648 = tpu.memref_slice %arg5[%dma_wait3A_641, %dma_wait3A_647] : memref<2x1600xi32, #tpu.memory_space<vmem>> -> memref<1x1600xi32, #tpu.memory_space<vmem>>
    %dma_wait3A_649 = tpu.memref_squeeze %dma_wait3A_648 : memref<1x1600xi32, #tpu.memory_space<vmem>> -> memref<1600xi32, #tpu.memory_space<vmem>>
    %dma_wait3A_650 = arith.constant 0 : i32
    %dma_wait3A_651 = arith.constant 0 : i32
    %dma_wait3A_652 = tpu.memref_slice %arg3[%dma_wait3A_650, %dma_wait3A_651] : memref<1000000x32xf32, #tpu.memory_space<hbm>> -> memref<1000000x32xf32, #tpu.memory_space<hbm>>
    tpu.wait_indirect_dma semaphore(%arg9 : memref<!tpu.dma_semaphore, #tpu.memory_space<semaphore_mem>>) src(%dma_wait3A_652 : memref<1000000x32xf32, #tpu.memory_space<hbm>>) dst(%dma_wait3A_646 : memref<1600x32xf32, #tpu.memory_space<vmem>>)
    %add3A_653 = arith.constant 12800 : i32
    %add3A_654 = arith.addi %mul3A_2, %add3A_653 : i32
    %dma_start3A_655 = arith.constant 0 : i32
    %dma_start3A_656 = arith.constant 0 : i32
    %dma_start3A_657 = arith.constant 0 : i32
    %dma_start3A_658 = tpu.memref_slice %arg6[%dma_start3A_655, %dma_start3A_656, %dma_start3A_657] : memref<2x1600x32xf32, #tpu.memory_space<vmem>> -> memref<1x1600x32xf32, #tpu.memory_space<vmem>>
    %dma_start3A_659 = tpu.memref_squeeze %dma_start3A_658 : memref<1x1600x32xf32, #tpu.memory_space<vmem>> -> memref<1600x32xf32, #tpu.memory_space<vmem>>
    %dma_start3A_660 = arith.constant 0 : i32
    %dma_start3A_661 = tpu.memref_slice %arg4[%add3A_654, %dma_start3A_660] : memref<819200x32xf32, #tpu.memory_space<hbm>> -> memref<1600x32xf32, #tpu.memory_space<hbm>>
    %dma_start3A_662 = arith.constant 0 : i32
    %dma_start3A_663 = tpu.memref_slice %arg4[%add3A_654, %dma_start3A_662] : memref<819200x32xf32, #tpu.memory_space<hbm>> -> memref<1600x32xf32, #tpu.memory_space<hbm>>
    %dma_start3A_664 = arith.constant 0 : i32
    %dma_start3A_665 = arith.constant 0 : i32
    %dma_start3A_666 = tpu.memref_slice %arg6[%dma_start3A_655, %dma_start3A_664, %dma_start3A_665] : memref<2x1600x32xf32, #tpu.memory_space<vmem>> -> memref<1x1600x32xf32, #tpu.memory_space<vmem>>
    %dma_start3A_667 = tpu.memref_squeeze %dma_start3A_666 : memref<1x1600x32xf32, #tpu.memory_space<vmem>> -> memref<1600x32xf32, #tpu.memory_space<vmem>>
    tpu.enqueue_dma source(%dma_start3A_667 : memref<1600x32xf32, #tpu.memory_space<vmem>>) target(%dma_start3A_663 : memref<1600x32xf32, #tpu.memory_space<hbm>>) target_semaphore(%arg11 : memref<!tpu.dma_semaphore, #tpu.memory_space<semaphore_mem>>)
    %add3A_668 = arith.constant 16000 : i32
    %add3A_669 = arith.addi %mul3A_2, %add3A_668 : i32
    %dma_start3A_670 = arith.constant 0 : i32
    %dma_start3A_671 = arith.constant 0 : i32
    %dma_start3A_672 = tpu.memref_slice %arg5[%dma_start3A_670, %dma_start3A_671] : memref<2x1600xi32, #tpu.memory_space<vmem>> -> memref<1x1600xi32, #tpu.memory_space<vmem>>
    %dma_start3A_673 = tpu.memref_squeeze %dma_start3A_672 : memref<1x1600xi32, #tpu.memory_space<vmem>> -> memref<1600xi32, #tpu.memory_space<vmem>>
    %dma_start3A_674 = tpu.memref_slice %arg2[%add3A_669] : memref<819200xi32, #tpu.memory_space<hbm>> -> memref<1600xi32, #tpu.memory_space<hbm>>
    %dma_start3A_675 = arith.constant 0 : i32
    %dma_start3A_676 = tpu.memref_slice %arg5[%dma_start3A_670, %dma_start3A_675] : memref<2x1600xi32, #tpu.memory_space<vmem>> -> memref<1x1600xi32, #tpu.memory_space<vmem>>
    %dma_start3A_677 = tpu.memref_squeeze %dma_start3A_676 : memref<1x1600xi32, #tpu.memory_space<vmem>> -> memref<1600xi32, #tpu.memory_space<vmem>>
    %dma_start3A_678 = tpu.memref_slice %arg2[%add3A_669] : memref<819200xi32, #tpu.memory_space<hbm>> -> memref<1600xi32, #tpu.memory_space<hbm>>
    tpu.enqueue_dma source(%dma_start3A_678 : memref<1600xi32, #tpu.memory_space<hbm>>) target(%dma_start3A_677 : memref<1600xi32, #tpu.memory_space<vmem>>) target_semaphore(%arg7 : memref<!tpu.dma_semaphore, #tpu.memory_space<semaphore_mem>>)
    %dma_wait3A_679 = arith.constant 0 : i32
    %dma_wait3A_680 = arith.constant 0 : i32
    %dma_wait3A_681 = tpu.memref_slice %arg5[%dma_wait3A_679, %dma_wait3A_680] : memref<2x1600xi32, #tpu.memory_space<vmem>> -> memref<1x1600xi32, #tpu.memory_space<vmem>>
    %dma_wait3A_682 = tpu.memref_squeeze %dma_wait3A_681 : memref<1x1600xi32, #tpu.memory_space<vmem>> -> memref<1600xi32, #tpu.memory_space<vmem>>
    %dma_wait3A_683 = tpu.memref_slice %arg2[%add3A_669] : memref<819200xi32, #tpu.memory_space<hbm>> -> memref<1600xi32, #tpu.memory_space<hbm>>
    %dma_wait3A_684 = arith.constant 0 : i32
    %dma_wait3A_685 = tpu.memref_slice %arg5[%dma_wait3A_679, %dma_wait3A_684] : memref<2x1600xi32, #tpu.memory_space<vmem>> -> memref<1x1600xi32, #tpu.memory_space<vmem>>
    %dma_wait3A_686 = tpu.memref_squeeze %dma_wait3A_685 : memref<1x1600xi32, #tpu.memory_space<vmem>> -> memref<1600xi32, #tpu.memory_space<vmem>>
    %dma_wait3A_687 = tpu.memref_slice %arg2[%add3A_669] : memref<819200xi32, #tpu.memory_space<hbm>> -> memref<1600xi32, #tpu.memory_space<hbm>>
    tpu.wait_dma2 semaphore(%arg7 : memref<!tpu.dma_semaphore, #tpu.memory_space<semaphore_mem>>) src(%dma_wait3A_687 : memref<1600xi32, #tpu.memory_space<hbm>>) dst(%dma_wait3A_686 : memref<1600xi32, #tpu.memory_space<vmem>>)
    %dma_wait3A_688 = arith.constant 0 : i32
    %dma_wait3A_689 = arith.constant 0 : i32
    %dma_wait3A_690 = arith.constant 0 : i32
    %dma_wait3A_691 = tpu.memref_slice %arg6[%dma_wait3A_688, %dma_wait3A_689, %dma_wait3A_690] : memref<2x1600x32xf32, #tpu.memory_space<vmem>> -> memref<1x1600x32xf32, #tpu.memory_space<vmem>>
    %dma_wait3A_692 = tpu.memref_squeeze %dma_wait3A_691 : memref<1x1600x32xf32, #tpu.memory_space<vmem>> -> memref<1600x32xf32, #tpu.memory_space<vmem>>
    %dma_wait3A_693 = arith.constant 0 : i32
    %dma_wait3A_694 = tpu.memref_slice %arg4[%add3A_654, %dma_wait3A_693] : memref<819200x32xf32, #tpu.memory_space<hbm>> -> memref<1600x32xf32, #tpu.memory_space<hbm>>
    %dma_wait3A_695 = arith.constant 0 : i32
    %dma_wait3A_696 = tpu.memref_slice %arg4[%add3A_654, %dma_wait3A_695] : memref<819200x32xf32, #tpu.memory_space<hbm>> -> memref<1600x32xf32, #tpu.memory_space<hbm>>
    %dma_wait3A_697 = arith.constant 0 : i32
    %dma_wait3A_698 = arith.constant 0 : i32
    %dma_wait3A_699 = tpu.memref_slice %arg6[%dma_wait3A_688, %dma_wait3A_697, %dma_wait3A_698] : memref<2x1600x32xf32, #tpu.memory_space<vmem>> -> memref<1x1600x32xf32, #tpu.memory_space<vmem>>
    %dma_wait3A_700 = tpu.memref_squeeze %dma_wait3A_699 : memref<1x1600x32xf32, #tpu.memory_space<vmem>> -> memref<1600x32xf32, #tpu.memory_space<vmem>>
    tpu.wait_dma2 semaphore(%arg11 : memref<!tpu.dma_semaphore, #tpu.memory_space<semaphore_mem>>) src(%dma_wait3A_700 : memref<1600x32xf32, #tpu.memory_space<vmem>>) dst(%dma_wait3A_696 : memref<1600x32xf32, #tpu.memory_space<hbm>>)
    %dma_start3A_701 = arith.constant 0 : i32
    %dma_start3A_702 = arith.constant 0 : i32
    %dma_start3A_703 = arith.constant 0 : i32
    %dma_start3A_704 = arith.constant 0 : i32
    %dma_start3A_705 = tpu.memref_slice %arg6[%dma_start3A_702, %dma_start3A_703, %dma_start3A_704] : memref<2x1600x32xf32, #tpu.memory_space<vmem>> -> memref<1x1600x32xf32, #tpu.memory_space<vmem>>
    %dma_start3A_706 = tpu.memref_squeeze %dma_start3A_705 : memref<1x1600x32xf32, #tpu.memory_space<vmem>> -> memref<1600x32xf32, #tpu.memory_space<vmem>>
    %dma_start3A_707 = arith.constant 0 : i32
    %dma_start3A_708 = tpu.memref_slice %arg5[%dma_start3A_701, %dma_start3A_707] : memref<2x1600xi32, #tpu.memory_space<vmem>> -> memref<1x1600xi32, #tpu.memory_space<vmem>>
    %dma_start3A_709 = tpu.memref_squeeze %dma_start3A_708 : memref<1x1600xi32, #tpu.memory_space<vmem>> -> memref<1600xi32, #tpu.memory_space<vmem>>
    %dma_start3A_710 = arith.constant 0 : i32
    %dma_start3A_711 = arith.constant 0 : i32
    %dma_start3A_712 = tpu.memref_slice %arg3[%dma_start3A_710, %dma_start3A_711] : memref<1000000x32xf32, #tpu.memory_space<hbm>> -> memref<1000000x32xf32, #tpu.memory_space<hbm>>
    tpu.enqueue_indirect_dma source(%dma_start3A_712 : memref<1000000x32xf32, #tpu.memory_space<hbm>>) target(%dma_start3A_706 : memref<1600x32xf32, #tpu.memory_space<vmem>>) offsets(%dma_start3A_709 : memref<1600xi32, #tpu.memory_space<vmem>>) semaphore(%arg9 : memref<!tpu.dma_semaphore, #tpu.memory_space<semaphore_mem>>)
    %dma_wait3A_713 = arith.constant 1 : i32
    %dma_wait3A_714 = arith.constant 1 : i32
    %dma_wait3A_715 = arith.constant 0 : i32
    %dma_wait3A_716 = arith.constant 0 : i32
    %dma_wait3A_717 = tpu.memref_slice %arg6[%dma_wait3A_714, %dma_wait3A_715, %dma_wait3A_716] : memref<2x1600x32xf32, #tpu.memory_space<vmem>> -> memref<1x1600x32xf32, #tpu.memory_space<vmem>>
    %dma_wait3A_718 = tpu.memref_squeeze %dma_wait3A_717 : memref<1x1600x32xf32, #tpu.memory_space<vmem>> -> memref<1600x32xf32, #tpu.memory_space<vmem>>
    %dma_wait3A_719 = arith.constant 0 : i32
    %dma_wait3A_720 = tpu.memref_slice %arg5[%dma_wait3A_713, %dma_wait3A_719] : memref<2x1600xi32, #tpu.memory_space<vmem>> -> memref<1x1600xi32, #tpu.memory_space<vmem>>
    %dma_wait3A_721 = tpu.memref_squeeze %dma_wait3A_720 : memref<1x1600xi32, #tpu.memory_space<vmem>> -> memref<1600xi32, #tpu.memory_space<vmem>>
    %dma_wait3A_722 = arith.constant 0 : i32
    %dma_wait3A_723 = arith.constant 0 : i32
    %dma_wait3A_724 = tpu.memref_slice %arg3[%dma_wait3A_722, %dma_wait3A_723] : memref<1000000x32xf32, #tpu.memory_space<hbm>> -> memref<1000000x32xf32, #tpu.memory_space<hbm>>
    tpu.wait_indirect_dma semaphore(%arg10 : memref<!tpu.dma_semaphore, #tpu.memory_space<semaphore_mem>>) src(%dma_wait3A_724 : memref<1000000x32xf32, #tpu.memory_space<hbm>>) dst(%dma_wait3A_718 : memref<1600x32xf32, #tpu.memory_space<vmem>>)
    %add3A_725 = arith.constant 14400 : i32
    %add3A_726 = arith.addi %mul3A_2, %add3A_725 : i32
    %dma_start3A_727 = arith.constant 1 : i32
    %dma_start3A_728 = arith.constant 0 : i32
    %dma_start3A_729 = arith.constant 0 : i32
    %dma_start3A_730 = tpu.memref_slice %arg6[%dma_start3A_727, %dma_start3A_728, %dma_start3A_729] : memref<2x1600x32xf32, #tpu.memory_space<vmem>> -> memref<1x1600x32xf32, #tpu.memory_space<vmem>>
    %dma_start3A_731 = tpu.memref_squeeze %dma_start3A_730 : memref<1x1600x32xf32, #tpu.memory_space<vmem>> -> memref<1600x32xf32, #tpu.memory_space<vmem>>
    %dma_start3A_732 = arith.constant 0 : i32
    %dma_start3A_733 = tpu.memref_slice %arg4[%add3A_726, %dma_start3A_732] : memref<819200x32xf32, #tpu.memory_space<hbm>> -> memref<1600x32xf32, #tpu.memory_space<hbm>>
    %dma_start3A_734 = arith.constant 0 : i32
    %dma_start3A_735 = tpu.memref_slice %arg4[%add3A_726, %dma_start3A_734] : memref<819200x32xf32, #tpu.memory_space<hbm>> -> memref<1600x32xf32, #tpu.memory_space<hbm>>
    %dma_start3A_736 = arith.constant 0 : i32
    %dma_start3A_737 = arith.constant 0 : i32
    %dma_start3A_738 = tpu.memref_slice %arg6[%dma_start3A_727, %dma_start3A_736, %dma_start3A_737] : memref<2x1600x32xf32, #tpu.memory_space<vmem>> -> memref<1x1600x32xf32, #tpu.memory_space<vmem>>
    %dma_start3A_739 = tpu.memref_squeeze %dma_start3A_738 : memref<1x1600x32xf32, #tpu.memory_space<vmem>> -> memref<1600x32xf32, #tpu.memory_space<vmem>>
    tpu.enqueue_dma source(%dma_start3A_739 : memref<1600x32xf32, #tpu.memory_space<vmem>>) target(%dma_start3A_735 : memref<1600x32xf32, #tpu.memory_space<hbm>>) target_semaphore(%arg12 : memref<!tpu.dma_semaphore, #tpu.memory_space<semaphore_mem>>)
    %add3A_740 = arith.constant 17600 : i32
    %add3A_741 = arith.addi %mul3A_2, %add3A_740 : i32
    %dma_start3A_742 = arith.constant 1 : i32
    %dma_start3A_743 = arith.constant 0 : i32
    %dma_start3A_744 = tpu.memref_slice %arg5[%dma_start3A_742, %dma_start3A_743] : memref<2x1600xi32, #tpu.memory_space<vmem>> -> memref<1x1600xi32, #tpu.memory_space<vmem>>
    %dma_start3A_745 = tpu.memref_squeeze %dma_start3A_744 : memref<1x1600xi32, #tpu.memory_space<vmem>> -> memref<1600xi32, #tpu.memory_space<vmem>>
    %dma_start3A_746 = tpu.memref_slice %arg2[%add3A_741] : memref<819200xi32, #tpu.memory_space<hbm>> -> memref<1600xi32, #tpu.memory_space<hbm>>
    %dma_start3A_747 = arith.constant 0 : i32
    %dma_start3A_748 = tpu.memref_slice %arg5[%dma_start3A_742, %dma_start3A_747] : memref<2x1600xi32, #tpu.memory_space<vmem>> -> memref<1x1600xi32, #tpu.memory_space<vmem>>
    %dma_start3A_749 = tpu.memref_squeeze %dma_start3A_748 : memref<1x1600xi32, #tpu.memory_space<vmem>> -> memref<1600xi32, #tpu.memory_space<vmem>>
    %dma_start3A_750 = tpu.memref_slice %arg2[%add3A_741] : memref<819200xi32, #tpu.memory_space<hbm>> -> memref<1600xi32, #tpu.memory_space<hbm>>
    tpu.enqueue_dma source(%dma_start3A_750 : memref<1600xi32, #tpu.memory_space<hbm>>) target(%dma_start3A_749 : memref<1600xi32, #tpu.memory_space<vmem>>) target_semaphore(%arg8 : memref<!tpu.dma_semaphore, #tpu.memory_space<semaphore_mem>>)
    %dma_wait3A_751 = arith.constant 1 : i32
    %dma_wait3A_752 = arith.constant 0 : i32
    %dma_wait3A_753 = tpu.memref_slice %arg5[%dma_wait3A_751, %dma_wait3A_752] : memref<2x1600xi32, #tpu.memory_space<vmem>> -> memref<1x1600xi32, #tpu.memory_space<vmem>>
    %dma_wait3A_754 = tpu.memref_squeeze %dma_wait3A_753 : memref<1x1600xi32, #tpu.memory_space<vmem>> -> memref<1600xi32, #tpu.memory_space<vmem>>
    %dma_wait3A_755 = tpu.memref_slice %arg2[%add3A_741] : memref<819200xi32, #tpu.memory_space<hbm>> -> memref<1600xi32, #tpu.memory_space<hbm>>
    %dma_wait3A_756 = arith.constant 0 : i32
    %dma_wait3A_757 = tpu.memref_slice %arg5[%dma_wait3A_751, %dma_wait3A_756] : memref<2x1600xi32, #tpu.memory_space<vmem>> -> memref<1x1600xi32, #tpu.memory_space<vmem>>
    %dma_wait3A_758 = tpu.memref_squeeze %dma_wait3A_757 : memref<1x1600xi32, #tpu.memory_space<vmem>> -> memref<1600xi32, #tpu.memory_space<vmem>>
    %dma_wait3A_759 = tpu.memref_slice %arg2[%add3A_741] : memref<819200xi32, #tpu.memory_space<hbm>> -> memref<1600xi32, #tpu.memory_space<hbm>>
    tpu.wait_dma2 semaphore(%arg8 : memref<!tpu.dma_semaphore, #tpu.memory_space<semaphore_mem>>) src(%dma_wait3A_759 : memref<1600xi32, #tpu.memory_space<hbm>>) dst(%dma_wait3A_758 : memref<1600xi32, #tpu.memory_space<vmem>>)
    %dma_wait3A_760 = arith.constant 1 : i32
    %dma_wait3A_761 = arith.constant 0 : i32
    %dma_wait3A_762 = arith.constant 0 : i32
    %dma_wait3A_763 = tpu.memref_slice %arg6[%dma_wait3A_760, %dma_wait3A_761, %dma_wait3A_762] : memref<2x1600x32xf32, #tpu.memory_space<vmem>> -> memref<1x1600x32xf32, #tpu.memory_space<vmem>>
    %dma_wait3A_764 = tpu.memref_squeeze %dma_wait3A_763 : memref<1x1600x32xf32, #tpu.memory_space<vmem>> -> memref<1600x32xf32, #tpu.memory_space<vmem>>
    %dma_wait3A_765 = arith.constant 0 : i32
    %dma_wait3A_766 = tpu.memref_slice %arg4[%add3A_726, %dma_wait3A_765] : memref<819200x32xf32, #tpu.memory_space<hbm>> -> memref<1600x32xf32, #tpu.memory_space<hbm>>
    %dma_wait3A_767 = arith.constant 0 : i32
    %dma_wait3A_768 = tpu.memref_slice %arg4[%add3A_726, %dma_wait3A_767] : memref<819200x32xf32, #tpu.memory_space<hbm>> -> memref<1600x32xf32, #tpu.memory_space<hbm>>
    %dma_wait3A_769 = arith.constant 0 : i32
    %dma_wait3A_770 = arith.constant 0 : i32
    %dma_wait3A_771 = tpu.memref_slice %arg6[%dma_wait3A_760, %dma_wait3A_769, %dma_wait3A_770] : memref<2x1600x32xf32, #tpu.memory_space<vmem>> -> memref<1x1600x32xf32, #tpu.memory_space<vmem>>
    %dma_wait3A_772 = tpu.memref_squeeze %dma_wait3A_771 : memref<1x1600x32xf32, #tpu.memory_space<vmem>> -> memref<1600x32xf32, #tpu.memory_space<vmem>>
    tpu.wait_dma2 semaphore(%arg12 : memref<!tpu.dma_semaphore, #tpu.memory_space<semaphore_mem>>) src(%dma_wait3A_772 : memref<1600x32xf32, #tpu.memory_space<vmem>>) dst(%dma_wait3A_768 : memref<1600x32xf32, #tpu.memory_space<hbm>>)
    %dma_start3A_773 = arith.constant 1 : i32
    %dma_start3A_774 = arith.constant 1 : i32
    %dma_start3A_775 = arith.constant 0 : i32
    %dma_start3A_776 = arith.constant 0 : i32
    %dma_start3A_777 = tpu.memref_slice %arg6[%dma_start3A_774, %dma_start3A_775, %dma_start3A_776] : memref<2x1600x32xf32, #tpu.memory_space<vmem>> -> memref<1x1600x32xf32, #tpu.memory_space<vmem>>
    %dma_start3A_778 = tpu.memref_squeeze %dma_start3A_777 : memref<1x1600x32xf32, #tpu.memory_space<vmem>> -> memref<1600x32xf32, #tpu.memory_space<vmem>>
    %dma_start3A_779 = arith.constant 0 : i32
    %dma_start3A_780 = tpu.memref_slice %arg5[%dma_start3A_773, %dma_start3A_779] : memref<2x1600xi32, #tpu.memory_space<vmem>> -> memref<1x1600xi32, #tpu.memory_space<vmem>>
    %dma_start3A_781 = tpu.memref_squeeze %dma_start3A_780 : memref<1x1600xi32, #tpu.memory_space<vmem>> -> memref<1600xi32, #tpu.memory_space<vmem>>
    %dma_start3A_782 = arith.constant 0 : i32
    %dma_start3A_783 = arith.constant 0 : i32
    %dma_start3A_784 = tpu.memref_slice %arg3[%dma_start3A_782, %dma_start3A_783] : memref<1000000x32xf32, #tpu.memory_space<hbm>> -> memref<1000000x32xf32, #tpu.memory_space<hbm>>
    tpu.enqueue_indirect_dma source(%dma_start3A_784 : memref<1000000x32xf32, #tpu.memory_space<hbm>>) target(%dma_start3A_778 : memref<1600x32xf32, #tpu.memory_space<vmem>>) offsets(%dma_start3A_781 : memref<1600xi32, #tpu.memory_space<vmem>>) semaphore(%arg10 : memref<!tpu.dma_semaphore, #tpu.memory_space<semaphore_mem>>)
    %dma_wait3A_785 = arith.constant 0 : i32
    %dma_wait3A_786 = arith.constant 0 : i32
    %dma_wait3A_787 = arith.constant 0 : i32
    %dma_wait3A_788 = arith.constant 0 : i32
    %dma_wait3A_789 = tpu.memref_slice %arg6[%dma_wait3A_786, %dma_wait3A_787, %dma_wait3A_788] : memref<2x1600x32xf32, #tpu.memory_space<vmem>> -> memref<1x1600x32xf32, #tpu.memory_space<vmem>>
    %dma_wait3A_790 = tpu.memref_squeeze %dma_wait3A_789 : memref<1x1600x32xf32, #tpu.memory_space<vmem>> -> memref<1600x32xf32, #tpu.memory_space<vmem>>
    %dma_wait3A_791 = arith.constant 0 : i32
    %dma_wait3A_792 = tpu.memref_slice %arg5[%dma_wait3A_785, %dma_wait3A_791] : memref<2x1600xi32, #tpu.memory_space<vmem>> -> memref<1x1600xi32, #tpu.memory_space<vmem>>
    %dma_wait3A_793 = tpu.memref_squeeze %dma_wait3A_792 : memref<1x1600xi32, #tpu.memory_space<vmem>> -> memref<1600xi32, #tpu.memory_space<vmem>>
    %dma_wait3A_794 = arith.constant 0 : i32
    %dma_wait3A_795 = arith.constant 0 : i32
    %dma_wait3A_796 = tpu.memref_slice %arg3[%dma_wait3A_794, %dma_wait3A_795] : memref<1000000x32xf32, #tpu.memory_space<hbm>> -> memref<1000000x32xf32, #tpu.memory_space<hbm>>
    tpu.wait_indirect_dma semaphore(%arg9 : memref<!tpu.dma_semaphore, #tpu.memory_space<semaphore_mem>>) src(%dma_wait3A_796 : memref<1000000x32xf32, #tpu.memory_space<hbm>>) dst(%dma_wait3A_790 : memref<1600x32xf32, #tpu.memory_space<vmem>>)
    %add3A_797 = arith.constant 16000 : i32
    %add3A_798 = arith.addi %mul3A_2, %add3A_797 : i32
    %dma_start3A_799 = arith.constant 0 : i32
    %dma_start3A_800 = arith.constant 0 : i32
    %dma_start3A_801 = arith.constant 0 : i32
    %dma_start3A_802 = tpu.memref_slice %arg6[%dma_start3A_799, %dma_start3A_800, %dma_start3A_801] : memref<2x1600x32xf32, #tpu.memory_space<vmem>> -> memref<1x1600x32xf32, #tpu.memory_space<vmem>>
    %dma_start3A_803 = tpu.memref_squeeze %dma_start3A_802 : memref<1x1600x32xf32, #tpu.memory_space<vmem>> -> memref<1600x32xf32, #tpu.memory_space<vmem>>
    %dma_start3A_804 = arith.constant 0 : i32
    %dma_start3A_805 = tpu.memref_slice %arg4[%add3A_798, %dma_start3A_804] : memref<819200x32xf32, #tpu.memory_space<hbm>> -> memref<1600x32xf32, #tpu.memory_space<hbm>>
    %dma_start3A_806 = arith.constant 0 : i32
    %dma_start3A_807 = tpu.memref_slice %arg4[%add3A_798, %dma_start3A_806] : memref<819200x32xf32, #tpu.memory_space<hbm>> -> memref<1600x32xf32, #tpu.memory_space<hbm>>
    %dma_start3A_808 = arith.constant 0 : i32
    %dma_start3A_809 = arith.constant 0 : i32
    %dma_start3A_810 = tpu.memref_slice %arg6[%dma_start3A_799, %dma_start3A_808, %dma_start3A_809] : memref<2x1600x32xf32, #tpu.memory_space<vmem>> -> memref<1x1600x32xf32, #tpu.memory_space<vmem>>
    %dma_start3A_811 = tpu.memref_squeeze %dma_start3A_810 : memref<1x1600x32xf32, #tpu.memory_space<vmem>> -> memref<1600x32xf32, #tpu.memory_space<vmem>>
    tpu.enqueue_dma source(%dma_start3A_811 : memref<1600x32xf32, #tpu.memory_space<vmem>>) target(%dma_start3A_807 : memref<1600x32xf32, #tpu.memory_space<hbm>>) target_semaphore(%arg11 : memref<!tpu.dma_semaphore, #tpu.memory_space<semaphore_mem>>)
    %add3A_812 = arith.constant 19200 : i32
    %add3A_813 = arith.addi %mul3A_2, %add3A_812 : i32
    %dma_start3A_814 = arith.constant 0 : i32
    %dma_start3A_815 = arith.constant 0 : i32
    %dma_start3A_816 = tpu.memref_slice %arg5[%dma_start3A_814, %dma_start3A_815] : memref<2x1600xi32, #tpu.memory_space<vmem>> -> memref<1x1600xi32, #tpu.memory_space<vmem>>
    %dma_start3A_817 = tpu.memref_squeeze %dma_start3A_816 : memref<1x1600xi32, #tpu.memory_space<vmem>> -> memref<1600xi32, #tpu.memory_space<vmem>>
    %dma_start3A_818 = tpu.memref_slice %arg2[%add3A_813] : memref<819200xi32, #tpu.memory_space<hbm>> -> memref<1600xi32, #tpu.memory_space<hbm>>
    %dma_start3A_819 = arith.constant 0 : i32
    %dma_start3A_820 = tpu.memref_slice %arg5[%dma_start3A_814, %dma_start3A_819] : memref<2x1600xi32, #tpu.memory_space<vmem>> -> memref<1x1600xi32, #tpu.memory_space<vmem>>
    %dma_start3A_821 = tpu.memref_squeeze %dma_start3A_820 : memref<1x1600xi32, #tpu.memory_space<vmem>> -> memref<1600xi32, #tpu.memory_space<vmem>>
    %dma_start3A_822 = tpu.memref_slice %arg2[%add3A_813] : memref<819200xi32, #tpu.memory_space<hbm>> -> memref<1600xi32, #tpu.memory_space<hbm>>
    tpu.enqueue_dma source(%dma_start3A_822 : memref<1600xi32, #tpu.memory_space<hbm>>) target(%dma_start3A_821 : memref<1600xi32, #tpu.memory_space<vmem>>) target_semaphore(%arg7 : memref<!tpu.dma_semaphore, #tpu.memory_space<semaphore_mem>>)
    %dma_wait3A_823 = arith.constant 0 : i32
    %dma_wait3A_824 = arith.constant 0 : i32
    %dma_wait3A_825 = tpu.memref_slice %arg5[%dma_wait3A_823, %dma_wait3A_824] : memref<2x1600xi32, #tpu.memory_space<vmem>> -> memref<1x1600xi32, #tpu.memory_space<vmem>>
    %dma_wait3A_826 = tpu.memref_squeeze %dma_wait3A_825 : memref<1x1600xi32, #tpu.memory_space<vmem>> -> memref<1600xi32, #tpu.memory_space<vmem>>
    %dma_wait3A_827 = tpu.memref_slice %arg2[%add3A_813] : memref<819200xi32, #tpu.memory_space<hbm>> -> memref<1600xi32, #tpu.memory_space<hbm>>
    %dma_wait3A_828 = arith.constant 0 : i32
    %dma_wait3A_829 = tpu.memref_slice %arg5[%dma_wait3A_823, %dma_wait3A_828] : memref<2x1600xi32, #tpu.memory_space<vmem>> -> memref<1x1600xi32, #tpu.memory_space<vmem>>
    %dma_wait3A_830 = tpu.memref_squeeze %dma_wait3A_829 : memref<1x1600xi32, #tpu.memory_space<vmem>> -> memref<1600xi32, #tpu.memory_space<vmem>>
    %dma_wait3A_831 = tpu.memref_slice %arg2[%add3A_813] : memref<819200xi32, #tpu.memory_space<hbm>> -> memref<1600xi32, #tpu.memory_space<hbm>>
    tpu.wait_dma2 semaphore(%arg7 : memref<!tpu.dma_semaphore, #tpu.memory_space<semaphore_mem>>) src(%dma_wait3A_831 : memref<1600xi32, #tpu.memory_space<hbm>>) dst(%dma_wait3A_830 : memref<1600xi32, #tpu.memory_space<vmem>>)
    %dma_wait3A_832 = arith.constant 0 : i32
    %dma_wait3A_833 = arith.constant 0 : i32
    %dma_wait3A_834 = arith.constant 0 : i32
    %dma_wait3A_835 = tpu.memref_slice %arg6[%dma_wait3A_832, %dma_wait3A_833, %dma_wait3A_834] : memref<2x1600x32xf32, #tpu.memory_space<vmem>> -> memref<1x1600x32xf32, #tpu.memory_space<vmem>>
    %dma_wait3A_836 = tpu.memref_squeeze %dma_wait3A_835 : memref<1x1600x32xf32, #tpu.memory_space<vmem>> -> memref<1600x32xf32, #tpu.memory_space<vmem>>
    %dma_wait3A_837 = arith.constant 0 : i32
    %dma_wait3A_838 = tpu.memref_slice %arg4[%add3A_798, %dma_wait3A_837] : memref<819200x32xf32, #tpu.memory_space<hbm>> -> memref<1600x32xf32, #tpu.memory_space<hbm>>
    %dma_wait3A_839 = arith.constant 0 : i32
    %dma_wait3A_840 = tpu.memref_slice %arg4[%add3A_798, %dma_wait3A_839] : memref<819200x32xf32, #tpu.memory_space<hbm>> -> memref<1600x32xf32, #tpu.memory_space<hbm>>
    %dma_wait3A_841 = arith.constant 0 : i32
    %dma_wait3A_842 = arith.constant 0 : i32
    %dma_wait3A_843 = tpu.memref_slice %arg6[%dma_wait3A_832, %dma_wait3A_841, %dma_wait3A_842] : memref<2x1600x32xf32, #tpu.memory_space<vmem>> -> memref<1x1600x32xf32, #tpu.memory_space<vmem>>
    %dma_wait3A_844 = tpu.memref_squeeze %dma_wait3A_843 : memref<1x1600x32xf32, #tpu.memory_space<vmem>> -> memref<1600x32xf32, #tpu.memory_space<vmem>>
    tpu.wait_dma2 semaphore(%arg11 : memref<!tpu.dma_semaphore, #tpu.memory_space<semaphore_mem>>) src(%dma_wait3A_844 : memref<1600x32xf32, #tpu.memory_space<vmem>>) dst(%dma_wait3A_840 : memref<1600x32xf32, #tpu.memory_space<hbm>>)
    %dma_start3A_845 = arith.constant 0 : i32
    %dma_start3A_846 = arith.constant 0 : i32
    %dma_start3A_847 = arith.constant 0 : i32
    %dma_start3A_848 = arith.constant 0 : i32
    %dma_start3A_849 = tpu.memref_slice %arg6[%dma_start3A_846, %dma_start3A_847, %dma_start3A_848] : memref<2x1600x32xf32, #tpu.memory_space<vmem>> -> memref<1x1600x32xf32, #tpu.memory_space<vmem>>
    %dma_start3A_850 = tpu.memref_squeeze %dma_start3A_849 : memref<1x1600x32xf32, #tpu.memory_space<vmem>> -> memref<1600x32xf32, #tpu.memory_space<vmem>>
    %dma_start3A_851 = arith.constant 0 : i32
    %dma_start3A_852 = tpu.memref_slice %arg5[%dma_start3A_845, %dma_start3A_851] : memref<2x1600xi32, #tpu.memory_space<vmem>> -> memref<1x1600xi32, #tpu.memory_space<vmem>>
    %dma_start3A_853 = tpu.memref_squeeze %dma_start3A_852 : memref<1x1600xi32, #tpu.memory_space<vmem>> -> memref<1600xi32, #tpu.memory_space<vmem>>
    %dma_start3A_854 = arith.constant 0 : i32
    %dma_start3A_855 = arith.constant 0 : i32
    %dma_start3A_856 = tpu.memref_slice %arg3[%dma_start3A_854, %dma_start3A_855] : memref<1000000x32xf32, #tpu.memory_space<hbm>> -> memref<1000000x32xf32, #tpu.memory_space<hbm>>
    tpu.enqueue_indirect_dma source(%dma_start3A_856 : memref<1000000x32xf32, #tpu.memory_space<hbm>>) target(%dma_start3A_850 : memref<1600x32xf32, #tpu.memory_space<vmem>>) offsets(%dma_start3A_853 : memref<1600xi32, #tpu.memory_space<vmem>>) semaphore(%arg9 : memref<!tpu.dma_semaphore, #tpu.memory_space<semaphore_mem>>)
    %dma_wait3A_857 = arith.constant 1 : i32
    %dma_wait3A_858 = arith.constant 1 : i32
    %dma_wait3A_859 = arith.constant 0 : i32
    %dma_wait3A_860 = arith.constant 0 : i32
    %dma_wait3A_861 = tpu.memref_slice %arg6[%dma_wait3A_858, %dma_wait3A_859, %dma_wait3A_860] : memref<2x1600x32xf32, #tpu.memory_space<vmem>> -> memref<1x1600x32xf32, #tpu.memory_space<vmem>>
    %dma_wait3A_862 = tpu.memref_squeeze %dma_wait3A_861 : memref<1x1600x32xf32, #tpu.memory_space<vmem>> -> memref<1600x32xf32, #tpu.memory_space<vmem>>
    %dma_wait3A_863 = arith.constant 0 : i32
    %dma_wait3A_864 = tpu.memref_slice %arg5[%dma_wait3A_857, %dma_wait3A_863] : memref<2x1600xi32, #tpu.memory_space<vmem>> -> memref<1x1600xi32, #tpu.memory_space<vmem>>
    %dma_wait3A_865 = tpu.memref_squeeze %dma_wait3A_864 : memref<1x1600xi32, #tpu.memory_space<vmem>> -> memref<1600xi32, #tpu.memory_space<vmem>>
    %dma_wait3A_866 = arith.constant 0 : i32
    %dma_wait3A_867 = arith.constant 0 : i32
    %dma_wait3A_868 = tpu.memref_slice %arg3[%dma_wait3A_866, %dma_wait3A_867] : memref<1000000x32xf32, #tpu.memory_space<hbm>> -> memref<1000000x32xf32, #tpu.memory_space<hbm>>
    tpu.wait_indirect_dma semaphore(%arg10 : memref<!tpu.dma_semaphore, #tpu.memory_space<semaphore_mem>>) src(%dma_wait3A_868 : memref<1000000x32xf32, #tpu.memory_space<hbm>>) dst(%dma_wait3A_862 : memref<1600x32xf32, #tpu.memory_space<vmem>>)
    %add3A_869 = arith.constant 17600 : i32
    %add3A_870 = arith.addi %mul3A_2, %add3A_869 : i32
    %dma_start3A_871 = arith.constant 1 : i32
    %dma_start3A_872 = arith.constant 0 : i32
    %dma_start3A_873 = arith.constant 0 : i32
    %dma_start3A_874 = tpu.memref_slice %arg6[%dma_start3A_871, %dma_start3A_872, %dma_start3A_873] : memref<2x1600x32xf32, #tpu.memory_space<vmem>> -> memref<1x1600x32xf32, #tpu.memory_space<vmem>>
    %dma_start3A_875 = tpu.memref_squeeze %dma_start3A_874 : memref<1x1600x32xf32, #tpu.memory_space<vmem>> -> memref<1600x32xf32, #tpu.memory_space<vmem>>
    %dma_start3A_876 = arith.constant 0 : i32
    %dma_start3A_877 = tpu.memref_slice %arg4[%add3A_870, %dma_start3A_876] : memref<819200x32xf32, #tpu.memory_space<hbm>> -> memref<1600x32xf32, #tpu.memory_space<hbm>>
    %dma_start3A_878 = arith.constant 0 : i32
    %dma_start3A_879 = tpu.memref_slice %arg4[%add3A_870, %dma_start3A_878] : memref<819200x32xf32, #tpu.memory_space<hbm>> -> memref<1600x32xf32, #tpu.memory_space<hbm>>
    %dma_start3A_880 = arith.constant 0 : i32
    %dma_start3A_881 = arith.constant 0 : i32
    %dma_start3A_882 = tpu.memref_slice %arg6[%dma_start3A_871, %dma_start3A_880, %dma_start3A_881] : memref<2x1600x32xf32, #tpu.memory_space<vmem>> -> memref<1x1600x32xf32, #tpu.memory_space<vmem>>
    %dma_start3A_883 = tpu.memref_squeeze %dma_start3A_882 : memref<1x1600x32xf32, #tpu.memory_space<vmem>> -> memref<1600x32xf32, #tpu.memory_space<vmem>>
    tpu.enqueue_dma source(%dma_start3A_883 : memref<1600x32xf32, #tpu.memory_space<vmem>>) target(%dma_start3A_879 : memref<1600x32xf32, #tpu.memory_space<hbm>>) target_semaphore(%arg12 : memref<!tpu.dma_semaphore, #tpu.memory_space<semaphore_mem>>)
    %add3A_884 = arith.constant 20800 : i32
    %add3A_885 = arith.addi %mul3A_2, %add3A_884 : i32
    %dma_start3A_886 = arith.constant 1 : i32
    %dma_start3A_887 = arith.constant 0 : i32
    %dma_start3A_888 = tpu.memref_slice %arg5[%dma_start3A_886, %dma_start3A_887] : memref<2x1600xi32, #tpu.memory_space<vmem>> -> memref<1x1600xi32, #tpu.memory_space<vmem>>
    %dma_start3A_889 = tpu.memref_squeeze %dma_start3A_888 : memref<1x1600xi32, #tpu.memory_space<vmem>> -> memref<1600xi32, #tpu.memory_space<vmem>>
    %dma_start3A_890 = tpu.memref_slice %arg2[%add3A_885] : memref<819200xi32, #tpu.memory_space<hbm>> -> memref<1600xi32, #tpu.memory_space<hbm>>
    %dma_start3A_891 = arith.constant 0 : i32
    %dma_start3A_892 = tpu.memref_slice %arg5[%dma_start3A_886, %dma_start3A_891] : memref<2x1600xi32, #tpu.memory_space<vmem>> -> memref<1x1600xi32, #tpu.memory_space<vmem>>
    %dma_start3A_893 = tpu.memref_squeeze %dma_start3A_892 : memref<1x1600xi32, #tpu.memory_space<vmem>> -> memref<1600xi32, #tpu.memory_space<vmem>>
    %dma_start3A_894 = tpu.memref_slice %arg2[%add3A_885] : memref<819200xi32, #tpu.memory_space<hbm>> -> memref<1600xi32, #tpu.memory_space<hbm>>
    tpu.enqueue_dma source(%dma_start3A_894 : memref<1600xi32, #tpu.memory_space<hbm>>) target(%dma_start3A_893 : memref<1600xi32, #tpu.memory_space<vmem>>) target_semaphore(%arg8 : memref<!tpu.dma_semaphore, #tpu.memory_space<semaphore_mem>>)
    %dma_wait3A_895 = arith.constant 1 : i32
    %dma_wait3A_896 = arith.constant 0 : i32
    %dma_wait3A_897 = tpu.memref_slice %arg5[%dma_wait3A_895, %dma_wait3A_896] : memref<2x1600xi32, #tpu.memory_space<vmem>> -> memref<1x1600xi32, #tpu.memory_space<vmem>>
    %dma_wait3A_898 = tpu.memref_squeeze %dma_wait3A_897 : memref<1x1600xi32, #tpu.memory_space<vmem>> -> memref<1600xi32, #tpu.memory_space<vmem>>
    %dma_wait3A_899 = tpu.memref_slice %arg2[%add3A_885] : memref<819200xi32, #tpu.memory_space<hbm>> -> memref<1600xi32, #tpu.memory_space<hbm>>
    %dma_wait3A_900 = arith.constant 0 : i32
    %dma_wait3A_901 = tpu.memref_slice %arg5[%dma_wait3A_895, %dma_wait3A_900] : memref<2x1600xi32, #tpu.memory_space<vmem>> -> memref<1x1600xi32, #tpu.memory_space<vmem>>
    %dma_wait3A_902 = tpu.memref_squeeze %dma_wait3A_901 : memref<1x1600xi32, #tpu.memory_space<vmem>> -> memref<1600xi32, #tpu.memory_space<vmem>>
    %dma_wait3A_903 = tpu.memref_slice %arg2[%add3A_885] : memref<819200xi32, #tpu.memory_space<hbm>> -> memref<1600xi32, #tpu.memory_space<hbm>>
    tpu.wait_dma2 semaphore(%arg8 : memref<!tpu.dma_semaphore, #tpu.memory_space<semaphore_mem>>) src(%dma_wait3A_903 : memref<1600xi32, #tpu.memory_space<hbm>>) dst(%dma_wait3A_902 : memref<1600xi32, #tpu.memory_space<vmem>>)
    %dma_wait3A_904 = arith.constant 1 : i32
    %dma_wait3A_905 = arith.constant 0 : i32
    %dma_wait3A_906 = arith.constant 0 : i32
    %dma_wait3A_907 = tpu.memref_slice %arg6[%dma_wait3A_904, %dma_wait3A_905, %dma_wait3A_906] : memref<2x1600x32xf32, #tpu.memory_space<vmem>> -> memref<1x1600x32xf32, #tpu.memory_space<vmem>>
    %dma_wait3A_908 = tpu.memref_squeeze %dma_wait3A_907 : memref<1x1600x32xf32, #tpu.memory_space<vmem>> -> memref<1600x32xf32, #tpu.memory_space<vmem>>
    %dma_wait3A_909 = arith.constant 0 : i32
    %dma_wait3A_910 = tpu.memref_slice %arg4[%add3A_870, %dma_wait3A_909] : memref<819200x32xf32, #tpu.memory_space<hbm>> -> memref<1600x32xf32, #tpu.memory_space<hbm>>
    %dma_wait3A_911 = arith.constant 0 : i32
    %dma_wait3A_912 = tpu.memref_slice %arg4[%add3A_870, %dma_wait3A_911] : memref<819200x32xf32, #tpu.memory_space<hbm>> -> memref<1600x32xf32, #tpu.memory_space<hbm>>
    %dma_wait3A_913 = arith.constant 0 : i32
    %dma_wait3A_914 = arith.constant 0 : i32
    %dma_wait3A_915 = tpu.memref_slice %arg6[%dma_wait3A_904, %dma_wait3A_913, %dma_wait3A_914] : memref<2x1600x32xf32, #tpu.memory_space<vmem>> -> memref<1x1600x32xf32, #tpu.memory_space<vmem>>
    %dma_wait3A_916 = tpu.memref_squeeze %dma_wait3A_915 : memref<1x1600x32xf32, #tpu.memory_space<vmem>> -> memref<1600x32xf32, #tpu.memory_space<vmem>>
    tpu.wait_dma2 semaphore(%arg12 : memref<!tpu.dma_semaphore, #tpu.memory_space<semaphore_mem>>) src(%dma_wait3A_916 : memref<1600x32xf32, #tpu.memory_space<vmem>>) dst(%dma_wait3A_912 : memref<1600x32xf32, #tpu.memory_space<hbm>>)
    %dma_start3A_917 = arith.constant 1 : i32
    %dma_start3A_918 = arith.constant 1 : i32
    %dma_start3A_919 = arith.constant 0 : i32
    %dma_start3A_920 = arith.constant 0 : i32
    %dma_start3A_921 = tpu.memref_slice %arg6[%dma_start3A_918, %dma_start3A_919, %dma_start3A_920] : memref<2x1600x32xf32, #tpu.memory_space<vmem>> -> memref<1x1600x32xf32, #tpu.memory_space<vmem>>
    %dma_start3A_922 = tpu.memref_squeeze %dma_start3A_921 : memref<1x1600x32xf32, #tpu.memory_space<vmem>> -> memref<1600x32xf32, #tpu.memory_space<vmem>>
    %dma_start3A_923 = arith.constant 0 : i32
    %dma_start3A_924 = tpu.memref_slice %arg5[%dma_start3A_917, %dma_start3A_923] : memref<2x1600xi32, #tpu.memory_space<vmem>> -> memref<1x1600xi32, #tpu.memory_space<vmem>>
    %dma_start3A_925 = tpu.memref_squeeze %dma_start3A_924 : memref<1x1600xi32, #tpu.memory_space<vmem>> -> memref<1600xi32, #tpu.memory_space<vmem>>
    %dma_start3A_926 = arith.constant 0 : i32
    %dma_start3A_927 = arith.constant 0 : i32
    %dma_start3A_928 = tpu.memref_slice %arg3[%dma_start3A_926, %dma_start3A_927] : memref<1000000x32xf32, #tpu.memory_space<hbm>> -> memref<1000000x32xf32, #tpu.memory_space<hbm>>
    tpu.enqueue_indirect_dma source(%dma_start3A_928 : memref<1000000x32xf32, #tpu.memory_space<hbm>>) target(%dma_start3A_922 : memref<1600x32xf32, #tpu.memory_space<vmem>>) offsets(%dma_start3A_925 : memref<1600xi32, #tpu.memory_space<vmem>>) semaphore(%arg10 : memref<!tpu.dma_semaphore, #tpu.memory_space<semaphore_mem>>)
    %dma_wait3A_929 = arith.constant 0 : i32
    %dma_wait3A_930 = arith.constant 0 : i32
    %dma_wait3A_931 = arith.constant 0 : i32
    %dma_wait3A_932 = arith.constant 0 : i32
    %dma_wait3A_933 = tpu.memref_slice %arg6[%dma_wait3A_930, %dma_wait3A_931, %dma_wait3A_932] : memref<2x1600x32xf32, #tpu.memory_space<vmem>> -> memref<1x1600x32xf32, #tpu.memory_space<vmem>>
    %dma_wait3A_934 = tpu.memref_squeeze %dma_wait3A_933 : memref<1x1600x32xf32, #tpu.memory_space<vmem>> -> memref<1600x32xf32, #tpu.memory_space<vmem>>
    %dma_wait3A_935 = arith.constant 0 : i32
    %dma_wait3A_936 = tpu.memref_slice %arg5[%dma_wait3A_929, %dma_wait3A_935] : memref<2x1600xi32, #tpu.memory_space<vmem>> -> memref<1x1600xi32, #tpu.memory_space<vmem>>
    %dma_wait3A_937 = tpu.memref_squeeze %dma_wait3A_936 : memref<1x1600xi32, #tpu.memory_space<vmem>> -> memref<1600xi32, #tpu.memory_space<vmem>>
    %dma_wait3A_938 = arith.constant 0 : i32
    %dma_wait3A_939 = arith.constant 0 : i32
    %dma_wait3A_940 = tpu.memref_slice %arg3[%dma_wait3A_938, %dma_wait3A_939] : memref<1000000x32xf32, #tpu.memory_space<hbm>> -> memref<1000000x32xf32, #tpu.memory_space<hbm>>
    tpu.wait_indirect_dma semaphore(%arg9 : memref<!tpu.dma_semaphore, #tpu.memory_space<semaphore_mem>>) src(%dma_wait3A_940 : memref<1000000x32xf32, #tpu.memory_space<hbm>>) dst(%dma_wait3A_934 : memref<1600x32xf32, #tpu.memory_space<vmem>>)
    %add3A_941 = arith.constant 19200 : i32
    %add3A_942 = arith.addi %mul3A_2, %add3A_941 : i32
    %dma_start3A_943 = arith.constant 0 : i32
    %dma_start3A_944 = arith.constant 0 : i32
    %dma_start3A_945 = arith.constant 0 : i32
    %dma_start3A_946 = tpu.memref_slice %arg6[%dma_start3A_943, %dma_start3A_944, %dma_start3A_945] : memref<2x1600x32xf32, #tpu.memory_space<vmem>> -> memref<1x1600x32xf32, #tpu.memory_space<vmem>>
    %dma_start3A_947 = tpu.memref_squeeze %dma_start3A_946 : memref<1x1600x32xf32, #tpu.memory_space<vmem>> -> memref<1600x32xf32, #tpu.memory_space<vmem>>
    %dma_start3A_948 = arith.constant 0 : i32
    %dma_start3A_949 = tpu.memref_slice %arg4[%add3A_942, %dma_start3A_948] : memref<819200x32xf32, #tpu.memory_space<hbm>> -> memref<1600x32xf32, #tpu.memory_space<hbm>>
    %dma_start3A_950 = arith.constant 0 : i32
    %dma_start3A_951 = tpu.memref_slice %arg4[%add3A_942, %dma_start3A_950] : memref<819200x32xf32, #tpu.memory_space<hbm>> -> memref<1600x32xf32, #tpu.memory_space<hbm>>
    %dma_start3A_952 = arith.constant 0 : i32
    %dma_start3A_953 = arith.constant 0 : i32
    %dma_start3A_954 = tpu.memref_slice %arg6[%dma_start3A_943, %dma_start3A_952, %dma_start3A_953] : memref<2x1600x32xf32, #tpu.memory_space<vmem>> -> memref<1x1600x32xf32, #tpu.memory_space<vmem>>
    %dma_start3A_955 = tpu.memref_squeeze %dma_start3A_954 : memref<1x1600x32xf32, #tpu.memory_space<vmem>> -> memref<1600x32xf32, #tpu.memory_space<vmem>>
    tpu.enqueue_dma source(%dma_start3A_955 : memref<1600x32xf32, #tpu.memory_space<vmem>>) target(%dma_start3A_951 : memref<1600x32xf32, #tpu.memory_space<hbm>>) target_semaphore(%arg11 : memref<!tpu.dma_semaphore, #tpu.memory_space<semaphore_mem>>)
    %add3A_956 = arith.constant 22400 : i32
    %add3A_957 = arith.addi %mul3A_2, %add3A_956 : i32
    %dma_start3A_958 = arith.constant 0 : i32
    %dma_start3A_959 = arith.constant 0 : i32
    %dma_start3A_960 = tpu.memref_slice %arg5[%dma_start3A_958, %dma_start3A_959] : memref<2x1600xi32, #tpu.memory_space<vmem>> -> memref<1x1600xi32, #tpu.memory_space<vmem>>
    %dma_start3A_961 = tpu.memref_squeeze %dma_start3A_960 : memref<1x1600xi32, #tpu.memory_space<vmem>> -> memref<1600xi32, #tpu.memory_space<vmem>>
    %dma_start3A_962 = tpu.memref_slice %arg2[%add3A_957] : memref<819200xi32, #tpu.memory_space<hbm>> -> memref<1600xi32, #tpu.memory_space<hbm>>
    %dma_start3A_963 = arith.constant 0 : i32
    %dma_start3A_964 = tpu.memref_slice %arg5[%dma_start3A_958, %dma_start3A_963] : memref<2x1600xi32, #tpu.memory_space<vmem>> -> memref<1x1600xi32, #tpu.memory_space<vmem>>
    %dma_start3A_965 = tpu.memref_squeeze %dma_start3A_964 : memref<1x1600xi32, #tpu.memory_space<vmem>> -> memref<1600xi32, #tpu.memory_space<vmem>>
    %dma_start3A_966 = tpu.memref_slice %arg2[%add3A_957] : memref<819200xi32, #tpu.memory_space<hbm>> -> memref<1600xi32, #tpu.memory_space<hbm>>
    tpu.enqueue_dma source(%dma_start3A_966 : memref<1600xi32, #tpu.memory_space<hbm>>) target(%dma_start3A_965 : memref<1600xi32, #tpu.memory_space<vmem>>) target_semaphore(%arg7 : memref<!tpu.dma_semaphore, #tpu.memory_space<semaphore_mem>>)
    %dma_wait3A_967 = arith.constant 0 : i32
    %dma_wait3A_968 = arith.constant 0 : i32
    %dma_wait3A_969 = tpu.memref_slice %arg5[%dma_wait3A_967, %dma_wait3A_968] : memref<2x1600xi32, #tpu.memory_space<vmem>> -> memref<1x1600xi32, #tpu.memory_space<vmem>>
    %dma_wait3A_970 = tpu.memref_squeeze %dma_wait3A_969 : memref<1x1600xi32, #tpu.memory_space<vmem>> -> memref<1600xi32, #tpu.memory_space<vmem>>
    %dma_wait3A_971 = tpu.memref_slice %arg2[%add3A_957] : memref<819200xi32, #tpu.memory_space<hbm>> -> memref<1600xi32, #tpu.memory_space<hbm>>
    %dma_wait3A_972 = arith.constant 0 : i32
    %dma_wait3A_973 = tpu.memref_slice %arg5[%dma_wait3A_967, %dma_wait3A_972] : memref<2x1600xi32, #tpu.memory_space<vmem>> -> memref<1x1600xi32, #tpu.memory_space<vmem>>
    %dma_wait3A_974 = tpu.memref_squeeze %dma_wait3A_973 : memref<1x1600xi32, #tpu.memory_space<vmem>> -> memref<1600xi32, #tpu.memory_space<vmem>>
    %dma_wait3A_975 = tpu.memref_slice %arg2[%add3A_957] : memref<819200xi32, #tpu.memory_space<hbm>> -> memref<1600xi32, #tpu.memory_space<hbm>>
    tpu.wait_dma2 semaphore(%arg7 : memref<!tpu.dma_semaphore, #tpu.memory_space<semaphore_mem>>) src(%dma_wait3A_975 : memref<1600xi32, #tpu.memory_space<hbm>>) dst(%dma_wait3A_974 : memref<1600xi32, #tpu.memory_space<vmem>>)
    %dma_wait3A_976 = arith.constant 0 : i32
    %dma_wait3A_977 = arith.constant 0 : i32
    %dma_wait3A_978 = arith.constant 0 : i32
    %dma_wait3A_979 = tpu.memref_slice %arg6[%dma_wait3A_976, %dma_wait3A_977, %dma_wait3A_978] : memref<2x1600x32xf32, #tpu.memory_space<vmem>> -> memref<1x1600x32xf32, #tpu.memory_space<vmem>>
    %dma_wait3A_980 = tpu.memref_squeeze %dma_wait3A_979 : memref<1x1600x32xf32, #tpu.memory_space<vmem>> -> memref<1600x32xf32, #tpu.memory_space<vmem>>
    %dma_wait3A_981 = arith.constant 0 : i32
    %dma_wait3A_982 = tpu.memref_slice %arg4[%add3A_942, %dma_wait3A_981] : memref<819200x32xf32, #tpu.memory_space<hbm>> -> memref<1600x32xf32, #tpu.memory_space<hbm>>
    %dma_wait3A_983 = arith.constant 0 : i32
    %dma_wait3A_984 = tpu.memref_slice %arg4[%add3A_942, %dma_wait3A_983] : memref<819200x32xf32, #tpu.memory_space<hbm>> -> memref<1600x32xf32, #tpu.memory_space<hbm>>
    %dma_wait3A_985 = arith.constant 0 : i32
    %dma_wait3A_986 = arith.constant 0 : i32
    %dma_wait3A_987 = tpu.memref_slice %arg6[%dma_wait3A_976, %dma_wait3A_985, %dma_wait3A_986] : memref<2x1600x32xf32, #tpu.memory_space<vmem>> -> memref<1x1600x32xf32, #tpu.memory_space<vmem>>
    %dma_wait3A_988 = tpu.memref_squeeze %dma_wait3A_987 : memref<1x1600x32xf32, #tpu.memory_space<vmem>> -> memref<1600x32xf32, #tpu.memory_space<vmem>>
    tpu.wait_dma2 semaphore(%arg11 : memref<!tpu.dma_semaphore, #tpu.memory_space<semaphore_mem>>) src(%dma_wait3A_988 : memref<1600x32xf32, #tpu.memory_space<vmem>>) dst(%dma_wait3A_984 : memref<1600x32xf32, #tpu.memory_space<hbm>>)
    %dma_start3A_989 = arith.constant 0 : i32
    %dma_start3A_990 = arith.constant 0 : i32
    %dma_start3A_991 = arith.constant 0 : i32
    %dma_start3A_992 = arith.constant 0 : i32
    %dma_start3A_993 = tpu.memref_slice %arg6[%dma_start3A_990, %dma_start3A_991, %dma_start3A_992] : memref<2x1600x32xf32, #tpu.memory_space<vmem>> -> memref<1x1600x32xf32, #tpu.memory_space<vmem>>
    %dma_start3A_994 = tpu.memref_squeeze %dma_start3A_993 : memref<1x1600x32xf32, #tpu.memory_space<vmem>> -> memref<1600x32xf32, #tpu.memory_space<vmem>>
    %dma_start3A_995 = arith.constant 0 : i32
    %dma_start3A_996 = tpu.memref_slice %arg5[%dma_start3A_989, %dma_start3A_995] : memref<2x1600xi32, #tpu.memory_space<vmem>> -> memref<1x1600xi32, #tpu.memory_space<vmem>>
    %dma_start3A_997 = tpu.memref_squeeze %dma_start3A_996 : memref<1x1600xi32, #tpu.memory_space<vmem>> -> memref<1600xi32, #tpu.memory_space<vmem>>
    %dma_start3A_998 = arith.constant 0 : i32
    %dma_start3A_999 = arith.constant 0 : i32
    %dma_start3A_1000 = tpu.memref_slice %arg3[%dma_start3A_998, %dma_start3A_999] : memref<1000000x32xf32, #tpu.memory_space<hbm>> -> memref<1000000x32xf32, #tpu.memory_space<hbm>>
    tpu.enqueue_indirect_dma source(%dma_start3A_1000 : memref<1000000x32xf32, #tpu.memory_space<hbm>>) target(%dma_start3A_994 : memref<1600x32xf32, #tpu.memory_space<vmem>>) offsets(%dma_start3A_997 : memref<1600xi32, #tpu.memory_space<vmem>>) semaphore(%arg9 : memref<!tpu.dma_semaphore, #tpu.memory_space<semaphore_mem>>)
    %dma_wait3A_1001 = arith.constant 1 : i32
    %dma_wait3A_1002 = arith.constant 1 : i32
    %dma_wait3A_1003 = arith.constant 0 : i32
    %dma_wait3A_1004 = arith.constant 0 : i32
    %dma_wait3A_1005 = tpu.memref_slice %arg6[%dma_wait3A_1002, %dma_wait3A_1003, %dma_wait3A_1004] : memref<2x1600x32xf32, #tpu.memory_space<vmem>> -> memref<1x1600x32xf32, #tpu.memory_space<vmem>>
    %dma_wait3A_1006 = tpu.memref_squeeze %dma_wait3A_1005 : memref<1x1600x32xf32, #tpu.memory_space<vmem>> -> memref<1600x32xf32, #tpu.memory_space<vmem>>
    %dma_wait3A_1007 = arith.constant 0 : i32
    %dma_wait3A_1008 = tpu.memref_slice %arg5[%dma_wait3A_1001, %dma_wait3A_1007] : memref<2x1600xi32, #tpu.memory_space<vmem>> -> memref<1x1600xi32, #tpu.memory_space<vmem>>
    %dma_wait3A_1009 = tpu.memref_squeeze %dma_wait3A_1008 : memref<1x1600xi32, #tpu.memory_space<vmem>> -> memref<1600xi32, #tpu.memory_space<vmem>>
    %dma_wait3A_1010 = arith.constant 0 : i32
    %dma_wait3A_1011 = arith.constant 0 : i32
    %dma_wait3A_1012 = tpu.memref_slice %arg3[%dma_wait3A_1010, %dma_wait3A_1011] : memref<1000000x32xf32, #tpu.memory_space<hbm>> -> memref<1000000x32xf32, #tpu.memory_space<hbm>>
    tpu.wait_indirect_dma semaphore(%arg10 : memref<!tpu.dma_semaphore, #tpu.memory_space<semaphore_mem>>) src(%dma_wait3A_1012 : memref<1000000x32xf32, #tpu.memory_space<hbm>>) dst(%dma_wait3A_1006 : memref<1600x32xf32, #tpu.memory_space<vmem>>)
    %add3A_1013 = arith.constant 20800 : i32
    %add3A_1014 = arith.addi %mul3A_2, %add3A_1013 : i32
    %dma_start3A_1015 = arith.constant 1 : i32
    %dma_start3A_1016 = arith.constant 0 : i32
    %dma_start3A_1017 = arith.constant 0 : i32
    %dma_start3A_1018 = tpu.memref_slice %arg6[%dma_start3A_1015, %dma_start3A_1016, %dma_start3A_1017] : memref<2x1600x32xf32, #tpu.memory_space<vmem>> -> memref<1x1600x32xf32, #tpu.memory_space<vmem>>
    %dma_start3A_1019 = tpu.memref_squeeze %dma_start3A_1018 : memref<1x1600x32xf32, #tpu.memory_space<vmem>> -> memref<1600x32xf32, #tpu.memory_space<vmem>>
    %dma_start3A_1020 = arith.constant 0 : i32
    %dma_start3A_1021 = tpu.memref_slice %arg4[%add3A_1014, %dma_start3A_1020] : memref<819200x32xf32, #tpu.memory_space<hbm>> -> memref<1600x32xf32, #tpu.memory_space<hbm>>
    %dma_start3A_1022 = arith.constant 0 : i32
    %dma_start3A_1023 = tpu.memref_slice %arg4[%add3A_1014, %dma_start3A_1022] : memref<819200x32xf32, #tpu.memory_space<hbm>> -> memref<1600x32xf32, #tpu.memory_space<hbm>>
    %dma_start3A_1024 = arith.constant 0 : i32
    %dma_start3A_1025 = arith.constant 0 : i32
    %dma_start3A_1026 = tpu.memref_slice %arg6[%dma_start3A_1015, %dma_start3A_1024, %dma_start3A_1025] : memref<2x1600x32xf32, #tpu.memory_space<vmem>> -> memref<1x1600x32xf32, #tpu.memory_space<vmem>>
    %dma_start3A_1027 = tpu.memref_squeeze %dma_start3A_1026 : memref<1x1600x32xf32, #tpu.memory_space<vmem>> -> memref<1600x32xf32, #tpu.memory_space<vmem>>
    tpu.enqueue_dma source(%dma_start3A_1027 : memref<1600x32xf32, #tpu.memory_space<vmem>>) target(%dma_start3A_1023 : memref<1600x32xf32, #tpu.memory_space<hbm>>) target_semaphore(%arg12 : memref<!tpu.dma_semaphore, #tpu.memory_space<semaphore_mem>>)
    %add3A_1028 = arith.constant 24000 : i32
    %add3A_1029 = arith.addi %mul3A_2, %add3A_1028 : i32
    %dma_start3A_1030 = arith.constant 1 : i32
    %dma_start3A_1031 = arith.constant 0 : i32
    %dma_start3A_1032 = tpu.memref_slice %arg5[%dma_start3A_1030, %dma_start3A_1031] : memref<2x1600xi32, #tpu.memory_space<vmem>> -> memref<1x1600xi32, #tpu.memory_space<vmem>>
    %dma_start3A_1033 = tpu.memref_squeeze %dma_start3A_1032 : memref<1x1600xi32, #tpu.memory_space<vmem>> -> memref<1600xi32, #tpu.memory_space<vmem>>
    %dma_start3A_1034 = tpu.memref_slice %arg2[%add3A_1029] : memref<819200xi32, #tpu.memory_space<hbm>> -> memref<1600xi32, #tpu.memory_space<hbm>>
    %dma_start3A_1035 = arith.constant 0 : i32
    %dma_start3A_1036 = tpu.memref_slice %arg5[%dma_start3A_1030, %dma_start3A_1035] : memref<2x1600xi32, #tpu.memory_space<vmem>> -> memref<1x1600xi32, #tpu.memory_space<vmem>>
    %dma_start3A_1037 = tpu.memref_squeeze %dma_start3A_1036 : memref<1x1600xi32, #tpu.memory_space<vmem>> -> memref<1600xi32, #tpu.memory_space<vmem>>
    %dma_start3A_1038 = tpu.memref_slice %arg2[%add3A_1029] : memref<819200xi32, #tpu.memory_space<hbm>> -> memref<1600xi32, #tpu.memory_space<hbm>>
    tpu.enqueue_dma source(%dma_start3A_1038 : memref<1600xi32, #tpu.memory_space<hbm>>) target(%dma_start3A_1037 : memref<1600xi32, #tpu.memory_space<vmem>>) target_semaphore(%arg8 : memref<!tpu.dma_semaphore, #tpu.memory_space<semaphore_mem>>)
    %dma_wait3A_1039 = arith.constant 1 : i32
    %dma_wait3A_1040 = arith.constant 0 : i32
    %dma_wait3A_1041 = tpu.memref_slice %arg5[%dma_wait3A_1039, %dma_wait3A_1040] : memref<2x1600xi32, #tpu.memory_space<vmem>> -> memref<1x1600xi32, #tpu.memory_space<vmem>>
    %dma_wait3A_1042 = tpu.memref_squeeze %dma_wait3A_1041 : memref<1x1600xi32, #tpu.memory_space<vmem>> -> memref<1600xi32, #tpu.memory_space<vmem>>
    %dma_wait3A_1043 = tpu.memref_slice %arg2[%add3A_1029] : memref<819200xi32, #tpu.memory_space<hbm>> -> memref<1600xi32, #tpu.memory_space<hbm>>
    %dma_wait3A_1044 = arith.constant 0 : i32
    %dma_wait3A_1045 = tpu.memref_slice %arg5[%dma_wait3A_1039, %dma_wait3A_1044] : memref<2x1600xi32, #tpu.memory_space<vmem>> -> memref<1x1600xi32, #tpu.memory_space<vmem>>
    %dma_wait3A_1046 = tpu.memref_squeeze %dma_wait3A_1045 : memref<1x1600xi32, #tpu.memory_space<vmem>> -> memref<1600xi32, #tpu.memory_space<vmem>>
    %dma_wait3A_1047 = tpu.memref_slice %arg2[%add3A_1029] : memref<819200xi32, #tpu.memory_space<hbm>> -> memref<1600xi32, #tpu.memory_space<hbm>>
    tpu.wait_dma2 semaphore(%arg8 : memref<!tpu.dma_semaphore, #tpu.memory_space<semaphore_mem>>) src(%dma_wait3A_1047 : memref<1600xi32, #tpu.memory_space<hbm>>) dst(%dma_wait3A_1046 : memref<1600xi32, #tpu.memory_space<vmem>>)
    %dma_wait3A_1048 = arith.constant 1 : i32
    %dma_wait3A_1049 = arith.constant 0 : i32
    %dma_wait3A_1050 = arith.constant 0 : i32
    %dma_wait3A_1051 = tpu.memref_slice %arg6[%dma_wait3A_1048, %dma_wait3A_1049, %dma_wait3A_1050] : memref<2x1600x32xf32, #tpu.memory_space<vmem>> -> memref<1x1600x32xf32, #tpu.memory_space<vmem>>
    %dma_wait3A_1052 = tpu.memref_squeeze %dma_wait3A_1051 : memref<1x1600x32xf32, #tpu.memory_space<vmem>> -> memref<1600x32xf32, #tpu.memory_space<vmem>>
    %dma_wait3A_1053 = arith.constant 0 : i32
    %dma_wait3A_1054 = tpu.memref_slice %arg4[%add3A_1014, %dma_wait3A_1053] : memref<819200x32xf32, #tpu.memory_space<hbm>> -> memref<1600x32xf32, #tpu.memory_space<hbm>>
    %dma_wait3A_1055 = arith.constant 0 : i32
    %dma_wait3A_1056 = tpu.memref_slice %arg4[%add3A_1014, %dma_wait3A_1055] : memref<819200x32xf32, #tpu.memory_space<hbm>> -> memref<1600x32xf32, #tpu.memory_space<hbm>>
    %dma_wait3A_1057 = arith.constant 0 : i32
    %dma_wait3A_1058 = arith.constant 0 : i32
    %dma_wait3A_1059 = tpu.memref_slice %arg6[%dma_wait3A_1048, %dma_wait3A_1057, %dma_wait3A_1058] : memref<2x1600x32xf32, #tpu.memory_space<vmem>> -> memref<1x1600x32xf32, #tpu.memory_space<vmem>>
    %dma_wait3A_1060 = tpu.memref_squeeze %dma_wait3A_1059 : memref<1x1600x32xf32, #tpu.memory_space<vmem>> -> memref<1600x32xf32, #tpu.memory_space<vmem>>
    tpu.wait_dma2 semaphore(%arg12 : memref<!tpu.dma_semaphore, #tpu.memory_space<semaphore_mem>>) src(%dma_wait3A_1060 : memref<1600x32xf32, #tpu.memory_space<vmem>>) dst(%dma_wait3A_1056 : memref<1600x32xf32, #tpu.memory_space<hbm>>)
    %dma_start3A_1061 = arith.constant 1 : i32
    %dma_start3A_1062 = arith.constant 1 : i32
    %dma_start3A_1063 = arith.constant 0 : i32
    %dma_start3A_1064 = arith.constant 0 : i32
    %dma_start3A_1065 = tpu.memref_slice %arg6[%dma_start3A_1062, %dma_start3A_1063, %dma_start3A_1064] : memref<2x1600x32xf32, #tpu.memory_space<vmem>> -> memref<1x1600x32xf32, #tpu.memory_space<vmem>>
    %dma_start3A_1066 = tpu.memref_squeeze %dma_start3A_1065 : memref<1x1600x32xf32, #tpu.memory_space<vmem>> -> memref<1600x32xf32, #tpu.memory_space<vmem>>
    %dma_start3A_1067 = arith.constant 0 : i32
    %dma_start3A_1068 = tpu.memref_slice %arg5[%dma_start3A_1061, %dma_start3A_1067] : memref<2x1600xi32, #tpu.memory_space<vmem>> -> memref<1x1600xi32, #tpu.memory_space<vmem>>
    %dma_start3A_1069 = tpu.memref_squeeze %dma_start3A_1068 : memref<1x1600xi32, #tpu.memory_space<vmem>> -> memref<1600xi32, #tpu.memory_space<vmem>>
    %dma_start3A_1070 = arith.constant 0 : i32
    %dma_start3A_1071 = arith.constant 0 : i32
    %dma_start3A_1072 = tpu.memref_slice %arg3[%dma_start3A_1070, %dma_start3A_1071] : memref<1000000x32xf32, #tpu.memory_space<hbm>> -> memref<1000000x32xf32, #tpu.memory_space<hbm>>
    tpu.enqueue_indirect_dma source(%dma_start3A_1072 : memref<1000000x32xf32, #tpu.memory_space<hbm>>) target(%dma_start3A_1066 : memref<1600x32xf32, #tpu.memory_space<vmem>>) offsets(%dma_start3A_1069 : memref<1600xi32, #tpu.memory_space<vmem>>) semaphore(%arg10 : memref<!tpu.dma_semaphore, #tpu.memory_space<semaphore_mem>>)
    %dma_wait3A_1073 = arith.constant 0 : i32
    %dma_wait3A_1074 = arith.constant 0 : i32
    %dma_wait3A_1075 = arith.constant 0 : i32
    %dma_wait3A_1076 = arith.constant 0 : i32
    %dma_wait3A_1077 = tpu.memref_slice %arg6[%dma_wait3A_1074, %dma_wait3A_1075, %dma_wait3A_1076] : memref<2x1600x32xf32, #tpu.memory_space<vmem>> -> memref<1x1600x32xf32, #tpu.memory_space<vmem>>
    %dma_wait3A_1078 = tpu.memref_squeeze %dma_wait3A_1077 : memref<1x1600x32xf32, #tpu.memory_space<vmem>> -> memref<1600x32xf32, #tpu.memory_space<vmem>>
    %dma_wait3A_1079 = arith.constant 0 : i32
    %dma_wait3A_1080 = tpu.memref_slice %arg5[%dma_wait3A_1073, %dma_wait3A_1079] : memref<2x1600xi32, #tpu.memory_space<vmem>> -> memref<1x1600xi32, #tpu.memory_space<vmem>>
    %dma_wait3A_1081 = tpu.memref_squeeze %dma_wait3A_1080 : memref<1x1600xi32, #tpu.memory_space<vmem>> -> memref<1600xi32, #tpu.memory_space<vmem>>
    %dma_wait3A_1082 = arith.constant 0 : i32
    %dma_wait3A_1083 = arith.constant 0 : i32
    %dma_wait3A_1084 = tpu.memref_slice %arg3[%dma_wait3A_1082, %dma_wait3A_1083] : memref<1000000x32xf32, #tpu.memory_space<hbm>> -> memref<1000000x32xf32, #tpu.memory_space<hbm>>
    tpu.wait_indirect_dma semaphore(%arg9 : memref<!tpu.dma_semaphore, #tpu.memory_space<semaphore_mem>>) src(%dma_wait3A_1084 : memref<1000000x32xf32, #tpu.memory_space<hbm>>) dst(%dma_wait3A_1078 : memref<1600x32xf32, #tpu.memory_space<vmem>>)
    %add3A_1085 = arith.constant 22400 : i32
    %add3A_1086 = arith.addi %mul3A_2, %add3A_1085 : i32
    %dma_start3A_1087 = arith.constant 0 : i32
    %dma_start3A_1088 = arith.constant 0 : i32
    %dma_start3A_1089 = arith.constant 0 : i32
    %dma_start3A_1090 = tpu.memref_slice %arg6[%dma_start3A_1087, %dma_start3A_1088, %dma_start3A_1089] : memref<2x1600x32xf32, #tpu.memory_space<vmem>> -> memref<1x1600x32xf32, #tpu.memory_space<vmem>>
    %dma_start3A_1091 = tpu.memref_squeeze %dma_start3A_1090 : memref<1x1600x32xf32, #tpu.memory_space<vmem>> -> memref<1600x32xf32, #tpu.memory_space<vmem>>
    %dma_start3A_1092 = arith.constant 0 : i32
    %dma_start3A_1093 = tpu.memref_slice %arg4[%add3A_1086, %dma_start3A_1092] : memref<819200x32xf32, #tpu.memory_space<hbm>> -> memref<1600x32xf32, #tpu.memory_space<hbm>>
    %dma_start3A_1094 = arith.constant 0 : i32
    %dma_start3A_1095 = tpu.memref_slice %arg4[%add3A_1086, %dma_start3A_1094] : memref<819200x32xf32, #tpu.memory_space<hbm>> -> memref<1600x32xf32, #tpu.memory_space<hbm>>
    %dma_start3A_1096 = arith.constant 0 : i32
    %dma_start3A_1097 = arith.constant 0 : i32
    %dma_start3A_1098 = tpu.memref_slice %arg6[%dma_start3A_1087, %dma_start3A_1096, %dma_start3A_1097] : memref<2x1600x32xf32, #tpu.memory_space<vmem>> -> memref<1x1600x32xf32, #tpu.memory_space<vmem>>
    %dma_start3A_1099 = tpu.memref_squeeze %dma_start3A_1098 : memref<1x1600x32xf32, #tpu.memory_space<vmem>> -> memref<1600x32xf32, #tpu.memory_space<vmem>>
    tpu.enqueue_dma source(%dma_start3A_1099 : memref<1600x32xf32, #tpu.memory_space<vmem>>) target(%dma_start3A_1095 : memref<1600x32xf32, #tpu.memory_space<hbm>>) target_semaphore(%arg11 : memref<!tpu.dma_semaphore, #tpu.memory_space<semaphore_mem>>)
    %dma_wait3A_1100 = arith.constant 1 : i32
    %dma_wait3A_1101 = arith.constant 1 : i32
    %dma_wait3A_1102 = arith.constant 0 : i32
    %dma_wait3A_1103 = arith.constant 0 : i32
    %dma_wait3A_1104 = tpu.memref_slice %arg6[%dma_wait3A_1101, %dma_wait3A_1102, %dma_wait3A_1103] : memref<2x1600x32xf32, #tpu.memory_space<vmem>> -> memref<1x1600x32xf32, #tpu.memory_space<vmem>>
    %dma_wait3A_1105 = tpu.memref_squeeze %dma_wait3A_1104 : memref<1x1600x32xf32, #tpu.memory_space<vmem>> -> memref<1600x32xf32, #tpu.memory_space<vmem>>
    %dma_wait3A_1106 = arith.constant 0 : i32
    %dma_wait3A_1107 = tpu.memref_slice %arg5[%dma_wait3A_1100, %dma_wait3A_1106] : memref<2x1600xi32, #tpu.memory_space<vmem>> -> memref<1x1600xi32, #tpu.memory_space<vmem>>
    %dma_wait3A_1108 = tpu.memref_squeeze %dma_wait3A_1107 : memref<1x1600xi32, #tpu.memory_space<vmem>> -> memref<1600xi32, #tpu.memory_space<vmem>>
    %dma_wait3A_1109 = arith.constant 0 : i32
    %dma_wait3A_1110 = arith.constant 0 : i32
    %dma_wait3A_1111 = tpu.memref_slice %arg3[%dma_wait3A_1109, %dma_wait3A_1110] : memref<1000000x32xf32, #tpu.memory_space<hbm>> -> memref<1000000x32xf32, #tpu.memory_space<hbm>>
    tpu.wait_indirect_dma semaphore(%arg10 : memref<!tpu.dma_semaphore, #tpu.memory_space<semaphore_mem>>) src(%dma_wait3A_1111 : memref<1000000x32xf32, #tpu.memory_space<hbm>>) dst(%dma_wait3A_1105 : memref<1600x32xf32, #tpu.memory_space<vmem>>)
    %add3A_1112 = arith.constant 24000 : i32
    %add3A_1113 = arith.addi %mul3A_2, %add3A_1112 : i32
    %dma_start3A_1114 = arith.constant 1 : i32
    %dma_start3A_1115 = arith.constant 0 : i32
    %dma_start3A_1116 = arith.constant 0 : i32
    %dma_start3A_1117 = tpu.memref_slice %arg6[%dma_start3A_1114, %dma_start3A_1115, %dma_start3A_1116] : memref<2x1600x32xf32, #tpu.memory_space<vmem>> -> memref<1x1600x32xf32, #tpu.memory_space<vmem>>
    %dma_start3A_1118 = tpu.memref_squeeze %dma_start3A_1117 : memref<1x1600x32xf32, #tpu.memory_space<vmem>> -> memref<1600x32xf32, #tpu.memory_space<vmem>>
    %dma_start3A_1119 = arith.constant 0 : i32
    %dma_start3A_1120 = tpu.memref_slice %arg4[%add3A_1113, %dma_start3A_1119] : memref<819200x32xf32, #tpu.memory_space<hbm>> -> memref<1600x32xf32, #tpu.memory_space<hbm>>
    %dma_start3A_1121 = arith.constant 0 : i32
    %dma_start3A_1122 = tpu.memref_slice %arg4[%add3A_1113, %dma_start3A_1121] : memref<819200x32xf32, #tpu.memory_space<hbm>> -> memref<1600x32xf32, #tpu.memory_space<hbm>>
    %dma_start3A_1123 = arith.constant 0 : i32
    %dma_start3A_1124 = arith.constant 0 : i32
    %dma_start3A_1125 = tpu.memref_slice %arg6[%dma_start3A_1114, %dma_start3A_1123, %dma_start3A_1124] : memref<2x1600x32xf32, #tpu.memory_space<vmem>> -> memref<1x1600x32xf32, #tpu.memory_space<vmem>>
    %dma_start3A_1126 = tpu.memref_squeeze %dma_start3A_1125 : memref<1x1600x32xf32, #tpu.memory_space<vmem>> -> memref<1600x32xf32, #tpu.memory_space<vmem>>
    tpu.enqueue_dma source(%dma_start3A_1126 : memref<1600x32xf32, #tpu.memory_space<vmem>>) target(%dma_start3A_1122 : memref<1600x32xf32, #tpu.memory_space<hbm>>) target_semaphore(%arg12 : memref<!tpu.dma_semaphore, #tpu.memory_space<semaphore_mem>>)
    %dma_wait3A_1127 = arith.constant 0 : i32
    %dma_wait3A_1128 = arith.constant 0 : i32
    %dma_wait3A_1129 = arith.constant 0 : i32
    %dma_wait3A_1130 = tpu.memref_slice %arg6[%dma_wait3A_1127, %dma_wait3A_1128, %dma_wait3A_1129] : memref<2x1600x32xf32, #tpu.memory_space<vmem>> -> memref<1x1600x32xf32, #tpu.memory_space<vmem>>
    %dma_wait3A_1131 = tpu.memref_squeeze %dma_wait3A_1130 : memref<1x1600x32xf32, #tpu.memory_space<vmem>> -> memref<1600x32xf32, #tpu.memory_space<vmem>>
    %dma_wait3A_1132 = arith.constant 0 : i32
    %dma_wait3A_1133 = tpu.memref_slice %arg4[%add3A_1086, %dma_wait3A_1132] : memref<819200x32xf32, #tpu.memory_space<hbm>> -> memref<1600x32xf32, #tpu.memory_space<hbm>>
    %dma_wait3A_1134 = arith.constant 0 : i32
    %dma_wait3A_1135 = tpu.memref_slice %arg4[%add3A_1086, %dma_wait3A_1134] : memref<819200x32xf32, #tpu.memory_space<hbm>> -> memref<1600x32xf32, #tpu.memory_space<hbm>>
    %dma_wait3A_1136 = arith.constant 0 : i32
    %dma_wait3A_1137 = arith.constant 0 : i32
    %dma_wait3A_1138 = tpu.memref_slice %arg6[%dma_wait3A_1127, %dma_wait3A_1136, %dma_wait3A_1137] : memref<2x1600x32xf32, #tpu.memory_space<vmem>> -> memref<1x1600x32xf32, #tpu.memory_space<vmem>>
    %dma_wait3A_1139 = tpu.memref_squeeze %dma_wait3A_1138 : memref<1x1600x32xf32, #tpu.memory_space<vmem>> -> memref<1600x32xf32, #tpu.memory_space<vmem>>
    tpu.wait_dma2 semaphore(%arg11 : memref<!tpu.dma_semaphore, #tpu.memory_space<semaphore_mem>>) src(%dma_wait3A_1139 : memref<1600x32xf32, #tpu.memory_space<vmem>>) dst(%dma_wait3A_1135 : memref<1600x32xf32, #tpu.memory_space<hbm>>)
    %dma_wait3A_1140 = arith.constant 1 : i32
    %dma_wait3A_1141 = arith.constant 0 : i32
    %dma_wait3A_1142 = arith.constant 0 : i32
    %dma_wait3A_1143 = tpu.memref_slice %arg6[%dma_wait3A_1140, %dma_wait3A_1141, %dma_wait3A_1142] : memref<2x1600x32xf32, #tpu.memory_space<vmem>> -> memref<1x1600x32xf32, #tpu.memory_space<vmem>>
    %dma_wait3A_1144 = tpu.memref_squeeze %dma_wait3A_1143 : memref<1x1600x32xf32, #tpu.memory_space<vmem>> -> memref<1600x32xf32, #tpu.memory_space<vmem>>
    %dma_wait3A_1145 = arith.constant 0 : i32
    %dma_wait3A_1146 = tpu.memref_slice %arg4[%add3A_1113, %dma_wait3A_1145] : memref<819200x32xf32, #tpu.memory_space<hbm>> -> memref<1600x32xf32, #tpu.memory_space<hbm>>
    %dma_wait3A_1147 = arith.constant 0 : i32
    %dma_wait3A_1148 = tpu.memref_slice %arg4[%add3A_1113, %dma_wait3A_1147] : memref<819200x32xf32, #tpu.memory_space<hbm>> -> memref<1600x32xf32, #tpu.memory_space<hbm>>
    %dma_wait3A_1149 = arith.constant 0 : i32
    %dma_wait3A_1150 = arith.constant 0 : i32
    %dma_wait3A_1151 = tpu.memref_slice %arg6[%dma_wait3A_1140, %dma_wait3A_1149, %dma_wait3A_1150] : memref<2x1600x32xf32, #tpu.memory_space<vmem>> -> memref<1x1600x32xf32, #tpu.memory_space<vmem>>
    %dma_wait3A_1152 = tpu.memref_squeeze %dma_wait3A_1151 : memref<1x1600x32xf32, #tpu.memory_space<vmem>> -> memref<1600x32xf32, #tpu.memory_space<vmem>>
    tpu.wait_dma2 semaphore(%arg12 : memref<!tpu.dma_semaphore, #tpu.memory_space<semaphore_mem>>) src(%dma_wait3A_1152 : memref<1600x32xf32, #tpu.memory_space<vmem>>) dst(%dma_wait3A_1148 : memref<1600x32xf32, #tpu.memory_space<hbm>>)
    return
  }
}

</mosaic_0001>

<sc_bundles>
// kernel: kernel.4.cloned.1.call-start
scs
__scs_entry_jumppad:
0x0: {  	(pc) =	sbr.rel $0x88, $3  }
0x1: {  	(tag) =	ssettag $0x0;
	lr =	simm.s32 $0x1  }
0x2: {  	[smem:$0x3F9F] =	sst lr;
	_ =	strace $0xD0000000  }
0x3: {  	_ = 	snop  }
0x4: {  	_ = 	snop  }
0x5: {  	_ = 	snop  }
0x6: {  	_ = 	snop  }
0x7: {  	_ = 	snop  }
__scs_overlays_trampoline_lowered:
0x8: {  	[smem:$0x3FAE] =	sst s0  }
0x9: {  	[smem:$0x3FAF] =	sst s1  }
0xa: {  	[smem:$0x3FB0] =	sst s2  }
0xb: {  	[smem:$0x3FB1] =	sst s3  }
0xc: {  	[smem:$0x3FB2] =	sst s4  }
0xd: {  	[smem:$0x3FB3] =	sst s5  }
0xe: {  	[smem:$0x3FB4] =	sst s6  }
0xf: {  	[smem:$0x3FB5] =	sst s7  }
0x10: {  	[smem:$0x3FB6] =	sst s8  }
0x11: {  	[smem:$0x3FB7] =	sst s9;
	s0 =	simm.s32 @!p0 $0x0  }
0x12: {  	s1 =	sld [smem:$0x3F9D];
	s0 =	simm.s32 @p0 $0x1  }
0x13: {  	[smem:$0x3FB8] =	sst s0;
	s0 =	simm.s32 @!p1 $0x0  }
0x14: {  	s2 =	sld [smem:$0x3F9C];
	s0 =	simm.s32 @p1 $0x1  }
0x15: {  	[smem:$0x3FB9] =	sst s0;
	s0 =	simm.s32 @!p2 $0x0  }
0x16: {  	s3 =	sld [smem:$0x3FDB];
	s0 =	simm.s32 @p2 $0x1  }
0x17: {  	s4 =	simm.s32 $0x1BF5;
	[smem:$0x3FBB] =	sst s0  }
0x18: {  	s0 =	sld [smem:$0x3F9E];
	_ =	swait.ge [sflag:s4], $0x0  }
0x19: {  	s7 =	sld [smem:$0x3F9F]  }
0x1a: {  	s8 =	sadd.s32 $0xFFFFE003, lr  }
0x1b: {  	s9 =	sadd.s32 $0xFFFFFEF7, lr;
	s5 =	simm.s32 $0xFFFFFFFF;
	p2 =	slt.u32 s8, $0xFFFFF086  }
0x1c: {  	p1 =	slt.u32 s9, $0xF7A;
	s5 =	simm.s32 @!p2 $0x0  }
0x1d: {  	s5 =	simm.s32 @p1 $0x1;
	p0 =	seq.s32 s7, s2  }
0x1e: {  	s7 =	smul.u32 @!p0 $0xF7A, s2;
	p2 =	seq.s32 @!p0 s5, $0x0  }
0x1f: {  	s9 =	smul.u32 $0xF7A, s1;
	s8 =	simm.s32 @!p0 $0x1BF5;
	p2 =	por !p2, p0  }
0x20: {  	[sflag:s8] =	ssyncset.s32 @!p0 $0xFFFFF086;
	s6 =	sadd.s32 @!p0 s3, s7;
	s7 =	simm.s32 @!p0 $0x108  }
0x21: {  	s3 =	sadd.s32 s3, s9;
	s6 =	sadd.s32 @!p0 $0x88, s6;
	s7 =	simm.s32 @p2 $0x1082  }
0x22: {  	[simem:s7], [sflag:s8] =	dma.local @!p0 [hbm:s6], $0xF7A  }
0x23: {  	s9 =	sor.u32 $0xD0000000, s2;
	s6 =	simm.s32 $0x108;
	_ =	swait.ge @!p0 [sflag:s8], $0x0  }
0x24: {  	s3 =	sadd.s32 $0x88, s3;
	s6 =	simm.s32 @!p1 $0x1082;
	[sflag:s4] =	ssyncset.s32 $0xFFFFF086  }
0x25: {  	[simem:s6], [sflag:s4] =	dma.local [hbm:s3], $0xF7A  }
0x26: {  	[smem:$0x3F9F] =	sst s1;
	(tag) =	ssettag s2;
	_ =	strace s9  }
0x27: {  	s1 =	sld [smem:$0x3FAF]  }
0x28: {  	s2 =	sld [smem:$0x3FB0]  }
0x29: {  	s4 =	sld [smem:$0x3FB2]  }
0x2a: {  	p0 =	seq.s32 s5, $0x0;
	s5 =	sld [smem:$0x3FB3]  }
0x2b: {  	s6 =	sld [smem:$0x3FB4]  }
0x2c: {  	s7 =	sld [smem:$0x3FB5]  }
0x2d: {  	s3 =	simm.s32 $0x108;
	s8 =	sld [smem:$0x3FB6]  }
0x2e: {  	s3 =	simm.s32 @!p0 $0x1082;
	s9 =	sld [smem:$0x3FB7]  }
0x2f: {  	lr =	sadd.s32 s0, s3;
	s0 =	sld [smem:$0x3FAE]  }
0x30: {  	s3 =	sld [smem:$0x3FB1]  }
0x31: {  	[smem:$0x3FBA] =	sst s10  }
0x32: {  	s10 =	sld [smem:$0x3FB8];
	_ =	sdelay $0x3  }
0x33: {  	p0 =	seq.s32 s10, $0x1;
	s10 =	sld [smem:$0x3FBA];
	_ =	sdelay $0x3  }
0x34: {  	[smem:$0x3FBA] =	sst s10  }
0x35: {  	s10 =	sld [smem:$0x3FB9];
	_ =	sdelay $0x3  }
0x36: {  	p1 =	seq.s32 s10, $0x1;
	s10 =	sld [smem:$0x3FBA];
	_ =	sdelay $0x3  }
0x37: {  	[smem:$0x3FBA] =	sst s10  }
0x38: {  	s10 =	sld [smem:$0x3FBB]  }
0x39: {  	_ = 	snop;
	(pc) =	sbr.ind lr, $3  }
0x3a: {  	_ = 	snop  }
0x3b: {  	_ = 	snop  }
0x3c: {  	p2 =	seq.s32 s10, $0x1;
	s10 =	sld [smem:$0x3FBA]  }
0x3d: {  	_ =	shalt  }
0x3e: {  	_ =	shalt  }
0x3f: {  	_ =	shalt  }
0x40: {  	_ =	shalt  }
0x41: {  	_ =	shalt  }
0x42: {  	_ =	shalt  }
0x43: {  	_ =	shalt  }
0x44: {  	_ =	shalt  }
0x45: {  	_ =	shalt  }
0x46: {  	_ =	shalt  }
0x47: {  	_ =	shalt  }
0x48: {  	_ =	shalt  }
0x49: {  	_ =	shalt  }
0x4a: {  	_ =	shalt  }
0x4b: {  	_ =	shalt  }
0x4c: {  	_ =	shalt  }
0x4d: {  	_ =	shalt  }
0x4e: {  	_ =	shalt  }
0x4f: {  	_ =	shalt  }
0x50: {  	_ =	shalt  }
0x51: {  	_ =	shalt  }
0x52: {  	_ =	shalt  }
0x53: {  	_ =	shalt  }
0x54: {  	_ =	shalt  }
0x55: {  	_ =	shalt  }
0x56: {  	_ =	shalt  }
0x57: {  	_ =	shalt  }
0x58: {  	_ =	shalt  }
0x59: {  	_ =	shalt  }
0x5a: {  	_ =	shalt  }
0x5b: {  	_ =	shalt  }
0x5c: {  	_ =	shalt  }
0x5d: {  	_ =	shalt  }
0x5e: {  	_ =	shalt  }
0x5f: {  	_ =	shalt  }
0x60: {  	_ =	shalt  }
0x61: {  	_ =	shalt  }
0x62: {  	_ =	shalt  }
0x63: {  	_ =	shalt  }
0x64: {  	_ =	shalt  }
0x65: {  	_ =	shalt  }
0x66: {  	_ =	shalt  }
0x67: {  	_ =	shalt  }
0x68: {  	_ =	shalt  }
0x69: {  	_ =	shalt  }
0x6a: {  	_ =	shalt  }
0x6b: {  	_ =	shalt  }
0x6c: {  	_ =	shalt  }
0x6d: {  	_ =	shalt  }
0x6e: {  	_ =	shalt  }
0x6f: {  	_ =	shalt  }
0x70: {  	_ =	shalt  }
0x71: {  	_ =	shalt  }
0x72: {  	_ =	shalt  }
0x73: {  	_ =	shalt  }
0x74: {  	_ =	shalt  }
0x75: {  	_ =	shalt  }
0x76: {  	_ =	shalt  }
0x77: {  	_ =	shalt  }
0x78: {  	_ =	shalt  }
0x79: {  	_ =	shalt  }
0x7a: {  	_ =	shalt  }
0x7b: {  	_ =	shalt  }
0x7c: {  	_ =	shalt  }
0x7d: {  	_ =	shalt  }
0x7e: {  	_ =	shalt  }
0x7f: {  	_ =	shalt  }
0x80: {  	_ =	shalt  }
0x81: {  	_ =	shalt  }
0x82: {  	_ =	shalt  }
0x83: {  	_ =	shalt  }
0x84: {  	_ =	shalt  }
0x85: {  	_ =	shalt  }
0x86: {  	_ =	shalt  }
0x87: {  	_ =	shalt  }
.Lfunc_end0:
.L_simem_size_0:
called_computation.1_lowered:
.L_overlay_start_0:
0x88: {  	s2 =	sld [smem:$0x3FD9]  }
0x89: {  	s3 =	sld [smem:$0x3FFE];
	_ =	sdelay $0x1  }
0x8a: {  	s1 =	srdreg.scid  }
0x8b: {  	s0 =	sand.u32 $0x1, s1  }
0x8c: {  	s17 =	sshll.u32 s0, $0xA;
	s2 =	sadd.s32 s3, s2  }
0x8d: {  	s2 =	sadd.s32 s2, s17  }
0x8e: {  	[smem:$0x3FC6] =	sst s2  }
0x8f: {  	_ = 	snop  }
0x90: {  	s2 =	sld [smem:$0x3FC8];
	(tm) =	ssettm $0x1  }
0x91: {  	s18 =	sld [smem:$0x3FFB];
	_ =	sdelay $0x3  }
0x92: {  	_ =	strace s18  }
0x93: {  	s3 =	sld [smem:$0x3FFC];
	_ =	sdelay $0x3  }
0x94: {  	_ =	strace s3  }
0x95: {  	s3 =	sld [smem:$0x3FFD];
	_ =	sdelay $0x3  }
0x96: {  	_ =	strace s3  }
0x97: {  	_ =	strace $0x8FFFFFFF  }
0x98: {  	s19 =	sld [smem:$0x3FDB];
	_ =	sdelay $0x1  }
0x99: {  	s4 =	simm.s32 $_scs_section_size  }
0x9a: {  	s5 =	simm.s32 $_size__tile_overlayer_lowered;
	s6 =	simm.s32 $_tile_overlayer_lowered  }
0x9b: {  	s22 =	simm.s32 $0x1BFF;
	s21 =	sshll.u32 s6, $0x1;
	s3 =	sadd.s32 s4, s19  }
0x9c: {  	s7 =	simm.s32 $0x0;
	s20 =	sshll.u32 s5, $0x1;
	s5 =	sadd.s32 s21, s3  }
0x9d: {  	[timem:s7], [sflag:s22] =	dma.local [hbm:s5], s20  }
0x9e: {  	_ =	swait.ge [sflag:s22], s20  }
0x9f: {  	s4 =	ssub.s32 $0x0, s20;
	[sflag:s22] =	ssyncset.done $0x0  }
0xa0: {  	[sflag:s22] =	ssyncadd.s32 s4;
	_ =	sdelay $0x1  }
0xa1: {  	s23 =	simm.s32 $0x1B8B  }
0xa2: {  	_ =	swait.ge [sflag:s23], $0x1  }
0xa3: {  	[sflag:s23] =	ssyncset.done $0x0  }
0xa4: {  	s25 =	simm.s32 $0x1B8E;
	s24 =	sld [smem:$0x3FFE];
	[sflag:s23] =	ssyncadd.s32 $0xFFFFFFFF  }
0xa5: {  	s26 =	simm.s32 $execute0_lowered;
	[smem:$0x3FD2] =	sst s25  }
0xa6: {  	s5 =	sshll.u32 s26, $0x1;
	_ =	strace $0x80000046;
	[dreg:$0x1] =	wrdreg $0xFFFFFFFF  }
0xa7: {  	s28 =	simm.s32 $_size_execute0_lowered;
	s3 =	sadd.s32 s3, s5;
	[dreg:$0x0] =	wrdreg $0x0  }
0xa8: {  	s5 =	sshll.u32 s28, $0x1;
	[dreg:$0x2] =	wrdreg s3  }
0xa9: {  	[dreg:$0x3] =	wrdreg s5  }
0xaa: {  	[dreg:$0x4] =	wrdreg $0xC0  }
0xab: {  	_ =	task [dreg:s7], $0x5FFFF  }
0xac: {  	[dreg:$0x1] =	wrdreg $0xFFFFFFFF  }
0xad: {  	[dreg:$0x0] =	wrdreg $0x60  }
0xae: {  	[dreg:$0x2] =	wrdreg s2  }
0xaf: {  	[dreg:$0x3] =	wrdreg s24  }
0xb0: {  	[dreg:$0x4] =	wrdreg $0x9  }
0xb1: {  	_ =	task.clear_ibuf [dreg:s7], $0x5FFFF;
	_ =	strace $0x90000046  }
0xb2: {  	s29 =	simm.s32 $0x9;
	_ =	strace $0x80000048  }
0xb3: {  	_ =	swait.ge [sflag:s29], $0x1  }
0xb4: {  	[sflag:s29] =	ssyncadd.s32 $0xFFFFFFFF  }
0xb5: {  	_ =	strace $0x90000048  }
0xb6: {  	_ =	sfence  }
0xb7: {  	s30 =	sld [smem:$0x0];
	_ =	sdelay $0x2  }
0xb8: {  	s31 =	sshll.u32 s1, $0xD;
	s1 =	sshrl.u32 s1, $0x2  }
0xb9: {  	s3 =	sand.u32 $0x4000, s31;
	s1 =	sadd.s32 s1, s30  }
0xba: {  	s0 =	sor.u32 s3, s0;
	s1 =	sshll.u32 s1, $0x11  }
0xbb: {  	s0 =	sor.u32 s1, s0  }
0xbc: {  	s0 =	sadd.s32 $0x8F2B, s0  }
0xbd: {  	[sflag:s0] =	ssyncadd.remote.s32 $0x1  }
0xbe: {  	_ =	sfence.sel $0xFFFF  }
0xbf: {  	[dreg:$0x0] =	wrdreg $0xFFFFFFFF;
	(pc) =	sbr.abs _section_cstart, $3  }
0xc0: {  	[dreg:$0x1] =	wrdreg $0xFFFFFFFF  }
0xc1: {  	_ =	task.clear_ibuf [dreg:s7], $0x2FFFF;
	_ =	strace $0x9FFFFFFF  }
0xc2: {  	(tm) =	ssettm $0x7FFFFFFF  }
0xc3: {  	_ =	shalt  }
tec
execute0_lowered:
.L_overlay_start_1:
0x0: {  	(tag) =	ssettag $0x1  }
0x1: {  	s0 =	rddreg [dreg:$0x0]  }
0x2: {  	s1 =	srdreg.scid;
	s2 =	stileid.u32  }
0x3: {  	s3 =	rddreg [dreg:$0x1];
	s10 =	simm.s32 $0x0;
	s1 =	sand.u32 $0x1, s1  }
0x4: {  	s4 =	sshll.u32 s2, $0x1;
	[smem:$0x7FF] =	sst s10;
	s3 =	sadd.s32 $0xE00, s3  }
0x5: {  	s21 =	sadd.s32 $0x180, s0;
	s4 =	sor.u32 s1, s4;
	s1 =	ssub.s32 $0x2, s1  }
0x6: {  	_ =	strace $0x80000047;
	[dreg:$0x16] =	wrdreg s21;
	s5 =	smul.u32 $0x7A00, s4  }
0x7: {  	s6 =	sshrl.u32 s1, $0x1;
	s16 =	smul.u32 $0xF4, s4;
	s4 =	sor.u32 $0x1E80, s4  }
0x8: {  	[dreg:$0xf] =	wrdreg s3;
	s1 =	ssub.s32 s1, s6;
	s22 =	sshll.u32 s4, $0x7  }
0x9: {  	v0 =	vimm.s32 $0xB80;
	vm0 =	vcmask $0x300;
	v1 =	vimm.s32 $0x1B80;
	s5 =	sadd.s32 s0, s5;
	[dreg:$0x11] =	wrdreg s16;
	s0 =	sadd.s32 s0, s22  }
0xa: {  	vm1 =	vcmask $0x704;
	v0 =	vsel vm0, $0x0, v0;
	v1 =	vsel vm0, $0x1000, v1;
	s28 =	smax.u32 s1, $0x1;
	[dreg:$0x18] =	wrdreg s0  }
0xb: {  	vm15 =	vcmask $0xB08;
	v0 =	vsel vm1, $0x80, v0;
	v1 =	vsel vm1, $0x1080, v1;
	[dreg:$0x1d] =	wrdreg s28  }
0xc: {  	vm4 =	vcmask $0xF0C;
	v0 =	vsel vm15, $0x100, v0;
	v1 =	vsel vm15, $0x1100, v1;
	s17 =	sadd.s32 $0x80, s5;
	[dreg:$0x10] =	wrdreg s5  }
0xd: {  	vm5 =	vcmask $0x1310;
	v0 =	vsel vm4, $0x180, v0;
	v1 =	vsel vm4, $0x1180, v1;
	s18 =	sadd.s32 $0x100, s5;
	[dreg:$0x12] =	wrdreg s17  }
0xe: {  	vm6 =	vcmask $0x1714;
	v0 =	vsel vm5, $0x200, v0;
	v1 =	vsel vm5, $0x1200, v1;
	s19 =	sadd.s32 $0x1E8500, s5;
	[dreg:$0x13] =	wrdreg s18  }
0xf: {  	vm7 =	vcmask $0x1B18;
	s20 =	sadd.s32 $0x2DC780, s5;
	v0 =	vsel vm6, $0x280, v0;
	v1 =	vsel vm6, $0x1280, v1;
	[dreg:$0x14] =	wrdreg s19  }
0x10: {  	vm8 =	vcmask $0x1F1C;
	s7 =	sadd.s32 $0x1E8580, s5;
	[dreg:$0x15] =	wrdreg s20;
	v0 =	vsel vm7, $0x300, v0;
	v1 =	vsel vm7, $0x1300, v1  }
0x11: {  	vm9 =	vcmask $0x2320;
	s23 =	sshll.u32 s4, $0x9;
	s24 =	sadd.s32 $0x2DC800, s5;
	[dreg:$0x17] =	wrdreg s7;
	v0 =	vsel vm8, $0x380, v0;
	v1 =	vsel vm8, $0x1380, v1  }
0x12: {  	vm10 =	vcmask $0x2724;
	s0 =	sadd.s32 s3, s23;
	[dreg:$0x19] =	wrdreg s24;
	v0 =	vsel vm9, $0x800, v0;
	v1 =	vsel vm9, $0x1800, v1  }
0x13: {  	vm11 =	vcmask $0x2B28;
	s25 =	sadd.s32 $0xF4280, s5;
	[dreg:$0x1a] =	wrdreg s0;
	v0 =	vsel vm10, $0x880, v0;
	v1 =	vsel vm10, $0x1880, v1  }
.Ltmp0:
0x14: {  	vm12 =	vcmask $0x2F2C;
	s26 =	sadd.s32 $0x1E8600, s5;
	[dreg:$0x1b] =	wrdreg s25;
	v0 =	vsel vm11, $0x900, v0;
	v1 =	vsel vm11, $0x1900, v1;
	(pc) =	sbr.rel .LBB2_1-.Ltmp0, $4  }
0x15: {  	s11 =	simm.s32 $0x6000;
	vm13 =	vcmask $0x3330;
	s29 =	sadd.s32 $0xF4300, s5;
	[dreg:$0x1c] =	wrdreg s26;
	v0 =	vsel vm12, $0x980, v0;
	v1 =	vsel vm12, $0x1980, v1  }
0x16: {  	vm14 =	vcmask $0x3734;
	p0 =	sgt.u32 s2, $0x1;
	s30 =	sadd.s32 $0x2DC880, s5;
	[dreg:$0x1e] =	wrdreg s29;
	v0 =	vsel vm13, $0xA00, v0;
	v1 =	vsel vm13, $0x1A00, v1  }
0x17: {  	s2 =	simm.s32 $0x4000;
	vm15 =	vcmask $0x3B38;
	s31 =	sadd.s32 $0xF4380, s5;
	[dreg:$0x1f] =	wrdreg s30;
	v0 =	vsel vm14, $0xA80, v0;
	v1 =	vsel vm14, $0x1A80, v1  }
0x18: {  	s1 =	simm.s32 $0x0;
	s3 =	simm.s32 $0x2000;
	[smem:$0x7FD] =	sst s31;
	v0 =	vsel vm15, $0xB00, v0;
	v1 =	vsel vm15, $0x1B00, v1  }
.LBB2_15:
0x19: {  	s1 =	sadd.s32 $0x1, s1;
	s0 =	rddreg [dreg:$0x1d]  }
0x1a: {  	p1 =	sne.s32 s1, s0  }
.Ltmp1:
0x1b: {  	_ = 	snop;
	(pc) =	sbr.rel @!p1 .LBB2_16-.Ltmp1, $2  }
0x1c: {  	_ =	sdelay $0x2  }
0x1d: {  	s3 =	simm.s32 $0x2000;
	s2 =	simm.s32 $0x4000  }
.LBB2_1:
0x1e: {  	s0 =	rddreg [dreg:$0x10]  }
0x1f: {  	s9 =	rddreg [dreg:$0x1b]  }
0x20: {  	[tilespmem:s10], [sflag:$0x1] =	stream.linear.gather [hbm4b:s0+s10], $0x400, $0x38;
	[tilespmem:$0xC000] =	vst v63  }
0x21: {  	s12 =	simm.s32 $0x800;
	s13 =	rddreg [dreg:$0x14]  }
0x22: {  	[tilespmem:s12], [sflag:$0x1] =	stream.linear.gather [hbm4b:s9+s10], $0x400, $0x38;
	[tilespmem:$0xC000] =	vst v63  }
0x23: {  	s14 =	simm.s32 $0x1000;
	s15 =	rddreg [dreg:$0x15]  }
0x24: {  	[tilespmem:s14], [sflag:$0x1] =	stream.linear.gather [hbm4b:s13+s10], $0x400, $0x38;
	[tilespmem:$0xC000] =	vst v63  }
0x25: {  	s16 =	simm.s32 $0x1800;
	s17 =	rddreg [dreg:$0x12]  }
0x26: {  	[tilespmem:s16], [sflag:$0x1] =	stream.linear.gather [hbm4b:s15+s10], $0x400, $0x38;
	[tilespmem:$0xC000] =	vst v63  }
0x27: {  	s18 =	rddreg [dreg:$0x1e]  }
0x28: {  	[tilespmem:s3], [sflag:$0x2] =	stream.linear.gather [hbm4b:s17+s10], $0x400, $0x38;
	[tilespmem:$0xC000] =	vst v63  }
0x29: {  	s19 =	simm.s32 $0x2800;
	s20 =	rddreg [dreg:$0x17]  }
0x2a: {  	[tilespmem:s19], [sflag:$0x2] =	stream.linear.gather [hbm4b:s18+s10], $0x400, $0x38;
	[tilespmem:$0xC000] =	vst v63  }
0x2b: {  	s21 =	simm.s32 $0x3000;
	s22 =	rddreg [dreg:$0x19]  }
0x2c: {  	[tilespmem:s21], [sflag:$0x2] =	stream.linear.gather [hbm4b:s20+s10], $0x400, $0x38;
	[tilespmem:$0xC000] =	vst v63  }
0x2d: {  	s23 =	simm.s32 $0x3800;
	s24 =	rddreg [dreg:$0x13]  }
0x2e: {  	[tilespmem:s23], [sflag:$0x2] =	stream.linear.gather [hbm4b:s22+s10], $0x400, $0x38;
	[tilespmem:$0xC000] =	vst v63  }
0x2f: {  	s25 =	sld [smem:$0x7FD]  }
0x30: {  	[tilespmem:s2], [sflag:$0x3] =	stream.linear.gather [hbm4b:s24+s10], $0x400, $0x38;
	[tilespmem:$0xC000] =	vst v63  }
0x31: {  	[smem:$0x7FC] =	sst s1;
	s26 =	simm.s32 $0x4800  }
0x32: {  	[tilespmem:s26], [sflag:$0x3] =	stream.linear.gather [hbm4b:s25+s10], $0x400, $0x38;
	[tilespmem:$0xC000] =	vst v63  }
0x33: {  	s28 =	rddreg [dreg:$0x1c];
	s29 =	simm.s32 $0x5000  }
0x34: {  	[tilespmem:s29], [sflag:$0x3] =	stream.linear.gather [hbm4b:s28+s10], $0x400, $0x38;
	[tilespmem:$0xC000] =	vst v63  }
0x35: {  	s30 =	rddreg [dreg:$0x1f];
	s31 =	simm.s32 $0x5800;
	s2 =	simm.s32 $0x0  }
0x36: {  	[tilespmem:s31], [sflag:$0x3] =	stream.linear.gather [hbm4b:s30+s10], $0x400, $0x38;
	[tilespmem:$0xC000] =	vst v63  }
.LBB2_2:
0x37: {  	s1 =	sshll.u32 s2, $0x2;
	s0 =	rddreg [dreg:$0x11]  }
0x38: {  	s9 =	rddreg [dreg:$0x16];
	s0 =	sadd.s32 s0, s1  }
0x39: {  	[smem:$0x7F9] =	sst s1;
	s1 =	sshll.u32 s0, $0x7  }
0x3a: {  	s1 =	sadd.s32 s1, s9  }
0x3b: {  	[tilespmem:s11], [sflag:$0x4] =	stream.linear.gather [hbm4b:s1+s10], $0x400, $0x38;
	[tilespmem:$0xC000] =	vst v63  }
0x3c: {  	s6 =	sadd.s32 $0xF4280, s1;
	s11 =	simm.s32 $0x6800  }
0x3d: {  	[tilespmem:s11], [sflag:$0x4] =	stream.linear.gather [hbm4b:s6+s10], $0x400, $0x38;
	[tilespmem:$0xC000] =	vst v63  }
0x3e: {  	s13 =	simm.s32 $0x7000;
	s14 =	simm.s32 $0x7800;
	s12 =	sadd.s32 $0x1E8500, s1  }
0x3f: {  	[tilespmem:s13], [sflag:$0x4] =	stream.linear.gather [hbm4b:s12+s10], $0x400, $0x38;
	[tilespmem:$0xC000] =	vst v63  }
0x40: {  	s15 =	simm.s32 $0x1;
	[smem:$0x7FA] =	sst s0;
	s1 =	sadd.s32 $0x2DC780, s1  }
0x41: {  	[tilespmem:s14], [sflag:$0x4] =	stream.linear.gather [hbm4b:s1+s10], $0x400, $0x38;
	[tilespmem:$0xC000] =	vst v63  }
0x42: {  	s16 =	simm.s32 $0x1;
	_ =	swait.ge [sflag:s15], $0x1000  }
0x43: {  	p1 =	seq.s32 s2, $0x0;
	s17 =	simm.s32 $0x1F;
	v2 =	vor.u32 s16, v0;
	[sflag:s15] =	ssyncset.done $0x0  }
0x44: {  	s7 =	simm.s32 @!p1 $0x5;
	v3 =	vor.u32 s17, v0;
	[smem:$0x7FB] =	sst s2;
	[sflag:s15] =	ssyncadd.s32 $0xFFFFF000  }
0x45: {  	v4 =	vor.u32 s17, v1;
	_ =	swait.ge @!p1 [sflag:s7], $0x1000  }
0x46: {  	s18 =	simm.s32 $0x2;
	v5 =	vor.u32 s16, v1;
	[sflag:s7] =	ssyncset.done @!p1 $0x0  }
0x47: {  	s19 =	simm.s32 $0x3;
	v6 =	vor.u32 s18, v0;
	[sflag:s7] =	ssyncadd.s32 @!p1 $0xFFFFF000  }
0x48: {  	s20 =	simm.s32 $0x4;
	v7 =	vor.u32 s19, v0;
	v2 =	vld.idx.msk [tilespmem:v2+s10+$0x0], $0xffff  }
0x49: {  	v8 =	vor.u32 s20, v0;
	v3 =	vld.idx.msk [tilespmem:v3+s10+$0x0], $0xffff  }
0x4a: {  	s21 =	simm.s32 $0x5;
	v9 =	vor.u32 s20, v1;
	v4 =	vld.idx.msk [tilespmem:v4+s10+$0x0], $0xffff  }
0x4b: {  	s8 =	simm.s32 $0x6;
	v10 =	vor.u32 s21, v0;
	v5 =	vld.idx.msk [tilespmem:v5+s10+$0x0], $0xffff  }
0x4c: {  	v11 =	vor.u32 s8, v0;
	v6 =	vld.idx.msk [tilespmem:v6+s10+$0x0], $0xffff  }
0x4d: {  	v12 =	vor.u32 s18, v1;
	v7 =	vld.idx.msk [tilespmem:v7+s10+$0x0], $0xffff  }
0x4e: {  	v13 =	vor.u32 s19, v1;
	s9 =	simm.s32 $0x8200;
	s6 =	simm.s32 $0x0;
	v8 =	vld.idx.msk [tilespmem:v8+s10+$0x0], $0xffff  }
0x4f: {  	v14 =	vor.u32 s6, v0;
	s13 =	simm.s32 $0x3E0;
	v9 =	vld.idx.msk [tilespmem:v9+s10+$0x0], $0xffff;
	[tilespmem:s9+$0x1E0] =	vst v3  }
0x50: {  	s22 =	sor.u32 $0x70, s13;
	v3 =	vld.idx.msk [tilespmem:v10+s10+$0x0], $0xffff;
	v10 =	vor.u32 s21, v1;
	[tilespmem:s9+$0xFFFFFE20] =	vst v2  }
0x51: {  	s23 =	simm.s32 $0x7;
	[tilespmem:s22+$0x8000] =	vst v4;
	v4 =	vld.idx.msk [tilespmem:v11+s10+$0x0], $0xffff;
	v11 =	vor.u32 s8, v1  }
0x52: {  	v12 =	vld.idx.msk [tilespmem:v12+s10+$0x0], $0xffff;
	[tilespmem:s9+$0xFFFFFE40] =	vst v6;
	v6 =	vor.u32 s23, v0  }
0x53: {  	s24 =	simm.s32 $0x8;
	v13 =	vld.idx.msk [tilespmem:v13+s10+$0x0], $0xffff;
	[tilespmem:s9+$0xFFFFFE60] =	vst v7;
	v7 =	vor.u32 s23, v1  }
0x54: {  	v2 =	vld.idx.msk [tilespmem:v14+s10+$0x0], $0xffff;
	[tilespmem:s9+$0xFFFFFE80] =	vst v8;
	v8 =	vor.u32 s24, v0  }
0x55: {  	s25 =	simm.s32 $0x9;
	[tilespmem:s9+$0xFFFFFE90] =	vst v9;
	v9 =	vld.idx.msk [tilespmem:v10+s10+$0x0], $0xffff;
	v10 =	vor.u32 s24, v1  }
0x56: {  	s26 =	simm.s32 $0x20;
	[tilespmem:s9+$0xFFFFFEA0] =	vst v3;
	v3 =	vld.idx.msk [tilespmem:v11+s10+$0x0], $0xffff;
	v11 =	vor.u32 s25, v0  }
0x57: {  	s28 =	simm.s32 $0xA;
	s29 =	simm.s32 $0x40;
	s7 =	sor.u32 $0x30, s26;
	[tilespmem:s9+$0xFFFFFEC0] =	vst v4;
	v4 =	vld.idx.msk [tilespmem:v6+s10+$0x0], $0xffff;
	v6 =	vor.u32 s25, v1  }
0x58: {  	s30 =	simm.s32 $0x60;
	s11 =	sor.u32 $0x50, s29;
	[tilespmem:s7+$0x8000] =	vst v5;
	v5 =	vld.idx.msk [tilespmem:v7+s10+$0x0], $0xffff;
	v7 =	vor.u32 s28, v0  }
0x59: {  	s31 =	simm.s32 $0xB;
	s14 =	simm.s32 $0xA0;
	s1 =	sor.u32 $0x70, s30;
	[tilespmem:s11+$0x8000] =	vst v12;
	v12 =	vor.u32 s28, v1;
	v8 =	vld.idx.msk [tilespmem:v8+s10+$0x0], $0xffff  }
0x5a: {  	s0 =	simm.s32 $0xC0;
	s2 =	sor.u32 $0x30, s14;
	[tilespmem:s1+$0x8000] =	vst v13;
	v13 =	vor.u32 s31, v0;
	v10 =	vld.idx.msk [tilespmem:v10+s10+$0x0], $0xffff  }
0x5b: {  	s3 =	simm.s32 $0xC;
	s8 =	sor.u32 $0x50, s0;
	[tilespmem:s2+$0x8000] =	vst v9;
	v9 =	vld.idx.msk [tilespmem:v11+s10+$0x0], $0xffff;
	v11 =	vor.u32 s31, v1  }
0x5c: {  	s4 =	simm.s32 $0xE0;
	[tilespmem:s8+$0x8000] =	vst v3;
	v3 =	vld.idx.msk [tilespmem:v6+s10+$0x0], $0xffff;
	v6 =	vor.u32 s3, v0  }
0x5d: {  	s5 =	simm.s32 $0xD;
	s7 =	sor.u32 $0x70, s4;
	[tilespmem:s9+$0xFFFFFEE0] =	vst v4;
	v4 =	vld.idx.msk [tilespmem:v7+s10+$0x0], $0xffff;
	v7 =	vor.u32 s3, v1  }
0x5e: {  	[tilespmem:s7+$0x8000] =	vst v5;
	v5 =	vld.idx.msk [tilespmem:v12+s10+$0x0], $0xffff;
	v12 =	vor.u32 s5, v0  }
0x5f: {  	s11 =	simm.s32 $0xE;
	[tilespmem:s9+$0xFFFFFF00] =	vst v8;
	v8 =	vld.idx.msk [tilespmem:v13+s10+$0x0], $0xffff;
	v13 =	vor.u32 s5, v1  }
0x60: {  	s12 =	simm.s32 $0x120;
	[tilespmem:s9+$0xFFFFFF10] =	vst v10;
	v10 =	vld.idx.msk [tilespmem:v11+s10+$0x0], $0xffff;
	v11 =	vor.u32 s11, v0  }
0x61: {  	s14 =	simm.s32 $0xF;
	s7 =	sor.u32 $0x30, s12;
	[tilespmem:s9+$0xFFFFFF20] =	vst v9;
	v6 =	vld.idx.msk [tilespmem:v6+s10+$0x0], $0xffff;
	v9 =	vor.u32 s11, v1  }
0x62: {  	s15 =	simm.s32 $0x140;
	[tilespmem:s7+$0x8000] =	vst v3;
	v3 =	vld.idx.msk [tilespmem:v7+s10+$0x0], $0xffff;
	v7 =	vor.u32 s14, v0  }
0x63: {  	s17 =	simm.s32 $0x10;
	s16 =	sor.u32 $0x50, s15;
	[tilespmem:s9+$0xFFFFFF40] =	vst v4;
	v4 =	vld.idx.msk [tilespmem:v12+s10+$0x0], $0xffff;
	v12 =	vor.u32 s14, v1  }
0x64: {  	s18 =	simm.s32 $0x160;
	[tilespmem:s16+$0x8000] =	vst v5;
	v5 =	vld.idx.msk [tilespmem:v13+s10+$0x0], $0xffff;
	v13 =	vor.u32 s17, v0  }
0x65: {  	s20 =	simm.s32 $0x11;
	s19 =	sor.u32 $0x70, s18;
	[tilespmem:s9+$0xFFFFFF60] =	vst v8;
	v8 =	vld.idx.msk [tilespmem:v11+s10+$0x0], $0xffff;
	v11 =	vor.u32 s17, v1  }
0x66: {  	[tilespmem:s19+$0x8000] =	vst v10;
	v9 =	vld.idx.msk [tilespmem:v9+s10+$0x0], $0xffff;
	v10 =	vor.u32 s20, v0  }
0x67: {  	s21 =	simm.s32 $0x12;
	[tilespmem:s9+$0xFFFFFF80] =	vst v6;
	v6 =	vld.idx.msk [tilespmem:v7+s10+$0x0], $0xffff;
	v7 =	vor.u32 s20, v1  }
0x68: {  	s22 =	simm.s32 $0x1A0;
	[tilespmem:s9+$0xFFFFFF90] =	vst v3;
	v3 =	vld.idx.msk [tilespmem:v12+s10+$0x0], $0xffff;
	v12 =	vor.u32 s21, v0  }
0x69: {  	s23 =	simm.s32 $0x13;
	s7 =	sor.u32 $0x30, s22;
	[tilespmem:s9+$0xFFFFFFA0] =	vst v4;
	v4 =	vld.idx.msk [tilespmem:v13+s10+$0x0], $0xffff;
	v13 =	vor.u32 s21, v1  }
0x6a: {  	s24 =	simm.s32 $0x1C0;
	[tilespmem:s7+$0x8000] =	vst v5;
	v5 =	vld.idx.msk [tilespmem:v11+s10+$0x0], $0xffff;
	v11 =	vor.u32 s23, v0  }
0x6b: {  	s26 =	simm.s32 $0x14;
	s25 =	sor.u32 $0x50, s24;
	[tilespmem:s9+$0xFFFFFFC0] =	vst v8;
	v8 =	vld.idx.msk [tilespmem:v10+s10+$0x0], $0xffff;
	v10 =	vor.u32 s23, v1  }
0x6c: {  	s28 =	simm.s32 $0x1E0;
	[tilespmem:s25+$0x8000] =	vst v9;
	v7 =	vld.idx.msk [tilespmem:v7+s10+$0x0], $0xffff;
	v9 =	vor.u32 s26, v0  }
0x6d: {  	s30 =	simm.s32 $0x15;
	s29 =	sor.u32 $0x70, s28;
	[tilespmem:s9+$0xFFFFFFE0] =	vst v6;
	v6 =	vld.idx.msk [tilespmem:v12+s10+$0x0], $0xffff;
	v12 =	vor.u32 s26, v1  }
0x6e: {  	[tilespmem:s29+$0x8000] =	vst v3;
	v3 =	vld.idx.msk [tilespmem:v13+s10+$0x0], $0xffff;
	v13 =	vor.u32 s30, v0  }
0x6f: {  	s31 =	simm.s32 $0x16;
	[tilespmem:s9+$0x0] =	vst v4;
	v4 =	vld.idx.msk [tilespmem:v11+s10+$0x0], $0xffff;
	v11 =	vor.u32 s30, v1  }
0x70: {  	s0 =	simm.s32 $0x220;
	[tilespmem:s9+$0x10] =	vst v5;
	v5 =	vld.idx.msk [tilespmem:v10+s10+$0x0], $0xffff;
	v10 =	vor.u32 s31, v0  }
0x71: {  	s2 =	simm.s32 $0x17;
	s7 =	sor.u32 $0x30, s0;
	[tilespmem:s9+$0x20] =	vst v8;
	v8 =	vld.idx.msk [tilespmem:v9+s10+$0x0], $0xffff;
	v9 =	vor.u32 s31, v1  }
0x72: {  	s3 =	simm.s32 $0x240;
	[tilespmem:s7+$0x8000] =	vst v7;
	v7 =	vld.idx.msk [tilespmem:v12+s10+$0x0], $0xffff;
	v12 =	vor.u32 s2, v0  }
0x73: {  	s4 =	sor.u32 $0x50, s3;
	s5 =	simm.s32 $0x18;
	[tilespmem:s9+$0x40] =	vst v6;
	v6 =	vld.idx.msk [tilespmem:v13+s10+$0x0], $0xffff;
	v13 =	vor.u32 s2, v1  }
0x74: {  	s11 =	simm.s32 $0x260;
	[tilespmem:s4+$0x8000] =	vst v3;
	v3 =	vld.idx.msk [tilespmem:v11+s10+$0x0], $0xffff;
	v11 =	vor.u32 s5, v0  }
0x75: {  	s12 =	sor.u32 $0x70, s11;
	s14 =	simm.s32 $0x19;
	[tilespmem:s9+$0x60] =	vst v4;
	v4 =	vld.idx.msk [tilespmem:v10+s10+$0x0], $0xffff;
	v10 =	vor.u32 s5, v1  }
0x76: {  	[tilespmem:s12+$0x8000] =	vst v5;
	v5 =	vld.idx.msk [tilespmem:v9+s10+$0x0], $0xffff;
	v9 =	vor.u32 s14, v0  }
0x77: {  	s15 =	simm.s32 $0x1A;
	[tilespmem:s9+$0x80] =	vst v8;
	v8 =	vld.idx.msk [tilespmem:v12+s10+$0x0], $0xffff;
	v12 =	vor.u32 s14, v1  }
0x78: {  	s16 =	simm.s32 $0x2A0;
	s17 =	simm.s32 $0x1B;
	[tilespmem:s9+$0x90] =	vst v7;
	v7 =	vld.idx.msk [tilespmem:v13+s10+$0x0], $0xffff;
	v13 =	vor.u32 s15, v0  }
0x79: {  	v14 =	vor.u32 s17, v1;
	s7 =	sor.u32 $0x30, s16;
	[tilespmem:s9+$0xA0] =	vst v6;
	v6 =	vld.idx.msk [tilespmem:v11+s10+$0x0], $0xffff  }
0x7a: {  	s18 =	simm.s32 $0x2C0;
	v11 =	vor.u32 s15, v1;
	[tilespmem:s7+$0x8000] =	vst v3;
	v10 =	vld.idx.msk [tilespmem:v10+s10+$0x0], $0xffff  }
0x7b: {  	s19 =	sor.u32 $0x50, s18;
	s20 =	simm.s32 $0x1C;
	v3 =	vor.u32 s17, v0;
	[tilespmem:s9+$0xC0] =	vst v4;
	v9 =	vld.idx.msk [tilespmem:v9+s10+$0x0], $0xffff  }
0x7c: {  	s21 =	simm.s32 $0x2E0;
	v15 =	vor.u32 s20, v0;
	[tilespmem:s19+$0x8000] =	vst v5;
	v12 =	vld.idx.msk [tilespmem:v12+s10+$0x0], $0xffff  }
0x7d: {  	s22 =	sor.u32 $0x70, s21;
	s23 =	simm.s32 $0x1D;
	[tilespmem:s9+$0xE0] =	vst v8;
	v8 =	vld.idx.msk [tilespmem:v13+s10+$0x0], $0xffff;
	v13 =	vor.u32 s20, v1  }
0x7e: {  	v5 =	vld.idx.msk [tilespmem:v14+s10+$0x0], $0xffff;
	[tilespmem:s22+$0x8000] =	vst v7;
	v7 =	vor.u32 s23, v0  }
0x7f: {  	v17 =	vor.u32 s23, v1;
	v16 =	vld.idx.msk [tilespmem:v11+s10+$0x0], $0xffff;
	[tilespmem:s9+$0x100] =	vst v6  }
0x80: {  	s1 =	simm.s32 $0x21;
	s24 =	simm.s32 $0x320;
	s28 =	simm.s32 $0x360;
	v4 =	vld.idx.msk [tilespmem:v3+s10+$0x0], $0xffff;
	[tilespmem:s9+$0x110] =	vst v10  }
0x81: {  	s8 =	simm.s32 $0x3F;
	s25 =	sor.u32 $0x30, s24;
	s29 =	simm.s32 $0x3A0;
	v3 =	vld.idx.msk [tilespmem:v15+s10+$0x0], $0xffff;
	[tilespmem:s9+$0x120] =	vst v9  }
0x82: {  	s26 =	simm.s32 $0x340;
	s0 =	sor.u32 $0x30, s29;
	s30 =	simm.s32 $0x3C0;
	[tilespmem:s25+$0x8000] =	vst v12;
	v6 =	vld.idx.msk [tilespmem:v13+s10+$0x0], $0xffff  }
0x83: {  	s31 =	simm.s32 $0x1E;
	s16 =	simm.s32 $0x40;
	s15 =	sor.u32 $0x50, s26;
	v10 =	vor.u32 s8, v0;
	v9 =	vor.u32 s6, v1;
	[tilespmem:s9+$0x140] =	vst v8;
	v7 =	vld.idx.msk [tilespmem:v7+s10+$0x0], $0xffff  }
0x84: {  	s12 =	sor.u32 $0x70, s28;
	s14 =	sor.u32 $0x50, s30;
	s20 =	simm.s32 $0x20;
	v11 =	vor.u32 s31, v1;
	v13 =	vor.u32 s31, v0;
	v12 =	vor.u32 s1, v0;
	v8 =	vld.idx.msk [tilespmem:v17+s10+$0x0], $0xffff;
	[tilespmem:s15+$0x8000] =	vst v16  }
.LBB2_3:
0x85: {  	_ =	sdelay $0x3  }
0x86: {  	v14 =	vor.u32 s8, v1;
	v9 =	vld.idx.msk [tilespmem:v9+s10+$0x0], $0xffff;
	[tilespmem:s9+$0xFFFFFE00] =	vst v2  }
0x87: {  	s6 =	sadd.s32 $0x2, s20;
	[tilespmem:s9+$0x160] =	vst v4;
	v4 =	vld.idx.msk [tilespmem:v13+s10+$0x0], $0xffff;
	v13 =	vor.u32 s1, v1  }
0x88: {  	s11 =	sadd.s32 $0x3, s20;
	[tilespmem:s12+$0x8000] =	vst v5;
	v5 =	vld.idx.msk [tilespmem:v11+s10+$0x0], $0xffff;
	v11 =	vor.u32 s6, v0  }
0x89: {  	s7 =	sadd.s32 $0x4, s20;
	[tilespmem:s9+$0x180] =	vst v3;
	v3 =	vld.idx.msk [tilespmem:v12+s10+$0x0], $0xffff;
	v12 =	vor.u32 s11, v0  }
0x8a: {  	v10 =	vld.idx.msk [tilespmem:v10+s10+$0x0], $0xffff;
	[tilespmem:s9+$0x190] =	vst v6;
	v6 =	vor.u32 s7, v0  }
0x8b: {  	s15 =	sadd.s32 $0x5, s20;
	[tilespmem:s9+$0x1A0] =	vst v7;
	v7 =	vor.u32 s7, v1;
	v14 =	vld.idx.msk [tilespmem:v14+s10+$0x0], $0xffff  }
0x8c: {  	s17 =	sadd.s32 $0x6, s20;
	[tilespmem:s0+$0x8000] =	vst v8;
	v8 =	vld.idx.msk [tilespmem:v13+s10+$0x0], $0xffff;
	v13 =	vor.u32 s15, v0  }
0x8d: {  	[tilespmem:s9+$0x1C0] =	vst v4;
	v4 =	vld.idx.msk [tilespmem:v11+s10+$0x0], $0xffff;
	v11 =	vor.u32 s17, v0  }
0x8e: {  	v12 =	vld.idx.msk [tilespmem:v12+s10+$0x0], $0xffff;
	[tilespmem:s14+$0x8000] =	vst v5;
	v5 =	vor.u32 s6, v1  }
0x8f: {  	v2 =	vor.u32 s11, v1;
	[tilespmem:s9+$0xFFFFFE10] =	vst v9;
	v6 =	vld.idx.msk [tilespmem:v6+s10+$0x0], $0xffff;
	s9 =	sadd.s32 $0x400, s9  }
0x90: {  	s13 =	sadd.s32 $0x400, s13;
	v9 =	vor.u32 s20, v0;
	v7 =	vld.idx.msk [tilespmem:v7+s10+$0x0], $0xffff;
	[tilespmem:s9+$0x1E0] =	vst v10  }
0x91: {  	s22 =	sor.u32 $0x70, s13;
	[tilespmem:s9+$0xFFFFFE20] =	vst v3;
	v10 =	vld.idx.msk [tilespmem:v13+s10+$0x0], $0xffff;
	v13 =	vor.u32 s15, v1  }
0x92: {  	s18 =	sadd.s32 $0x7, s20;
	[tilespmem:s22+$0x8000] =	vst v14;
	v3 =	vld.idx.msk [tilespmem:v11+s10+$0x0], $0xffff;
	v11 =	vor.u32 s17, v1  }
0x93: {  	v5 =	vld.idx.msk [tilespmem:v5+s10+$0x0], $0xffff;
	[tilespmem:s9+$0xFFFFFE40] =	vst v4;
	v4 =	vor.u32 s18, v0  }
0x94: {  	s21 =	sadd.s32 $0x8, s20;
	s0 =	simm.s32 $0x0;
	v14 =	vld.idx.msk [tilespmem:v2+s10+$0x0], $0xffff;
	[tilespmem:s9+$0xFFFFFE60] =	vst v12;
	v12 =	vor.u32 s18, v1  }
0x95: {  	s8 =	sadd.s32 $0x9, s20;
	v2 =	vld.idx.msk [tilespmem:v9+s0+$0x0], $0xffff;
	[tilespmem:s9+$0xFFFFFE80] =	vst v6;
	v6 =	vor.u32 s21, v0  }
0x96: {  	s28 =	sadd.s32 $0xB, s20;
	s25 =	sadd.s32 $0xFFFFFCE0, s13;
	s30 =	sadd.s32 $0xFFFFFD80, s13;
	v9 =	vor.u32 s21, v1;
	[tilespmem:s9+$0xFFFFFE90] =	vst v7;
	v7 =	vld.idx.msk [tilespmem:v13+s0+$0x0], $0xffff  }
0x97: {  	s1 =	sadd.s32 $0xA, s20;
	s11 =	sadd.s32 $0xFFFFFC40, s13;
	s14 =	sadd.s32 $0xD, s20;
	[tilespmem:s9+$0xFFFFFEA0] =	vst v10;
	v10 =	vld.idx.msk [tilespmem:v11+s0+$0x0], $0xffff;
	v11 =	vor.u32 s8, v0  }
0x98: {  	s11 =	sor.u32 $0x30, s11;
	[dreg:$0x3] =	wrdreg s14;
	s14 =	sadd.s32 $0xFFFFFC60, s13;
	[tilespmem:s9+$0xFFFFFEC0] =	vst v3;
	v3 =	vld.idx.msk [tilespmem:v4+s0+$0x0], $0xffff;
	v4 =	vor.u32 s8, v1  }
0x99: {  	s12 =	sadd.s32 $0xC, s20;
	s14 =	sor.u32 $0x50, s14;
	s15 =	sadd.s32 $0xFFFFFCC0, s13;
	[tilespmem:s11+$0x8000] =	vst v8;
	v8 =	vld.idx.msk [tilespmem:v12+s0+$0x0], $0xffff;
	v12 =	vor.u32 s1, v0  }
0x9a: {  	s25 =	sor.u32 $0x50, s25;
	[dreg:$0x8] =	wrdreg s12;
	s15 =	sor.u32 $0x30, s15;
	[tilespmem:s14+$0x8000] =	vst v5;
	v5 =	vld.idx.msk [tilespmem:v6+s0+$0x0], $0xffff;
	v6 =	vor.u32 s1, v1  }
0x9b: {  	s11 =	sor.u32 $0x70, s30;
	s17 =	sadd.s32 $0xFFFFFD00, s13;
	s10 =	sadd.s32 $0xFFFFFE60, s13;
	v9 =	vld.idx.msk [tilespmem:v9+s0+$0x0], $0xffff;
	v13 =	vor.u32 s28, v0;
	[tilespmem:s15+$0x8000] =	vst v7  }
0x9c: {  	s30 =	sor.u32 $0x50, s10;
	s10 =	simm.s32 $0x0;
	s15 =	rddreg [dreg:$0x8];
	v7 =	vld.idx.msk [tilespmem:v11+s0+$0x0], $0xffff;
	v11 =	vor.u32 s28, v1;
	[tilespmem:s25+$0x8000] =	vst v10  }
0x9d: {  	s23 =	sadd.s32 $0xFFFFFC80, s13;
	s17 =	sor.u32 $0x70, s17;
	v4 =	vld.idx.msk [tilespmem:v4+s10+$0x0], $0xffff;
	v10 =	vor.u32 s15, v0;
	[tilespmem:s9+$0xFFFFFEE0] =	vst v3  }
0x9e: {  	s23 =	sor.u32 $0x70, s23;
	v3 =	vld.idx.msk [tilespmem:v12+s10+$0x0], $0xffff;
	v12 =	vor.u32 s15, v1;
	[tilespmem:s17+$0x8000] =	vst v8;
	s17 =	rddreg [dreg:$0x3]  }
0x9f: {  	s19 =	sadd.s32 $0xFFFFFEE0, s13;
	[tilespmem:s23+$0x8000] =	vst v14;
	v6 =	vld.idx.msk [tilespmem:v6+s10+$0x0], $0xffff;
	v8 =	vor.u32 s17, v0  }
0xa0: {  	s22 =	sadd.s32 $0xFFFFFD40, s13;
	s23 =	sor.u32 $0x50, s19;
	s19 =	sadd.s32 $0xE, s20;
	[tilespmem:s9+$0xFFFFFF00] =	vst v5;
	v5 =	vld.idx.msk [tilespmem:v13+s10+$0x0], $0xffff;
	v13 =	vor.u32 s17, v1  }
0xa1: {  	s24 =	sadd.s32 $0xFFFFFF60, s13;
	s22 =	sor.u32 $0x30, s22;
	s18 =	sadd.s32 $0xFFFFFE00, s13;
	[tilespmem:s9+$0xFFFFFF10] =	vst v9;
	v9 =	vld.idx.msk [tilespmem:v11+s10+$0x0], $0xffff;
	v11 =	vor.u32 s19, v0  }
0xa2: {  	s1 =	sor.u32 $0x70, s18;
	s18 =	sor.u32 $0x50, s24;
	s24 =	sadd.s32 $0xF, s20;
	[tilespmem:s9+$0xFFFFFF20] =	vst v7;
	v7 =	vld.idx.msk [tilespmem:v10+s10+$0x0], $0xffff;
	v10 =	vor.u32 s19, v1  }
0xa3: {  	s26 =	sadd.s32 $0xFFFFFD60, s13;
	[tilespmem:s22+$0x8000] =	vst v4;
	v4 =	vld.idx.msk [tilespmem:v12+s10+$0x0], $0xffff;
	v12 =	vor.u32 s24, v0  }
0xa4: {  	s26 =	sor.u32 $0x50, s26;
	s28 =	sadd.s32 $0x10, s20;
	[tilespmem:s9+$0xFFFFFF40] =	vst v3;
	v3 =	vld.idx.msk [tilespmem:v8+s10+$0x0], $0xffff;
	v8 =	vor.u32 s24, v1  }
0xa5: {  	s29 =	sadd.s32 $0xFFFFFF80, s13;
	s12 =	sadd.s32 $0xFFFFFEC0, s13;
	[tilespmem:s26+$0x8000] =	vst v6;
	v6 =	vld.idx.msk [tilespmem:v13+s10+$0x0], $0xffff;
	v13 =	vor.u32 s28, v0  }
0xa6: {  	s25 =	sor.u32 $0x30, s12;
	s12 =	sor.u32 $0x70, s29;
	s29 =	sadd.s32 $0x11, s20;
	[tilespmem:s9+$0xFFFFFF60] =	vst v5;
	v5 =	vld.idx.msk [tilespmem:v11+s10+$0x0], $0xffff;
	v11 =	vor.u32 s28, v1  }
0xa7: {  	s6 =	sadd.s32 $0xFFFFFFE0, s13;
	[tilespmem:s11+$0x8000] =	vst v9;
	v9 =	vld.idx.msk [tilespmem:v10+s10+$0x0], $0xffff;
	v10 =	vor.u32 s29, v0  }
0xa8: {  	s14 =	sor.u32 $0x50, s6;
	s6 =	sadd.s32 $0x12, s20;
	[tilespmem:s9+$0xFFFFFF80] =	vst v7;
	v7 =	vld.idx.msk [tilespmem:v12+s10+$0x0], $0xffff;
	v12 =	vor.u32 s29, v1  }
0xa9: {  	s31 =	sadd.s32 $0xFFFFFDC0, s13;
	s7 =	sadd.s32 $0xFFFFFFC0, s13;
	[tilespmem:s9+$0xFFFFFF90] =	vst v4;
	v4 =	vld.idx.msk [tilespmem:v8+s10+$0x0], $0xffff;
	v8 =	vor.u32 s6, v0  }
0xaa: {  	s8 =	sor.u32 $0x30, s31;
	s0 =	sor.u32 $0x30, s7;
	s7 =	sadd.s32 $0x13, s20;
	[tilespmem:s9+$0xFFFFFFA0] =	vst v3;
	v3 =	vld.idx.msk [tilespmem:v13+s10+$0x0], $0xffff;
	v13 =	vor.u32 s6, v1  }
0xab: {  	s5 =	sadd.s32 $0xFFFFFDE0, s13;
	[tilespmem:s8+$0x8000] =	vst v6;
	v6 =	vld.idx.msk [tilespmem:v11+s10+$0x0], $0xffff;
	v11 =	vor.u32 s7, v0  }
0xac: {  	s5 =	sor.u32 $0x50, s5;
	s11 =	sadd.s32 $0x14, s20;
	[tilespmem:s9+$0xFFFFFFC0] =	vst v5;
	v5 =	vld.idx.msk [tilespmem:v10+s10+$0x0], $0xffff;
	v10 =	vor.u32 s7, v1  }
0xad: {  	[tilespmem:s5+$0x8000] =	vst v9;
	v9 =	vld.idx.msk [tilespmem:v12+s10+$0x0], $0xffff;
	v12 =	vor.u32 s11, v0  }
0xae: {  	s15 =	sadd.s32 $0x15, s20;
	[tilespmem:s9+$0xFFFFFFE0] =	vst v7;
	v7 =	vld.idx.msk [tilespmem:v8+s10+$0x0], $0xffff;
	v8 =	vor.u32 s11, v1  }
0xaf: {  	[tilespmem:s1+$0x8000] =	vst v4;
	v4 =	vld.idx.msk [tilespmem:v13+s10+$0x0], $0xffff;
	v13 =	vor.u32 s15, v0  }
0xb0: {  	s17 =	sadd.s32 $0x16, s20;
	[tilespmem:s9+$0x0] =	vst v3;
	v3 =	vld.idx.msk [tilespmem:v11+s10+$0x0], $0xffff;
	v11 =	vor.u32 s15, v1  }
0xb1: {  	s3 =	sadd.s32 $0xFFFFFE40, s13;
	[tilespmem:s9+$0x10] =	vst v6;
	v6 =	vld.idx.msk [tilespmem:v10+s10+$0x0], $0xffff;
	v10 =	vor.u32 s17, v0  }
0xb2: {  	s31 =	sor.u32 $0x30, s3;
	s19 =	sadd.s32 $0x17, s20;
	[tilespmem:s9+$0x20] =	vst v5;
	v5 =	vld.idx.msk [tilespmem:v12+s10+$0x0], $0xffff;
	v12 =	vor.u32 s17, v1  }
0xb3: {  	[tilespmem:s31+$0x8000] =	vst v9;
	v9 =	vor.u32 s19, v0;
	v8 =	vld.idx.msk [tilespmem:v8+s10+$0x0], $0xffff  }
0xb4: {  	s22 =	sadd.s32 $0x18, s20;
	[tilespmem:s9+$0x40] =	vst v7;
	v7 =	vld.idx.msk [tilespmem:v13+s10+$0x0], $0xffff;
	v13 =	vor.u32 s19, v1  }
0xb5: {  	s4 =	sadd.s32 $0xFFFFFE80, s13;
	[tilespmem:s30+$0x8000] =	vst v4;
	v4 =	vld.idx.msk [tilespmem:v11+s10+$0x0], $0xffff;
	v11 =	vor.u32 s22, v0  }
0xb6: {  	s4 =	sor.u32 $0x70, s4;
	s24 =	sadd.s32 $0x19, s20;
	[tilespmem:s9+$0x60] =	vst v3;
	v3 =	vld.idx.msk [tilespmem:v10+s10+$0x0], $0xffff;
	v10 =	vor.u32 s22, v1  }
0xb7: {  	[tilespmem:s4+$0x8000] =	vst v6;
	v6 =	vld.idx.msk [tilespmem:v12+s10+$0x0], $0xffff;
	v12 =	vor.u32 s24, v0  }
0xb8: {  	s26 =	sadd.s32 $0x1A, s20;
	[tilespmem:s9+$0x80] =	vst v5;
	v5 =	vld.idx.msk [tilespmem:v9+s10+$0x0], $0xffff;
	v9 =	vor.u32 s24, v1  }
0xb9: {  	[tilespmem:s9+$0x90] =	vst v8;
	v8 =	vld.idx.msk [tilespmem:v13+s10+$0x0], $0xffff;
	v13 =	vor.u32 s26, v0  }
0xba: {  	s28 =	sadd.s32 $0x1B, s20;
	[tilespmem:s9+$0xA0] =	vst v7;
	v7 =	vld.idx.msk [tilespmem:v11+s10+$0x0], $0xffff;
	v11 =	vor.u32 s26, v1  }
0xbb: {  	s30 =	sadd.s32 $0x1D, s20;
	[tilespmem:s25+$0x8000] =	vst v4;
	v10 =	vld.idx.msk [tilespmem:v10+s10+$0x0], $0xffff;
	v4 =	vor.u32 s28, v0  }
0xbc: {  	v16 =	vor.u32 s30, v0;
	[tilespmem:s9+$0xC0] =	vst v3;
	v3 =	vld.idx.msk [tilespmem:v12+s10+$0x0], $0xffff  }
0xbd: {  	s21 =	sadd.s32 $0xFFFFFF00, s13;
	s29 =	sadd.s32 $0x1C, s20;
	v12 =	vor.u32 s28, v1;
	[tilespmem:s23+$0x8000] =	vst v6;
	v6 =	vld.idx.msk [tilespmem:v9+s10+$0x0], $0xffff  }
0xbe: {  	s3 =	sor.u32 $0x70, s21;
	v9 =	vor.u32 s29, v0;
	[tilespmem:s9+$0xE0] =	vst v5;
	v14 =	vld.idx.msk [tilespmem:v13+s10+$0x0], $0xffff  }
0xbf: {  	v15 =	vor.u32 s29, v1;
	[tilespmem:s3+$0x8000] =	vst v8;
	v8 =	vld.idx.msk [tilespmem:v11+s10+$0x0], $0xffff  }
0xc0: {  	p2 =	slt.u32 s16, $0x60;
	v17 =	vor.u32 s30, v1;
	[tilespmem:s9+$0x100] =	vst v7;
	v4 =	vld.idx.msk [tilespmem:v4+s10+$0x0], $0xffff  }
.Ltmp2:
0xc1: {  	s2 =	sadd.s32 $0xFFFFFF40, s13;
	[tilespmem:s9+$0x110] =	vst v10;
	v7 =	vld.idx.msk [tilespmem:v16+s10+$0x0], $0xffff;
	(pc) =	sbr.rel @p2 .LBB2_3-.Ltmp2, $4  }
0xc2: {  	s21 =	sor.u32 $0x30, s2;
	v5 =	vld.idx.msk [tilespmem:v12+s10+$0x0], $0xffff;
	[tilespmem:s9+$0x120] =	vst v3  }
0xc3: {  	s8 =	sadd.s32 $0x1F, s16;
	s31 =	sadd.s32 $0x1E, s20;
	v3 =	vld.idx.msk [tilespmem:v9+s10+$0x0], $0xffff;
	[tilespmem:s21+$0x8000] =	vst v6  }
0xc4: {  	s1 =	sadd.s32 $0x1, s16;
	v13 =	vor.u32 s31, v0;
	v11 =	vor.u32 s31, v1;
	v10 =	vor.u32 s8, v0;
	v6 =	vld.idx.msk [tilespmem:v15+s10+$0x0], $0xffff;
	[tilespmem:s9+$0x140] =	vst v14  }
0xc5: {  	v9 =	vor.u32 s20, v1;
	s20 =	smov.u32 s16;
	v12 =	vor.u32 s1, v0;
	s16 =	sadd.s32 $0x20, s16;
	[tilespmem:s18+$0x8000] =	vst v8;
	v8 =	vld.idx.msk [tilespmem:v17+s10+$0x0], $0xffff  }
0xc6: {  	_ =	sdelay $0x3  }
0xc7: {  	v14 =	vor.u32 s8, v1;
	v13 =	vld.idx.msk [tilespmem:v13+s10+$0x0], $0xffff;
	[tilespmem:s9+$0x160] =	vst v4  }
0xc8: {  	v4 =	vor.u32 s1, v1;
	s7 =	sadd.s32 $0x2, s20;
	v11 =	vld.idx.msk [tilespmem:v11+s10+$0x0], $0xffff;
	[tilespmem:s9+$0x1A0] =	vst v7  }
0xc9: {  	v9 =	vld.idx.msk [tilespmem:v9+s10+$0x0], $0xffff;
	s3 =	sadd.s32 $0x4, s20;
	[tilespmem:s12+$0x8000] =	vst v5;
	v5 =	vor.u32 s7, v0  }
0xca: {  	s2 =	sadd.s32 $0x3, s20;
	v10 =	vld.idx.msk [tilespmem:v10+s10+$0x0], $0xffff;
	[tilespmem:s9+$0xFFFFFE00] =	vst v2;
	v7 =	vor.u32 s3, v1  }
0xcb: {  	v2 =	vor.u32 s2, v1;
	[tilespmem:s9+$0x180] =	vst v3;
	v3 =	vld.idx.msk [tilespmem:v12+s10+$0x0], $0xffff  }
0xcc: {  	v12 =	vor.u32 s2, v0;
	v14 =	vld.idx.msk [tilespmem:v14+s10+$0x0], $0xffff  }
0xcd: {  	s8 =	sadd.s32 $0x5, s20;
	[tilespmem:s9+$0x190] =	vst v6;
	v6 =	vor.u32 s3, v0;
	v4 =	vld.idx.msk [tilespmem:v4+s10+$0x0], $0xffff  }
0xce: {  	s11 =	sadd.s32 $0x6, s20;
	[tilespmem:s0+$0x8000] =	vst v8;
	v8 =	vor.u32 s8, v0;
	v5 =	vld.idx.msk [tilespmem:v5+s10+$0x0], $0xffff  }
0xcf: {  	[tilespmem:s9+$0x1C0] =	vst v13;
	v13 =	vor.u32 s11, v0;
	v7 =	vld.idx.msk [tilespmem:v7+s10+$0x0], $0xffff  }
0xd0: {  	[tilespmem:s14+$0x8000] =	vst v11;
	v11 =	vor.u32 s7, v1;
	v2 =	vld.idx.msk [tilespmem:v2+s10+$0x0], $0xffff  }
0xd1: {  	[tilespmem:s9+$0xFFFFFE10] =	vst v9;
	s9 =	sadd.s32 $0x400, s9;
	v9 =	vor.u32 s8, v1;
	v12 =	vld.idx.msk [tilespmem:v12+s10+$0x0], $0xffff  }
0xd2: {  	s13 =	sadd.s32 $0x400, s13;
	[tilespmem:s9+$0x1E0] =	vst v10;
	v6 =	vld.idx.msk [tilespmem:v6+s10+$0x0], $0xffff  }
0xd3: {  	s12 =	sor.u32 $0x70, s13;
	[tilespmem:s9+$0xFFFFFE20] =	vst v3;
	v8 =	vld.idx.msk [tilespmem:v8+s10+$0x0], $0xffff  }
0xd4: {  	s14 =	sadd.s32 $0x7, s20;
	v3 =	vor.u32 s11, v1;
	[tilespmem:s12+$0x8000] =	vst v14;
	v10 =	vld.idx.msk [tilespmem:v13+s10+$0x0], $0xffff  }
0xd5: {  	s15 =	sadd.s32 $0x8, s20;
	v11 =	vld.idx.msk [tilespmem:v11+s10+$0x0], $0xffff;
	[tilespmem:s9+$0xFFFFFE40] =	vst v5;
	v5 =	vor.u32 s14, v0  }
0xd6: {  	[tilespmem:s9+$0xFFFFFE90] =	vst v7;
	v7 =	vld.idx.msk [tilespmem:v9+s10+$0x0], $0xffff;
	v9 =	vor.u32 s15, v1  }
0xd7: {  	s4 =	sadd.s32 $0xFFFFFC80, s13;
	[tilespmem:s9+$0xFFFFFE60] =	vst v12;
	v12 =	vor.u32 s14, v1  }
0xd8: {  	s22 =	sor.u32 $0x70, s4;
	[tilespmem:s9+$0xFFFFFE80] =	vst v6  }
0xd9: {  	s16 =	sadd.s32 $0x9, s20;
	v3 =	vld.idx.msk [tilespmem:v3+s10+$0x0], $0xffff;
	v6 =	vor.u32 s15, v0;
	[tilespmem:s22+$0x8000] =	vst v2  }
0xda: {  	s17 =	sadd.s32 $0xFFFFFC40, s13;
	[tilespmem:s9+$0xFFFFFEA0] =	vst v8;
	v8 =	vor.u32 s16, v0;
	v5 =	vld.idx.msk [tilespmem:v5+s10+$0x0], $0xffff  }
0xdb: {  	s19 =	sadd.s32 $0xA, s20;
	s18 =	sadd.s32 $0xFFFFFC60, s13;
	s2 =	sor.u32 $0x30, s17;
	[tilespmem:s9+$0xFFFFFEC0] =	vst v10;
	v10 =	vor.u32 s16, v1;
	v2 =	vld.idx.msk [tilespmem:v9+s10+$0x0], $0xffff  }
0xdc: {  	s21 =	sadd.s32 $0xFFFFFCC0, s13;
	s1 =	sor.u32 $0x50, s18;
	[tilespmem:s2+$0x8000] =	vst v4;
	v4 =	vld.idx.msk [tilespmem:v12+s10+$0x0], $0xffff;
	v12 =	vor.u32 s19, v0  }
0xdd: {  	s23 =	sadd.s32 $0xB, s20;
	s24 =	sadd.s32 $0xFFFFFCE0, s13;
	s0 =	sor.u32 $0x30, s21;
	[tilespmem:s1+$0x8000] =	vst v11;
	v11 =	vor.u32 s19, v1  }
0xde: {  	s25 =	sor.u32 $0x50, s24;
	v9 =	vor.u32 s23, v0;
	[tilespmem:s0+$0x8000] =	vst v7;
	v6 =	vld.idx.msk [tilespmem:v6+s10+$0x0], $0xffff  }
0xdf: {  	s26 =	sadd.s32 $0xC, s20;
	[tilespmem:s25+$0x8000] =	vst v3;
	v7 =	vld.idx.msk [tilespmem:v8+s10+$0x0], $0xffff;
	v8 =	vor.u32 s23, v1  }
0xe0: {  	s29 =	sadd.s32 $0xFFFFFD00, s13;
	v3 =	vld.idx.msk [tilespmem:v10+s10+$0x0], $0xffff;
	v10 =	vor.u32 s26, v0;
	[tilespmem:s9+$0xFFFFFEE0] =	vst v5  }
0xe1: {  	s31 =	sadd.s32 $0xD, s20;
	s30 =	sor.u32 $0x70, s29;
	[tilespmem:s9+$0xFFFFFF10] =	vst v2;
	v5 =	vld.idx.msk [tilespmem:v12+s10+$0x0], $0xffff;
	v12 =	vor.u32 s26, v1  }
0xe2: {  	[tilespmem:s30+$0x8000] =	vst v4;
	v4 =	vld.idx.msk [tilespmem:v11+s10+$0x0], $0xffff;
	v11 =	vor.u32 s31, v0  }
0xe3: {  	s3 =	sadd.s32 $0xE, s20;
	s1 =	sadd.s32 $0xFFFFFD40, s13;
	[tilespmem:s9+$0xFFFFFF00] =	vst v6;
	v6 =	vld.idx.msk [tilespmem:v9+s10+$0x0], $0xffff;
	v9 =	vor.u32 s31, v1  }
0xe4: {  	s0 =	sor.u32 $0x30, s1;
	v2 =	vld.idx.msk [tilespmem:v8+s10+$0x0], $0xffff;
	v8 =	vor.u32 s3, v0;
	[tilespmem:s9+$0xFFFFFF20] =	vst v7  }
0xe5: {  	s5 =	sadd.s32 $0xF, s20;
	s4 =	sadd.s32 $0xFFFFFD60, s13;
	v7 =	vld.idx.msk [tilespmem:v10+s10+$0x0], $0xffff;
	v10 =	vor.u32 s3, v1;
	[tilespmem:s0+$0x8000] =	vst v3  }
0xe6: {  	s6 =	sor.u32 $0x50, s4;
	v3 =	vld.idx.msk [tilespmem:v12+s10+$0x0], $0xffff;
	v12 =	vor.u32 s5, v0;
	[tilespmem:s9+$0xFFFFFF40] =	vst v5  }
0xe7: {  	s8 =	sadd.s32 $0x10, s20;
	s7 =	sadd.s32 $0xFFFFFD80, s13;
	v5 =	vld.idx.msk [tilespmem:v11+s10+$0x0], $0xffff;
	v11 =	vor.u32 s5, v1;
	[tilespmem:s6+$0x8000] =	vst v4  }
0xe8: {  	s11 =	sor.u32 $0x70, s7;
	v4 =	vld.idx.msk [tilespmem:v9+s10+$0x0], $0xffff;
	v9 =	vor.u32 s8, v0;
	[tilespmem:s9+$0xFFFFFF60] =	vst v6  }
0xe9: {  	s12 =	sadd.s32 $0x11, s20;
	v6 =	vld.idx.msk [tilespmem:v8+s10+$0x0], $0xffff;
	v8 =	vor.u32 s8, v1;
	[tilespmem:s11+$0x8000] =	vst v2  }
0xea: {  	v2 =	vld.idx.msk [tilespmem:v10+s10+$0x0], $0xffff;
	v10 =	vor.u32 s12, v0;
	[tilespmem:s9+$0xFFFFFF80] =	vst v7  }
0xeb: {  	s14 =	sadd.s32 $0xFFFFFDC0, s13;
	s15 =	sadd.s32 $0x12, s20;
	v7 =	vld.idx.msk [tilespmem:v12+s10+$0x0], $0xffff;
	v12 =	vor.u32 s12, v1;
	[tilespmem:s9+$0xFFFFFF90] =	vst v3  }
0xec: {  	s0 =	sor.u32 $0x30, s14;
	v3 =	vld.idx.msk [tilespmem:v11+s10+$0x0], $0xffff;
	v11 =	vor.u32 s15, v0;
	[tilespmem:s9+$0xFFFFFFA0] =	vst v5  }
0xed: {  	s17 =	sadd.s32 $0x13, s20;
	s16 =	sadd.s32 $0xFFFFFDE0, s13;
	v5 =	vld.idx.msk [tilespmem:v9+s10+$0x0], $0xffff;
	v9 =	vor.u32 s15, v1;
	[tilespmem:s0+$0x8000] =	vst v4  }
0xee: {  	s18 =	sor.u32 $0x50, s16;
	v4 =	vld.idx.msk [tilespmem:v8+s10+$0x0], $0xffff;
	v8 =	vor.u32 s17, v0;
	[tilespmem:s9+$0xFFFFFFC0] =	vst v6  }
0xef: {  	s21 =	sadd.s32 $0x14, s20;
	s19 =	sadd.s32 $0xFFFFFE00, s13;
	v6 =	vld.idx.msk [tilespmem:v10+s10+$0x0], $0xffff;
	v10 =	vor.u32 s17, v1;
	[tilespmem:s18+$0x8000] =	vst v2  }
0xf0: {  	s22 =	sor.u32 $0x70, s19;
	v2 =	vld.idx.msk [tilespmem:v12+s10+$0x0], $0xffff;
	v12 =	vor.u32 s21, v0;
	[tilespmem:s9+$0xFFFFFFE0] =	vst v7  }
0xf1: {  	s23 =	sadd.s32 $0x15, s20;
	v7 =	vld.idx.msk [tilespmem:v11+s10+$0x0], $0xffff;
	v11 =	vor.u32 s21, v1;
	[tilespmem:s22+$0x8000] =	vst v3  }
0xf2: {  	v3 =	vld.idx.msk [tilespmem:v9+s10+$0x0], $0xffff;
	v9 =	vor.u32 s23, v0;
	[tilespmem:s9+$0x0] =	vst v5  }
0xf3: {  	s24 =	sadd.s32 $0xFFFFFE40, s13;
	s25 =	sadd.s32 $0x16, s20;
	v5 =	vld.idx.msk [tilespmem:v8+s10+$0x0], $0xffff;
	v8 =	vor.u32 s23, v1;
	[tilespmem:s9+$0x10] =	vst v4  }
0xf4: {  	s0 =	sor.u32 $0x30, s24;
	v4 =	vld.idx.msk [tilespmem:v10+s10+$0x0], $0xffff;
	v10 =	vor.u32 s25, v0;
	[tilespmem:s9+$0x20] =	vst v6  }
0xf5: {  	s29 =	sadd.s32 $0x17, s20;
	s26 =	sadd.s32 $0xFFFFFE60, s13;
	v6 =	vld.idx.msk [tilespmem:v12+s10+$0x0], $0xffff;
	v12 =	vor.u32 s25, v1;
	[tilespmem:s0+$0x8000] =	vst v2  }
0xf6: {  	s30 =	sor.u32 $0x50, s26;
	v2 =	vld.idx.msk [tilespmem:v11+s10+$0x0], $0xffff;
	v11 =	vor.u32 s29, v0;
	[tilespmem:s9+$0x40] =	vst v7  }
0xf7: {  	s31 =	sadd.s32 $0xFFFFFE80, s13;
	s3 =	sadd.s32 $0x18, s20;
	v7 =	vld.idx.msk [tilespmem:v9+s10+$0x0], $0xffff;
	v9 =	vor.u32 s29, v1;
	[tilespmem:s30+$0x8000] =	vst v3  }
0xf8: {  	s4 =	sor.u32 $0x70, s31;
	v3 =	vld.idx.msk [tilespmem:v8+s10+$0x0], $0xffff;
	v8 =	vor.u32 s3, v0;
	[tilespmem:s9+$0x60] =	vst v5  }
0xf9: {  	s5 =	sadd.s32 $0x19, s20;
	v5 =	vld.idx.msk [tilespmem:v10+s10+$0x0], $0xffff;
	v10 =	vor.u32 s3, v1;
	[tilespmem:s4+$0x8000] =	vst v4  }
0xfa: {  	v4 =	vld.idx.msk [tilespmem:v12+s10+$0x0], $0xffff;
	v12 =	vor.u32 s5, v0;
	[tilespmem:s9+$0x80] =	vst v6  }
0xfb: {  	s7 =	sadd.s32 $0x1A, s20;
	s6 =	sadd.s32 $0xFFFFFEC0, s13;
	v6 =	vld.idx.msk [tilespmem:v11+s10+$0x0], $0xffff;
	v11 =	vor.u32 s5, v1;
	[tilespmem:s9+$0x90] =	vst v2  }
0xfc: {  	s0 =	sor.u32 $0x30, s6;
	v2 =	vld.idx.msk [tilespmem:v9+s10+$0x0], $0xffff;
	v9 =	vor.u32 s7, v0;
	[tilespmem:s9+$0xA0] =	vst v7  }
0xfd: {  	s8 =	sadd.s32 $0xFFFFFEE0, s13;
	s11 =	sadd.s32 $0x1B, s20;
	v7 =	vld.idx.msk [tilespmem:v8+s10+$0x0], $0xffff;
	v8 =	vor.u32 s7, v1;
	[tilespmem:s0+$0x8000] =	vst v3  }
0xfe: {  	s12 =	sor.u32 $0x50, s8;
	v3 =	vld.idx.msk [tilespmem:v10+s10+$0x0], $0xffff;
	v10 =	vor.u32 s11, v0;
	[tilespmem:s9+$0xC0] =	vst v5  }
0xff: {  	s14 =	sadd.s32 $0xFFFFFF00, s13;
	s15 =	sadd.s32 $0x1C, s20;
	v5 =	vld.idx.msk [tilespmem:v12+s10+$0x0], $0xffff;
	v12 =	vor.u32 s11, v1;
	[tilespmem:s12+$0x8000] =	vst v4  }
0x100: {  	s16 =	sor.u32 $0x70, s14;
	v4 =	vld.idx.msk [tilespmem:v11+s10+$0x0], $0xffff;
	v11 =	vor.u32 s15, v0;
	[tilespmem:s9+$0xE0] =	vst v6  }
0x101: {  	s17 =	sadd.s32 $0x1D, s20;
	v6 =	vld.idx.msk [tilespmem:v9+s10+$0x0], $0xffff;
	v9 =	vor.u32 s15, v1;
	[tilespmem:s16+$0x8000] =	vst v2  }
0x102: {  	v2 =	vld.idx.msk [tilespmem:v8+s10+$0x0], $0xffff;
	v8 =	vor.u32 s17, v0;
	[tilespmem:s9+$0x100] =	vst v7  }
0x103: {  	s19 =	sadd.s32 $0x1E, s20;
	s18 =	sadd.s32 $0xFFFFFF40, s13;
	v7 =	vld.idx.msk [tilespmem:v10+s10+$0x0], $0xffff;
	v10 =	vor.u32 s17, v1;
	[tilespmem:s9+$0x110] =	vst v3  }
0x104: {  	s0 =	sor.u32 $0x30, s18;
	v3 =	vld.idx.msk [tilespmem:v12+s10+$0x0], $0xffff;
	v12 =	vor.u32 s19, v0;
	[tilespmem:s9+$0x120] =	vst v5  }
0x105: {  	s21 =	sadd.s32 $0xFFFFFF60, s13;
	v5 =	vld.idx.msk [tilespmem:v11+s10+$0x0], $0xffff;
	v11 =	vor.u32 s19, v1;
	[tilespmem:s0+$0x8000] =	vst v4  }
0x106: {  	s22 =	sor.u32 $0x50, s21;
	v4 =	vor.u32 s20, v0;
	v9 =	vld.idx.msk [tilespmem:v9+s10+$0x0], $0xffff;
	[tilespmem:s9+$0x140] =	vst v6  }
0x107: {  	s23 =	sadd.s32 $0xFFFFFF80, s13;
	v8 =	vld.idx.msk [tilespmem:v8+s10+$0x0], $0xffff;
	[tilespmem:s22+$0x8000] =	vst v2  }
0x108: {  	s24 =	sor.u32 $0x70, s23;
	v6 =	vor.u32 s20, v1;
	v2 =	vld.idx.msk [tilespmem:v10+s10+$0x0], $0xffff;
	[tilespmem:s9+$0x160] =	vst v7  }
0x109: {  	v7 =	vld.idx.msk [tilespmem:v12+s10+$0x0], $0xffff;
	[tilespmem:s24+$0x8000] =	vst v3  }
0x10a: {  	v3 =	vld.idx.msk [tilespmem:v11+s10+$0x0], $0xffff;
	[tilespmem:s9+$0x180] =	vst v5  }
0x10b: {  	s25 =	sadd.s32 $0xFFFFFFC0, s13;
	v4 =	vld.idx.msk [tilespmem:v4+s10+$0x0], $0xffff;
	[tilespmem:s9+$0x190] =	vst v9  }
0x10c: {  	s0 =	sor.u32 $0x30, s25;
	[tilespmem:s9+$0x1A0] =	vst v8  }
0x10d: {  	s26 =	sadd.s32 $0xFFFFFFE0, s13;
	v5 =	vld.idx.msk [tilespmem:v6+s10+$0x0], $0xffff;
	[tilespmem:s0+$0x8000] =	vst v2  }
0x10e: {  	s29 =	sor.u32 $0x50, s26;
	[tilespmem:s9+$0x1C0] =	vst v7  }
0x10f: {  	[tilespmem:s29+$0x8000] =	vst v3  }
0x110: {  	[tilespmem:s9+$0xFFFFFE00] =	vst v4  }
0x111: {  	s0 =	sld [smem:$0x7FA]  }
0x112: {  	[tilespmem:s9+$0xFFFFFE10] =	vst v5  }
0x113: {  	s30 =	rddreg [dreg:$0xf]  }
0x114: {  	s3 =	sld [smem:$0x7F9];
	s0 =	sshll.u32 s0, $0x9  }
0x115: {  	s31 =	simm.s32 $0x8000;
	s2 =	rddreg [dreg:$0x11];
	s0 =	sadd.s32 s30, s0  }
0x116: {  	[hbm4b:s0+s10] =	stream.linear.scatter [tilespmem:s31], [sflag:$0x5], $0x1000, $0x38;
	[tilespmem:$0xC000] =	vst v63  }
0x117: {  	s4 =	rddreg [dreg:$0x16];
	s0 =	sadd.s32 s3, s2  }
0x118: {  	[smem:$0x7F7] =	sst s0;
	s0 =	sadd.s32 $0x1, s0  }
0x119: {  	[smem:$0x7F8] =	sst s0;
	s0 =	sshll.u32 s0, $0x7  }
0x11a: {  	s0 =	sadd.s32 s0, s4  }
0x11b: {  	[tilespmem:s10], [sflag:$0x1] =	stream.linear.gather [hbm4b:s0+s10], $0x400, $0x38;
	[tilespmem:$0xC000] =	vst v63  }
0x11c: {  	s5 =	simm.s32 $0x800;
	s1 =	sadd.s32 $0xF4280, s0  }
0x11d: {  	[tilespmem:s5], [sflag:$0x1] =	stream.linear.gather [hbm4b:s1+s10], $0x400, $0x38;
	[tilespmem:$0xC000] =	vst v63  }
0x11e: {  	s7 =	simm.s32 $0x1000;
	s6 =	sadd.s32 $0x1E8500, s0  }
0x11f: {  	[tilespmem:s7], [sflag:$0x1] =	stream.linear.gather [hbm4b:s6+s10], $0x400, $0x38;
	[tilespmem:$0xC000] =	vst v63  }
0x120: {  	s8 =	simm.s32 $0x1800;
	s9 =	simm.s32 $0x2;
	s0 =	sadd.s32 $0x2DC780, s0  }
0x121: {  	[tilespmem:s8], [sflag:$0x1] =	stream.linear.gather [hbm4b:s0+s10], $0x400, $0x38;
	[tilespmem:$0xC000] =	vst v63  }
0x122: {  	s10 =	simm.s32 $0x1;
	_ =	swait.ge [sflag:s9], $0x1000  }
0x123: {  	s11 =	simm.s32 $0x1F;
	v2 =	vor.u32 s10, v0;
	[sflag:s9] =	ssyncset.done $0x0  }
0x124: {  	v3 =	vor.u32 s11, v0;
	s2 =	simm.s32 @!p1 $0x6;
	[sflag:s9] =	ssyncadd.s32 $0xFFFFF000  }
0x125: {  	v4 =	vor.u32 s11, v1;
	_ =	swait.ge @!p1 [sflag:s2], $0x1000  }
0x126: {  	s12 =	simm.s32 $0x2;
	v5 =	vor.u32 s10, v1;
	[sflag:s2] =	ssyncset.done @!p1 $0x0  }
0x127: {  	s13 =	simm.s32 $0x3;
	v6 =	vor.u32 s12, v0;
	s5 =	simm.s32 $0x2000;
	[sflag:s2] =	ssyncadd.s32 @!p1 $0xFFFFF000  }
0x128: {  	s14 =	simm.s32 $0x4;
	v7 =	vor.u32 s13, v0;
	v2 =	vld.idx.msk [tilespmem:v2+s5+$0x0], $0xffff  }
0x129: {  	v8 =	vor.u32 s14, v0;
	v3 =	vld.idx.msk [tilespmem:v3+s5+$0x0], $0xffff  }
0x12a: {  	s15 =	simm.s32 $0x5;
	v9 =	vor.u32 s14, v1;
	v4 =	vld.idx.msk [tilespmem:v4+s5+$0x0], $0xffff  }
0x12b: {  	s16 =	simm.s32 $0x6;
	v10 =	vor.u32 s15, v0;
	v5 =	vld.idx.msk [tilespmem:v5+s5+$0x0], $0xffff  }
0x12c: {  	v11 =	vor.u32 s16, v0;
	v6 =	vld.idx.msk [tilespmem:v6+s5+$0x0], $0xffff  }
0x12d: {  	v12 =	vor.u32 s12, v1;
	v7 =	vld.idx.msk [tilespmem:v7+s5+$0x0], $0xffff  }
0x12e: {  	v13 =	vor.u32 s13, v1;
	s6 =	simm.s32 $0x0;
	s9 =	simm.s32 $0x9200;
	v8 =	vld.idx.msk [tilespmem:v8+s5+$0x0], $0xffff  }
0x12f: {  	s13 =	simm.s32 $0x3E0;
	v14 =	vor.u32 s6, v0;
	v9 =	vld.idx.msk [tilespmem:v9+s5+$0x0], $0xffff;
	[tilespmem:s9+$0x1E0] =	vst v3  }
0x130: {  	s17 =	sor.u32 $0x70, s13;
	v3 =	vld.idx.msk [tilespmem:v10+s5+$0x0], $0xffff;
	v10 =	vor.u32 s15, v1;
	[tilespmem:s9+$0xFFFFFE20] =	vst v2  }
0x131: {  	s18 =	simm.s32 $0x7;
	[tilespmem:s17+$0x9000] =	vst v4;
	v4 =	vld.idx.msk [tilespmem:v11+s5+$0x0], $0xffff;
	v11 =	vor.u32 s16, v1  }
0x132: {  	v12 =	vld.idx.msk [tilespmem:v12+s5+$0x0], $0xffff;
	[tilespmem:s9+$0xFFFFFE40] =	vst v6;
	v6 =	vor.u32 s18, v0  }
0x133: {  	s19 =	simm.s32 $0x8;
	v13 =	vld.idx.msk [tilespmem:v13+s5+$0x0], $0xffff;
	[tilespmem:s9+$0xFFFFFE60] =	vst v7;
	v7 =	vor.u32 s18, v1  }
0x134: {  	v2 =	vld.idx.msk [tilespmem:v14+s5+$0x0], $0xffff;
	[tilespmem:s9+$0xFFFFFE80] =	vst v8;
	v8 =	vor.u32 s19, v0  }
0x135: {  	s20 =	simm.s32 $0x9;
	[tilespmem:s9+$0xFFFFFE90] =	vst v9;
	v9 =	vld.idx.msk [tilespmem:v10+s5+$0x0], $0xffff;
	v10 =	vor.u32 s19, v1  }
0x136: {  	s21 =	simm.s32 $0x20;
	[tilespmem:s9+$0xFFFFFEA0] =	vst v3;
	v3 =	vld.idx.msk [tilespmem:v11+s5+$0x0], $0xffff;
	v11 =	vor.u32 s20, v0  }
0x137: {  	s23 =	simm.s32 $0x40;
	s22 =	simm.s32 $0xA;
	s1 =	sor.u32 $0x30, s21;
	[tilespmem:s9+$0xFFFFFEC0] =	vst v4;
	v4 =	vld.idx.msk [tilespmem:v6+s5+$0x0], $0xffff;
	v6 =	vor.u32 s20, v1  }
0x138: {  	s24 =	simm.s32 $0x60;
	s3 =	sor.u32 $0x50, s23;
	[tilespmem:s1+$0x9000] =	vst v5;
	v5 =	vld.idx.msk [tilespmem:v7+s5+$0x0], $0xffff;
	v7 =	vor.u32 s22, v0  }
0x139: {  	s26 =	simm.s32 $0xA0;
	s25 =	simm.s32 $0xB;
	s0 =	sor.u32 $0x70, s24;
	[tilespmem:s3+$0x9000] =	vst v12;
	v12 =	vor.u32 s22, v1;
	v8 =	vld.idx.msk [tilespmem:v8+s5+$0x0], $0xffff  }
0x13a: {  	s29 =	simm.s32 $0xC0;
	s30 =	sor.u32 $0x30, s26;
	[tilespmem:s0+$0x9000] =	vst v13;
	v13 =	vor.u32 s25, v0;
	v10 =	vld.idx.msk [tilespmem:v10+s5+$0x0], $0xffff  }
0x13b: {  	s31 =	simm.s32 $0xC;
	s2 =	sor.u32 $0x50, s29;
	[tilespmem:s30+$0x9000] =	vst v9;
	v9 =	vld.idx.msk [tilespmem:v11+s5+$0x0], $0xffff;
	v11 =	vor.u32 s25, v1  }
0x13c: {  	s3 =	simm.s32 $0xE0;
	[tilespmem:s2+$0x9000] =	vst v3;
	v3 =	vld.idx.msk [tilespmem:v6+s5+$0x0], $0xffff;
	v6 =	vor.u32 s31, v0  }
0x13d: {  	s4 =	simm.s32 $0xD;
	s1 =	sor.u32 $0x70, s3;
	[tilespmem:s9+$0xFFFFFEE0] =	vst v4;
	v4 =	vld.idx.msk [tilespmem:v7+s5+$0x0], $0xffff;
	v7 =	vor.u32 s31, v1  }
0x13e: {  	[tilespmem:s1+$0x9000] =	vst v5;
	v5 =	vld.idx.msk [tilespmem:v12+s5+$0x0], $0xffff;
	v12 =	vor.u32 s4, v0  }
0x13f: {  	s7 =	simm.s32 $0xE;
	[tilespmem:s9+$0xFFFFFF00] =	vst v8;
	v8 =	vld.idx.msk [tilespmem:v13+s5+$0x0], $0xffff;
	v13 =	vor.u32 s4, v1  }
0x140: {  	s8 =	simm.s32 $0x120;
	[tilespmem:s9+$0xFFFFFF10] =	vst v10;
	v10 =	vld.idx.msk [tilespmem:v11+s5+$0x0], $0xffff;
	v11 =	vor.u32 s7, v0  }
0x141: {  	s10 =	simm.s32 $0xF;
	s1 =	sor.u32 $0x30, s8;
	[tilespmem:s9+$0xFFFFFF20] =	vst v9;
	v6 =	vld.idx.msk [tilespmem:v6+s5+$0x0], $0xffff;
	v9 =	vor.u32 s7, v1  }
0x142: {  	s11 =	simm.s32 $0x140;
	[tilespmem:s1+$0x9000] =	vst v3;
	v3 =	vld.idx.msk [tilespmem:v7+s5+$0x0], $0xffff;
	v7 =	vor.u32 s10, v0  }
0x143: {  	s14 =	simm.s32 $0x10;
	s12 =	sor.u32 $0x50, s11;
	[tilespmem:s9+$0xFFFFFF40] =	vst v4;
	v4 =	vld.idx.msk [tilespmem:v12+s5+$0x0], $0xffff;
	v12 =	vor.u32 s10, v1  }
0x144: {  	s15 =	simm.s32 $0x160;
	[tilespmem:s12+$0x9000] =	vst v5;
	v5 =	vld.idx.msk [tilespmem:v13+s5+$0x0], $0xffff;
	v13 =	vor.u32 s14, v0  }
0x145: {  	s16 =	sor.u32 $0x70, s15;
	s17 =	simm.s32 $0x11;
	[tilespmem:s9+$0xFFFFFF60] =	vst v8;
	v8 =	vld.idx.msk [tilespmem:v11+s5+$0x0], $0xffff;
	v11 =	vor.u32 s14, v1  }
0x146: {  	[tilespmem:s16+$0x9000] =	vst v10;
	v9 =	vld.idx.msk [tilespmem:v9+s5+$0x0], $0xffff;
	v10 =	vor.u32 s17, v0  }
0x147: {  	s18 =	simm.s32 $0x12;
	[tilespmem:s9+$0xFFFFFF80] =	vst v6;
	v6 =	vld.idx.msk [tilespmem:v7+s5+$0x0], $0xffff;
	v7 =	vor.u32 s17, v1  }
0x148: {  	s19 =	simm.s32 $0x1A0;
	[tilespmem:s9+$0xFFFFFF90] =	vst v3;
	v3 =	vld.idx.msk [tilespmem:v12+s5+$0x0], $0xffff;
	v12 =	vor.u32 s18, v0  }
0x149: {  	s20 =	simm.s32 $0x13;
	s1 =	sor.u32 $0x30, s19;
	[tilespmem:s9+$0xFFFFFFA0] =	vst v4;
	v4 =	vld.idx.msk [tilespmem:v13+s5+$0x0], $0xffff;
	v13 =	vor.u32 s18, v1  }
0x14a: {  	s21 =	simm.s32 $0x1C0;
	[tilespmem:s1+$0x9000] =	vst v5;
	v5 =	vld.idx.msk [tilespmem:v11+s5+$0x0], $0xffff;
	v11 =	vor.u32 s20, v0  }
0x14b: {  	s23 =	simm.s32 $0x14;
	s22 =	sor.u32 $0x50, s21;
	[tilespmem:s9+$0xFFFFFFC0] =	vst v8;
	v8 =	vld.idx.msk [tilespmem:v10+s5+$0x0], $0xffff;
	v10 =	vor.u32 s20, v1  }
0x14c: {  	s24 =	simm.s32 $0x1E0;
	[tilespmem:s22+$0x9000] =	vst v9;
	v7 =	vld.idx.msk [tilespmem:v7+s5+$0x0], $0xffff;
	v9 =	vor.u32 s23, v0  }
0x14d: {  	s26 =	simm.s32 $0x15;
	s25 =	sor.u32 $0x70, s24;
	[tilespmem:s9+$0xFFFFFFE0] =	vst v6;
	v6 =	vld.idx.msk [tilespmem:v12+s5+$0x0], $0xffff;
	v12 =	vor.u32 s23, v1  }
0x14e: {  	[tilespmem:s25+$0x9000] =	vst v3;
	v3 =	vld.idx.msk [tilespmem:v13+s5+$0x0], $0xffff;
	v13 =	vor.u32 s26, v0  }
0x14f: {  	s29 =	simm.s32 $0x16;
	[tilespmem:s9+$0x0] =	vst v4;
	v4 =	vld.idx.msk [tilespmem:v11+s5+$0x0], $0xffff;
	v11 =	vor.u32 s26, v1  }
0x150: {  	s30 =	simm.s32 $0x220;
	[tilespmem:s9+$0x10] =	vst v5;
	v5 =	vld.idx.msk [tilespmem:v10+s5+$0x0], $0xffff;
	v10 =	vor.u32 s29, v0  }
0x151: {  	s31 =	simm.s32 $0x17;
	s1 =	sor.u32 $0x30, s30;
	[tilespmem:s9+$0x20] =	vst v8;
	v8 =	vld.idx.msk [tilespmem:v9+s5+$0x0], $0xffff;
	v9 =	vor.u32 s29, v1  }
0x152: {  	s3 =	simm.s32 $0x240;
	[tilespmem:s1+$0x9000] =	vst v7;
	v7 =	vld.idx.msk [tilespmem:v12+s5+$0x0], $0xffff;
	v12 =	vor.u32 s31, v0  }
0x153: {  	s4 =	sor.u32 $0x50, s3;
	s7 =	simm.s32 $0x18;
	[tilespmem:s9+$0x40] =	vst v6;
	v6 =	vld.idx.msk [tilespmem:v13+s5+$0x0], $0xffff;
	v13 =	vor.u32 s31, v1  }
0x154: {  	s8 =	simm.s32 $0x260;
	[tilespmem:s4+$0x9000] =	vst v3;
	v3 =	vld.idx.msk [tilespmem:v11+s5+$0x0], $0xffff;
	v11 =	vor.u32 s7, v0  }
0x155: {  	s11 =	simm.s32 $0x19;
	s10 =	sor.u32 $0x70, s8;
	[tilespmem:s9+$0x60] =	vst v4;
	v4 =	vld.idx.msk [tilespmem:v10+s5+$0x0], $0xffff;
	v10 =	vor.u32 s7, v1  }
0x156: {  	[tilespmem:s10+$0x9000] =	vst v5;
	v5 =	vld.idx.msk [tilespmem:v9+s5+$0x0], $0xffff;
	v9 =	vor.u32 s11, v0  }
0x157: {  	s12 =	simm.s32 $0x1A;
	[tilespmem:s9+$0x80] =	vst v8;
	v8 =	vld.idx.msk [tilespmem:v12+s5+$0x0], $0xffff;
	v12 =	vor.u32 s11, v1  }
0x158: {  	s15 =	simm.s32 $0x1B;
	s14 =	simm.s32 $0x2A0;
	[tilespmem:s9+$0x90] =	vst v7;
	v7 =	vld.idx.msk [tilespmem:v13+s5+$0x0], $0xffff;
	v13 =	vor.u32 s12, v0  }
0x159: {  	v14 =	vor.u32 s15, v1;
	s1 =	sor.u32 $0x30, s14;
	[tilespmem:s9+$0xA0] =	vst v6;
	v6 =	vld.idx.msk [tilespmem:v11+s5+$0x0], $0xffff  }
0x15a: {  	s16 =	simm.s32 $0x2C0;
	v11 =	vor.u32 s12, v1;
	[tilespmem:s1+$0x9000] =	vst v3;
	v10 =	vld.idx.msk [tilespmem:v10+s5+$0x0], $0xffff  }
0x15b: {  	s17 =	sor.u32 $0x50, s16;
	s18 =	simm.s32 $0x1C;
	v3 =	vor.u32 s15, v0;
	[tilespmem:s9+$0xC0] =	vst v4;
	v9 =	vld.idx.msk [tilespmem:v9+s5+$0x0], $0xffff  }
0x15c: {  	s19 =	simm.s32 $0x2E0;
	v15 =	vor.u32 s18, v0;
	[tilespmem:s17+$0x9000] =	vst v5;
	v12 =	vld.idx.msk [tilespmem:v12+s5+$0x0], $0xffff  }
0x15d: {  	s21 =	simm.s32 $0x1D;
	s20 =	sor.u32 $0x70, s19;
	[tilespmem:s9+$0xE0] =	vst v8;
	v8 =	vld.idx.msk [tilespmem:v13+s5+$0x0], $0xffff;
	v13 =	vor.u32 s18, v1  }
0x15e: {  	v5 =	vld.idx.msk [tilespmem:v14+s5+$0x0], $0xffff;
	[tilespmem:s20+$0x9000] =	vst v7;
	v7 =	vor.u32 s21, v0  }
0x15f: {  	v17 =	vor.u32 s21, v1;
	v16 =	vld.idx.msk [tilespmem:v11+s5+$0x0], $0xffff;
	[tilespmem:s9+$0x100] =	vst v6  }
0x160: {  	s28 =	simm.s32 $0x40;
	s24 =	simm.s32 $0x340;
	s22 =	simm.s32 $0x320;
	v4 =	vld.idx.msk [tilespmem:v3+s5+$0x0], $0xffff;
	[tilespmem:s9+$0x110] =	vst v10  }
0x161: {  	s8 =	simm.s32 $0x3F;
	s30 =	sor.u32 $0x50, s24;
	s23 =	sor.u32 $0x30, s22;
	v3 =	vld.idx.msk [tilespmem:v15+s5+$0x0], $0xffff;
	[tilespmem:s9+$0x120] =	vst v9  }
0x162: {  	s25 =	simm.s32 $0x360;
	s26 =	simm.s32 $0x3A0;
	s29 =	simm.s32 $0x3C0;
	[tilespmem:s23+$0x9000] =	vst v12;
	v6 =	vld.idx.msk [tilespmem:v13+s5+$0x0], $0xffff  }
0x163: {  	s31 =	simm.s32 $0x1E;
	s14 =	sor.u32 $0x50, s29;
	s1 =	simm.s32 $0x21;
	v10 =	vor.u32 s8, v0;
	v9 =	vor.u32 s6, v1;
	[tilespmem:s9+$0x140] =	vst v8;
	v7 =	vld.idx.msk [tilespmem:v7+s5+$0x0], $0xffff  }
0x164: {  	s7 =	sor.u32 $0x70, s25;
	s10 =	sor.u32 $0x30, s26;
	s20 =	simm.s32 $0x20;
	v11 =	vor.u32 s31, v1;
	v13 =	vor.u32 s31, v0;
	v12 =	vor.u32 s1, v0;
	v8 =	vld.idx.msk [tilespmem:v17+s5+$0x0], $0xffff;
	[tilespmem:s30+$0x9000] =	vst v16  }
.LBB2_5:
0x165: {  	_ =	sdelay $0x3  }
0x166: {  	v14 =	vor.u32 s8, v1;
	v9 =	vld.idx.msk [tilespmem:v9+s5+$0x0], $0xffff;
	[tilespmem:s9+$0xFFFFFE00] =	vst v2  }
0x167: {  	s0 =	sadd.s32 $0x2, s20;
	[tilespmem:s9+$0x160] =	vst v4;
	v4 =	vld.idx.msk [tilespmem:v13+s5+$0x0], $0xffff;
	v13 =	vor.u32 s1, v1  }
0x168: {  	s2 =	sadd.s32 $0x3, s20;
	[tilespmem:s7+$0x9000] =	vst v5;
	v5 =	vld.idx.msk [tilespmem:v11+s5+$0x0], $0xffff;
	v11 =	vor.u32 s0, v0  }
0x169: {  	s26 =	sadd.s32 $0x4, s20;
	[tilespmem:s9+$0x180] =	vst v3;
	v3 =	vld.idx.msk [tilespmem:v12+s5+$0x0], $0xffff;
	v12 =	vor.u32 s2, v0  }
0x16a: {  	v10 =	vld.idx.msk [tilespmem:v10+s5+$0x0], $0xffff;
	[tilespmem:s9+$0x190] =	vst v6;
	v6 =	vor.u32 s26, v0  }
0x16b: {  	s3 =	sadd.s32 $0x5, s20;
	[tilespmem:s9+$0x1A0] =	vst v7;
	v7 =	vor.u32 s26, v1;
	v14 =	vld.idx.msk [tilespmem:v14+s5+$0x0], $0xffff  }
0x16c: {  	s4 =	sadd.s32 $0x6, s20;
	[tilespmem:s10+$0x9000] =	vst v8;
	v8 =	vld.idx.msk [tilespmem:v13+s5+$0x0], $0xffff;
	v13 =	vor.u32 s3, v0  }
0x16d: {  	s16 =	simm.s32 $0x2000;
	[tilespmem:s9+$0x1C0] =	vst v4;
	v4 =	vld.idx.msk [tilespmem:v11+s5+$0x0], $0xffff;
	v11 =	vor.u32 s4, v0  }
0x16e: {  	v12 =	vld.idx.msk [tilespmem:v12+s16+$0x0], $0xffff;
	[tilespmem:s14+$0x9000] =	vst v5;
	v5 =	vor.u32 s0, v1  }
0x16f: {  	v2 =	vor.u32 s2, v1;
	[tilespmem:s9+$0xFFFFFE10] =	vst v9;
	v6 =	vld.idx.msk [tilespmem:v6+s16+$0x0], $0xffff;
	s9 =	sadd.s32 $0x400, s9  }
0x170: {  	s13 =	sadd.s32 $0x400, s13;
	v9 =	vor.u32 s20, v0;
	v7 =	vld.idx.msk [tilespmem:v7+s16+$0x0], $0xffff;
	[tilespmem:s9+$0x1E0] =	vst v10  }
0x171: {  	s11 =	sor.u32 $0x70, s13;
	[tilespmem:s9+$0xFFFFFE20] =	vst v3;
	v10 =	vld.idx.msk [tilespmem:v13+s16+$0x0], $0xffff;
	v13 =	vor.u32 s3, v1  }
0x172: {  	s29 =	sadd.s32 $0x7, s20;
	s30 =	sadd.s32 $0x8, s20;
	s31 =	sadd.s32 $0xB, s20;
	[tilespmem:s11+$0x9000] =	vst v14;
	v3 =	vld.idx.msk [tilespmem:v11+s16+$0x0], $0xffff;
	v11 =	vor.u32 s4, v1  }
0x173: {  	s8 =	sadd.s32 $0x9, s20;
	s6 =	sadd.s32 $0xD, s20;
	[dreg:$0xd] =	wrdreg s31;
	v5 =	vld.idx.msk [tilespmem:v5+s16+$0x0], $0xffff;
	[tilespmem:s9+$0xFFFFFE40] =	vst v4;
	v4 =	vor.u32 s29, v0  }
0x174: {  	[dreg:$0x4] =	wrdreg s6;
	s15 =	sadd.s32 $0xFFFFFCE0, s13;
	s17 =	sadd.s32 $0xFFFFFD60, s13;
	v14 =	vld.idx.msk [tilespmem:v2+s16+$0x0], $0xffff;
	[tilespmem:s9+$0xFFFFFE60] =	vst v12;
	v12 =	vor.u32 s29, v1  }
0x175: {  	s18 =	sadd.s32 $0xFFFFFD80, s13;
	s23 =	sadd.s32 $0xFFFFFE40, s13;
	s24 =	sadd.s32 $0xFFFFFE60, s13;
	v2 =	vld.idx.msk [tilespmem:v9+s16+$0x0], $0xffff;
	[tilespmem:s9+$0xFFFFFE80] =	vst v6;
	v6 =	vor.u32 s30, v0  }
0x176: {  	s12 =	sadd.s32 $0xFFFFFEE0, s13;
	s1 =	sadd.s32 $0xC, s20;
	s2 =	sadd.s32 $0xFFFFFC60, s13;
	v9 =	vor.u32 s30, v1;
	[tilespmem:s9+$0xFFFFFE90] =	vst v7;
	v7 =	vld.idx.msk [tilespmem:v13+s16+$0x0], $0xffff  }
0x177: {  	s7 =	sadd.s32 $0xA, s20;
	[dreg:$0x9] =	wrdreg s1;
	s0 =	sadd.s32 $0xFFFFFC40, s13;
	[tilespmem:s9+$0xFFFFFEA0] =	vst v10;
	v10 =	vld.idx.msk [tilespmem:v11+s16+$0x0], $0xffff;
	v11 =	vor.u32 s8, v0  }
0x178: {  	s14 =	sadd.s32 $0xFFFFFC80, s13;
	s0 =	sor.u32 $0x30, s0;
	s3 =	sadd.s32 $0xFFFFFCC0, s13;
	[tilespmem:s9+$0xFFFFFEC0] =	vst v3;
	v3 =	vld.idx.msk [tilespmem:v4+s16+$0x0], $0xffff;
	v4 =	vor.u32 s8, v1  }
0x179: {  	s2 =	sor.u32 $0x50, s2;
	s14 =	sor.u32 $0x70, s14;
	[tilespmem:s0+$0x9000] =	vst v8;
	s0 =	sor.u32 $0x30, s3;
	v8 =	vld.idx.msk [tilespmem:v12+s16+$0x0], $0xffff;
	v12 =	vor.u32 s7, v0  }
0x17a: {  	s3 =	sor.u32 $0x50, s15;
	s15 =	sor.u32 $0x70, s18;
	s18 =	rddreg [dreg:$0xd];
	[tilespmem:s2+$0x9000] =	vst v5;
	v5 =	vld.idx.msk [tilespmem:v6+s16+$0x0], $0xffff;
	v6 =	vor.u32 s7, v1  }
0x17b: {  	s5 =	sadd.s32 $0xFFFFFE00, s13;
	s11 =	sadd.s32 $0xFFFFFD00, s13;
	[tilespmem:s14+$0x9000] =	vst v14;
	v9 =	vld.idx.msk [tilespmem:v9+s16+$0x0], $0xffff;
	v13 =	vor.u32 s18, v0;
	s2 =	sor.u32 $0x50, s17  }
0x17c: {  	s17 =	sor.u32 $0x70, s5;
	s5 =	sor.u32 $0x50, s24;
	s24 =	rddreg [dreg:$0x9];
	[tilespmem:s0+$0x9000] =	vst v7;
	v7 =	vld.idx.msk [tilespmem:v11+s16+$0x0], $0xffff;
	v11 =	vor.u32 s18, v1  }
0x17d: {  	s26 =	sadd.s32 $0xFFFFFF60, s13;
	s4 =	sor.u32 $0x70, s11;
	s18 =	sor.u32 $0x30, s23;
	[tilespmem:s3+$0x9000] =	vst v10;
	v4 =	vld.idx.msk [tilespmem:v4+s16+$0x0], $0xffff;
	v10 =	vor.u32 s24, v0  }
0x17e: {  	s23 =	sor.u32 $0x50, s12;
	[tilespmem:s9+$0xFFFFFEE0] =	vst v3;
	v3 =	vld.idx.msk [tilespmem:v12+s16+$0x0], $0xffff;
	v12 =	vor.u32 s24, v1;
	s12 =	sor.u32 $0x50, s26;
	s26 =	rddreg [dreg:$0x4]  }
0x17f: {  	s25 =	sadd.s32 $0xFFFFFE80, s13;
	s29 =	sadd.s32 $0xFFFFFEC0, s13;
	v6 =	vld.idx.msk [tilespmem:v6+s16+$0x0], $0xffff;
	[tilespmem:s4+$0x9000] =	vst v8;
	v8 =	vor.u32 s26, v0  }
0x180: {  	s0 =	sor.u32 $0x70, s25;
	s25 =	sor.u32 $0x30, s29;
	s29 =	sadd.s32 $0xE, s20;
	[tilespmem:s9+$0xFFFFFF00] =	vst v5;
	v5 =	vld.idx.msk [tilespmem:v13+s16+$0x0], $0xffff;
	v13 =	vor.u32 s26, v1  }
0x181: {  	s22 =	sadd.s32 $0xFFFFFDE0, s13;
	s1 =	sadd.s32 $0xFFFFFD40, s13;
	s30 =	sadd.s32 $0xFFFFFF80, s13;
	[tilespmem:s9+$0xFFFFFF10] =	vst v9;
	v9 =	vld.idx.msk [tilespmem:v11+s16+$0x0], $0xffff;
	v11 =	vor.u32 s29, v0  }
0x182: {  	s1 =	sor.u32 $0x30, s1;
	s7 =	sor.u32 $0x70, s30;
	s30 =	sadd.s32 $0xF, s20;
	[tilespmem:s9+$0xFFFFFF20] =	vst v7;
	v7 =	vld.idx.msk [tilespmem:v10+s16+$0x0], $0xffff;
	v10 =	vor.u32 s29, v1  }
0x183: {  	s31 =	sadd.s32 $0xFFFFFFC0, s13;
	s10 =	sadd.s32 $0xFFFFFF00, s13;
	s8 =	sor.u32 $0x50, s22;
	[tilespmem:s1+$0x9000] =	vst v4;
	v4 =	vld.idx.msk [tilespmem:v12+s16+$0x0], $0xffff;
	v12 =	vor.u32 s30, v0  }
0x184: {  	s22 =	sor.u32 $0x70, s10;
	s10 =	sor.u32 $0x30, s31;
	s31 =	sadd.s32 $0x10, s20;
	[tilespmem:s9+$0xFFFFFF40] =	vst v3;
	v3 =	vld.idx.msk [tilespmem:v8+s16+$0x0], $0xffff;
	v8 =	vor.u32 s30, v1  }
0x185: {  	[tilespmem:s2+$0x9000] =	vst v6;
	v6 =	vld.idx.msk [tilespmem:v13+s16+$0x0], $0xffff;
	v13 =	vor.u32 s31, v0  }
0x186: {  	[tilespmem:s9+$0xFFFFFF60] =	vst v5;
	v5 =	vld.idx.msk [tilespmem:v11+s16+$0x0], $0xffff  }
0x187: {  	s2 =	sadd.s32 $0x11, s20;
	v11 =	vor.u32 s31, v1;
	[tilespmem:s15+$0x9000] =	vst v9;
	v9 =	vld.idx.msk [tilespmem:v10+s16+$0x0], $0xffff  }
0x188: {  	v10 =	vor.u32 s2, v0;
	[tilespmem:s9+$0xFFFFFF80] =	vst v7;
	v7 =	vld.idx.msk [tilespmem:v12+s16+$0x0], $0xffff  }
0x189: {  	s21 =	sadd.s32 $0xFFFFFDC0, s13;
	s3 =	sadd.s32 $0x12, s20;
	v12 =	vor.u32 s2, v1;
	[tilespmem:s9+$0xFFFFFF90] =	vst v4;
	v4 =	vld.idx.msk [tilespmem:v8+s16+$0x0], $0xffff  }
0x18a: {  	s11 =	sor.u32 $0x30, s21;
	v8 =	vor.u32 s3, v0;
	[tilespmem:s9+$0xFFFFFFA0] =	vst v3;
	v3 =	vld.idx.msk [tilespmem:v13+s16+$0x0], $0xffff  }
0x18b: {  	s4 =	sadd.s32 $0x13, s20;
	v13 =	vor.u32 s3, v1;
	[tilespmem:s11+$0x9000] =	vst v6  }
0x18c: {  	s6 =	sadd.s32 $0xFFFFFFE0, s13;
	v6 =	vld.idx.msk [tilespmem:v11+s16+$0x0], $0xffff;
	v11 =	vor.u32 s4, v0;
	[tilespmem:s9+$0xFFFFFFC0] =	vst v5  }
0x18d: {  	s14 =	sor.u32 $0x50, s6;
	s6 =	sadd.s32 $0x14, s20;
	v5 =	vld.idx.msk [tilespmem:v10+s16+$0x0], $0xffff;
	v10 =	vor.u32 s4, v1;
	[tilespmem:s8+$0x9000] =	vst v9  }
0x18e: {  	v9 =	vld.idx.msk [tilespmem:v12+s16+$0x0], $0xffff;
	v12 =	vor.u32 s6, v0;
	[tilespmem:s9+$0xFFFFFFE0] =	vst v7  }
0x18f: {  	s11 =	sadd.s32 $0x15, s20;
	v7 =	vld.idx.msk [tilespmem:v8+s16+$0x0], $0xffff;
	v8 =	vor.u32 s6, v1;
	[tilespmem:s9+$0x0] =	vst v3  }
0x190: {  	[tilespmem:s17+$0x9000] =	vst v4;
	v4 =	vld.idx.msk [tilespmem:v13+s16+$0x0], $0xffff;
	v13 =	vor.u32 s11, v0  }
0x191: {  	s15 =	sadd.s32 $0x16, s20;
	v3 =	vld.idx.msk [tilespmem:v11+s16+$0x0], $0xffff;
	v11 =	vor.u32 s11, v1;
	[tilespmem:s9+$0x10] =	vst v6  }
0x192: {  	v6 =	vld.idx.msk [tilespmem:v10+s16+$0x0], $0xffff;
	v10 =	vor.u32 s15, v0;
	[tilespmem:s9+$0x20] =	vst v5  }
0x193: {  	s17 =	sadd.s32 $0x17, s20;
	v5 =	vld.idx.msk [tilespmem:v12+s16+$0x0], $0xffff;
	v12 =	vor.u32 s15, v1;
	[tilespmem:s18+$0x9000] =	vst v9  }
0x194: {  	v8 =	vld.idx.msk [tilespmem:v8+s16+$0x0], $0xffff;
	v9 =	vor.u32 s17, v0;
	[tilespmem:s9+$0x40] =	vst v7  }
0x195: {  	s18 =	sadd.s32 $0x18, s20;
	v7 =	vld.idx.msk [tilespmem:v13+s16+$0x0], $0xffff;
	v13 =	vor.u32 s17, v1;
	[tilespmem:s5+$0x9000] =	vst v4;
	s5 =	simm.s32 $0x2000  }
0x196: {  	s19 =	sadd.s32 $0xFFFFFF40, s13;
	v4 =	vld.idx.msk [tilespmem:v11+s5+$0x0], $0xffff;
	v11 =	vor.u32 s18, v0  }
0x197: {  	s21 =	sor.u32 $0x30, s19;
	s19 =	sadd.s32 $0x19, s20;
	[tilespmem:s9+$0x60] =	vst v3;
	v3 =	vld.idx.msk [tilespmem:v10+s5+$0x0], $0xffff;
	v10 =	vor.u32 s18, v1  }
0x198: {  	[tilespmem:s0+$0x9000] =	vst v6;
	v6 =	vld.idx.msk [tilespmem:v12+s5+$0x0], $0xffff;
	v12 =	vor.u32 s19, v0  }
0x199: {  	s24 =	sadd.s32 $0x1A, s20;
	[tilespmem:s9+$0x80] =	vst v5;
	v5 =	vld.idx.msk [tilespmem:v9+s5+$0x0], $0xffff;
	v9 =	vor.u32 s19, v1  }
0x19a: {  	[tilespmem:s9+$0x90] =	vst v8;
	v8 =	vld.idx.msk [tilespmem:v13+s5+$0x0], $0xffff;
	v13 =	vor.u32 s24, v0  }
0x19b: {  	s26 =	sadd.s32 $0x1B, s20;
	[tilespmem:s9+$0xA0] =	vst v7;
	v7 =	vld.idx.msk [tilespmem:v11+s5+$0x0], $0xffff;
	v11 =	vor.u32 s24, v1  }
0x19c: {  	s30 =	sadd.s32 $0x1D, s20;
	[tilespmem:s25+$0x9000] =	vst v4;
	v10 =	vld.idx.msk [tilespmem:v10+s5+$0x0], $0xffff;
	v4 =	vor.u32 s26, v0  }
0x19d: {  	v16 =	vor.u32 s30, v0;
	[tilespmem:s9+$0xC0] =	vst v3;
	v3 =	vld.idx.msk [tilespmem:v12+s5+$0x0], $0xffff  }
0x19e: {  	s29 =	sadd.s32 $0x1C, s20;
	v12 =	vor.u32 s26, v1;
	[tilespmem:s23+$0x9000] =	vst v6;
	v6 =	vld.idx.msk [tilespmem:v9+s5+$0x0], $0xffff  }
0x19f: {  	v9 =	vor.u32 s29, v0;
	[tilespmem:s9+$0xE0] =	vst v5;
	v14 =	vld.idx.msk [tilespmem:v13+s5+$0x0], $0xffff  }
0x1a0: {  	v15 =	vor.u32 s29, v1;
	[tilespmem:s22+$0x9000] =	vst v8;
	v8 =	vld.idx.msk [tilespmem:v11+s5+$0x0], $0xffff  }
0x1a1: {  	p2 =	slt.u32 s28, $0x60;
	v17 =	vor.u32 s30, v1;
	[tilespmem:s9+$0x100] =	vst v7;
	v4 =	vld.idx.msk [tilespmem:v4+s5+$0x0], $0xffff  }
.Ltmp3:
0x1a2: {  	[tilespmem:s9+$0x110] =	vst v10;
	v7 =	vld.idx.msk [tilespmem:v16+s5+$0x0], $0xffff;
	(pc) =	sbr.rel @p2 .LBB2_5-.Ltmp3, $4  }
0x1a3: {  	v5 =	vld.idx.msk [tilespmem:v12+s5+$0x0], $0xffff;
	[tilespmem:s9+$0x120] =	vst v3  }
0x1a4: {  	s31 =	sadd.s32 $0x1E, s20;
	s8 =	sadd.s32 $0x1F, s28;
	v3 =	vld.idx.msk [tilespmem:v9+s5+$0x0], $0xffff;
	[tilespmem:s21+$0x9000] =	vst v6  }
0x1a5: {  	s1 =	sadd.s32 $0x1, s28;
	v13 =	vor.u32 s31, v0;
	v11 =	vor.u32 s31, v1;
	v10 =	vor.u32 s8, v0;
	v6 =	vld.idx.msk [tilespmem:v15+s5+$0x0], $0xffff;
	[tilespmem:s9+$0x140] =	vst v14  }
0x1a6: {  	v9 =	vor.u32 s20, v1;
	s20 =	smov.u32 s28;
	v12 =	vor.u32 s1, v0;
	s28 =	sadd.s32 $0x20, s28;
	[tilespmem:s12+$0x9000] =	vst v8;
	v8 =	vld.idx.msk [tilespmem:v17+s5+$0x0], $0xffff  }
0x1a7: {  	_ =	sdelay $0x3  }
0x1a8: {  	v14 =	vor.u32 s8, v1;
	v13 =	vld.idx.msk [tilespmem:v13+s5+$0x0], $0xffff;
	[tilespmem:s9+$0x160] =	vst v4  }
0x1a9: {  	v4 =	vor.u32 s1, v1;
	s0 =	sadd.s32 $0x2, s20;
	v11 =	vld.idx.msk [tilespmem:v11+s5+$0x0], $0xffff;
	[tilespmem:s9+$0x1A0] =	vst v7  }
0x1aa: {  	v9 =	vld.idx.msk [tilespmem:v9+s5+$0x0], $0xffff;
	s2 =	sadd.s32 $0x4, s20;
	[tilespmem:s7+$0x9000] =	vst v5;
	v5 =	vor.u32 s0, v0  }
0x1ab: {  	s8 =	sadd.s32 $0x3, s20;
	v10 =	vld.idx.msk [tilespmem:v10+s5+$0x0], $0xffff;
	[tilespmem:s9+$0xFFFFFE00] =	vst v2;
	v7 =	vor.u32 s2, v1  }
0x1ac: {  	v2 =	vor.u32 s8, v1;
	[tilespmem:s9+$0x180] =	vst v3;
	v3 =	vld.idx.msk [tilespmem:v12+s5+$0x0], $0xffff  }
0x1ad: {  	v12 =	vor.u32 s8, v0;
	v14 =	vld.idx.msk [tilespmem:v14+s5+$0x0], $0xffff  }
0x1ae: {  	s11 =	sadd.s32 $0x5, s20;
	[tilespmem:s9+$0x190] =	vst v6;
	v6 =	vor.u32 s2, v0;
	v4 =	vld.idx.msk [tilespmem:v4+s5+$0x0], $0xffff  }
0x1af: {  	s3 =	sadd.s32 $0x6, s20;
	[tilespmem:s10+$0x9000] =	vst v8;
	v8 =	vor.u32 s11, v0;
	v5 =	vld.idx.msk [tilespmem:v5+s5+$0x0], $0xffff  }
0x1b0: {  	[tilespmem:s9+$0x1C0] =	vst v13;
	v13 =	vor.u32 s3, v0;
	v7 =	vld.idx.msk [tilespmem:v7+s5+$0x0], $0xffff  }
0x1b1: {  	[tilespmem:s14+$0x9000] =	vst v11;
	v11 =	vor.u32 s0, v1;
	v2 =	vld.idx.msk [tilespmem:v2+s5+$0x0], $0xffff  }
0x1b2: {  	[tilespmem:s9+$0xFFFFFE10] =	vst v9;
	s9 =	sadd.s32 $0x400, s9;
	v9 =	vor.u32 s11, v1;
	v12 =	vld.idx.msk [tilespmem:v12+s5+$0x0], $0xffff  }
0x1b3: {  	s13 =	sadd.s32 $0x400, s13;
	[tilespmem:s9+$0x1E0] =	vst v10;
	v6 =	vld.idx.msk [tilespmem:v6+s5+$0x0], $0xffff  }
0x1b4: {  	s12 =	sor.u32 $0x70, s13;
	[tilespmem:s9+$0xFFFFFE20] =	vst v3;
	v8 =	vld.idx.msk [tilespmem:v8+s5+$0x0], $0xffff  }
0x1b5: {  	s14 =	sadd.s32 $0x7, s20;
	v3 =	vor.u32 s3, v1;
	[tilespmem:s12+$0x9000] =	vst v14;
	v10 =	vld.idx.msk [tilespmem:v13+s5+$0x0], $0xffff  }
0x1b6: {  	s15 =	sadd.s32 $0x8, s20;
	v11 =	vld.idx.msk [tilespmem:v11+s5+$0x0], $0xffff;
	[tilespmem:s9+$0xFFFFFE40] =	vst v5;
	v5 =	vor.u32 s14, v0  }
0x1b7: {  	[tilespmem:s9+$0xFFFFFE90] =	vst v7;
	v7 =	vld.idx.msk [tilespmem:v9+s5+$0x0], $0xffff;
	v9 =	vor.u32 s15, v1  }
0x1b8: {  	s4 =	sadd.s32 $0xFFFFFC80, s13;
	[tilespmem:s9+$0xFFFFFE60] =	vst v12;
	v12 =	vor.u32 s14, v1  }
0x1b9: {  	s22 =	sor.u32 $0x70, s4;
	[tilespmem:s9+$0xFFFFFE80] =	vst v6  }
0x1ba: {  	s16 =	sadd.s32 $0x9, s20;
	v3 =	vld.idx.msk [tilespmem:v3+s5+$0x0], $0xffff;
	v6 =	vor.u32 s15, v0;
	[tilespmem:s22+$0x9000] =	vst v2  }
0x1bb: {  	s17 =	sadd.s32 $0xFFFFFC40, s13;
	[tilespmem:s9+$0xFFFFFEA0] =	vst v8;
	v8 =	vor.u32 s16, v0;
	v5 =	vld.idx.msk [tilespmem:v5+s5+$0x0], $0xffff  }
0x1bc: {  	s19 =	sadd.s32 $0xA, s20;
	s18 =	sadd.s32 $0xFFFFFC60, s13;
	s2 =	sor.u32 $0x30, s17;
	[tilespmem:s9+$0xFFFFFEC0] =	vst v10;
	v10 =	vor.u32 s16, v1;
	v2 =	vld.idx.msk [tilespmem:v9+s5+$0x0], $0xffff  }
0x1bd: {  	s21 =	sadd.s32 $0xFFFFFCC0, s13;
	s1 =	sor.u32 $0x50, s18;
	[tilespmem:s2+$0x9000] =	vst v4;
	v4 =	vld.idx.msk [tilespmem:v12+s5+$0x0], $0xffff;
	v12 =	vor.u32 s19, v0  }
0x1be: {  	s23 =	sadd.s32 $0xB, s20;
	s24 =	sadd.s32 $0xFFFFFCE0, s13;
	s0 =	sor.u32 $0x30, s21;
	[tilespmem:s1+$0x9000] =	vst v11;
	v11 =	vor.u32 s19, v1  }
0x1bf: {  	s25 =	sor.u32 $0x50, s24;
	v9 =	vor.u32 s23, v0;
	[tilespmem:s0+$0x9000] =	vst v7;
	v6 =	vld.idx.msk [tilespmem:v6+s5+$0x0], $0xffff  }
0x1c0: {  	s26 =	sadd.s32 $0xC, s20;
	[tilespmem:s25+$0x9000] =	vst v3;
	v7 =	vld.idx.msk [tilespmem:v8+s5+$0x0], $0xffff;
	v8 =	vor.u32 s23, v1  }
0x1c1: {  	s29 =	sadd.s32 $0xFFFFFD00, s13;
	v3 =	vld.idx.msk [tilespmem:v10+s5+$0x0], $0xffff;
	v10 =	vor.u32 s26, v0;
	[tilespmem:s9+$0xFFFFFEE0] =	vst v5  }
0x1c2: {  	s31 =	sadd.s32 $0xD, s20;
	s30 =	sor.u32 $0x70, s29;
	[tilespmem:s9+$0xFFFFFF10] =	vst v2;
	v5 =	vld.idx.msk [tilespmem:v12+s5+$0x0], $0xffff;
	v12 =	vor.u32 s26, v1  }
0x1c3: {  	[tilespmem:s30+$0x9000] =	vst v4;
	v4 =	vld.idx.msk [tilespmem:v11+s5+$0x0], $0xffff;
	v11 =	vor.u32 s31, v0  }
0x1c4: {  	s2 =	sadd.s32 $0xE, s20;
	s1 =	sadd.s32 $0xFFFFFD40, s13;
	[tilespmem:s9+$0xFFFFFF00] =	vst v6;
	v6 =	vld.idx.msk [tilespmem:v9+s5+$0x0], $0xffff;
	v9 =	vor.u32 s31, v1  }
0x1c5: {  	s0 =	sor.u32 $0x30, s1;
	v2 =	vld.idx.msk [tilespmem:v8+s5+$0x0], $0xffff;
	v8 =	vor.u32 s2, v0;
	[tilespmem:s9+$0xFFFFFF20] =	vst v7  }
0x1c6: {  	s4 =	sadd.s32 $0xF, s20;
	s3 =	sadd.s32 $0xFFFFFD60, s13;
	v7 =	vld.idx.msk [tilespmem:v10+s5+$0x0], $0xffff;
	v10 =	vor.u32 s2, v1;
	[tilespmem:s0+$0x9000] =	vst v3  }
0x1c7: {  	s6 =	sor.u32 $0x50, s3;
	v3 =	vld.idx.msk [tilespmem:v12+s5+$0x0], $0xffff;
	v12 =	vor.u32 s4, v0;
	[tilespmem:s9+$0xFFFFFF40] =	vst v5  }
0x1c8: {  	s7 =	sadd.s32 $0xFFFFFD80, s13;
	s8 =	sadd.s32 $0x10, s20;
	v5 =	vld.idx.msk [tilespmem:v11+s5+$0x0], $0xffff;
	v11 =	vor.u32 s4, v1;
	[tilespmem:s6+$0x9000] =	vst v4  }
0x1c9: {  	s10 =	sor.u32 $0x70, s7;
	v4 =	vld.idx.msk [tilespmem:v9+s5+$0x0], $0xffff;
	v9 =	vor.u32 s8, v0;
	[tilespmem:s9+$0xFFFFFF60] =	vst v6  }
0x1ca: {  	s11 =	sadd.s32 $0x11, s20;
	v6 =	vld.idx.msk [tilespmem:v8+s5+$0x0], $0xffff;
	v8 =	vor.u32 s8, v1;
	[tilespmem:s10+$0x9000] =	vst v2  }
0x1cb: {  	v2 =	vld.idx.msk [tilespmem:v10+s5+$0x0], $0xffff;
	v10 =	vor.u32 s11, v0;
	[tilespmem:s9+$0xFFFFFF80] =	vst v7  }
0x1cc: {  	s12 =	sadd.s32 $0xFFFFFDC0, s13;
	s14 =	sadd.s32 $0x12, s20;
	v7 =	vld.idx.msk [tilespmem:v12+s5+$0x0], $0xffff;
	v12 =	vor.u32 s11, v1;
	[tilespmem:s9+$0xFFFFFF90] =	vst v3  }
0x1cd: {  	s0 =	sor.u32 $0x30, s12;
	v3 =	vld.idx.msk [tilespmem:v11+s5+$0x0], $0xffff;
	v11 =	vor.u32 s14, v0;
	[tilespmem:s9+$0xFFFFFFA0] =	vst v5  }
0x1ce: {  	s15 =	sadd.s32 $0xFFFFFDE0, s13;
	s16 =	sadd.s32 $0x13, s20;
	v5 =	vld.idx.msk [tilespmem:v9+s5+$0x0], $0xffff;
	v9 =	vor.u32 s14, v1;
	[tilespmem:s0+$0x9000] =	vst v4  }
0x1cf: {  	s17 =	sor.u32 $0x50, s15;
	v4 =	vld.idx.msk [tilespmem:v8+s5+$0x0], $0xffff;
	v8 =	vor.u32 s16, v0;
	[tilespmem:s9+$0xFFFFFFC0] =	vst v6  }
0x1d0: {  	s18 =	sadd.s32 $0xFFFFFE00, s13;
	s19 =	sadd.s32 $0x14, s20;
	v6 =	vld.idx.msk [tilespmem:v10+s5+$0x0], $0xffff;
	v10 =	vor.u32 s16, v1;
	[tilespmem:s17+$0x9000] =	vst v2  }
0x1d1: {  	s21 =	sor.u32 $0x70, s18;
	v2 =	vld.idx.msk [tilespmem:v12+s5+$0x0], $0xffff;
	v12 =	vor.u32 s19, v0;
	[tilespmem:s9+$0xFFFFFFE0] =	vst v7  }
0x1d2: {  	s22 =	sadd.s32 $0x15, s20;
	v7 =	vld.idx.msk [tilespmem:v11+s5+$0x0], $0xffff;
	v11 =	vor.u32 s19, v1;
	[tilespmem:s21+$0x9000] =	vst v3  }
0x1d3: {  	v3 =	vld.idx.msk [tilespmem:v9+s5+$0x0], $0xffff;
	v9 =	vor.u32 s22, v0;
	[tilespmem:s9+$0x0] =	vst v5  }
0x1d4: {  	s24 =	sadd.s32 $0x16, s20;
	s23 =	sadd.s32 $0xFFFFFE40, s13;
	v5 =	vld.idx.msk [tilespmem:v8+s5+$0x0], $0xffff;
	v8 =	vor.u32 s22, v1;
	[tilespmem:s9+$0x10] =	vst v4  }
0x1d5: {  	s0 =	sor.u32 $0x30, s23;
	v4 =	vld.idx.msk [tilespmem:v10+s5+$0x0], $0xffff;
	v10 =	vor.u32 s24, v0;
	[tilespmem:s9+$0x20] =	vst v6  }
0x1d6: {  	s25 =	sadd.s32 $0xFFFFFE60, s13;
	s26 =	sadd.s32 $0x17, s20;
	v6 =	vld.idx.msk [tilespmem:v12+s5+$0x0], $0xffff;
	v12 =	vor.u32 s24, v1;
	[tilespmem:s0+$0x9000] =	vst v2  }
0x1d7: {  	s29 =	sor.u32 $0x50, s25;
	v2 =	vld.idx.msk [tilespmem:v11+s5+$0x0], $0xffff;
	v11 =	vor.u32 s26, v0;
	[tilespmem:s9+$0x40] =	vst v7  }
0x1d8: {  	s30 =	sadd.s32 $0xFFFFFE80, s13;
	s31 =	sadd.s32 $0x18, s20;
	v7 =	vld.idx.msk [tilespmem:v9+s5+$0x0], $0xffff;
	v9 =	vor.u32 s26, v1;
	[tilespmem:s29+$0x9000] =	vst v3  }
0x1d9: {  	s3 =	sor.u32 $0x70, s30;
	v3 =	vld.idx.msk [tilespmem:v8+s5+$0x0], $0xffff;
	v8 =	vor.u32 s31, v0;
	[tilespmem:s9+$0x60] =	vst v5  }
0x1da: {  	s4 =	sadd.s32 $0x19, s20;
	v5 =	vld.idx.msk [tilespmem:v10+s5+$0x0], $0xffff;
	v10 =	vor.u32 s31, v1;
	[tilespmem:s3+$0x9000] =	vst v4  }
0x1db: {  	v4 =	vld.idx.msk [tilespmem:v12+s5+$0x0], $0xffff;
	v12 =	vor.u32 s4, v0;
	[tilespmem:s9+$0x80] =	vst v6  }
0x1dc: {  	s7 =	sadd.s32 $0x1A, s20;
	s6 =	sadd.s32 $0xFFFFFEC0, s13;
	v6 =	vld.idx.msk [tilespmem:v11+s5+$0x0], $0xffff;
	v11 =	vor.u32 s4, v1;
	[tilespmem:s9+$0x90] =	vst v2  }
0x1dd: {  	s0 =	sor.u32 $0x30, s6;
	v2 =	vld.idx.msk [tilespmem:v9+s5+$0x0], $0xffff;
	v9 =	vor.u32 s7, v0;
	[tilespmem:s9+$0xA0] =	vst v7  }
0x1de: {  	s8 =	sadd.s32 $0xFFFFFEE0, s13;
	s10 =	sadd.s32 $0x1B, s20;
	v7 =	vld.idx.msk [tilespmem:v8+s5+$0x0], $0xffff;
	v8 =	vor.u32 s7, v1;
	[tilespmem:s0+$0x9000] =	vst v3  }
0x1df: {  	s11 =	sor.u32 $0x50, s8;
	v3 =	vld.idx.msk [tilespmem:v10+s5+$0x0], $0xffff;
	v10 =	vor.u32 s10, v0;
	[tilespmem:s9+$0xC0] =	vst v5  }
0x1e0: {  	s12 =	sadd.s32 $0xFFFFFF00, s13;
	s14 =	sadd.s32 $0x1C, s20;
	v5 =	vld.idx.msk [tilespmem:v12+s5+$0x0], $0xffff;
	v12 =	vor.u32 s10, v1;
	[tilespmem:s11+$0x9000] =	vst v4  }
0x1e1: {  	s15 =	sor.u32 $0x70, s12;
	v4 =	vld.idx.msk [tilespmem:v11+s5+$0x0], $0xffff;
	v11 =	vor.u32 s14, v0;
	[tilespmem:s9+$0xE0] =	vst v6  }
0x1e2: {  	s16 =	sadd.s32 $0x1D, s20;
	v6 =	vld.idx.msk [tilespmem:v9+s5+$0x0], $0xffff;
	v9 =	vor.u32 s14, v1;
	[tilespmem:s15+$0x9000] =	vst v2  }
0x1e3: {  	v2 =	vld.idx.msk [tilespmem:v8+s5+$0x0], $0xffff;
	v8 =	vor.u32 s16, v0;
	[tilespmem:s9+$0x100] =	vst v7  }
0x1e4: {  	s18 =	sadd.s32 $0x1E, s20;
	s17 =	sadd.s32 $0xFFFFFF40, s13;
	v7 =	vld.idx.msk [tilespmem:v10+s5+$0x0], $0xffff;
	v10 =	vor.u32 s16, v1;
	[tilespmem:s9+$0x110] =	vst v3  }
0x1e5: {  	s0 =	sor.u32 $0x30, s17;
	v3 =	vld.idx.msk [tilespmem:v12+s5+$0x0], $0xffff;
	v12 =	vor.u32 s18, v0;
	[tilespmem:s9+$0x120] =	vst v5  }
0x1e6: {  	s19 =	sadd.s32 $0xFFFFFF60, s13;
	v5 =	vld.idx.msk [tilespmem:v11+s5+$0x0], $0xffff;
	v11 =	vor.u32 s18, v1;
	[tilespmem:s0+$0x9000] =	vst v4  }
0x1e7: {  	s21 =	sor.u32 $0x50, s19;
	v9 =	vld.idx.msk [tilespmem:v9+s5+$0x0], $0xffff;
	[tilespmem:s9+$0x140] =	vst v6  }
0x1e8: {  	s22 =	sadd.s32 $0xFFFFFF80, s13;
	v4 =	vor.u32 s20, v0;
	v8 =	vld.idx.msk [tilespmem:v8+s5+$0x0], $0xffff;
	[tilespmem:s21+$0x9000] =	vst v2  }
0x1e9: {  	s23 =	sor.u32 $0x70, s22;
	v6 =	vor.u32 s20, v1;
	v2 =	vld.idx.msk [tilespmem:v10+s5+$0x0], $0xffff;
	[tilespmem:s9+$0x160] =	vst v7  }
0x1ea: {  	v7 =	vld.idx.msk [tilespmem:v12+s5+$0x0], $0xffff;
	[tilespmem:s23+$0x9000] =	vst v3  }
0x1eb: {  	v3 =	vld.idx.msk [tilespmem:v11+s5+$0x0], $0xffff;
	[tilespmem:s9+$0x180] =	vst v5  }
0x1ec: {  	s24 =	sadd.s32 $0xFFFFFFC0, s13;
	[tilespmem:s9+$0x190] =	vst v9  }
0x1ed: {  	s0 =	sor.u32 $0x30, s24;
	v4 =	vld.idx.msk [tilespmem:v4+s5+$0x0], $0xffff;
	[tilespmem:s9+$0x1A0] =	vst v8  }
0x1ee: {  	s25 =	sadd.s32 $0xFFFFFFE0, s13;
	v5 =	vld.idx.msk [tilespmem:v6+s5+$0x0], $0xffff;
	[tilespmem:s0+$0x9000] =	vst v2  }
0x1ef: {  	s26 =	sor.u32 $0x50, s25;
	[tilespmem:s9+$0x1C0] =	vst v7  }
0x1f0: {  	[tilespmem:s26+$0x9000] =	vst v3  }
0x1f1: {  	s0 =	sld [smem:$0x7F8]  }
0x1f2: {  	[tilespmem:s9+$0xFFFFFE00] =	vst v4  }
0x1f3: {  	[tilespmem:s9+$0xFFFFFE10] =	vst v5  }
0x1f4: {  	s29 =	rddreg [dreg:$0xf];
	s0 =	sshll.u32 s0, $0x9  }
0x1f5: {  	s3 =	sld [smem:$0x7F7];
	s0 =	sand.u32 $0x1FFFFA00, s0  }
0x1f6: {  	s30 =	simm.s32 $0x0;
	s31 =	simm.s32 $0x9000;
	s0 =	sadd.s32 s29, s0  }
0x1f7: {  	[hbm4b:s0+s30] =	stream.linear.scatter [tilespmem:s31], [sflag:$0x6], $0x1000, $0x38;
	[tilespmem:$0xC000] =	vst v63  }
0x1f8: {  	s4 =	rddreg [dreg:$0x16];
	s0 =	sadd.s32 $0x2, s3  }
0x1f9: {  	[smem:$0x7F6] =	sst s0;
	s0 =	sshll.u32 s0, $0x7  }
0x1fa: {  	s0 =	sadd.s32 s0, s4  }
0x1fb: {  	[tilespmem:s5], [sflag:$0x2] =	stream.linear.gather [hbm4b:s0+s30], $0x400, $0x38;
	[tilespmem:$0xC000] =	vst v63  }
0x1fc: {  	s1 =	sadd.s32 $0xF4280, s0;
	s5 =	simm.s32 $0x2800  }
0x1fd: {  	[tilespmem:s5], [sflag:$0x2] =	stream.linear.gather [hbm4b:s1+s30], $0x400, $0x38;
	[tilespmem:$0xC000] =	vst v63  }
0x1fe: {  	s7 =	simm.s32 $0x3000;
	s6 =	sadd.s32 $0x1E8500, s0  }
0x1ff: {  	[tilespmem:s7], [sflag:$0x2] =	stream.linear.gather [hbm4b:s6+s30], $0x400, $0x38;
	[tilespmem:$0xC000] =	vst v63  }
0x200: {  	s8 =	simm.s32 $0x3800;
	s9 =	simm.s32 $0x3;
	s0 =	sadd.s32 $0x2DC780, s0  }
0x201: {  	[tilespmem:s8], [sflag:$0x2] =	stream.linear.gather [hbm4b:s0+s30], $0x400, $0x38;
	[tilespmem:$0xC000] =	vst v63  }
0x202: {  	s10 =	simm.s32 $0x1;
	_ =	swait.ge [sflag:s9], $0x1000  }
0x203: {  	s11 =	simm.s32 $0x1F;
	v2 =	vor.u32 s10, v0;
	[sflag:s9] =	ssyncset.done $0x0  }
0x204: {  	s2 =	simm.s32 @!p1 $0x7;
	v3 =	vor.u32 s11, v0;
	[sflag:s9] =	ssyncadd.s32 $0xFFFFF000  }
0x205: {  	v4 =	vor.u32 s11, v1;
	_ =	swait.ge @!p1 [sflag:s2], $0x1000  }
0x206: {  	s12 =	simm.s32 $0x2;
	v5 =	vor.u32 s10, v1;
	[sflag:s2] =	ssyncset.done @!p1 $0x0  }
0x207: {  	s13 =	simm.s32 $0x3;
	v6 =	vor.u32 s12, v0;
	s5 =	simm.s32 $0x4000;
	[sflag:s2] =	ssyncadd.s32 @!p1 $0xFFFFF000  }
0x208: {  	s14 =	simm.s32 $0x4;
	v7 =	vor.u32 s13, v0;
	v2 =	vld.idx.msk [tilespmem:v2+s5+$0x0], $0xffff  }
0x209: {  	v8 =	vor.u32 s14, v0;
	v3 =	vld.idx.msk [tilespmem:v3+s5+$0x0], $0xffff  }
0x20a: {  	s15 =	simm.s32 $0x5;
	v9 =	vor.u32 s14, v1;
	v4 =	vld.idx.msk [tilespmem:v4+s5+$0x0], $0xffff  }
0x20b: {  	s16 =	simm.s32 $0x6;
	v10 =	vor.u32 s15, v0;
	v5 =	vld.idx.msk [tilespmem:v5+s5+$0x0], $0xffff  }
0x20c: {  	v11 =	vor.u32 s16, v0;
	v6 =	vld.idx.msk [tilespmem:v6+s5+$0x0], $0xffff  }
0x20d: {  	v12 =	vor.u32 s12, v1;
	v7 =	vld.idx.msk [tilespmem:v7+s5+$0x0], $0xffff  }
0x20e: {  	v13 =	vor.u32 s13, v1;
	s6 =	simm.s32 $0x0;
	s9 =	simm.s32 $0xA200;
	v8 =	vld.idx.msk [tilespmem:v8+s5+$0x0], $0xffff  }
0x20f: {  	s13 =	simm.s32 $0x3E0;
	v14 =	vor.u32 s6, v0;
	v9 =	vld.idx.msk [tilespmem:v9+s5+$0x0], $0xffff;
	[tilespmem:s9+$0x1E0] =	vst v3  }
0x210: {  	s17 =	sor.u32 $0x70, s13;
	v3 =	vld.idx.msk [tilespmem:v10+s5+$0x0], $0xffff;
	v10 =	vor.u32 s15, v1;
	[tilespmem:s9+$0xFFFFFE20] =	vst v2  }
0x211: {  	s18 =	simm.s32 $0x7;
	[tilespmem:s17+$0xA000] =	vst v4;
	v4 =	vld.idx.msk [tilespmem:v11+s5+$0x0], $0xffff;
	v11 =	vor.u32 s16, v1  }
0x212: {  	v12 =	vld.idx.msk [tilespmem:v12+s5+$0x0], $0xffff;
	[tilespmem:s9+$0xFFFFFE40] =	vst v6;
	v6 =	vor.u32 s18, v0  }
0x213: {  	s19 =	simm.s32 $0x8;
	v13 =	vld.idx.msk [tilespmem:v13+s5+$0x0], $0xffff;
	[tilespmem:s9+$0xFFFFFE60] =	vst v7;
	v7 =	vor.u32 s18, v1  }
0x214: {  	v2 =	vld.idx.msk [tilespmem:v14+s5+$0x0], $0xffff;
	[tilespmem:s9+$0xFFFFFE80] =	vst v8;
	v8 =	vor.u32 s19, v0  }
0x215: {  	s20 =	simm.s32 $0x9;
	[tilespmem:s9+$0xFFFFFE90] =	vst v9;
	v9 =	vld.idx.msk [tilespmem:v10+s5+$0x0], $0xffff;
	v10 =	vor.u32 s19, v1  }
0x216: {  	s21 =	simm.s32 $0x20;
	[tilespmem:s9+$0xFFFFFEA0] =	vst v3;
	v3 =	vld.idx.msk [tilespmem:v11+s5+$0x0], $0xffff;
	v11 =	vor.u32 s20, v0  }
0x217: {  	s22 =	simm.s32 $0xA;
	s23 =	simm.s32 $0x40;
	s1 =	sor.u32 $0x30, s21;
	[tilespmem:s9+$0xFFFFFEC0] =	vst v4;
	v4 =	vld.idx.msk [tilespmem:v6+s5+$0x0], $0xffff;
	v6 =	vor.u32 s20, v1  }
0x218: {  	s24 =	simm.s32 $0x60;
	s3 =	sor.u32 $0x50, s23;
	[tilespmem:s1+$0xA000] =	vst v5;
	v5 =	vld.idx.msk [tilespmem:v7+s5+$0x0], $0xffff;
	v7 =	vor.u32 s22, v0  }
0x219: {  	s25 =	simm.s32 $0xB;
	s26 =	simm.s32 $0xA0;
	s0 =	sor.u32 $0x70, s24;
	[tilespmem:s3+$0xA000] =	vst v12;
	v12 =	vor.u32 s22, v1;
	v8 =	vld.idx.msk [tilespmem:v8+s5+$0x0], $0xffff  }
0x21a: {  	s29 =	simm.s32 $0xC0;
	s30 =	sor.u32 $0x30, s26;
	[tilespmem:s0+$0xA000] =	vst v13;
	v13 =	vor.u32 s25, v0;
	v10 =	vld.idx.msk [tilespmem:v10+s5+$0x0], $0xffff  }
0x21b: {  	s31 =	simm.s32 $0xC;
	s2 =	sor.u32 $0x50, s29;
	[tilespmem:s30+$0xA000] =	vst v9;
	v9 =	vld.idx.msk [tilespmem:v11+s5+$0x0], $0xffff;
	v11 =	vor.u32 s25, v1  }
0x21c: {  	s3 =	simm.s32 $0xE0;
	[tilespmem:s2+$0xA000] =	vst v3;
	v3 =	vld.idx.msk [tilespmem:v6+s5+$0x0], $0xffff;
	v6 =	vor.u32 s31, v0  }
0x21d: {  	s4 =	simm.s32 $0xD;
	s1 =	sor.u32 $0x70, s3;
	[tilespmem:s9+$0xFFFFFEE0] =	vst v4;
	v4 =	vld.idx.msk [tilespmem:v7+s5+$0x0], $0xffff;
	v7 =	vor.u32 s31, v1  }
0x21e: {  	[tilespmem:s1+$0xA000] =	vst v5;
	v5 =	vld.idx.msk [tilespmem:v12+s5+$0x0], $0xffff;
	v12 =	vor.u32 s4, v0  }
0x21f: {  	s7 =	simm.s32 $0xE;
	[tilespmem:s9+$0xFFFFFF00] =	vst v8;
	v8 =	vld.idx.msk [tilespmem:v13+s5+$0x0], $0xffff;
	v13 =	vor.u32 s4, v1  }
0x220: {  	s8 =	simm.s32 $0x120;
	[tilespmem:s9+$0xFFFFFF10] =	vst v10;
	v10 =	vld.idx.msk [tilespmem:v11+s5+$0x0], $0xffff;
	v11 =	vor.u32 s7, v0  }
0x221: {  	s10 =	simm.s32 $0xF;
	s1 =	sor.u32 $0x30, s8;
	[tilespmem:s9+$0xFFFFFF20] =	vst v9;
	v6 =	vld.idx.msk [tilespmem:v6+s5+$0x0], $0xffff;
	v9 =	vor.u32 s7, v1  }
0x222: {  	s11 =	simm.s32 $0x140;
	[tilespmem:s1+$0xA000] =	vst v3;
	v3 =	vld.idx.msk [tilespmem:v7+s5+$0x0], $0xffff;
	v7 =	vor.u32 s10, v0  }
0x223: {  	s14 =	simm.s32 $0x10;
	s12 =	sor.u32 $0x50, s11;
	[tilespmem:s9+$0xFFFFFF40] =	vst v4;
	v4 =	vld.idx.msk [tilespmem:v12+s5+$0x0], $0xffff;
	v12 =	vor.u32 s10, v1  }
0x224: {  	s15 =	simm.s32 $0x160;
	[tilespmem:s12+$0xA000] =	vst v5;
	v5 =	vld.idx.msk [tilespmem:v13+s5+$0x0], $0xffff;
	v13 =	vor.u32 s14, v0  }
0x225: {  	s16 =	sor.u32 $0x70, s15;
	s17 =	simm.s32 $0x11;
	[tilespmem:s9+$0xFFFFFF60] =	vst v8;
	v8 =	vld.idx.msk [tilespmem:v11+s5+$0x0], $0xffff;
	v11 =	vor.u32 s14, v1  }
0x226: {  	[tilespmem:s16+$0xA000] =	vst v10;
	v9 =	vld.idx.msk [tilespmem:v9+s5+$0x0], $0xffff;
	v10 =	vor.u32 s17, v0  }
0x227: {  	s18 =	simm.s32 $0x12;
	[tilespmem:s9+$0xFFFFFF80] =	vst v6;
	v6 =	vld.idx.msk [tilespmem:v7+s5+$0x0], $0xffff;
	v7 =	vor.u32 s17, v1  }
0x228: {  	s19 =	simm.s32 $0x1A0;
	[tilespmem:s9+$0xFFFFFF90] =	vst v3;
	v3 =	vld.idx.msk [tilespmem:v12+s5+$0x0], $0xffff;
	v12 =	vor.u32 s18, v0  }
0x229: {  	s20 =	simm.s32 $0x13;
	s1 =	sor.u32 $0x30, s19;
	[tilespmem:s9+$0xFFFFFFA0] =	vst v4;
	v4 =	vld.idx.msk [tilespmem:v13+s5+$0x0], $0xffff;
	v13 =	vor.u32 s18, v1  }
0x22a: {  	s21 =	simm.s32 $0x1C0;
	[tilespmem:s1+$0xA000] =	vst v5;
	v5 =	vld.idx.msk [tilespmem:v11+s5+$0x0], $0xffff;
	v11 =	vor.u32 s20, v0  }
0x22b: {  	s23 =	simm.s32 $0x14;
	s22 =	sor.u32 $0x50, s21;
	[tilespmem:s9+$0xFFFFFFC0] =	vst v8;
	v8 =	vld.idx.msk [tilespmem:v10+s5+$0x0], $0xffff;
	v10 =	vor.u32 s20, v1  }
0x22c: {  	s24 =	simm.s32 $0x1E0;
	[tilespmem:s22+$0xA000] =	vst v9;
	v7 =	vld.idx.msk [tilespmem:v7+s5+$0x0], $0xffff;
	v9 =	vor.u32 s23, v0  }
0x22d: {  	s26 =	simm.s32 $0x15;
	s25 =	sor.u32 $0x70, s24;
	[tilespmem:s9+$0xFFFFFFE0] =	vst v6;
	v6 =	vld.idx.msk [tilespmem:v12+s5+$0x0], $0xffff;
	v12 =	vor.u32 s23, v1  }
0x22e: {  	[tilespmem:s25+$0xA000] =	vst v3;
	v3 =	vld.idx.msk [tilespmem:v13+s5+$0x0], $0xffff;
	v13 =	vor.u32 s26, v0  }
0x22f: {  	s29 =	simm.s32 $0x16;
	[tilespmem:s9+$0x0] =	vst v4;
	v4 =	vld.idx.msk [tilespmem:v11+s5+$0x0], $0xffff;
	v11 =	vor.u32 s26, v1  }
0x230: {  	s30 =	simm.s32 $0x220;
	[tilespmem:s9+$0x10] =	vst v5;
	v5 =	vld.idx.msk [tilespmem:v10+s5+$0x0], $0xffff;
	v10 =	vor.u32 s29, v0  }
0x231: {  	s31 =	simm.s32 $0x17;
	s1 =	sor.u32 $0x30, s30;
	[tilespmem:s9+$0x20] =	vst v8;
	v8 =	vld.idx.msk [tilespmem:v9+s5+$0x0], $0xffff;
	v9 =	vor.u32 s29, v1  }
0x232: {  	s3 =	simm.s32 $0x240;
	[tilespmem:s1+$0xA000] =	vst v7;
	v7 =	vld.idx.msk [tilespmem:v12+s5+$0x0], $0xffff;
	v12 =	vor.u32 s31, v0  }
0x233: {  	s4 =	sor.u32 $0x50, s3;
	s7 =	simm.s32 $0x18;
	[tilespmem:s9+$0x40] =	vst v6;
	v6 =	vld.idx.msk [tilespmem:v13+s5+$0x0], $0xffff;
	v13 =	vor.u32 s31, v1  }
0x234: {  	s8 =	simm.s32 $0x260;
	[tilespmem:s4+$0xA000] =	vst v3;
	v3 =	vld.idx.msk [tilespmem:v11+s5+$0x0], $0xffff;
	v11 =	vor.u32 s7, v0  }
0x235: {  	s11 =	simm.s32 $0x19;
	s10 =	sor.u32 $0x70, s8;
	[tilespmem:s9+$0x60] =	vst v4;
	v4 =	vld.idx.msk [tilespmem:v10+s5+$0x0], $0xffff;
	v10 =	vor.u32 s7, v1  }
0x236: {  	[tilespmem:s10+$0xA000] =	vst v5;
	v5 =	vld.idx.msk [tilespmem:v9+s5+$0x0], $0xffff;
	v9 =	vor.u32 s11, v0  }
0x237: {  	s12 =	simm.s32 $0x1A;
	[tilespmem:s9+$0x80] =	vst v8;
	v8 =	vld.idx.msk [tilespmem:v12+s5+$0x0], $0xffff;
	v12 =	vor.u32 s11, v1  }
0x238: {  	s15 =	simm.s32 $0x1B;
	s14 =	simm.s32 $0x2A0;
	[tilespmem:s9+$0x90] =	vst v7;
	v7 =	vld.idx.msk [tilespmem:v13+s5+$0x0], $0xffff;
	v13 =	vor.u32 s12, v0  }
0x239: {  	v14 =	vor.u32 s15, v1;
	s1 =	sor.u32 $0x30, s14;
	[tilespmem:s9+$0xA0] =	vst v6;
	v6 =	vld.idx.msk [tilespmem:v11+s5+$0x0], $0xffff  }
0x23a: {  	s16 =	simm.s32 $0x2C0;
	v11 =	vor.u32 s12, v1;
	[tilespmem:s1+$0xA000] =	vst v3;
	v10 =	vld.idx.msk [tilespmem:v10+s5+$0x0], $0xffff  }
0x23b: {  	s17 =	sor.u32 $0x50, s16;
	s18 =	simm.s32 $0x1C;
	v3 =	vor.u32 s15, v0;
	[tilespmem:s9+$0xC0] =	vst v4;
	v9 =	vld.idx.msk [tilespmem:v9+s5+$0x0], $0xffff  }
0x23c: {  	s19 =	simm.s32 $0x2E0;
	v15 =	vor.u32 s18, v0;
	[tilespmem:s17+$0xA000] =	vst v5;
	v12 =	vld.idx.msk [tilespmem:v12+s5+$0x0], $0xffff  }
0x23d: {  	s21 =	simm.s32 $0x1D;
	s20 =	sor.u32 $0x70, s19;
	[tilespmem:s9+$0xE0] =	vst v8;
	v8 =	vld.idx.msk [tilespmem:v13+s5+$0x0], $0xffff;
	v13 =	vor.u32 s18, v1  }
0x23e: {  	v5 =	vld.idx.msk [tilespmem:v14+s5+$0x0], $0xffff;
	[tilespmem:s20+$0xA000] =	vst v7;
	v7 =	vor.u32 s21, v0  }
0x23f: {  	v17 =	vor.u32 s21, v1;
	v16 =	vld.idx.msk [tilespmem:v11+s5+$0x0], $0xffff;
	[tilespmem:s9+$0x100] =	vst v6  }
0x240: {  	s28 =	simm.s32 $0x40;
	s24 =	simm.s32 $0x340;
	s22 =	simm.s32 $0x320;
	v4 =	vld.idx.msk [tilespmem:v3+s5+$0x0], $0xffff;
	[tilespmem:s9+$0x110] =	vst v10  }
0x241: {  	s8 =	simm.s32 $0x3F;
	s30 =	sor.u32 $0x50, s24;
	s23 =	sor.u32 $0x30, s22;
	v3 =	vld.idx.msk [tilespmem:v15+s5+$0x0], $0xffff;
	[tilespmem:s9+$0x120] =	vst v9  }
0x242: {  	s25 =	simm.s32 $0x360;
	s26 =	simm.s32 $0x3A0;
	s29 =	simm.s32 $0x3C0;
	[tilespmem:s23+$0xA000] =	vst v12;
	v6 =	vld.idx.msk [tilespmem:v13+s5+$0x0], $0xffff  }
0x243: {  	s31 =	simm.s32 $0x1E;
	s14 =	sor.u32 $0x50, s29;
	s1 =	simm.s32 $0x21;
	v10 =	vor.u32 s8, v0;
	v9 =	vor.u32 s6, v1;
	[tilespmem:s9+$0x140] =	vst v8;
	v7 =	vld.idx.msk [tilespmem:v7+s5+$0x0], $0xffff  }
0x244: {  	s7 =	sor.u32 $0x70, s25;
	s20 =	simm.s32 $0x20;
	v11 =	vor.u32 s31, v1;
	s6 =	sor.u32 $0x30, s26;
	v13 =	vor.u32 s31, v0;
	v12 =	vor.u32 s1, v0;
	v8 =	vld.idx.msk [tilespmem:v17+s5+$0x0], $0xffff;
	[tilespmem:s30+$0xA000] =	vst v16  }
.LBB2_7:
0x245: {  	_ =	sdelay $0x3  }
0x246: {  	v14 =	vor.u32 s8, v1;
	v9 =	vld.idx.msk [tilespmem:v9+s5+$0x0], $0xffff;
	[tilespmem:s9+$0xFFFFFE00] =	vst v2  }
0x247: {  	s0 =	sadd.s32 $0x2, s20;
	[tilespmem:s9+$0x160] =	vst v4;
	v4 =	vld.idx.msk [tilespmem:v13+s5+$0x0], $0xffff;
	v13 =	vor.u32 s1, v1  }
0x248: {  	s2 =	sadd.s32 $0x3, s20;
	[tilespmem:s7+$0xA000] =	vst v5;
	v5 =	vld.idx.msk [tilespmem:v11+s5+$0x0], $0xffff;
	v11 =	vor.u32 s0, v0  }
0x249: {  	s31 =	sadd.s32 $0x4, s20;
	[tilespmem:s9+$0x180] =	vst v3;
	v3 =	vld.idx.msk [tilespmem:v12+s5+$0x0], $0xffff;
	v12 =	vor.u32 s2, v0  }
0x24a: {  	v10 =	vld.idx.msk [tilespmem:v10+s5+$0x0], $0xffff;
	[tilespmem:s9+$0x190] =	vst v6;
	v6 =	vor.u32 s31, v0  }
0x24b: {  	s3 =	sadd.s32 $0x5, s20;
	[tilespmem:s9+$0x1A0] =	vst v7;
	v7 =	vor.u32 s31, v1;
	v14 =	vld.idx.msk [tilespmem:v14+s5+$0x0], $0xffff  }
0x24c: {  	s4 =	sadd.s32 $0x6, s20;
	[tilespmem:s6+$0xA000] =	vst v8;
	v8 =	vld.idx.msk [tilespmem:v13+s5+$0x0], $0xffff;
	v13 =	vor.u32 s3, v0  }
0x24d: {  	s16 =	simm.s32 $0x4000;
	[tilespmem:s9+$0x1C0] =	vst v4;
	v4 =	vld.idx.msk [tilespmem:v11+s5+$0x0], $0xffff;
	v11 =	vor.u32 s4, v0  }
0x24e: {  	v12 =	vld.idx.msk [tilespmem:v12+s16+$0x0], $0xffff;
	[tilespmem:s14+$0xA000] =	vst v5;
	v5 =	vor.u32 s0, v1  }
0x24f: {  	v2 =	vor.u32 s2, v1;
	[tilespmem:s9+$0xFFFFFE10] =	vst v9;
	v6 =	vld.idx.msk [tilespmem:v6+s16+$0x0], $0xffff;
	s9 =	sadd.s32 $0x400, s9  }
0x250: {  	s13 =	sadd.s32 $0x400, s13;
	v9 =	vor.u32 s20, v0;
	v7 =	vld.idx.msk [tilespmem:v7+s16+$0x0], $0xffff;
	[tilespmem:s9+$0x1E0] =	vst v10  }
0x251: {  	s11 =	sor.u32 $0x70, s13;
	[tilespmem:s9+$0xFFFFFE20] =	vst v3;
	v10 =	vld.idx.msk [tilespmem:v13+s16+$0x0], $0xffff;
	v13 =	vor.u32 s3, v1  }
0x252: {  	s1 =	sadd.s32 $0x7, s20;
	[tilespmem:s11+$0xA000] =	vst v14;
	v3 =	vld.idx.msk [tilespmem:v11+s16+$0x0], $0xffff;
	v11 =	vor.u32 s4, v1  }
0x253: {  	v5 =	vld.idx.msk [tilespmem:v5+s16+$0x0], $0xffff;
	[tilespmem:s9+$0xFFFFFE40] =	vst v4;
	v4 =	vor.u32 s1, v0  }
0x254: {  	s10 =	sadd.s32 $0x8, s20;
	s18 =	sadd.s32 $0xC, s20;
	v14 =	vld.idx.msk [tilespmem:v2+s16+$0x0], $0xffff;
	[tilespmem:s9+$0xFFFFFE60] =	vst v12;
	v12 =	vor.u32 s1, v1  }
0x255: {  	s8 =	sadd.s32 $0x9, s20;
	s19 =	sadd.s32 $0xD, s20;
	[dreg:$0xa] =	wrdreg s18;
	v2 =	vld.idx.msk [tilespmem:v9+s16+$0x0], $0xffff;
	[tilespmem:s9+$0xFFFFFE80] =	vst v6;
	v6 =	vor.u32 s10, v0  }
0x256: {  	[dreg:$0x5] =	wrdreg s19;
	s12 =	sadd.s32 $0xFFFFFC80, s13;
	s15 =	sadd.s32 $0xFFFFFD60, s13;
	v9 =	vor.u32 s10, v1;
	[tilespmem:s9+$0xFFFFFE90] =	vst v7;
	v7 =	vld.idx.msk [tilespmem:v13+s16+$0x0], $0xffff  }
0x257: {  	s17 =	sadd.s32 $0xFFFFFD80, s13;
	s18 =	sadd.s32 $0xFFFFFDC0, s13;
	s0 =	sadd.s32 $0xFFFFFC40, s13;
	[tilespmem:s9+$0xFFFFFEA0] =	vst v10;
	v10 =	vld.idx.msk [tilespmem:v11+s16+$0x0], $0xffff;
	v11 =	vor.u32 s8, v0  }
0x258: {  	s2 =	sadd.s32 $0xFFFFFC60, s13;
	s7 =	sadd.s32 $0xA, s20;
	s0 =	sor.u32 $0x30, s0;
	[tilespmem:s9+$0xFFFFFEC0] =	vst v3;
	v3 =	vld.idx.msk [tilespmem:v4+s16+$0x0], $0xffff;
	v4 =	vor.u32 s8, v1  }
0x259: {  	s21 =	sadd.s32 $0xFFFFFDE0, s13;
	s23 =	sadd.s32 $0xFFFFFE60, s13;
	s2 =	sor.u32 $0x50, s2;
	[tilespmem:s0+$0xA000] =	vst v8;
	v8 =	vld.idx.msk [tilespmem:v12+s16+$0x0], $0xffff;
	v12 =	vor.u32 s7, v0  }
0x25a: {  	s12 =	sor.u32 $0x70, s12;
	s6 =	sadd.s32 $0xB, s20;
	s3 =	sadd.s32 $0xFFFFFCC0, s13;
	[tilespmem:s2+$0xA000] =	vst v5;
	v5 =	vld.idx.msk [tilespmem:v6+s16+$0x0], $0xffff;
	v6 =	vor.u32 s7, v1  }
0x25b: {  	s24 =	sadd.s32 $0xFFFFFE80, s13;
	s14 =	sadd.s32 $0xFFFFFCE0, s13;
	s0 =	sor.u32 $0x30, s3;
	[tilespmem:s12+$0xA000] =	vst v14;
	v9 =	vld.idx.msk [tilespmem:v9+s16+$0x0], $0xffff;
	v13 =	vor.u32 s6, v0  }
0x25c: {  	s14 =	sor.u32 $0x50, s14;
	s8 =	sor.u32 $0x50, s21;
	s21 =	rddreg [dreg:$0xa];
	[tilespmem:s0+$0xA000] =	vst v7;
	v7 =	vld.idx.msk [tilespmem:v11+s16+$0x0], $0xffff;
	v11 =	vor.u32 s6, v1  }
0x25d: {  	s29 =	sadd.s32 $0xFFFFFEE0, s13;
	s11 =	sadd.s32 $0xFFFFFD40, s13;
	s4 =	sadd.s32 $0xFFFFFD00, s13;
	[tilespmem:s14+$0xA000] =	vst v10;
	v4 =	vld.idx.msk [tilespmem:v4+s16+$0x0], $0xffff;
	v10 =	vor.u32 s21, v0  }
0x25e: {  	s4 =	sor.u32 $0x70, s4;
	s0 =	sor.u32 $0x70, s24;
	s24 =	rddreg [dreg:$0x5];
	[tilespmem:s9+$0xFFFFFEE0] =	vst v3;
	v3 =	vld.idx.msk [tilespmem:v12+s16+$0x0], $0xffff;
	v12 =	vor.u32 s21, v1  }
0x25f: {  	s26 =	sadd.s32 $0xFFFFFF60, s13;
	s5 =	sadd.s32 $0xFFFFFE00, s13;
	s3 =	sor.u32 $0x30, s11;
	v6 =	vld.idx.msk [tilespmem:v6+s16+$0x0], $0xffff;
	[tilespmem:s4+$0xA000] =	vst v8;
	v8 =	vor.u32 s24, v0  }
0x260: {  	s11 =	sor.u32 $0x30, s18;
	s18 =	sor.u32 $0x50, s26;
	s26 =	sadd.s32 $0xE, s20;
	[tilespmem:s9+$0xFFFFFF00] =	vst v5;
	v5 =	vld.idx.msk [tilespmem:v13+s16+$0x0], $0xffff;
	v13 =	vor.u32 s24, v1  }
0x261: {  	s2 =	sor.u32 $0x50, s15;
	s15 =	sor.u32 $0x70, s17;
	s17 =	sor.u32 $0x70, s5;
	[tilespmem:s9+$0xFFFFFF10] =	vst v9;
	v9 =	vld.idx.msk [tilespmem:v11+s16+$0x0], $0xffff;
	v11 =	vor.u32 s26, v0  }
0x262: {  	s5 =	sor.u32 $0x50, s23;
	s23 =	sor.u32 $0x50, s29;
	s29 =	sadd.s32 $0xF, s20;
	[tilespmem:s9+$0xFFFFFF20] =	vst v7;
	v7 =	vld.idx.msk [tilespmem:v10+s16+$0x0], $0xffff;
	v10 =	vor.u32 s26, v1  }
0x263: {  	s30 =	sadd.s32 $0xFFFFFF80, s13;
	[tilespmem:s3+$0xA000] =	vst v4;
	v4 =	vld.idx.msk [tilespmem:v12+s16+$0x0], $0xffff;
	v12 =	vor.u32 s29, v0  }
0x264: {  	s7 =	sor.u32 $0x70, s30;
	s30 =	sadd.s32 $0x10, s20;
	[tilespmem:s9+$0xFFFFFF40] =	vst v3;
	v3 =	vld.idx.msk [tilespmem:v8+s16+$0x0], $0xffff;
	v8 =	vor.u32 s29, v1  }
0x265: {  	[tilespmem:s2+$0xA000] =	vst v6;
	v6 =	vld.idx.msk [tilespmem:v13+s16+$0x0], $0xffff;
	v13 =	vor.u32 s30, v0  }
0x266: {  	s31 =	sadd.s32 $0xFFFFFFC0, s13;
	[tilespmem:s9+$0xFFFFFF60] =	vst v5;
	v5 =	vld.idx.msk [tilespmem:v11+s16+$0x0], $0xffff  }
0x267: {  	s6 =	sor.u32 $0x30, s31;
	s31 =	sadd.s32 $0x11, s20;
	v11 =	vor.u32 s30, v1;
	[tilespmem:s15+$0xA000] =	vst v9;
	v9 =	vld.idx.msk [tilespmem:v10+s16+$0x0], $0xffff  }
0x268: {  	v10 =	vor.u32 s31, v0;
	[tilespmem:s9+$0xFFFFFF80] =	vst v7;
	v7 =	vld.idx.msk [tilespmem:v12+s16+$0x0], $0xffff  }
0x269: {  	s2 =	sadd.s32 $0x12, s20;
	v12 =	vor.u32 s31, v1;
	[tilespmem:s9+$0xFFFFFF90] =	vst v4;
	v4 =	vld.idx.msk [tilespmem:v8+s16+$0x0], $0xffff  }
0x26a: {  	v8 =	vor.u32 s2, v0;
	[tilespmem:s9+$0xFFFFFFA0] =	vst v3;
	v3 =	vld.idx.msk [tilespmem:v13+s16+$0x0], $0xffff  }
0x26b: {  	s3 =	sadd.s32 $0x13, s20;
	v13 =	vor.u32 s2, v1;
	[tilespmem:s11+$0xA000] =	vst v6  }
0x26c: {  	v6 =	vld.idx.msk [tilespmem:v11+s16+$0x0], $0xffff;
	v11 =	vor.u32 s3, v0;
	[tilespmem:s9+$0xFFFFFFC0] =	vst v5  }
0x26d: {  	s4 =	sadd.s32 $0x14, s20;
	v5 =	vld.idx.msk [tilespmem:v10+s16+$0x0], $0xffff;
	v10 =	vor.u32 s3, v1;
	[tilespmem:s8+$0xA000] =	vst v9  }
0x26e: {  	s22 =	sadd.s32 $0xFFFFFE40, s13;
	s10 =	sadd.s32 $0xFFFFFF00, s13;
	v9 =	vld.idx.msk [tilespmem:v12+s16+$0x0], $0xffff;
	v12 =	vor.u32 s4, v0;
	[tilespmem:s9+$0xFFFFFFE0] =	vst v7  }
0x26f: {  	s12 =	sor.u32 $0x30, s22;
	s22 =	sor.u32 $0x70, s10;
	s10 =	sadd.s32 $0x15, s20;
	v7 =	vld.idx.msk [tilespmem:v8+s16+$0x0], $0xffff;
	v8 =	vor.u32 s4, v1;
	[tilespmem:s9+$0x0] =	vst v3  }
0x270: {  	[tilespmem:s17+$0xA000] =	vst v4;
	v4 =	vld.idx.msk [tilespmem:v13+s16+$0x0], $0xffff;
	v13 =	vor.u32 s10, v0  }
0x271: {  	s11 =	sadd.s32 $0x16, s20;
	v3 =	vld.idx.msk [tilespmem:v11+s16+$0x0], $0xffff;
	v11 =	vor.u32 s10, v1;
	[tilespmem:s9+$0x10] =	vst v6  }
0x272: {  	v6 =	vld.idx.msk [tilespmem:v10+s16+$0x0], $0xffff;
	v10 =	vor.u32 s11, v0;
	[tilespmem:s9+$0x20] =	vst v5  }
0x273: {  	s15 =	sadd.s32 $0x17, s20;
	v5 =	vld.idx.msk [tilespmem:v12+s16+$0x0], $0xffff;
	v12 =	vor.u32 s11, v1;
	[tilespmem:s12+$0xA000] =	vst v9  }
0x274: {  	v8 =	vld.idx.msk [tilespmem:v8+s16+$0x0], $0xffff;
	v9 =	vor.u32 s15, v0;
	[tilespmem:s9+$0x40] =	vst v7  }
0x275: {  	s17 =	sadd.s32 $0x18, s20;
	v7 =	vld.idx.msk [tilespmem:v13+s16+$0x0], $0xffff;
	v13 =	vor.u32 s15, v1;
	[tilespmem:s5+$0xA000] =	vst v4;
	s5 =	simm.s32 $0x4000  }
0x276: {  	s19 =	sadd.s32 $0xFFFFFF40, s13;
	v4 =	vld.idx.msk [tilespmem:v11+s5+$0x0], $0xffff;
	v11 =	vor.u32 s17, v0  }
0x277: {  	s21 =	sor.u32 $0x30, s19;
	s19 =	sadd.s32 $0x19, s20;
	[tilespmem:s9+$0x60] =	vst v3;
	v3 =	vld.idx.msk [tilespmem:v10+s5+$0x0], $0xffff;
	v10 =	vor.u32 s17, v1  }
0x278: {  	[tilespmem:s0+$0xA000] =	vst v6;
	v6 =	vld.idx.msk [tilespmem:v12+s5+$0x0], $0xffff;
	v12 =	vor.u32 s19, v0  }
0x279: {  	s24 =	sadd.s32 $0x1A, s20;
	[tilespmem:s9+$0x80] =	vst v5;
	v5 =	vld.idx.msk [tilespmem:v9+s5+$0x0], $0xffff;
	v9 =	vor.u32 s19, v1  }
0x27a: {  	s25 =	sadd.s32 $0xFFFFFEC0, s13;
	[tilespmem:s9+$0x90] =	vst v8;
	v8 =	vld.idx.msk [tilespmem:v13+s5+$0x0], $0xffff;
	v13 =	vor.u32 s24, v0  }
0x27b: {  	s25 =	sor.u32 $0x30, s25;
	s26 =	sadd.s32 $0x1B, s20;
	[tilespmem:s9+$0xA0] =	vst v7;
	v7 =	vld.idx.msk [tilespmem:v11+s5+$0x0], $0xffff;
	v11 =	vor.u32 s24, v1  }
0x27c: {  	s30 =	sadd.s32 $0x1D, s20;
	[tilespmem:s25+$0xA000] =	vst v4;
	v10 =	vld.idx.msk [tilespmem:v10+s5+$0x0], $0xffff;
	v4 =	vor.u32 s26, v0  }
0x27d: {  	v16 =	vor.u32 s30, v0;
	[tilespmem:s9+$0xC0] =	vst v3;
	v3 =	vld.idx.msk [tilespmem:v12+s5+$0x0], $0xffff  }
0x27e: {  	s29 =	sadd.s32 $0x1C, s20;
	v12 =	vor.u32 s26, v1;
	[tilespmem:s23+$0xA000] =	vst v6;
	v6 =	vld.idx.msk [tilespmem:v9+s5+$0x0], $0xffff  }
0x27f: {  	v9 =	vor.u32 s29, v0;
	[tilespmem:s9+$0xE0] =	vst v5;
	v14 =	vld.idx.msk [tilespmem:v13+s5+$0x0], $0xffff  }
0x280: {  	v15 =	vor.u32 s29, v1;
	[tilespmem:s22+$0xA000] =	vst v8;
	v8 =	vld.idx.msk [tilespmem:v11+s5+$0x0], $0xffff  }
0x281: {  	p2 =	slt.u32 s28, $0x60;
	v17 =	vor.u32 s30, v1;
	[tilespmem:s9+$0x100] =	vst v7;
	v4 =	vld.idx.msk [tilespmem:v4+s5+$0x0], $0xffff  }
.Ltmp4:
0x282: {  	[tilespmem:s9+$0x110] =	vst v10;
	v7 =	vld.idx.msk [tilespmem:v16+s5+$0x0], $0xffff;
	(pc) =	sbr.rel @p2 .LBB2_7-.Ltmp4, $4  }
0x283: {  	v5 =	vld.idx.msk [tilespmem:v12+s5+$0x0], $0xffff;
	[tilespmem:s9+$0x120] =	vst v3  }
0x284: {  	s1 =	sadd.s32 $0xFFFFFFE0, s13;
	s31 =	sadd.s32 $0x1E, s20;
	s8 =	sadd.s32 $0x1F, s28;
	v3 =	vld.idx.msk [tilespmem:v9+s5+$0x0], $0xffff;
	[tilespmem:s21+$0xA000] =	vst v6  }
0x285: {  	s14 =	sor.u32 $0x50, s1;
	s1 =	sadd.s32 $0x1, s28;
	v13 =	vor.u32 s31, v0;
	v11 =	vor.u32 s31, v1;
	v10 =	vor.u32 s8, v0;
	v6 =	vld.idx.msk [tilespmem:v15+s5+$0x0], $0xffff;
	[tilespmem:s9+$0x140] =	vst v14  }
0x286: {  	v9 =	vor.u32 s20, v1;
	s20 =	smov.u32 s28;
	v12 =	vor.u32 s1, v0;
	s28 =	sadd.s32 $0x20, s28;
	[tilespmem:s18+$0xA000] =	vst v8;
	v8 =	vld.idx.msk [tilespmem:v17+s5+$0x0], $0xffff  }
0x287: {  	_ =	sdelay $0x3  }
0x288: {  	v14 =	vor.u32 s8, v1;
	v13 =	vld.idx.msk [tilespmem:v13+s5+$0x0], $0xffff;
	[tilespmem:s9+$0x160] =	vst v4  }
0x289: {  	v4 =	vor.u32 s1, v1;
	s0 =	sadd.s32 $0x2, s20;
	v11 =	vld.idx.msk [tilespmem:v11+s5+$0x0], $0xffff;
	[tilespmem:s9+$0x1A0] =	vst v7  }
0x28a: {  	v9 =	vld.idx.msk [tilespmem:v9+s5+$0x0], $0xffff;
	s2 =	sadd.s32 $0x4, s20;
	[tilespmem:s7+$0xA000] =	vst v5;
	v5 =	vor.u32 s0, v0  }
0x28b: {  	s17 =	sadd.s32 $0x3, s20;
	v10 =	vld.idx.msk [tilespmem:v10+s5+$0x0], $0xffff;
	[tilespmem:s9+$0xFFFFFE00] =	vst v2;
	v7 =	vor.u32 s2, v1  }
0x28c: {  	v2 =	vor.u32 s17, v1;
	[tilespmem:s9+$0x180] =	vst v3;
	v3 =	vld.idx.msk [tilespmem:v12+s5+$0x0], $0xffff  }
0x28d: {  	v12 =	vor.u32 s17, v0;
	v14 =	vld.idx.msk [tilespmem:v14+s5+$0x0], $0xffff  }
0x28e: {  	s18 =	sadd.s32 $0x5, s20;
	[tilespmem:s9+$0x190] =	vst v6;
	v6 =	vor.u32 s2, v0;
	v4 =	vld.idx.msk [tilespmem:v4+s5+$0x0], $0xffff  }
0x28f: {  	s3 =	sadd.s32 $0x6, s20;
	[tilespmem:s6+$0xA000] =	vst v8;
	v8 =	vor.u32 s18, v0;
	v5 =	vld.idx.msk [tilespmem:v5+s5+$0x0], $0xffff  }
0x290: {  	[tilespmem:s9+$0x1C0] =	vst v13;
	v13 =	vor.u32 s3, v0;
	v7 =	vld.idx.msk [tilespmem:v7+s5+$0x0], $0xffff  }
0x291: {  	[tilespmem:s14+$0xA000] =	vst v11;
	v11 =	vor.u32 s0, v1;
	v2 =	vld.idx.msk [tilespmem:v2+s5+$0x0], $0xffff  }
0x292: {  	[tilespmem:s9+$0xFFFFFE10] =	vst v9;
	s9 =	sadd.s32 $0x400, s9;
	v9 =	vor.u32 s18, v1;
	v12 =	vld.idx.msk [tilespmem:v12+s5+$0x0], $0xffff  }
0x293: {  	s13 =	sadd.s32 $0x400, s13;
	[tilespmem:s9+$0x1E0] =	vst v10;
	v6 =	vld.idx.msk [tilespmem:v6+s5+$0x0], $0xffff  }
0x294: {  	s19 =	sor.u32 $0x70, s13;
	[tilespmem:s9+$0xFFFFFE20] =	vst v3;
	v8 =	vld.idx.msk [tilespmem:v8+s5+$0x0], $0xffff  }
0x295: {  	s21 =	sadd.s32 $0x7, s20;
	v3 =	vor.u32 s3, v1;
	[tilespmem:s19+$0xA000] =	vst v14;
	v10 =	vld.idx.msk [tilespmem:v13+s5+$0x0], $0xffff  }
0x296: {  	s22 =	sadd.s32 $0x8, s20;
	v11 =	vld.idx.msk [tilespmem:v11+s5+$0x0], $0xffff;
	[tilespmem:s9+$0xFFFFFE40] =	vst v5;
	v5 =	vor.u32 s21, v0  }
0x297: {  	[tilespmem:s9+$0xFFFFFE90] =	vst v7;
	v7 =	vld.idx.msk [tilespmem:v9+s5+$0x0], $0xffff;
	v9 =	vor.u32 s22, v1  }
0x298: {  	s4 =	sadd.s32 $0xFFFFFC80, s13;
	[tilespmem:s9+$0xFFFFFE60] =	vst v12;
	v12 =	vor.u32 s21, v1  }
0x299: {  	s29 =	sor.u32 $0x70, s4;
	[tilespmem:s9+$0xFFFFFE80] =	vst v6  }
0x29a: {  	s23 =	sadd.s32 $0x9, s20;
	v3 =	vld.idx.msk [tilespmem:v3+s5+$0x0], $0xffff;
	v6 =	vor.u32 s22, v0;
	[tilespmem:s29+$0xA000] =	vst v2  }
0x29b: {  	s24 =	sadd.s32 $0xFFFFFC40, s13;
	[tilespmem:s9+$0xFFFFFEA0] =	vst v8;
	v8 =	vor.u32 s23, v0;
	v5 =	vld.idx.msk [tilespmem:v5+s5+$0x0], $0xffff  }
0x29c: {  	s26 =	sadd.s32 $0xA, s20;
	s25 =	sadd.s32 $0xFFFFFC60, s13;
	s2 =	sor.u32 $0x30, s24;
	[tilespmem:s9+$0xFFFFFEC0] =	vst v10;
	v10 =	vor.u32 s23, v1;
	v2 =	vld.idx.msk [tilespmem:v9+s5+$0x0], $0xffff  }
0x29d: {  	s28 =	sadd.s32 $0xFFFFFCC0, s13;
	s1 =	sor.u32 $0x50, s25;
	[tilespmem:s2+$0xA000] =	vst v4;
	v4 =	vld.idx.msk [tilespmem:v12+s5+$0x0], $0xffff;
	v12 =	vor.u32 s26, v0  }
0x29e: {  	s30 =	sadd.s32 $0xB, s20;
	s31 =	sadd.s32 $0xFFFFFCE0, s13;
	s0 =	sor.u32 $0x30, s28;
	[tilespmem:s1+$0xA000] =	vst v11;
	v11 =	vor.u32 s26, v1  }
0x29f: {  	s3 =	sor.u32 $0x50, s31;
	v9 =	vor.u32 s30, v0;
	[tilespmem:s0+$0xA000] =	vst v7;
	v6 =	vld.idx.msk [tilespmem:v6+s5+$0x0], $0xffff  }
0x2a0: {  	s4 =	sadd.s32 $0xC, s20;
	[tilespmem:s3+$0xA000] =	vst v3;
	v7 =	vld.idx.msk [tilespmem:v8+s5+$0x0], $0xffff;
	v8 =	vor.u32 s30, v1  }
0x2a1: {  	s6 =	sadd.s32 $0xFFFFFD00, s13;
	v3 =	vld.idx.msk [tilespmem:v10+s5+$0x0], $0xffff;
	v10 =	vor.u32 s4, v0;
	[tilespmem:s9+$0xFFFFFEE0] =	vst v5  }
0x2a2: {  	s8 =	sadd.s32 $0xD, s20;
	s7 =	sor.u32 $0x70, s6;
	[tilespmem:s9+$0xFFFFFF10] =	vst v2;
	v5 =	vld.idx.msk [tilespmem:v12+s5+$0x0], $0xffff;
	v12 =	vor.u32 s4, v1  }
0x2a3: {  	[tilespmem:s7+$0xA000] =	vst v4;
	v4 =	vld.idx.msk [tilespmem:v11+s5+$0x0], $0xffff;
	v11 =	vor.u32 s8, v0  }
0x2a4: {  	s11 =	sadd.s32 $0xE, s20;
	s10 =	sadd.s32 $0xFFFFFD40, s13;
	[tilespmem:s9+$0xFFFFFF00] =	vst v6;
	v6 =	vld.idx.msk [tilespmem:v9+s5+$0x0], $0xffff;
	v9 =	vor.u32 s8, v1  }
0x2a5: {  	s0 =	sor.u32 $0x30, s10;
	v2 =	vld.idx.msk [tilespmem:v8+s5+$0x0], $0xffff;
	v8 =	vor.u32 s11, v0;
	[tilespmem:s9+$0xFFFFFF20] =	vst v7  }
0x2a6: {  	s12 =	sadd.s32 $0xFFFFFD60, s13;
	s14 =	sadd.s32 $0xF, s20;
	v7 =	vld.idx.msk [tilespmem:v10+s5+$0x0], $0xffff;
	v10 =	vor.u32 s11, v1;
	[tilespmem:s0+$0xA000] =	vst v3  }
0x2a7: {  	s15 =	sor.u32 $0x50, s12;
	v3 =	vld.idx.msk [tilespmem:v12+s5+$0x0], $0xffff;
	v12 =	vor.u32 s14, v0;
	[tilespmem:s9+$0xFFFFFF40] =	vst v5  }
0x2a8: {  	s16 =	sadd.s32 $0xFFFFFD80, s13;
	s17 =	sadd.s32 $0x10, s20;
	v5 =	vld.idx.msk [tilespmem:v11+s5+$0x0], $0xffff;
	v11 =	vor.u32 s14, v1;
	[tilespmem:s15+$0xA000] =	vst v4  }
0x2a9: {  	s18 =	sor.u32 $0x70, s16;
	v4 =	vld.idx.msk [tilespmem:v9+s5+$0x0], $0xffff;
	v9 =	vor.u32 s17, v0;
	[tilespmem:s9+$0xFFFFFF60] =	vst v6  }
0x2aa: {  	s19 =	sadd.s32 $0x11, s20;
	v6 =	vld.idx.msk [tilespmem:v8+s5+$0x0], $0xffff;
	v8 =	vor.u32 s17, v1;
	[tilespmem:s18+$0xA000] =	vst v2  }
0x2ab: {  	v2 =	vld.idx.msk [tilespmem:v10+s5+$0x0], $0xffff;
	v10 =	vor.u32 s19, v0;
	[tilespmem:s9+$0xFFFFFF80] =	vst v7  }
0x2ac: {  	s21 =	sadd.s32 $0xFFFFFDC0, s13;
	s22 =	sadd.s32 $0x12, s20;
	v7 =	vld.idx.msk [tilespmem:v12+s5+$0x0], $0xffff;
	v12 =	vor.u32 s19, v1;
	[tilespmem:s9+$0xFFFFFF90] =	vst v3  }
0x2ad: {  	s0 =	sor.u32 $0x30, s21;
	v3 =	vld.idx.msk [tilespmem:v11+s5+$0x0], $0xffff;
	v11 =	vor.u32 s22, v0;
	[tilespmem:s9+$0xFFFFFFA0] =	vst v5  }
0x2ae: {  	s24 =	sadd.s32 $0x13, s20;
	s23 =	sadd.s32 $0xFFFFFDE0, s13;
	v5 =	vld.idx.msk [tilespmem:v9+s5+$0x0], $0xffff;
	v9 =	vor.u32 s22, v1;
	[tilespmem:s0+$0xA000] =	vst v4  }
0x2af: {  	s25 =	sor.u32 $0x50, s23;
	v4 =	vld.idx.msk [tilespmem:v8+s5+$0x0], $0xffff;
	v8 =	vor.u32 s24, v0;
	[tilespmem:s9+$0xFFFFFFC0] =	vst v6  }
0x2b0: {  	s28 =	sadd.s32 $0x14, s20;
	s26 =	sadd.s32 $0xFFFFFE00, s13;
	v6 =	vld.idx.msk [tilespmem:v10+s5+$0x0], $0xffff;
	v10 =	vor.u32 s24, v1;
	[tilespmem:s25+$0xA000] =	vst v2  }
0x2b1: {  	s29 =	sor.u32 $0x70, s26;
	v2 =	vld.idx.msk [tilespmem:v12+s5+$0x0], $0xffff;
	v12 =	vor.u32 s28, v0;
	[tilespmem:s9+$0xFFFFFFE0] =	vst v7  }
0x2b2: {  	s30 =	sadd.s32 $0x15, s20;
	v7 =	vld.idx.msk [tilespmem:v11+s5+$0x0], $0xffff;
	v11 =	vor.u32 s28, v1;
	[tilespmem:s29+$0xA000] =	vst v3  }
0x2b3: {  	v3 =	vld.idx.msk [tilespmem:v9+s5+$0x0], $0xffff;
	v9 =	vor.u32 s30, v0;
	[tilespmem:s9+$0x0] =	vst v5  }
0x2b4: {  	s31 =	sadd.s32 $0xFFFFFE40, s13;
	s2 =	sadd.s32 $0x16, s20;
	v5 =	vld.idx.msk [tilespmem:v8+s5+$0x0], $0xffff;
	v8 =	vor.u32 s30, v1;
	[tilespmem:s9+$0x10] =	vst v4  }
0x2b5: {  	s0 =	sor.u32 $0x30, s31;
	v4 =	vld.idx.msk [tilespmem:v10+s5+$0x0], $0xffff;
	v10 =	vor.u32 s2, v0;
	[tilespmem:s9+$0x20] =	vst v6  }
0x2b6: {  	s3 =	sadd.s32 $0xFFFFFE60, s13;
	s4 =	sadd.s32 $0x17, s20;
	v6 =	vld.idx.msk [tilespmem:v12+s5+$0x0], $0xffff;
	v12 =	vor.u32 s2, v1;
	[tilespmem:s0+$0xA000] =	vst v2  }
0x2b7: {  	s6 =	sor.u32 $0x50, s3;
	v2 =	vld.idx.msk [tilespmem:v11+s5+$0x0], $0xffff;
	v11 =	vor.u32 s4, v0;
	[tilespmem:s9+$0x40] =	vst v7  }
0x2b8: {  	s7 =	sadd.s32 $0xFFFFFE80, s13;
	s8 =	sadd.s32 $0x18, s20;
	v7 =	vld.idx.msk [tilespmem:v9+s5+$0x0], $0xffff;
	v9 =	vor.u32 s4, v1;
	[tilespmem:s6+$0xA000] =	vst v3  }
0x2b9: {  	s10 =	sor.u32 $0x70, s7;
	v3 =	vld.idx.msk [tilespmem:v8+s5+$0x0], $0xffff;
	v8 =	vor.u32 s8, v0;
	[tilespmem:s9+$0x60] =	vst v5  }
0x2ba: {  	s11 =	sadd.s32 $0x19, s20;
	v5 =	vld.idx.msk [tilespmem:v10+s5+$0x0], $0xffff;
	v10 =	vor.u32 s8, v1;
	[tilespmem:s10+$0xA000] =	vst v4  }
0x2bb: {  	v4 =	vld.idx.msk [tilespmem:v12+s5+$0x0], $0xffff;
	v12 =	vor.u32 s11, v0;
	[tilespmem:s9+$0x80] =	vst v6  }
0x2bc: {  	s12 =	sadd.s32 $0xFFFFFEC0, s13;
	s14 =	sadd.s32 $0x1A, s20;
	v6 =	vld.idx.msk [tilespmem:v11+s5+$0x0], $0xffff;
	v11 =	vor.u32 s11, v1;
	[tilespmem:s9+$0x90] =	vst v2  }
0x2bd: {  	s0 =	sor.u32 $0x30, s12;
	v2 =	vld.idx.msk [tilespmem:v9+s5+$0x0], $0xffff;
	v9 =	vor.u32 s14, v0;
	[tilespmem:s9+$0xA0] =	vst v7  }
0x2be: {  	s16 =	sadd.s32 $0x1B, s20;
	s15 =	sadd.s32 $0xFFFFFEE0, s13;
	v7 =	vld.idx.msk [tilespmem:v8+s5+$0x0], $0xffff;
	v8 =	vor.u32 s14, v1;
	[tilespmem:s0+$0xA000] =	vst v3  }
0x2bf: {  	s17 =	sor.u32 $0x50, s15;
	v3 =	vld.idx.msk [tilespmem:v10+s5+$0x0], $0xffff;
	v10 =	vor.u32 s16, v0;
	[tilespmem:s9+$0xC0] =	vst v5  }
0x2c0: {  	s18 =	sadd.s32 $0xFFFFFF00, s13;
	s19 =	sadd.s32 $0x1C, s20;
	v5 =	vld.idx.msk [tilespmem:v12+s5+$0x0], $0xffff;
	v12 =	vor.u32 s16, v1;
	[tilespmem:s17+$0xA000] =	vst v4  }
0x2c1: {  	s21 =	sor.u32 $0x70, s18;
	v4 =	vld.idx.msk [tilespmem:v11+s5+$0x0], $0xffff;
	v11 =	vor.u32 s19, v0;
	[tilespmem:s9+$0xE0] =	vst v6  }
0x2c2: {  	s22 =	sadd.s32 $0x1D, s20;
	v6 =	vld.idx.msk [tilespmem:v9+s5+$0x0], $0xffff;
	v9 =	vor.u32 s19, v1;
	[tilespmem:s21+$0xA000] =	vst v2  }
0x2c3: {  	v2 =	vld.idx.msk [tilespmem:v8+s5+$0x0], $0xffff;
	v8 =	vor.u32 s22, v0;
	[tilespmem:s9+$0x100] =	vst v7  }
0x2c4: {  	s23 =	sadd.s32 $0xFFFFFF40, s13;
	s24 =	sadd.s32 $0x1E, s20;
	v7 =	vld.idx.msk [tilespmem:v10+s5+$0x0], $0xffff;
	v10 =	vor.u32 s22, v1;
	[tilespmem:s9+$0x110] =	vst v3  }
0x2c5: {  	s0 =	sor.u32 $0x30, s23;
	v3 =	vld.idx.msk [tilespmem:v12+s5+$0x0], $0xffff;
	v12 =	vor.u32 s24, v0;
	[tilespmem:s9+$0x120] =	vst v5  }
0x2c6: {  	s25 =	sadd.s32 $0xFFFFFF60, s13;
	v5 =	vld.idx.msk [tilespmem:v11+s5+$0x0], $0xffff;
	v11 =	vor.u32 s24, v1;
	[tilespmem:s0+$0xA000] =	vst v4  }
0x2c7: {  	s26 =	sor.u32 $0x50, s25;
	v9 =	vld.idx.msk [tilespmem:v9+s5+$0x0], $0xffff;
	[tilespmem:s9+$0x140] =	vst v6  }
0x2c8: {  	s28 =	sadd.s32 $0xFFFFFF80, s13;
	v4 =	vor.u32 s20, v0;
	v8 =	vld.idx.msk [tilespmem:v8+s5+$0x0], $0xffff;
	[tilespmem:s26+$0xA000] =	vst v2  }
0x2c9: {  	s29 =	sor.u32 $0x70, s28;
	v6 =	vor.u32 s20, v1;
	v2 =	vld.idx.msk [tilespmem:v10+s5+$0x0], $0xffff;
	[tilespmem:s9+$0x160] =	vst v7  }
0x2ca: {  	v7 =	vld.idx.msk [tilespmem:v12+s5+$0x0], $0xffff;
	[tilespmem:s29+$0xA000] =	vst v3  }
0x2cb: {  	v3 =	vld.idx.msk [tilespmem:v11+s5+$0x0], $0xffff;
	[tilespmem:s9+$0x180] =	vst v5  }
0x2cc: {  	s30 =	sadd.s32 $0xFFFFFFC0, s13;
	[tilespmem:s9+$0x190] =	vst v9  }
0x2cd: {  	s0 =	sor.u32 $0x30, s30;
	v4 =	vld.idx.msk [tilespmem:v4+s5+$0x0], $0xffff;
	[tilespmem:s9+$0x1A0] =	vst v8  }
0x2ce: {  	s31 =	sadd.s32 $0xFFFFFFE0, s13;
	v5 =	vld.idx.msk [tilespmem:v6+s5+$0x0], $0xffff;
	[tilespmem:s0+$0xA000] =	vst v2  }
0x2cf: {  	s2 =	sor.u32 $0x50, s31;
	[tilespmem:s9+$0x1C0] =	vst v7  }
0x2d0: {  	[tilespmem:s2+$0xA000] =	vst v3  }
0x2d1: {  	s0 =	sld [smem:$0x7F6]  }
0x2d2: {  	[tilespmem:s9+$0xFFFFFE00] =	vst v4  }
0x2d3: {  	[tilespmem:s9+$0xFFFFFE10] =	vst v5  }
0x2d4: {  	s3 =	rddreg [dreg:$0xf];
	s0 =	sshll.u32 s0, $0x9  }
0x2d5: {  	s7 =	sld [smem:$0x7F7];
	s0 =	sand.u32 $0x1FFFFC00, s0  }
0x2d6: {  	s4 =	simm.s32 $0x0;
	s6 =	simm.s32 $0xA000;
	s0 =	sadd.s32 s3, s0  }
0x2d7: {  	[hbm4b:s0+s4] =	stream.linear.scatter [tilespmem:s6], [sflag:$0x7], $0x1000, $0x38;
	[tilespmem:$0xC000] =	vst v63  }
0x2d8: {  	s8 =	rddreg [dreg:$0x16];
	s0 =	sadd.s32 $0x3, s7  }
0x2d9: {  	[smem:$0x7F5] =	sst s0;
	s0 =	sshll.u32 s0, $0x7  }
0x2da: {  	s0 =	sadd.s32 s0, s8  }
0x2db: {  	[tilespmem:s5], [sflag:$0x3] =	stream.linear.gather [hbm4b:s0+s4], $0x400, $0x38;
	[tilespmem:$0xC000] =	vst v63  }
0x2dc: {  	s9 =	simm.s32 $0x4800;
	s1 =	sadd.s32 $0xF4280, s0  }
0x2dd: {  	[tilespmem:s9], [sflag:$0x3] =	stream.linear.gather [hbm4b:s1+s4], $0x400, $0x38;
	[tilespmem:$0xC000] =	vst v63  }
0x2de: {  	s11 =	simm.s32 $0x5000;
	s10 =	sadd.s32 $0x1E8500, s0  }
0x2df: {  	[tilespmem:s11], [sflag:$0x3] =	stream.linear.gather [hbm4b:s10+s4], $0x400, $0x38;
	[tilespmem:$0xC000] =	vst v63  }
0x2e0: {  	s13 =	simm.s32 $0x4;
	s12 =	simm.s32 $0x5800;
	s0 =	sadd.s32 $0x2DC780, s0  }
0x2e1: {  	[tilespmem:s12], [sflag:$0x3] =	stream.linear.gather [hbm4b:s0+s4], $0x400, $0x38;
	[tilespmem:$0xC000] =	vst v63  }
0x2e2: {  	s14 =	simm.s32 $0x1;
	_ =	swait.ge [sflag:s13], $0x1000  }
0x2e3: {  	s15 =	simm.s32 $0x1F;
	v2 =	vor.u32 s14, v0;
	[sflag:s13] =	ssyncset.done $0x0  }
0x2e4: {  	s2 =	simm.s32 @!p1 $0x8;
	v3 =	vor.u32 s15, v0;
	[sflag:s13] =	ssyncadd.s32 $0xFFFFF000  }
0x2e5: {  	v4 =	vor.u32 s15, v1;
	_ =	swait.ge @!p1 [sflag:s2], $0x1000  }
0x2e6: {  	s16 =	simm.s32 $0x2;
	v5 =	vor.u32 s14, v1;
	[sflag:s2] =	ssyncset.done @!p1 $0x0  }
0x2e7: {  	s17 =	simm.s32 $0x3;
	v6 =	vor.u32 s16, v0;
	s11 =	simm.s32 $0x6000;
	[sflag:s2] =	ssyncadd.s32 @!p1 $0xFFFFF000  }
0x2e8: {  	s18 =	simm.s32 $0x4;
	v7 =	vor.u32 s17, v0;
	v2 =	vld.idx.msk [tilespmem:v2+s11+$0x0], $0xffff  }
0x2e9: {  	v8 =	vor.u32 s18, v0;
	v3 =	vld.idx.msk [tilespmem:v3+s11+$0x0], $0xffff  }
0x2ea: {  	s19 =	simm.s32 $0x5;
	v9 =	vor.u32 s18, v1;
	v4 =	vld.idx.msk [tilespmem:v4+s11+$0x0], $0xffff  }
0x2eb: {  	s20 =	simm.s32 $0x6;
	v10 =	vor.u32 s19, v0;
	v5 =	vld.idx.msk [tilespmem:v5+s11+$0x0], $0xffff  }
0x2ec: {  	v11 =	vor.u32 s20, v0;
	v6 =	vld.idx.msk [tilespmem:v6+s11+$0x0], $0xffff  }
0x2ed: {  	v12 =	vor.u32 s16, v1;
	v7 =	vld.idx.msk [tilespmem:v7+s11+$0x0], $0xffff  }
0x2ee: {  	v13 =	vor.u32 s17, v1;
	s6 =	simm.s32 $0x0;
	s9 =	simm.s32 $0xB200;
	v8 =	vld.idx.msk [tilespmem:v8+s11+$0x0], $0xffff  }
0x2ef: {  	v14 =	vor.u32 s6, v0;
	s13 =	simm.s32 $0x3E0;
	v9 =	vld.idx.msk [tilespmem:v9+s11+$0x0], $0xffff;
	[tilespmem:s9+$0x1E0] =	vst v3  }
0x2f0: {  	s21 =	sor.u32 $0x70, s13;
	v3 =	vld.idx.msk [tilespmem:v10+s11+$0x0], $0xffff;
	v10 =	vor.u32 s19, v1;
	[tilespmem:s9+$0xFFFFFE20] =	vst v2  }
0x2f1: {  	s22 =	simm.s32 $0x7;
	[tilespmem:s21+$0xB000] =	vst v4;
	v4 =	vld.idx.msk [tilespmem:v11+s11+$0x0], $0xffff;
	v11 =	vor.u32 s20, v1  }
0x2f2: {  	v12 =	vld.idx.msk [tilespmem:v12+s11+$0x0], $0xffff;
	[tilespmem:s9+$0xFFFFFE40] =	vst v6;
	v6 =	vor.u32 s22, v0  }
0x2f3: {  	s23 =	simm.s32 $0x8;
	v13 =	vld.idx.msk [tilespmem:v13+s11+$0x0], $0xffff;
	[tilespmem:s9+$0xFFFFFE60] =	vst v7;
	v7 =	vor.u32 s22, v1  }
0x2f4: {  	v2 =	vld.idx.msk [tilespmem:v14+s11+$0x0], $0xffff;
	[tilespmem:s9+$0xFFFFFE80] =	vst v8;
	v8 =	vor.u32 s23, v0  }
0x2f5: {  	s24 =	simm.s32 $0x9;
	[tilespmem:s9+$0xFFFFFE90] =	vst v9;
	v9 =	vld.idx.msk [tilespmem:v10+s11+$0x0], $0xffff;
	v10 =	vor.u32 s23, v1  }
0x2f6: {  	s25 =	simm.s32 $0x20;
	[tilespmem:s9+$0xFFFFFEA0] =	vst v3;
	v3 =	vld.idx.msk [tilespmem:v11+s11+$0x0], $0xffff;
	v11 =	vor.u32 s24, v0  }
0x2f7: {  	s28 =	simm.s32 $0x40;
	s26 =	simm.s32 $0xA;
	s1 =	sor.u32 $0x30, s25;
	[tilespmem:s9+$0xFFFFFEC0] =	vst v4;
	v4 =	vld.idx.msk [tilespmem:v6+s11+$0x0], $0xffff;
	v6 =	vor.u32 s24, v1  }
0x2f8: {  	s29 =	simm.s32 $0x60;
	s3 =	sor.u32 $0x50, s28;
	[tilespmem:s1+$0xB000] =	vst v5;
	v5 =	vld.idx.msk [tilespmem:v7+s11+$0x0], $0xffff;
	v7 =	vor.u32 s26, v0  }
0x2f9: {  	s31 =	simm.s32 $0xA0;
	s30 =	simm.s32 $0xB;
	s0 =	sor.u32 $0x70, s29;
	[tilespmem:s3+$0xB000] =	vst v12;
	v12 =	vor.u32 s26, v1;
	v8 =	vld.idx.msk [tilespmem:v8+s11+$0x0], $0xffff  }
0x2fa: {  	s4 =	sor.u32 $0x30, s31;
	s3 =	simm.s32 $0xC0;
	[tilespmem:s0+$0xB000] =	vst v13;
	v13 =	vor.u32 s30, v0;
	v10 =	vld.idx.msk [tilespmem:v10+s11+$0x0], $0xffff  }
0x2fb: {  	s5 =	simm.s32 $0xC;
	s2 =	sor.u32 $0x50, s3;
	[tilespmem:s4+$0xB000] =	vst v9;
	v9 =	vld.idx.msk [tilespmem:v11+s11+$0x0], $0xffff;
	v11 =	vor.u32 s30, v1  }
0x2fc: {  	s7 =	simm.s32 $0xE0;
	[tilespmem:s2+$0xB000] =	vst v3;
	v3 =	vld.idx.msk [tilespmem:v6+s11+$0x0], $0xffff;
	v6 =	vor.u32 s5, v0  }
0x2fd: {  	s8 =	simm.s32 $0xD;
	s1 =	sor.u32 $0x70, s7;
	[tilespmem:s9+$0xFFFFFEE0] =	vst v4;
	v4 =	vld.idx.msk [tilespmem:v7+s11+$0x0], $0xffff;
	v7 =	vor.u32 s5, v1  }
0x2fe: {  	[tilespmem:s1+$0xB000] =	vst v5;
	v5 =	vld.idx.msk [tilespmem:v12+s11+$0x0], $0xffff;
	v12 =	vor.u32 s8, v0  }
0x2ff: {  	s10 =	simm.s32 $0xE;
	[tilespmem:s9+$0xFFFFFF00] =	vst v8;
	v8 =	vld.idx.msk [tilespmem:v13+s11+$0x0], $0xffff;
	v13 =	vor.u32 s8, v1  }
0x300: {  	s12 =	simm.s32 $0x120;
	[tilespmem:s9+$0xFFFFFF10] =	vst v10;
	v10 =	vld.idx.msk [tilespmem:v11+s11+$0x0], $0xffff;
	v11 =	vor.u32 s10, v0  }
0x301: {  	s14 =	simm.s32 $0xF;
	s1 =	sor.u32 $0x30, s12;
	[tilespmem:s9+$0xFFFFFF20] =	vst v9;
	v6 =	vld.idx.msk [tilespmem:v6+s11+$0x0], $0xffff;
	v9 =	vor.u32 s10, v1  }
0x302: {  	s15 =	simm.s32 $0x140;
	[tilespmem:s1+$0xB000] =	vst v3;
	v3 =	vld.idx.msk [tilespmem:v7+s11+$0x0], $0xffff;
	v7 =	vor.u32 s14, v0  }
0x303: {  	s17 =	simm.s32 $0x10;
	s16 =	sor.u32 $0x50, s15;
	[tilespmem:s9+$0xFFFFFF40] =	vst v4;
	v4 =	vld.idx.msk [tilespmem:v12+s11+$0x0], $0xffff;
	v12 =	vor.u32 s14, v1  }
0x304: {  	s18 =	simm.s32 $0x160;
	[tilespmem:s16+$0xB000] =	vst v5;
	v5 =	vld.idx.msk [tilespmem:v13+s11+$0x0], $0xffff;
	v13 =	vor.u32 s17, v0  }
0x305: {  	s19 =	sor.u32 $0x70, s18;
	s20 =	simm.s32 $0x11;
	[tilespmem:s9+$0xFFFFFF60] =	vst v8;
	v8 =	vld.idx.msk [tilespmem:v11+s11+$0x0], $0xffff;
	v11 =	vor.u32 s17, v1  }
0x306: {  	[tilespmem:s19+$0xB000] =	vst v10;
	v9 =	vld.idx.msk [tilespmem:v9+s11+$0x0], $0xffff;
	v10 =	vor.u32 s20, v0  }
0x307: {  	s21 =	simm.s32 $0x12;
	[tilespmem:s9+$0xFFFFFF80] =	vst v6;
	v6 =	vld.idx.msk [tilespmem:v7+s11+$0x0], $0xffff;
	v7 =	vor.u32 s20, v1  }
0x308: {  	s22 =	simm.s32 $0x1A0;
	[tilespmem:s9+$0xFFFFFF90] =	vst v3;
	v3 =	vld.idx.msk [tilespmem:v12+s11+$0x0], $0xffff;
	v12 =	vor.u32 s21, v0  }
0x309: {  	s23 =	simm.s32 $0x13;
	s1 =	sor.u32 $0x30, s22;
	[tilespmem:s9+$0xFFFFFFA0] =	vst v4;
	v4 =	vld.idx.msk [tilespmem:v13+s11+$0x0], $0xffff;
	v13 =	vor.u32 s21, v1  }
0x30a: {  	s24 =	simm.s32 $0x1C0;
	[tilespmem:s1+$0xB000] =	vst v5;
	v5 =	vld.idx.msk [tilespmem:v11+s11+$0x0], $0xffff;
	v11 =	vor.u32 s23, v0  }
0x30b: {  	s26 =	simm.s32 $0x14;
	s25 =	sor.u32 $0x50, s24;
	[tilespmem:s9+$0xFFFFFFC0] =	vst v8;
	v8 =	vld.idx.msk [tilespmem:v10+s11+$0x0], $0xffff;
	v10 =	vor.u32 s23, v1  }
0x30c: {  	s28 =	simm.s32 $0x1E0;
	[tilespmem:s25+$0xB000] =	vst v9;
	v7 =	vld.idx.msk [tilespmem:v7+s11+$0x0], $0xffff;
	v9 =	vor.u32 s26, v0  }
0x30d: {  	s29 =	sor.u32 $0x70, s28;
	s30 =	simm.s32 $0x15;
	[tilespmem:s9+$0xFFFFFFE0] =	vst v6;
	v6 =	vld.idx.msk [tilespmem:v12+s11+$0x0], $0xffff;
	v12 =	vor.u32 s26, v1  }
0x30e: {  	[tilespmem:s29+$0xB000] =	vst v3;
	v3 =	vld.idx.msk [tilespmem:v13+s11+$0x0], $0xffff;
	v13 =	vor.u32 s30, v0  }
0x30f: {  	s31 =	simm.s32 $0x16;
	[tilespmem:s9+$0x0] =	vst v4;
	v4 =	vld.idx.msk [tilespmem:v11+s11+$0x0], $0xffff;
	v11 =	vor.u32 s30, v1  }
0x310: {  	s2 =	simm.s32 $0x220;
	[tilespmem:s9+$0x10] =	vst v5;
	v5 =	vld.idx.msk [tilespmem:v10+s11+$0x0], $0xffff;
	v10 =	vor.u32 s31, v0  }
0x311: {  	s3 =	simm.s32 $0x17;
	s1 =	sor.u32 $0x30, s2;
	[tilespmem:s9+$0x20] =	vst v8;
	v8 =	vld.idx.msk [tilespmem:v9+s11+$0x0], $0xffff;
	v9 =	vor.u32 s31, v1  }
0x312: {  	s4 =	simm.s32 $0x240;
	[tilespmem:s1+$0xB000] =	vst v7;
	v7 =	vld.idx.msk [tilespmem:v12+s11+$0x0], $0xffff;
	v12 =	vor.u32 s3, v0  }
0x313: {  	s7 =	simm.s32 $0x18;
	s5 =	sor.u32 $0x50, s4;
	[tilespmem:s9+$0x40] =	vst v6;
	v6 =	vld.idx.msk [tilespmem:v13+s11+$0x0], $0xffff;
	v13 =	vor.u32 s3, v1  }
0x314: {  	s8 =	simm.s32 $0x260;
	[tilespmem:s5+$0xB000] =	vst v3;
	v3 =	vld.idx.msk [tilespmem:v11+s11+$0x0], $0xffff;
	v11 =	vor.u32 s7, v0  }
0x315: {  	s12 =	simm.s32 $0x19;
	s10 =	sor.u32 $0x70, s8;
	[tilespmem:s9+$0x60] =	vst v4;
	v4 =	vld.idx.msk [tilespmem:v10+s11+$0x0], $0xffff;
	v10 =	vor.u32 s7, v1  }
0x316: {  	[tilespmem:s10+$0xB000] =	vst v5;
	v5 =	vld.idx.msk [tilespmem:v9+s11+$0x0], $0xffff;
	v9 =	vor.u32 s12, v0  }
0x317: {  	s14 =	simm.s32 $0x1A;
	[tilespmem:s9+$0x80] =	vst v8;
	v8 =	vld.idx.msk [tilespmem:v12+s11+$0x0], $0xffff;
	v12 =	vor.u32 s12, v1  }
0x318: {  	s15 =	simm.s32 $0x2A0;
	[tilespmem:s9+$0x90] =	vst v7;
	v7 =	vld.idx.msk [tilespmem:v13+s11+$0x0], $0xffff;
	v13 =	vor.u32 s14, v0  }
0x319: {  	s16 =	simm.s32 $0x1B;
	s1 =	sor.u32 $0x30, s15;
	[tilespmem:s9+$0xA0] =	vst v6;
	v6 =	vld.idx.msk [tilespmem:v11+s11+$0x0], $0xffff;
	v11 =	vor.u32 s14, v1  }
0x31a: {  	s17 =	simm.s32 $0x2C0;
	s19 =	simm.s32 $0x1C;
	[tilespmem:s1+$0xB000] =	vst v3;
	v10 =	vld.idx.msk [tilespmem:v10+s11+$0x0], $0xffff;
	v3 =	vor.u32 s16, v0  }
0x31b: {  	s18 =	sor.u32 $0x50, s17;
	v14 =	vor.u32 s19, v0;
	[tilespmem:s9+$0xC0] =	vst v4;
	v4 =	vld.idx.msk [tilespmem:v9+s11+$0x0], $0xffff  }
0x31c: {  	s20 =	simm.s32 $0x2E0;
	v9 =	vor.u32 s16, v1;
	[tilespmem:s18+$0xB000] =	vst v5;
	v12 =	vld.idx.msk [tilespmem:v12+s11+$0x0], $0xffff  }
0x31d: {  	s22 =	simm.s32 $0x1D;
	s21 =	sor.u32 $0x70, s20;
	[tilespmem:s9+$0xE0] =	vst v8;
	v8 =	vld.idx.msk [tilespmem:v13+s11+$0x0], $0xffff;
	v13 =	vor.u32 s19, v1  }
0x31e: {  	v16 =	vor.u32 s22, v1;
	[tilespmem:s21+$0xB000] =	vst v7;
	v15 =	vld.idx.msk [tilespmem:v11+s11+$0x0], $0xffff  }
0x31f: {  	v11 =	vor.u32 s22, v0;
	[tilespmem:s9+$0x100] =	vst v6;
	v5 =	vld.idx.msk [tilespmem:v3+s11+$0x0], $0xffff  }
0x320: {  	s28 =	simm.s32 $0x3A0;
	s8 =	simm.s32 $0x3F;
	s23 =	simm.s32 $0x320;
	v3 =	vld.idx.msk [tilespmem:v14+s11+$0x0], $0xffff;
	[tilespmem:s9+$0x110] =	vst v10  }
0x321: {  	s24 =	sor.u32 $0x30, s23;
	s25 =	simm.s32 $0x340;
	s26 =	simm.s32 $0x360;
	v6 =	vld.idx.msk [tilespmem:v9+s11+$0x0], $0xffff;
	[tilespmem:s9+$0x120] =	vst v4  }
0x322: {  	s29 =	simm.s32 $0x3C0;
	s30 =	sor.u32 $0x50, s25;
	s31 =	simm.s32 $0x1E;
	[tilespmem:s24+$0xB000] =	vst v12;
	v4 =	vld.idx.msk [tilespmem:v13+s11+$0x0], $0xffff  }
0x323: {  	s7 =	sor.u32 $0x70, s26;
	s26 =	simm.s32 $0x40;
	s1 =	simm.s32 $0x21;
	v7 =	vor.u32 s6, v1;
	v9 =	vor.u32 s31, v1;
	v12 =	vor.u32 s31, v0;
	[tilespmem:s9+$0x140] =	vst v8;
	v13 =	vld.idx.msk [tilespmem:v16+s11+$0x0], $0xffff  }
0x324: {  	s10 =	sor.u32 $0x30, s28;
	s14 =	sor.u32 $0x50, s29;
	s19 =	simm.s32 $0x20;
	v8 =	vor.u32 s8, v0;
	v10 =	vld.idx.msk [tilespmem:v11+s11+$0x0], $0xffff;
	v11 =	vor.u32 s1, v0;
	[tilespmem:s30+$0xB000] =	vst v15  }
.LBB2_9:
0x325: {  	_ =	sdelay $0x2  }
0x326: {  	v14 =	vor.u32 s8, v1;
	v7 =	vld.idx.msk [tilespmem:v7+s11+$0x0], $0xffff;
	[tilespmem:s9+$0xFFFFFE00] =	vst v2  }
0x327: {  	s2 =	sadd.s32 $0x3, s19;
	[tilespmem:s9+$0x160] =	vst v5;
	v5 =	vld.idx.msk [tilespmem:v12+s11+$0x0], $0xffff;
	v12 =	vor.u32 s1, v1  }
0x328: {  	s0 =	sadd.s32 $0x2, s19;
	[tilespmem:s9+$0x180] =	vst v3;
	v3 =	vld.idx.msk [tilespmem:v11+s11+$0x0], $0xffff;
	v11 =	vor.u32 s2, v0  }
0x329: {  	s29 =	sadd.s32 $0x4, s19;
	[tilespmem:s7+$0xB000] =	vst v6;
	v6 =	vld.idx.msk [tilespmem:v9+s11+$0x0], $0xffff;
	v9 =	vor.u32 s0, v0  }
0x32a: {  	v8 =	vld.idx.msk [tilespmem:v8+s11+$0x0], $0xffff;
	[tilespmem:s9+$0x190] =	vst v4;
	v4 =	vor.u32 s29, v0  }
0x32b: {  	s3 =	sadd.s32 $0x5, s19;
	[tilespmem:s9+$0x1A0] =	vst v10;
	v10 =	vor.u32 s29, v1;
	v14 =	vld.idx.msk [tilespmem:v14+s11+$0x0], $0xffff  }
0x32c: {  	[tilespmem:s10+$0xB000] =	vst v13;
	v13 =	vor.u32 s3, v0;
	v12 =	vld.idx.msk [tilespmem:v12+s11+$0x0], $0xffff  }
0x32d: {  	s4 =	sadd.s32 $0x6, s19;
	v2 =	vor.u32 s2, v1;
	[tilespmem:s9+$0xFFFFFE10] =	vst v7;
	v11 =	vld.idx.msk [tilespmem:v11+s11+$0x0], $0xffff  }
0x32e: {  	[tilespmem:s9+$0x1C0] =	vst v5;
	v5 =	vld.idx.msk [tilespmem:v9+s11+$0x0], $0xffff;
	v9 =	vor.u32 s4, v0  }
0x32f: {  	v4 =	vld.idx.msk [tilespmem:v4+s11+$0x0], $0xffff;
	s9 =	sadd.s32 $0x400, s9;
	[tilespmem:s14+$0xB000] =	vst v6;
	v6 =	vor.u32 s0, v1  }
0x330: {  	s13 =	sadd.s32 $0x400, s13;
	s16 =	simm.s32 $0x6000;
	v10 =	vld.idx.msk [tilespmem:v10+s11+$0x0], $0xffff;
	[tilespmem:s9+$0x1E0] =	vst v8  }
0x331: {  	s6 =	sor.u32 $0x70, s13;
	v7 =	vor.u32 s19, v0;
	v8 =	vld.idx.msk [tilespmem:v13+s16+$0x0], $0xffff;
	[tilespmem:s9+$0xFFFFFE20] =	vst v3  }
0x332: {  	v13 =	vor.u32 s3, v1;
	[tilespmem:s6+$0xB000] =	vst v14;
	v14 =	vld.idx.msk [tilespmem:v2+s16+$0x0], $0xffff  }
0x333: {  	s5 =	sadd.s32 $0x7, s19;
	[tilespmem:s9+$0xFFFFFE60] =	vst v11;
	v3 =	vld.idx.msk [tilespmem:v9+s16+$0x0], $0xffff;
	v9 =	vor.u32 s4, v1  }
0x334: {  	s30 =	sadd.s32 $0x8, s19;
	v6 =	vld.idx.msk [tilespmem:v6+s16+$0x0], $0xffff;
	[tilespmem:s9+$0xFFFFFE40] =	vst v5;
	v5 =	vor.u32 s5, v0  }
0x335: {  	s8 =	sadd.s32 $0x9, s19;
	s31 =	sadd.s32 $0xB, s19;
	s0 =	sadd.s32 $0xFFFFFC40, s13;
	[tilespmem:s9+$0xFFFFFE80] =	vst v4;
	v4 =	vor.u32 s30, v0  }
0x336: {  	[dreg:$0xe] =	wrdreg s31;
	s15 =	sadd.s32 $0xFFFFFCE0, s13;
	v2 =	vld.idx.msk [tilespmem:v7+s16+$0x0], $0xffff;
	s0 =	sor.u32 $0x30, s0;
	v11 =	vor.u32 s5, v1;
	[tilespmem:s9+$0xFFFFFE90] =	vst v10  }
0x337: {  	s17 =	sadd.s32 $0xFFFFFD60, s13;
	s2 =	sadd.s32 $0xD, s19;
	s7 =	sadd.s32 $0xA, s19;
	v10 =	vor.u32 s30, v1;
	[tilespmem:s0+$0xB000] =	vst v12;
	v7 =	vld.idx.msk [tilespmem:v13+s16+$0x0], $0xffff  }
0x338: {  	[dreg:$0x6] =	wrdreg s2;
	s2 =	sadd.s32 $0xFFFFFC60, s13;
	s3 =	sadd.s32 $0xFFFFFCC0, s13;
	[tilespmem:s9+$0xFFFFFEA0] =	vst v8;
	v8 =	vld.idx.msk [tilespmem:v9+s16+$0x0], $0xffff;
	v9 =	vor.u32 s8, v0  }
0x339: {  	s18 =	sadd.s32 $0xFFFFFD80, s13;
	s2 =	sor.u32 $0x50, s2;
	s0 =	sor.u32 $0x30, s3;
	v12 =	vor.u32 s7, v0;
	[tilespmem:s9+$0xFFFFFEC0] =	vst v3;
	v3 =	vld.idx.msk [tilespmem:v5+s16+$0x0], $0xffff  }
0x33a: {  	s3 =	sor.u32 $0x50, s15;
	s15 =	sor.u32 $0x70, s18;
	s18 =	rddreg [dreg:$0xe];
	v4 =	vld.idx.msk [tilespmem:v4+s16+$0x0], $0xffff;
	v5 =	vor.u32 s8, v1  }
0x33b: {  	s21 =	sadd.s32 $0xFFFFFDE0, s13;
	s23 =	sadd.s32 $0xFFFFFE60, s13;
	s1 =	sadd.s32 $0xC, s19;
	v13 =	vor.u32 s18, v0;
	v11 =	vld.idx.msk [tilespmem:v11+s16+$0x0], $0xffff;
	[tilespmem:s2+$0xB000] =	vst v6  }
0x33c: {  	s24 =	sadd.s32 $0xFFFFFE80, s13;
	s28 =	sadd.s32 $0xFFFFFF80, s13;
	[dreg:$0xb] =	wrdreg s1;
	v10 =	vld.idx.msk [tilespmem:v10+s16+$0x0], $0xffff;
	v6 =	vor.u32 s7, v1;
	[tilespmem:s0+$0xB000] =	vst v7  }
0x33d: {  	s29 =	sadd.s32 $0xFFFFFEC0, s13;
	s0 =	sor.u32 $0x70, s24;
	s24 =	rddreg [dreg:$0xb];
	v7 =	vld.idx.msk [tilespmem:v9+s16+$0x0], $0xffff;
	v9 =	vor.u32 s18, v1;
	[tilespmem:s3+$0xB000] =	vst v8  }
0x33e: {  	s1 =	sadd.s32 $0xFFFFFD40, s13;
	s11 =	sadd.s32 $0xFFFFFD00, s13;
	s5 =	sadd.s32 $0xFFFFFE00, s13;
	v8 =	vor.u32 s24, v0;
	[tilespmem:s9+$0xFFFFFEE0] =	vst v3;
	v3 =	vld.idx.msk [tilespmem:v12+s16+$0x0], $0xffff  }
0x33f: {  	s4 =	sor.u32 $0x70, s11;
	s7 =	sor.u32 $0x70, s28;
	s28 =	rddreg [dreg:$0x6];
	[tilespmem:s9+$0xFFFFFF00] =	vst v4;
	v5 =	vld.idx.msk [tilespmem:v5+s16+$0x0], $0xffff;
	v12 =	vor.u32 s24, v1  }
0x340: {  	s10 =	sadd.s32 $0xFFFFFF00, s13;
	s2 =	sor.u32 $0x50, s17;
	s17 =	sor.u32 $0x70, s5;
	v4 =	vld.idx.msk [tilespmem:v13+s16+$0x0], $0xffff;
	[tilespmem:s4+$0xB000] =	vst v11;
	v11 =	vor.u32 s28, v0  }
0x341: {  	s5 =	sor.u32 $0x50, s23;
	s23 =	sor.u32 $0x30, s29;
	s29 =	sadd.s32 $0xE, s19;
	v13 =	vor.u32 s28, v1;
	[tilespmem:s9+$0xFFFFFF10] =	vst v10;
	v6 =	vld.idx.msk [tilespmem:v6+s16+$0x0], $0xffff  }
0x342: {  	s1 =	sor.u32 $0x30, s1;
	s30 =	sadd.s32 $0xFFFFFFC0, s13;
	s8 =	sor.u32 $0x50, s21;
	v10 =	vor.u32 s29, v0;
	v9 =	vld.idx.msk [tilespmem:v9+s16+$0x0], $0xffff;
	[tilespmem:s9+$0xFFFFFF20] =	vst v7  }
0x343: {  	s21 =	sor.u32 $0x70, s10;
	s10 =	sor.u32 $0x30, s30;
	s30 =	sadd.s32 $0xF, s19;
	v7 =	vld.idx.msk [tilespmem:v8+s16+$0x0], $0xffff;
	v8 =	vor.u32 s29, v1;
	[tilespmem:s9+$0xFFFFFF40] =	vst v3  }
0x344: {  	s22 =	sadd.s32 $0xFFFFFE40, s13;
	s31 =	sadd.s32 $0xFFFFFEE0, s13;
	[tilespmem:s1+$0xB000] =	vst v5;
	v5 =	vld.idx.msk [tilespmem:v12+s16+$0x0], $0xffff;
	v12 =	vor.u32 s30, v0  }
0x345: {  	s18 =	sor.u32 $0x30, s22;
	s22 =	sor.u32 $0x50, s31;
	s31 =	sadd.s32 $0x10, s19;
	[tilespmem:s9+$0xFFFFFF60] =	vst v4;
	v3 =	vld.idx.msk [tilespmem:v11+s16+$0x0], $0xffff;
	v11 =	vor.u32 s30, v1  }
0x346: {  	[tilespmem:s2+$0xB000] =	vst v6;
	v6 =	vld.idx.msk [tilespmem:v13+s16+$0x0], $0xffff;
	v13 =	vor.u32 s31, v0  }
0x347: {  	v4 =	vld.idx.msk [tilespmem:v10+s16+$0x0], $0xffff;
	v10 =	vor.u32 s31, v1;
	s2 =	sadd.s32 $0x11, s19;
	[tilespmem:s15+$0xB000] =	vst v9  }
0x348: {  	v8 =	vld.idx.msk [tilespmem:v8+s16+$0x0], $0xffff;
	v9 =	vor.u32 s2, v0;
	[tilespmem:s9+$0xFFFFFF80] =	vst v7  }
0x349: {  	s20 =	sadd.s32 $0xFFFFFDC0, s13;
	s3 =	sadd.s32 $0x12, s19;
	v7 =	vld.idx.msk [tilespmem:v12+s16+$0x0], $0xffff;
	v12 =	vor.u32 s2, v1;
	[tilespmem:s9+$0xFFFFFF90] =	vst v5  }
0x34a: {  	s14 =	sadd.s32 $0xFFFFFC80, s13;
	s11 =	sor.u32 $0x30, s20;
	v5 =	vld.idx.msk [tilespmem:v11+s16+$0x0], $0xffff;
	v11 =	vor.u32 s3, v0;
	[tilespmem:s9+$0xFFFFFFA0] =	vst v3  }
0x34b: {  	s14 =	sor.u32 $0x70, s14;
	s4 =	sadd.s32 $0x13, s19;
	v3 =	vld.idx.msk [tilespmem:v13+s16+$0x0], $0xffff;
	v13 =	vor.u32 s3, v1;
	[tilespmem:s11+$0xB000] =	vst v6;
	s11 =	simm.s32 $0x6000  }
0x34c: {  	s6 =	sadd.s32 $0xFFFFFFE0, s13;
	[tilespmem:s14+$0xB000] =	vst v14;
	v6 =	vld.idx.msk [tilespmem:v10+s11+$0x0], $0xffff;
	v10 =	vor.u32 s4, v0  }
0x34d: {  	s14 =	sor.u32 $0x50, s6;
	s6 =	sadd.s32 $0x14, s19;
	[tilespmem:s9+$0xFFFFFFC0] =	vst v4;
	v4 =	vld.idx.msk [tilespmem:v9+s11+$0x0], $0xffff;
	v9 =	vor.u32 s4, v1  }
0x34e: {  	[tilespmem:s8+$0xB000] =	vst v8;
	v8 =	vld.idx.msk [tilespmem:v12+s11+$0x0], $0xffff;
	v12 =	vor.u32 s6, v0  }
0x34f: {  	s15 =	sadd.s32 $0x15, s19;
	[tilespmem:s9+$0xFFFFFFE0] =	vst v7;
	v7 =	vld.idx.msk [tilespmem:v11+s11+$0x0], $0xffff;
	v11 =	vor.u32 s6, v1  }
0x350: {  	[tilespmem:s17+$0xB000] =	vst v5;
	v5 =	vld.idx.msk [tilespmem:v13+s11+$0x0], $0xffff;
	v13 =	vor.u32 s15, v0  }
0x351: {  	s16 =	sadd.s32 $0x16, s19;
	[tilespmem:s9+$0x0] =	vst v3;
	v3 =	vld.idx.msk [tilespmem:v10+s11+$0x0], $0xffff;
	v10 =	vor.u32 s15, v1  }
0x352: {  	[tilespmem:s9+$0x10] =	vst v6;
	v6 =	vld.idx.msk [tilespmem:v9+s11+$0x0], $0xffff;
	v9 =	vor.u32 s16, v0  }
0x353: {  	s17 =	sadd.s32 $0x17, s19;
	[tilespmem:s9+$0x20] =	vst v4;
	v4 =	vld.idx.msk [tilespmem:v12+s11+$0x0], $0xffff;
	v12 =	vor.u32 s16, v1  }
0x354: {  	[tilespmem:s18+$0xB000] =	vst v8;
	v8 =	vld.idx.msk [tilespmem:v11+s11+$0x0], $0xffff;
	v11 =	vor.u32 s17, v0  }
0x355: {  	[tilespmem:s9+$0x40] =	vst v7;
	s18 =	sadd.s32 $0x18, s19;
	v7 =	vld.idx.msk [tilespmem:v13+s11+$0x0], $0xffff;
	v13 =	vor.u32 s17, v1  }
0x356: {  	[tilespmem:s5+$0xB000] =	vst v5;
	v5 =	vld.idx.msk [tilespmem:v10+s11+$0x0], $0xffff;
	v10 =	vor.u32 s18, v0  }
0x357: {  	s24 =	sadd.s32 $0x19, s19;
	[tilespmem:s9+$0x60] =	vst v3;
	v3 =	vld.idx.msk [tilespmem:v9+s11+$0x0], $0xffff;
	v9 =	vor.u32 s18, v1  }
0x358: {  	s12 =	sadd.s32 $0xFFFFFF40, s13;
	s25 =	sadd.s32 $0xFFFFFF60, s13;
	[tilespmem:s0+$0xB000] =	vst v6;
	v6 =	vld.idx.msk [tilespmem:v12+s11+$0x0], $0xffff;
	v12 =	vor.u32 s24, v0  }
0x359: {  	s20 =	sor.u32 $0x30, s12;
	s12 =	sor.u32 $0x50, s25;
	s25 =	sadd.s32 $0x1A, s19;
	[tilespmem:s9+$0x80] =	vst v4;
	v4 =	vld.idx.msk [tilespmem:v11+s11+$0x0], $0xffff;
	v11 =	vor.u32 s24, v1  }
0x35a: {  	[tilespmem:s9+$0x90] =	vst v8;
	v8 =	vld.idx.msk [tilespmem:v13+s11+$0x0], $0xffff;
	v13 =	vor.u32 s25, v0  }
0x35b: {  	s28 =	sadd.s32 $0x1B, s19;
	[tilespmem:s9+$0xA0] =	vst v7;
	v7 =	vld.idx.msk [tilespmem:v10+s11+$0x0], $0xffff;
	v10 =	vor.u32 s25, v1  }
0x35c: {  	[tilespmem:s23+$0xB000] =	vst v5;
	v5 =	vor.u32 s28, v0;
	v9 =	vld.idx.msk [tilespmem:v9+s11+$0x0], $0xffff  }
0x35d: {  	s29 =	sadd.s32 $0x1C, s19;
	[tilespmem:s9+$0xC0] =	vst v3;
	v3 =	vld.idx.msk [tilespmem:v12+s11+$0x0], $0xffff;
	v12 =	vor.u32 s28, v1  }
0x35e: {  	v14 =	vor.u32 s29, v0;
	[tilespmem:s22+$0xB000] =	vst v6;
	v11 =	vld.idx.msk [tilespmem:v11+s11+$0x0], $0xffff  }
0x35f: {  	s30 =	sadd.s32 $0x1D, s19;
	[tilespmem:s9+$0xE0] =	vst v4;
	v4 =	vor.u32 s29, v1;
	v13 =	vld.idx.msk [tilespmem:v13+s11+$0x0], $0xffff  }
0x360: {  	[tilespmem:s21+$0xB000] =	vst v8;
	v8 =	vor.u32 s30, v0;
	v15 =	vld.idx.msk [tilespmem:v10+s11+$0x0], $0xffff  }
0x361: {  	p1 =	slt.u32 s26, $0x60;
	v16 =	vor.u32 s30, v1;
	[tilespmem:s9+$0x100] =	vst v7;
	v5 =	vld.idx.msk [tilespmem:v5+s11+$0x0], $0xffff  }
.Ltmp5:
0x362: {  	[tilespmem:s9+$0x110] =	vst v9;
	v6 =	vld.idx.msk [tilespmem:v12+s11+$0x0], $0xffff;
	(pc) =	sbr.rel @p1 .LBB2_9-.Ltmp5, $4  }
0x363: {  	[tilespmem:s9+$0x120] =	vst v3;
	v3 =	vld.idx.msk [tilespmem:v14+s11+$0x0], $0xffff  }
0x364: {  	s31 =	sadd.s32 $0x1E, s19;
	v4 =	vld.idx.msk [tilespmem:v4+s11+$0x0], $0xffff;
	[tilespmem:s20+$0xB000] =	vst v11  }
0x365: {  	s1 =	sadd.s32 $0x1, s26;
	s8 =	sadd.s32 $0x1F, s26;
	v7 =	vor.u32 s19, v1;
	v9 =	vor.u32 s31, v1;
	v12 =	vor.u32 s31, v0;
	[tilespmem:s9+$0x140] =	vst v13;
	v10 =	vld.idx.msk [tilespmem:v8+s11+$0x0], $0xffff  }
0x366: {  	s19 =	smov.u32 s26;
	s26 =	sadd.s32 $0x20, s26;
	v11 =	vor.u32 s1, v0;
	v8 =	vor.u32 s8, v0;
	v13 =	vld.idx.msk [tilespmem:v16+s11+$0x0], $0xffff;
	[tilespmem:s12+$0xB000] =	vst v15  }
0x367: {  	_ =	sdelay $0x3  }
0x368: {  	v28 =	vor.u32 s8, v1;
	v29 =	vld.idx.msk [tilespmem:v12+s11+$0x0], $0xffff  }
0x369: {  	[tilespmem:s9+$0x160] =	vst v5;
	v30 =	vor.u32 s1, v1;
	s0 =	sadd.s32 $0x2, s19;
	v9 =	vld.idx.msk [tilespmem:v9+s11+$0x0], $0xffff  }
0x36a: {  	s25 =	sadd.s32 $0x3, s19;
	v7 =	vld.idx.msk [tilespmem:v7+s11+$0x0], $0xffff;
	[tilespmem:s9+$0xFFFFFE00] =	vst v2;
	v31 =	vor.u32 s0, v0  }
0x36b: {  	v34 =	vld.idx.msk [tilespmem:v8+s11+$0x0], $0xffff;
	[tilespmem:s7+$0xB000] =	vst v6;
	v32 =	vor.u32 s25, v0  }
0x36c: {  	[tilespmem:s9+$0x180] =	vst v3;
	v3 =	vld.idx.msk [tilespmem:v11+s11+$0x0], $0xffff;
	v33 =	vor.u32 s0, v1  }
0x36d: {  	s28 =	sadd.s32 $0x5, s19;
	v37 =	vor.u32 s25, v1;
	[tilespmem:s9+$0x190] =	vst v4;
	v5 =	vld.idx.msk [tilespmem:v28+s11+$0x0], $0xffff  }
0x36e: {  	v38 =	vor.u32 s28, v0;
	[tilespmem:s9+$0x1A0] =	vst v10;
	v36 =	vld.idx.msk [tilespmem:v30+s11+$0x0], $0xffff  }
0x36f: {  	s29 =	sadd.s32 $0x6, s19;
	v39 =	vor.u32 s28, v1;
	[tilespmem:s10+$0xB000] =	vst v13;
	v10 =	vld.idx.msk [tilespmem:v31+s11+$0x0], $0xffff  }
0x370: {  	s16 =	sadd.s32 $0xE, s19;
	v40 =	vor.u32 s29, v0;
	[tilespmem:s9+$0x1C0] =	vst v29;
	v2 =	vld.idx.msk [tilespmem:v32+s11+$0x0], $0xffff  }
0x371: {  	s18 =	sadd.s32 $0xF, s19;
	v57 =	vor.u32 s16, v0;
	[tilespmem:s9+$0xFFFFFE10] =	vst v7;
	v41 =	vld.idx.msk [tilespmem:v33+s11+$0x0], $0xffff  }
0x372: {  	s31 =	sadd.s32 $0x7, s19;
	v60 =	vor.u32 s18, v0;
	s9 =	sadd.s32 $0x400, s9;
	[tilespmem:s14+$0xB000] =	vst v9;
	v9 =	vld.idx.msk [tilespmem:v37+s11+$0x0], $0xffff  }
0x373: {  	s6 =	sadd.s32 $0x400, s13;
	v44 =	vor.u32 s31, v1;
	[tilespmem:s9+$0x1E0] =	vst v34;
	v45 =	vld.idx.msk [tilespmem:v38+s11+$0x0], $0xffff  }
0x374: {  	s30 =	sor.u32 $0x70, s6;
	s2 =	sadd.s32 $0xFFFFFC40, s6;
	v59 =	vor.u32 s16, v1;
	[tilespmem:s9+$0xFFFFFE20] =	vst v3;
	v7 =	vld.idx.msk [tilespmem:v39+s11+$0x0], $0xffff  }
0x375: {  	v43 =	vor.u32 s29, v1;
	s1 =	sor.u32 $0x30, s2;
	v48 =	vld.idx.msk [tilespmem:v40+s11+$0x0], $0xffff;
	[tilespmem:s30+$0xB000] =	vst v5  }
0x376: {  	v62 =	vor.u32 s18, v1;
	s10 =	sadd.s32 $0xB, s19;
	v11 =	vld.idx.msk [tilespmem:v57+s11+$0x0], $0xffff;
	[tilespmem:s1+$0xB000] =	vst v36  }
0x377: {  	v52 =	vor.u32 s10, v0;
	v18 =	vld.idx.msk [tilespmem:v60+s11+$0x0], $0xffff;
	[tilespmem:s9+$0xFFFFFE40] =	vst v10  }
0x378: {  	s3 =	sadd.s32 $0x9, s19;
	v3 =	vor.u32 s31, v0;
	v51 =	vld.idx.msk [tilespmem:v44+s11+$0x0], $0xffff;
	[tilespmem:s9+$0xFFFFFE60] =	vst v2  }
0x379: {  	v46 =	vor.u32 s3, v0;
	v17 =	vld.idx.msk [tilespmem:v59+s11+$0x0], $0xffff;
	[tilespmem:s9+$0xFFFFFEA0] =	vst v45  }
0x37a: {  	s5 =	sadd.s32 $0xA, s19;
	v47 =	vor.u32 s3, v1;
	v2 =	vld.idx.msk [tilespmem:v43+s11+$0x0], $0xffff;
	[tilespmem:s9+$0xFFFFFEC0] =	vst v48  }
0x37b: {  	s4 =	sadd.s32 $0xFFFFFC60, s6;
	v49 =	vor.u32 s5, v0;
	v20 =	vld.idx.msk [tilespmem:v62+s11+$0x0], $0xffff;
	[tilespmem:s9+$0xFFFFFFC0] =	vst v11  }
0x37c: {  	s13 =	sadd.s32 $0xD, s19;
	s8 =	sadd.s32 $0xFFFFFC80, s6;
	v53 =	vor.u32 s10, v1;
	s1 =	sor.u32 $0x50, s4;
	v58 =	vld.idx.msk [tilespmem:v52+s11+$0x0], $0xffff;
	[tilespmem:s9+$0xFFFFFFE0] =	vst v18  }
0x37d: {  	s12 =	sadd.s32 $0xFFFFFCC0, s6;
	v55 =	vor.u32 s13, v0;
	v3 =	vld.idx.msk [tilespmem:v3+s11+$0x0], $0xffff;
	[tilespmem:s1+$0xB000] =	vst v41;
	s1 =	sor.u32 $0x70, s8  }
0x37e: {  	s26 =	sadd.s32 $0x4, s19;
	v50 =	vor.u32 s5, v1;
	s14 =	sadd.s32 $0xFFFFFCE0, s6;
	v10 =	vld.idx.msk [tilespmem:v46+s11+$0x0], $0xffff;
	[tilespmem:s1+$0xB000] =	vst v9;
	s1 =	sor.u32 $0x30, s12  }
0x37f: {  	v35 =	vor.u32 s26, v0;
	v54 =	vld.idx.msk [tilespmem:v47+s11+$0x0], $0xffff;
	s0 =	sor.u32 $0x50, s14;
	[tilespmem:s1+$0xB000] =	vst v7  }
0x380: {  	s21 =	sadd.s32 $0x11, s19;
	v56 =	vor.u32 s13, v1;
	[tilespmem:s0+$0xB000] =	vst v2;
	v2 =	vld.idx.msk [tilespmem:v49+s11+$0x0], $0xffff  }
0x381: {  	s23 =	sadd.s32 $0x12, s19;
	v63 =	vor.u32 s21, v0;
	v7 =	vld.idx.msk [tilespmem:v53+s11+$0x0], $0xffff;
	[tilespmem:s9+$0xFFFFFF60] =	vst v58  }
0x382: {  	s15 =	sadd.s32 $0xFFFFFD00, s6;
	v19 =	vor.u32 s23, v0;
	v61 =	vld.idx.msk [tilespmem:v55+s11+$0x0], $0xffff;
	[tilespmem:s9+$0xFFFFFEE0] =	vst v3  }
0x383: {  	v16 =	vor.u32 s26, v1;
	s28 =	sadd.s32 $0x15, s19;
	s0 =	sor.u32 $0x70, s15;
	v3 =	vld.idx.msk [tilespmem:v50+s11+$0x0], $0xffff;
	[tilespmem:s9+$0xFFFFFF20] =	vst v10  }
0x384: {  	s17 =	sadd.s32 $0xFFFFFD40, s6;
	v24 =	vor.u32 s28, v0;
	v42 =	vld.idx.msk [tilespmem:v35+s11+$0x0], $0xffff;
	[tilespmem:s0+$0xB000] =	vst v51  }
0x385: {  	v21 =	vor.u32 s23, v1;
	s0 =	sor.u32 $0x30, s17;
	[tilespmem:s9+$0xFFFFFF40] =	vst v2;
	v2 =	vld.idx.msk [tilespmem:v56+s11+$0x0], $0xffff  }
0x386: {  	s20 =	sadd.s32 $0xFFFFFD60, s6;
	v26 =	vor.u32 s28, v1;
	s2 =	sadd.s32 $0x17, s19;
	v8 =	vld.idx.msk [tilespmem:v63+s11+$0x0], $0xffff;
	[tilespmem:s0+$0xB000] =	vst v54  }
0x387: {  	s22 =	sadd.s32 $0xFFFFFD80, s6;
	v30 =	vor.u32 s2, v1;
	v25 =	vld.idx.msk [tilespmem:v19+s11+$0x0], $0xffff;
	s0 =	sor.u32 $0x50, s20;
	[tilespmem:s9+$0xFFFFFFA0] =	vst v61  }
0x388: {  	s24 =	sadd.s32 $0xFFFFFDC0, s6;
	s28 =	sadd.s32 $0x1C, s19;
	v23 =	vld.idx.msk [tilespmem:v16+s11+$0x0], $0xffff;
	[tilespmem:s0+$0xB000] =	vst v3;
	v3 =	vor.u32 s21, v1;
	s0 =	sor.u32 $0x70, s22  }
0x389: {  	s25 =	sadd.s32 $0x13, s19;
	v57 =	vor.u32 s28, v1;
	v29 =	vld.idx.msk [tilespmem:v24+s11+$0x0], $0xffff;
	[tilespmem:s0+$0xB000] =	vst v7;
	s0 =	sor.u32 $0x30, s24  }
0x38a: {  	v4 =	vld.idx.msk [tilespmem:v21+s11+$0x0], $0xffff;
	[tilespmem:s0+$0xB000] =	vst v2;
	v2 =	vor.u32 s25, v0  }
0x38b: {  	v22 =	vor.u32 s25, v1;
	v31 =	vld.idx.msk [tilespmem:v26+s11+$0x0], $0xffff;
	s30 =	sadd.s32 $0x16, s19;
	[tilespmem:s9+$0xFFFFFE80] =	vst v42  }
0x38c: {  	s16 =	sadd.s32 $0x8, s19;
	v6 =	vld.idx.msk [tilespmem:v30+s11+$0x0], $0xffff;
	v27 =	vor.u32 s30, v0;
	[tilespmem:s9+$0x40] =	vst v25  }
0x38d: {  	s26 =	sadd.s32 $0xFFFFFDE0, s6;
	v44 =	vor.u32 s16, v0;
	[tilespmem:s9+$0xFFFFFE90] =	vst v23;
	v3 =	vld.idx.msk [tilespmem:v3+s11+$0x0], $0xffff  }
0x38e: {  	v62 =	vld.idx.msk [tilespmem:v57+s11+$0x0], $0xffff;
	[tilespmem:s9+$0xA0] =	vst v29;
	v56 =	vor.u32 s28, v0;
	s0 =	sor.u32 $0x50, s26  }
0x38f: {  	s29 =	sadd.s32 $0xFFFFFE00, s6;
	v28 =	vor.u32 s30, v1;
	s15 =	sadd.s32 $0x1E, s19;
	[tilespmem:s0+$0xB000] =	vst v17;
	v2 =	vld.idx.msk [tilespmem:v2+s11+$0x0], $0xffff  }
0x390: {  	s10 =	sadd.s32 $0x1B, s19;
	s31 =	sadd.s32 $0xFFFFFE40, s6;
	v11 =	vld.idx.msk [tilespmem:v22+s11+$0x0], $0xffff;
	v42 =	vor.u32 s15, v0;
	s0 =	sor.u32 $0x70, s29;
	[tilespmem:s9+$0x20] =	vst v8  }
0x391: {  	v37 =	vor.u32 s10, v0;
	v32 =	vld.idx.msk [tilespmem:v27+s11+$0x0], $0xffff;
	[tilespmem:s0+$0xB000] =	vst v20;
	s0 =	sor.u32 $0x30, s31  }
0x392: {  	s4 =	sadd.s32 $0x19, s19;
	v12 =	vld.idx.msk [tilespmem:v44+s11+$0x0], $0xffff;
	[tilespmem:s0+$0xB000] =	vst v3;
	v3 =	vor.u32 s2, v0  }
0x393: {  	s3 =	sadd.s32 $0xFFFFFE60, s6;
	v33 =	vor.u32 s4, v0;
	v61 =	vld.idx.msk [tilespmem:v56+s11+$0x0], $0xffff;
	[tilespmem:s9+$0x190] =	vst v62  }
0x394: {  	v34 =	vor.u32 s4, v1;
	s0 =	sor.u32 $0x50, s3;
	[tilespmem:s9+$0x60] =	vst v2;
	v2 =	vld.idx.msk [tilespmem:v28+s11+$0x0], $0xffff  }
0x395: {  	s5 =	sadd.s32 $0xFFFFFE80, s6;
	v43 =	vor.u32 s15, v1;
	v48 =	vld.idx.msk [tilespmem:v42+s11+$0x0], $0xffff;
	[tilespmem:s0+$0xB000] =	vst v4  }
0x396: {  	s7 =	sadd.s32 $0x1A, s19;
	v39 =	vor.u32 s10, v1;
	s8 =	sadd.s32 $0xFFFFFEC0, s6;
	v7 =	vld.idx.msk [tilespmem:v37+s11+$0x0], $0xffff;
	s0 =	sor.u32 $0x70, s5;
	[tilespmem:s9+$0xC0] =	vst v32  }
0x397: {  	v35 =	vor.u32 s7, v0;
	s12 =	sadd.s32 $0xFFFFFEE0, s6;
	[tilespmem:s0+$0xB000] =	vst v11;
	v3 =	vld.idx.msk [tilespmem:v3+s11+$0x0], $0xffff;
	s0 =	sor.u32 $0x30, s8  }
0x398: {  	s13 =	sadd.s32 $0x1D, s19;
	v45 =	vor.u32 s16, v1;
	v38 =	vld.idx.msk [tilespmem:v33+s11+$0x0], $0xffff;
	[tilespmem:s0+$0xB000] =	vst v31;
	s0 =	sor.u32 $0x50, s12  }
0x399: {  	v40 =	vor.u32 s13, v0;
	[tilespmem:s0+$0xB000] =	vst v2;
	v2 =	vld.idx.msk [tilespmem:v34+s11+$0x0], $0xffff  }
0x39a: {  	v50 =	vld.idx.msk [tilespmem:v43+s11+$0x0], $0xffff;
	[tilespmem:s9+$0x1C0] =	vst v48  }
0x39b: {  	v36 =	vor.u32 s7, v1;
	v9 =	vld.idx.msk [tilespmem:v39+s11+$0x0], $0xffff;
	[tilespmem:s9+$0x160] =	vst v7  }
0x39c: {  	v41 =	vor.u32 s13, v1;
	s17 =	sadd.s32 $0xFFFFFF40, s6;
	s22 =	sadd.s32 $0x10, s19;
	[tilespmem:s9+$0xE0] =	vst v3;
	v3 =	vld.idx.msk [tilespmem:v35+s11+$0x0], $0xffff  }
0x39d: {  	s1 =	sor.u32 $0x30, s17;
	v51 =	vor.u32 s22, v1;
	v4 =	vld.idx.msk [tilespmem:v45+s11+$0x0], $0xffff;
	[tilespmem:s9+$0x120] =	vst v38  }
0x39e: {  	[tilespmem:s1+$0xB000] =	vst v2;
	v2 =	vld.idx.msk [tilespmem:v40+s11+$0x0], $0xffff  }
0x39f: {  	[tilespmem:s9+$0x180] =	vst v61  }
0x3a0: {  	s18 =	sadd.s32 $0xC, s19;
	v5 =	vld.idx.msk [tilespmem:v36+s11+$0x0], $0xffff;
	v49 =	vor.u32 s22, v0;
	[tilespmem:s9+$0xFFFFFF00] =	vst v12  }
0x3a1: {  	v47 =	vor.u32 s18, v1;
	[tilespmem:s9+$0x140] =	vst v3;
	v3 =	vld.idx.msk [tilespmem:v41+s11+$0x0], $0xffff  }
0x3a2: {  	s14 =	sadd.s32 $0xFFFFFF00, s6;
	v46 =	vor.u32 s18, v0;
	s24 =	sadd.s32 $0x14, s19;
	v55 =	vld.idx.msk [tilespmem:v51+s11+$0x0], $0xffff;
	[tilespmem:s9+$0xFFFFFF10] =	vst v4  }
0x3a3: {  	s20 =	sadd.s32 $0xFFFFFF60, s6;
	s0 =	sor.u32 $0x70, s14;
	[tilespmem:s9+$0x1A0] =	vst v2;
	v2 =	vor.u32 s24, v1  }
0x3a4: {  	s23 =	sadd.s32 $0xFFFFFFC0, s6;
	v52 =	vor.u32 s24, v0;
	s26 =	sadd.s32 $0x18, s19;
	[tilespmem:s0+$0xB000] =	vst v6;
	s1 =	sor.u32 $0x50, s20  }
0x3a5: {  	v54 =	vor.u32 s26, v1;
	v6 =	vld.idx.msk [tilespmem:v49+s11+$0x0], $0xffff;
	[tilespmem:s1+$0xB000] =	vst v5;
	s1 =	sor.u32 $0x30, s23  }
0x3a6: {  	s21 =	sadd.s32 $0xFFFFFF80, s6;
	v53 =	vor.u32 s26, v0;
	[tilespmem:s1+$0xB000] =	vst v3;
	v3 =	vld.idx.msk [tilespmem:v47+s11+$0x0], $0xffff  }
0x3a7: {  	v59 =	vor.u32 s19, v0;
	s25 =	sadd.s32 $0xFFFFFFE0, s6;
	v8 =	vld.idx.msk [tilespmem:v46+s11+$0x0], $0xffff;
	s0 =	sor.u32 $0x70, s21;
	[tilespmem:s9+$0x10] =	vst v55  }
0x3a8: {  	v60 =	vor.u32 s19, v1;
	[tilespmem:s0+$0xB000] =	vst v9;
	s0 =	sor.u32 $0x50, s25;
	v2 =	vld.idx.msk [tilespmem:v2+s11+$0x0], $0xffff  }
0x3a9: {  	v58 =	vld.idx.msk [tilespmem:v52+s11+$0x0], $0xffff;
	[tilespmem:s0+$0xB000] =	vst v50  }
0x3aa: {  	[tilespmem:s9+$0x0] =	vst v6;
	v5 =	vld.idx.msk [tilespmem:v54+s11+$0x0], $0xffff  }
0x3ab: {  	[tilespmem:s9+$0xFFFFFF90] =	vst v3;
	v3 =	vld.idx.msk [tilespmem:v53+s11+$0x0], $0xffff  }
0x3ac: {  	v63 =	vld.idx.msk [tilespmem:v59+s11+$0x0], $0xffff;
	[tilespmem:s9+$0xFFFFFF80] =	vst v8  }
0x3ad: {  	[tilespmem:s9+$0x90] =	vst v2;
	v2 =	vld.idx.msk [tilespmem:v60+s11+$0x0], $0xffff  }
0x3ae: {  	[tilespmem:s9+$0x80] =	vst v58  }
0x3af: {  	[tilespmem:s9+$0x110] =	vst v5  }
0x3b0: {  	[tilespmem:s9+$0x100] =	vst v3  }
0x3b1: {  	s29 =	sld [smem:$0x7F5];
	[tilespmem:s9+$0xFFFFFE00] =	vst v63  }
0x3b2: {  	[tilespmem:s9+$0xFFFFFE10] =	vst v2  }
0x3b3: {  	s2 =	sld [smem:$0x7FB];
	_ =	sdelay $0x2  }
0x3b4: {  	s2 =	sadd.s32 $0x1, s2  }
0x3b5: {  	p1 =	sne.s32 s2, $0x3D  }
.Ltmp6:
0x3b6: {  	_ = 	snop;
	(pc) =	sbr.rel @p1 .LBB2_2-.Ltmp6, $4  }
0x3b7: {  	s0 =	sshll.u32 s29, $0x9  }
0x3b8: {  	s0 =	sand.u32 $0x1FFFFE00, s0;
	s30 =	rddreg [dreg:$0xf]  }
0x3b9: {  	s10 =	simm.s32 $0x0;
	s31 =	simm.s32 $0xB000;
	s0 =	sadd.s32 s30, s0  }
0x3ba: {  	[hbm4b:s0+s10] =	stream.linear.scatter [tilespmem:s31], [sflag:$0x8], $0x1000, $0x38;
	[tilespmem:$0xC000] =	vst v63  }
0x3bb: {  	s0 =	simm.s32 $0x5  }
0x3bc: {  	_ =	swait.ge [sflag:s0], $0x1000  }
0x3bd: {  	[sflag:s0] =	ssyncset.done $0x0  }
0x3be: {  	s25 =	simm.s32 $0x6;
	[sflag:s0] =	ssyncadd.s32 $0xFFFFF000  }
0x3bf: {  	_ =	swait.ge [sflag:s25], $0x1000  }
0x3c0: {  	[sflag:s25] =	ssyncset.done $0x0  }
0x3c1: {  	s26 =	simm.s32 $0x7;
	[sflag:s25] =	ssyncadd.s32 $0xFFFFF000  }
0x3c2: {  	_ =	swait.ge [sflag:s26], $0x1000  }
0x3c3: {  	[sflag:s26] =	ssyncset.done $0x0  }
0x3c4: {  	s28 =	simm.s32 $0x8;
	[sflag:s26] =	ssyncadd.s32 $0xFFFFF000  }
0x3c5: {  	_ =	swait.ge [sflag:s28], $0x1000  }
0x3c6: {  	[sflag:s28] =	ssyncset.done $0x0  }
0x3c7: {  	s29 =	simm.s32 $0x1;
	[sflag:s28] =	ssyncadd.s32 $0xFFFFF000  }
0x3c8: {  	_ =	swait.ge [sflag:s29], $0x1000  }
0x3c9: {  	[sflag:s29] =	ssyncset.done $0x0  }
0x3ca: {  	s30 =	simm.s32 $0x2;
	[sflag:s29] =	ssyncadd.s32 $0xFFFFF000  }
0x3cb: {  	_ =	swait.ge [sflag:s30], $0x1000  }
0x3cc: {  	[sflag:s30] =	ssyncset.done $0x0  }
.Ltmp7:
0x3cd: {  	s31 =	simm.s32 $0x3;
	[sflag:s30] =	ssyncadd.s32 $0xFFFFF000;
	(pc) =	sbr.rel @p0 .LBB2_15-.Ltmp7, $4  }
0x3ce: {  	_ =	swait.ge [sflag:s31], $0x1000  }
0x3cf: {  	s1 =	sld [smem:$0x7FC]  }
0x3d0: {  	[sflag:s31] =	ssyncset.done $0x0  }
0x3d1: {  	[sflag:s31] =	ssyncadd.s32 $0xFFFFF000  }
0x3d2: {  	s13 =	simm.s32 $0x0;
	s1 =	rddreg [dreg:$0x18]  }
0x3d3: {  	[tilespmem:s11], [sflag:$0x4] =	stream.linear.gather [hbm4b:s1+s13], $0x400, $0x38;
	[tilespmem:$0xC000] =	vst v63  }
0x3d4: {  	s2 =	simm.s32 $0x6800;
	s12 =	simm.s32 $0x7000;
	s0 =	sadd.s32 $0xF4280, s1  }
0x3d5: {  	[tilespmem:s2], [sflag:$0x4] =	stream.linear.gather [hbm4b:s0+s13], $0x400, $0x38;
	[tilespmem:$0xC000] =	vst v63  }
0x3d6: {  	s14 =	simm.s32 $0x1;
	s15 =	simm.s32 $0x1F;
	s10 =	sadd.s32 $0x1E8500, s1  }
0x3d7: {  	[tilespmem:s12], [sflag:$0x4] =	stream.linear.gather [hbm4b:s10+s13], $0x400, $0x38;
	[tilespmem:$0xC000] =	vst v63  }
0x3d8: {  	s3 =	simm.s32 $0x7800;
	s16 =	simm.s32 $0x4;
	s1 =	sadd.s32 $0x2DC780, s1;
	v2 =	vor.u32 s14, v0  }
0x3d9: {  	v3 =	vor.u32 s15, v0;
	[tilespmem:s3], [sflag:$0x4] =	stream.linear.gather [hbm4b:s1+s13], $0x400, $0x38;
	[tilespmem:$0xC000] =	vst v63  }
0x3da: {  	v4 =	vor.u32 s15, v1;
	_ =	swait.ge [sflag:s16], $0x1000  }
0x3db: {  	s17 =	simm.s32 $0x2;
	v5 =	vor.u32 s14, v1;
	[sflag:s16] =	ssyncset.done $0x0  }
0x3dc: {  	s18 =	simm.s32 $0x3;
	v6 =	vor.u32 s17, v0;
	[sflag:s16] =	ssyncadd.s32 $0xFFFFF000  }
0x3dd: {  	s19 =	simm.s32 $0x4;
	v7 =	vor.u32 s18, v0;
	v2 =	vld.idx.msk [tilespmem:v2+s11+$0x0], $0xffff  }
0x3de: {  	v8 =	vor.u32 s19, v0;
	v3 =	vld.idx.msk [tilespmem:v3+s11+$0x0], $0xffff  }
0x3df: {  	s20 =	simm.s32 $0x5;
	v9 =	vor.u32 s19, v1;
	v4 =	vld.idx.msk [tilespmem:v4+s11+$0x0], $0xffff  }
0x3e0: {  	s21 =	simm.s32 $0x6;
	v10 =	vor.u32 s20, v0;
	v5 =	vld.idx.msk [tilespmem:v5+s11+$0x0], $0xffff  }
0x3e1: {  	v11 =	vor.u32 s21, v0;
	v6 =	vld.idx.msk [tilespmem:v6+s11+$0x0], $0xffff  }
0x3e2: {  	v12 =	vor.u32 s17, v1;
	v7 =	vld.idx.msk [tilespmem:v7+s11+$0x0], $0xffff  }
0x3e3: {  	s9 =	simm.s32 $0xB200;
	v13 =	vor.u32 s18, v1;
	v8 =	vld.idx.msk [tilespmem:v8+s11+$0x0], $0xffff  }
0x3e4: {  	v14 =	vor.u32 s13, v0;
	s12 =	simm.s32 $0x3E0;
	v9 =	vld.idx.msk [tilespmem:v9+s11+$0x0], $0xffff;
	[tilespmem:s9+$0x1E0] =	vst v3  }
0x3e5: {  	s22 =	sor.u32 $0x70, s12;
	v3 =	vld.idx.msk [tilespmem:v10+s11+$0x0], $0xffff;
	v10 =	vor.u32 s20, v1;
	[tilespmem:s9+$0xFFFFFE20] =	vst v2  }
0x3e6: {  	s23 =	simm.s32 $0x7;
	[tilespmem:s22+$0xB000] =	vst v4;
	v4 =	vld.idx.msk [tilespmem:v11+s11+$0x0], $0xffff;
	v11 =	vor.u32 s21, v1  }
0x3e7: {  	v12 =	vld.idx.msk [tilespmem:v12+s11+$0x0], $0xffff;
	[tilespmem:s9+$0xFFFFFE40] =	vst v6;
	v6 =	vor.u32 s23, v0  }
0x3e8: {  	s24 =	simm.s32 $0x8;
	v13 =	vld.idx.msk [tilespmem:v13+s11+$0x0], $0xffff;
	[tilespmem:s9+$0xFFFFFE60] =	vst v7;
	v7 =	vor.u32 s23, v1  }
0x3e9: {  	v2 =	vld.idx.msk [tilespmem:v14+s11+$0x0], $0xffff;
	[tilespmem:s9+$0xFFFFFE80] =	vst v8;
	v8 =	vor.u32 s24, v0  }
0x3ea: {  	s25 =	simm.s32 $0x9;
	[tilespmem:s9+$0xFFFFFE90] =	vst v9;
	v9 =	vld.idx.msk [tilespmem:v10+s11+$0x0], $0xffff;
	v10 =	vor.u32 s24, v1  }
0x3eb: {  	s26 =	simm.s32 $0x20;
	[tilespmem:s9+$0xFFFFFEA0] =	vst v3;
	v3 =	vld.idx.msk [tilespmem:v11+s11+$0x0], $0xffff;
	v11 =	vor.u32 s25, v0  }
0x3ec: {  	s28 =	simm.s32 $0xA;
	s29 =	simm.s32 $0x40;
	s1 =	sor.u32 $0x30, s26;
	[tilespmem:s9+$0xFFFFFEC0] =	vst v4;
	v4 =	vld.idx.msk [tilespmem:v6+s11+$0x0], $0xffff;
	v6 =	vor.u32 s25, v1  }
0x3ed: {  	s30 =	simm.s32 $0x60;
	s3 =	sor.u32 $0x50, s29;
	[tilespmem:s1+$0xB000] =	vst v5;
	v5 =	vld.idx.msk [tilespmem:v7+s11+$0x0], $0xffff;
	v7 =	vor.u32 s28, v0  }
0x3ee: {  	s31 =	simm.s32 $0xB;
	s4 =	simm.s32 $0xA0;
	s0 =	sor.u32 $0x70, s30;
	[tilespmem:s3+$0xB000] =	vst v12;
	v12 =	vor.u32 s28, v1;
	v8 =	vld.idx.msk [tilespmem:v8+s11+$0x0], $0xffff  }
0x3ef: {  	s5 =	sor.u32 $0x30, s4;
	s3 =	simm.s32 $0xC0;
	[tilespmem:s0+$0xB000] =	vst v13;
	v13 =	vor.u32 s31, v0;
	v10 =	vld.idx.msk [tilespmem:v10+s11+$0x0], $0xffff  }
0x3f0: {  	s6 =	simm.s32 $0xC;
	s2 =	sor.u32 $0x50, s3;
	[tilespmem:s5+$0xB000] =	vst v9;
	v9 =	vld.idx.msk [tilespmem:v11+s11+$0x0], $0xffff;
	v11 =	vor.u32 s31, v1  }
0x3f1: {  	s7 =	simm.s32 $0xE0;
	[tilespmem:s2+$0xB000] =	vst v3;
	v3 =	vld.idx.msk [tilespmem:v6+s11+$0x0], $0xffff;
	v6 =	vor.u32 s6, v0  }
0x3f2: {  	s8 =	simm.s32 $0xD;
	s1 =	sor.u32 $0x70, s7;
	[tilespmem:s9+$0xFFFFFEE0] =	vst v4;
	v4 =	vld.idx.msk [tilespmem:v7+s11+$0x0], $0xffff;
	v7 =	vor.u32 s6, v1  }
0x3f3: {  	[tilespmem:s1+$0xB000] =	vst v5;
	v5 =	vld.idx.msk [tilespmem:v12+s11+$0x0], $0xffff;
	v12 =	vor.u32 s8, v0  }
0x3f4: {  	s10 =	simm.s32 $0xE;
	[tilespmem:s9+$0xFFFFFF00] =	vst v8;
	v8 =	vld.idx.msk [tilespmem:v13+s11+$0x0], $0xffff;
	v13 =	vor.u32 s8, v1  }
0x3f5: {  	s14 =	simm.s32 $0x120;
	[tilespmem:s9+$0xFFFFFF10] =	vst v10;
	v10 =	vld.idx.msk [tilespmem:v11+s11+$0x0], $0xffff;
	v11 =	vor.u32 s10, v0  }
0x3f6: {  	s15 =	simm.s32 $0xF;
	s1 =	sor.u32 $0x30, s14;
	[tilespmem:s9+$0xFFFFFF20] =	vst v9;
	v6 =	vld.idx.msk [tilespmem:v6+s11+$0x0], $0xffff;
	v9 =	vor.u32 s10, v1  }
0x3f7: {  	s16 =	simm.s32 $0x140;
	[tilespmem:s1+$0xB000] =	vst v3;
	v3 =	vld.idx.msk [tilespmem:v7+s11+$0x0], $0xffff;
	v7 =	vor.u32 s15, v0  }
0x3f8: {  	s18 =	simm.s32 $0x10;
	s17 =	sor.u32 $0x50, s16;
	[tilespmem:s9+$0xFFFFFF40] =	vst v4;
	v4 =	vld.idx.msk [tilespmem:v12+s11+$0x0], $0xffff;
	v12 =	vor.u32 s15, v1  }
0x3f9: {  	s19 =	simm.s32 $0x160;
	[tilespmem:s17+$0xB000] =	vst v5;
	v5 =	vld.idx.msk [tilespmem:v13+s11+$0x0], $0xffff;
	v13 =	vor.u32 s18, v0  }
0x3fa: {  	s20 =	sor.u32 $0x70, s19;
	s21 =	simm.s32 $0x11;
	[tilespmem:s9+$0xFFFFFF60] =	vst v8;
	v8 =	vld.idx.msk [tilespmem:v11+s11+$0x0], $0xffff;
	v11 =	vor.u32 s18, v1  }
0x3fb: {  	[tilespmem:s20+$0xB000] =	vst v10;
	v9 =	vld.idx.msk [tilespmem:v9+s11+$0x0], $0xffff;
	v10 =	vor.u32 s21, v0  }
0x3fc: {  	s22 =	simm.s32 $0x12;
	[tilespmem:s9+$0xFFFFFF80] =	vst v6;
	v6 =	vld.idx.msk [tilespmem:v7+s11+$0x0], $0xffff;
	v7 =	vor.u32 s21, v1  }
0x3fd: {  	s23 =	simm.s32 $0x1A0;
	[tilespmem:s9+$0xFFFFFF90] =	vst v3;
	v3 =	vld.idx.msk [tilespmem:v12+s11+$0x0], $0xffff;
	v12 =	vor.u32 s22, v0  }
0x3fe: {  	s24 =	simm.s32 $0x13;
	s1 =	sor.u32 $0x30, s23;
	[tilespmem:s9+$0xFFFFFFA0] =	vst v4;
	v4 =	vld.idx.msk [tilespmem:v13+s11+$0x0], $0xffff;
	v13 =	vor.u32 s22, v1  }
0x3ff: {  	s25 =	simm.s32 $0x1C0;
	[tilespmem:s1+$0xB000] =	vst v5;
	v5 =	vld.idx.msk [tilespmem:v11+s11+$0x0], $0xffff;
	v11 =	vor.u32 s24, v0  }
0x400: {  	s28 =	simm.s32 $0x14;
	s26 =	sor.u32 $0x50, s25;
	[tilespmem:s9+$0xFFFFFFC0] =	vst v8;
	v8 =	vld.idx.msk [tilespmem:v10+s11+$0x0], $0xffff;
	v10 =	vor.u32 s24, v1  }
0x401: {  	s29 =	simm.s32 $0x1E0;
	[tilespmem:s26+$0xB000] =	vst v9;
	v7 =	vld.idx.msk [tilespmem:v7+s11+$0x0], $0xffff;
	v9 =	vor.u32 s28, v0  }
0x402: {  	s30 =	sor.u32 $0x70, s29;
	s31 =	simm.s32 $0x15;
	[tilespmem:s9+$0xFFFFFFE0] =	vst v6;
	v6 =	vld.idx.msk [tilespmem:v12+s11+$0x0], $0xffff;
	v12 =	vor.u32 s28, v1  }
0x403: {  	[tilespmem:s30+$0xB000] =	vst v3;
	v3 =	vld.idx.msk [tilespmem:v13+s11+$0x0], $0xffff;
	v13 =	vor.u32 s31, v0  }
0x404: {  	s2 =	simm.s32 $0x16;
	[tilespmem:s9+$0x0] =	vst v4;
	v4 =	vld.idx.msk [tilespmem:v11+s11+$0x0], $0xffff;
	v11 =	vor.u32 s31, v1  }
0x405: {  	s3 =	simm.s32 $0x220;
	[tilespmem:s9+$0x10] =	vst v5;
	v5 =	vld.idx.msk [tilespmem:v10+s11+$0x0], $0xffff;
	v10 =	vor.u32 s2, v0  }
0x406: {  	s4 =	simm.s32 $0x17;
	s1 =	sor.u32 $0x30, s3;
	[tilespmem:s9+$0x20] =	vst v8;
	v8 =	vld.idx.msk [tilespmem:v9+s11+$0x0], $0xffff;
	v9 =	vor.u32 s2, v1  }
0x407: {  	s5 =	simm.s32 $0x240;
	[tilespmem:s1+$0xB000] =	vst v7;
	v7 =	vld.idx.msk [tilespmem:v12+s11+$0x0], $0xffff;
	v12 =	vor.u32 s4, v0  }
0x408: {  	s7 =	simm.s32 $0x18;
	s6 =	sor.u32 $0x50, s5;
	[tilespmem:s9+$0x40] =	vst v6;
	v6 =	vld.idx.msk [tilespmem:v13+s11+$0x0], $0xffff;
	v13 =	vor.u32 s4, v1  }
0x409: {  	s8 =	simm.s32 $0x260;
	[tilespmem:s6+$0xB000] =	vst v3;
	v3 =	vld.idx.msk [tilespmem:v11+s11+$0x0], $0xffff;
	v11 =	vor.u32 s7, v0  }
0x40a: {  	s14 =	simm.s32 $0x19;
	s10 =	sor.u32 $0x70, s8;
	[tilespmem:s9+$0x60] =	vst v4;
	v4 =	vld.idx.msk [tilespmem:v10+s11+$0x0], $0xffff;
	v10 =	vor.u32 s7, v1  }
0x40b: {  	[tilespmem:s10+$0xB000] =	vst v5;
	v5 =	vld.idx.msk [tilespmem:v9+s11+$0x0], $0xffff;
	v9 =	vor.u32 s14, v0  }
0x40c: {  	s15 =	simm.s32 $0x1A;
	[tilespmem:s9+$0x80] =	vst v8;
	v8 =	vld.idx.msk [tilespmem:v12+s11+$0x0], $0xffff;
	v12 =	vor.u32 s14, v1  }
0x40d: {  	s16 =	simm.s32 $0x2A0;
	[tilespmem:s9+$0x90] =	vst v7;
	v7 =	vld.idx.msk [tilespmem:v13+s11+$0x0], $0xffff;
	v13 =	vor.u32 s15, v0  }
0x40e: {  	s17 =	simm.s32 $0x1B;
	s1 =	sor.u32 $0x30, s16;
	[tilespmem:s9+$0xA0] =	vst v6;
	v6 =	vld.idx.msk [tilespmem:v11+s11+$0x0], $0xffff;
	v11 =	vor.u32 s15, v1  }
0x40f: {  	s18 =	simm.s32 $0x2C0;
	s20 =	simm.s32 $0x1C;
	[tilespmem:s1+$0xB000] =	vst v3;
	v10 =	vld.idx.msk [tilespmem:v10+s11+$0x0], $0xffff;
	v3 =	vor.u32 s17, v0  }
0x410: {  	s19 =	sor.u32 $0x50, s18;
	v14 =	vor.u32 s20, v0;
	[tilespmem:s9+$0xC0] =	vst v4;
	v4 =	vld.idx.msk [tilespmem:v9+s11+$0x0], $0xffff  }
0x411: {  	s21 =	simm.s32 $0x2E0;
	v9 =	vor.u32 s17, v1;
	[tilespmem:s19+$0xB000] =	vst v5;
	v12 =	vld.idx.msk [tilespmem:v12+s11+$0x0], $0xffff  }
0x412: {  	s23 =	simm.s32 $0x1D;
	s22 =	sor.u32 $0x70, s21;
	[tilespmem:s9+$0xE0] =	vst v8;
	v8 =	vld.idx.msk [tilespmem:v13+s11+$0x0], $0xffff;
	v13 =	vor.u32 s20, v1  }
0x413: {  	v16 =	vor.u32 s23, v1;
	[tilespmem:s22+$0xB000] =	vst v7;
	v15 =	vld.idx.msk [tilespmem:v11+s11+$0x0], $0xffff  }
0x414: {  	v11 =	vor.u32 s23, v0;
	[tilespmem:s9+$0x100] =	vst v6;
	v5 =	vld.idx.msk [tilespmem:v3+s11+$0x0], $0xffff  }
0x415: {  	s29 =	simm.s32 $0x3A0;
	s8 =	simm.s32 $0x3F;
	s24 =	simm.s32 $0x320;
	v3 =	vld.idx.msk [tilespmem:v14+s11+$0x0], $0xffff;
	[tilespmem:s9+$0x110] =	vst v10  }
0x416: {  	s25 =	sor.u32 $0x30, s24;
	s26 =	simm.s32 $0x340;
	s28 =	simm.s32 $0x360;
	v6 =	vld.idx.msk [tilespmem:v9+s11+$0x0], $0xffff;
	[tilespmem:s9+$0x120] =	vst v4  }
0x417: {  	s30 =	simm.s32 $0x3C0;
	s5 =	sor.u32 $0x50, s26;
	s31 =	simm.s32 $0x1E;
	[tilespmem:s25+$0xB000] =	vst v12;
	v4 =	vld.idx.msk [tilespmem:v13+s11+$0x0], $0xffff  }
0x418: {  	s24 =	sor.u32 $0x70, s28;
	s4 =	simm.s32 $0x20;
	s1 =	simm.s32 $0x21;
	v7 =	vor.u32 s13, v1;
	v9 =	vor.u32 s31, v1;
	v12 =	vor.u32 s31, v0;
	[tilespmem:s9+$0x140] =	vst v8;
	v13 =	vld.idx.msk [tilespmem:v16+s11+$0x0], $0xffff  }
0x419: {  	s6 =	sor.u32 $0x30, s29;
	s15 =	sor.u32 $0x50, s30;
	s23 =	simm.s32 $0x40;
	v8 =	vor.u32 s8, v0;
	v10 =	vld.idx.msk [tilespmem:v11+s11+$0x0], $0xffff;
	v11 =	vor.u32 s1, v0;
	[tilespmem:s5+$0xB000] =	vst v15  }
.LBB2_13:
0x41a: {  	_ =	sdelay $0x2  }
0x41b: {  	v14 =	vor.u32 s8, v1;
	v7 =	vld.idx.msk [tilespmem:v7+s11+$0x0], $0xffff;
	[tilespmem:s9+$0xFFFFFE00] =	vst v2  }
0x41c: {  	s0 =	sadd.s32 $0x2, s4;
	[tilespmem:s9+$0x160] =	vst v5;
	v5 =	vld.idx.msk [tilespmem:v12+s11+$0x0], $0xffff;
	v12 =	vor.u32 s1, v1  }
0x41d: {  	s2 =	sadd.s32 $0x3, s4;
	[tilespmem:s24+$0xB000] =	vst v6;
	v6 =	vld.idx.msk [tilespmem:v9+s11+$0x0], $0xffff;
	v9 =	vor.u32 s0, v0  }
0x41e: {  	s31 =	sadd.s32 $0x4, s4;
	[tilespmem:s9+$0x180] =	vst v3;
	v3 =	vld.idx.msk [tilespmem:v11+s11+$0x0], $0xffff;
	v11 =	vor.u32 s2, v0  }
0x41f: {  	v8 =	vld.idx.msk [tilespmem:v8+s11+$0x0], $0xffff;
	[tilespmem:s9+$0x190] =	vst v4;
	v4 =	vor.u32 s31, v0  }
0x420: {  	s3 =	sadd.s32 $0x5, s4;
	[tilespmem:s9+$0x1A0] =	vst v10;
	v10 =	vor.u32 s31, v1;
	v14 =	vld.idx.msk [tilespmem:v14+s11+$0x0], $0xffff  }
0x421: {  	s5 =	sadd.s32 $0x6, s4;
	[tilespmem:s6+$0xB000] =	vst v13;
	v13 =	vor.u32 s3, v0;
	v12 =	vld.idx.msk [tilespmem:v12+s11+$0x0], $0xffff  }
0x422: {  	s13 =	simm.s32 $0x6000;
	[tilespmem:s9+$0x1C0] =	vst v5;
	v5 =	vld.idx.msk [tilespmem:v9+s11+$0x0], $0xffff;
	v9 =	vor.u32 s5, v0  }
0x423: {  	v11 =	vld.idx.msk [tilespmem:v11+s13+$0x0], $0xffff;
	[tilespmem:s15+$0xB000] =	vst v6;
	v6 =	vor.u32 s0, v1  }
0x424: {  	v2 =	vor.u32 s2, v1;
	[tilespmem:s9+$0xFFFFFE10] =	vst v7;
	v4 =	vld.idx.msk [tilespmem:v4+s13+$0x0], $0xffff;
	s9 =	sadd.s32 $0x400, s9  }
0x425: {  	s12 =	sadd.s32 $0x400, s12;
	v7 =	vor.u32 s4, v0;
	v10 =	vld.idx.msk [tilespmem:v10+s13+$0x0], $0xffff;
	[tilespmem:s9+$0x1E0] =	vst v8  }
0x426: {  	s14 =	sor.u32 $0x70, s12;
	v8 =	vld.idx.msk [tilespmem:v13+s13+$0x0], $0xffff;
	v13 =	vor.u32 s3, v1;
	[tilespmem:s9+$0xFFFFFE20] =	vst v3  }
0x427: {  	s10 =	sadd.s32 $0x7, s4;
	[tilespmem:s14+$0xB000] =	vst v14;
	v3 =	vld.idx.msk [tilespmem:v9+s13+$0x0], $0xffff;
	v9 =	vor.u32 s5, v1  }
0x428: {  	s8 =	sadd.s32 $0x9, s4;
	s21 =	sadd.s32 $0xC, s4;
	v6 =	vld.idx.msk [tilespmem:v6+s13+$0x0], $0xffff;
	[tilespmem:s9+$0xFFFFFE40] =	vst v5;
	v5 =	vor.u32 s10, v0  }
0x429: {  	s22 =	sadd.s32 $0xD, s4;
	[dreg:$0xc] =	wrdreg s21;
	s1 =	sadd.s32 $0x8, s4;
	v14 =	vld.idx.msk [tilespmem:v2+s13+$0x0], $0xffff;
	[tilespmem:s9+$0xFFFFFE60] =	vst v11;
	v11 =	vor.u32 s10, v1  }
0x42a: {  	s7 =	sadd.s32 $0xA, s4;
	[dreg:$0x7] =	wrdreg s22;
	s16 =	sadd.s32 $0xFFFFFCE0, s12;
	v2 =	vld.idx.msk [tilespmem:v7+s13+$0x0], $0xffff;
	[tilespmem:s9+$0xFFFFFE80] =	vst v4;
	v4 =	vor.u32 s1, v0  }
0x42b: {  	s17 =	sadd.s32 $0xFFFFFD60, s12;
	s21 =	sadd.s32 $0xFFFFFE40, s12;
	s22 =	sadd.s32 $0xFFFFFE60, s12;
	[tilespmem:s9+$0xFFFFFE90] =	vst v10;
	v10 =	vor.u32 s1, v1;
	v7 =	vld.idx.msk [tilespmem:v13+s13+$0x0], $0xffff  }
0x42c: {  	s28 =	sadd.s32 $0xFFFFFEC0, s12;
	s26 =	sadd.s32 $0xFFFFFF80, s12;
	s0 =	sadd.s32 $0xFFFFFC40, s12;
	[tilespmem:s9+$0xFFFFFEA0] =	vst v8;
	v8 =	vld.idx.msk [tilespmem:v9+s13+$0x0], $0xffff;
	v9 =	vor.u32 s8, v0  }
0x42d: {  	s16 =	sor.u32 $0x50, s16;
	s2 =	sadd.s32 $0xFFFFFC60, s12;
	s0 =	sor.u32 $0x30, s0;
	[tilespmem:s9+$0xFFFFFEC0] =	vst v3;
	v3 =	vld.idx.msk [tilespmem:v5+s13+$0x0], $0xffff;
	v5 =	vor.u32 s8, v1  }
0x42e: {  	s6 =	sadd.s32 $0xB, s4;
	s2 =	sor.u32 $0x50, s2;
	s15 =	sadd.s32 $0xFFFFFC80, s12;
	[tilespmem:s0+$0xB000] =	vst v12;
	v12 =	vor.u32 s7, v0;
	v11 =	vld.idx.msk [tilespmem:v11+s13+$0x0], $0xffff  }
0x42f: {  	s24 =	sadd.s32 $0xFFFFFE80, s12;
	s3 =	sadd.s32 $0xFFFFFCC0, s12;
	s15 =	sor.u32 $0x70, s15;
	v4 =	vld.idx.msk [tilespmem:v4+s13+$0x0], $0xffff;
	[tilespmem:s2+$0xB000] =	vst v6;
	v6 =	vor.u32 s7, v1  }
0x430: {  	s11 =	sadd.s32 $0xFFFFFFC0, s12;
	s0 =	sor.u32 $0x30, s3;
	s5 =	sadd.s32 $0xFFFFFD00, s12;
	v13 =	vor.u32 s6, v0;
	[tilespmem:s15+$0xB000] =	vst v14;
	v10 =	vld.idx.msk [tilespmem:v10+s13+$0x0], $0xffff  }
0x431: {  	[tilespmem:s0+$0xB000] =	vst v7;
	s0 =	sor.u32 $0x50, s22;
	s22 =	sor.u32 $0x70, s24;
	s24 =	rddreg [dreg:$0xc];
	v7 =	vld.idx.msk [tilespmem:v9+s13+$0x0], $0xffff;
	v9 =	vor.u32 s6, v1  }
0x432: {  	s14 =	sadd.s32 $0xFFFFFD40, s12;
	s10 =	sadd.s32 $0xFFFFFE00, s12;
	s3 =	sor.u32 $0x70, s5;
	[tilespmem:s16+$0xB000] =	vst v8;
	v5 =	vld.idx.msk [tilespmem:v5+s13+$0x0], $0xffff;
	v8 =	vor.u32 s24, v0  }
0x433: {  	s7 =	sor.u32 $0x50, s17;
	[tilespmem:s9+$0xFFFFFEE0] =	vst v3;
	v3 =	vld.idx.msk [tilespmem:v12+s13+$0x0], $0xffff;
	v12 =	vor.u32 s24, v1;
	s24 =	sor.u32 $0x70, s26;
	s26 =	rddreg [dreg:$0x7]  }
0x434: {  	s17 =	sor.u32 $0x70, s10;
	v6 =	vld.idx.msk [tilespmem:v6+s13+$0x0], $0xffff;
	s6 =	sor.u32 $0x30, s11;
	s11 =	simm.s32 $0x6000;
	[tilespmem:s3+$0xB000] =	vst v11;
	v11 =	vor.u32 s26, v0  }
0x435: {  	s10 =	sor.u32 $0x30, s21;
	s21 =	sor.u32 $0x30, s28;
	s28 =	sadd.s32 $0xE, s4;
	[tilespmem:s9+$0xFFFFFF00] =	vst v4;
	v4 =	vld.idx.msk [tilespmem:v13+s11+$0x0], $0xffff;
	v13 =	vor.u32 s26, v1  }
0x436: {  	s20 =	sadd.s32 $0xFFFFFDE0, s12;
	s29 =	sadd.s32 $0xFFFFFEE0, s12;
	s14 =	sor.u32 $0x30, s14;
	[tilespmem:s9+$0xFFFFFF10] =	vst v10;
	v10 =	vor.u32 s28, v0;
	v9 =	vld.idx.msk [tilespmem:v9+s11+$0x0], $0xffff  }
0x437: {  	s8 =	sor.u32 $0x50, s20;
	s20 =	sor.u32 $0x50, s29;
	s29 =	sadd.s32 $0xF, s4;
	[tilespmem:s9+$0xFFFFFF20] =	vst v7;
	v7 =	vld.idx.msk [tilespmem:v8+s11+$0x0], $0xffff;
	v8 =	vor.u32 s28, v1  }
0x438: {  	s19 =	sadd.s32 $0xFFFFFDC0, s12;
	s30 =	sadd.s32 $0xFFFFFF00, s12;
	[tilespmem:s14+$0xB000] =	vst v5;
	v5 =	vld.idx.msk [tilespmem:v12+s11+$0x0], $0xffff;
	v12 =	vor.u32 s29, v0  }
0x439: {  	s2 =	sor.u32 $0x30, s19;
	s19 =	sor.u32 $0x70, s30;
	s30 =	sadd.s32 $0x10, s4;
	[tilespmem:s9+$0xFFFFFF40] =	vst v3;
	v3 =	vld.idx.msk [tilespmem:v11+s11+$0x0], $0xffff;
	v11 =	vor.u32 s29, v1  }
0x43a: {  	s18 =	sadd.s32 $0xFFFFFD80, s12;
	s31 =	sadd.s32 $0xFFFFFF40, s12;
	[tilespmem:s7+$0xB000] =	vst v6;
	v6 =	vld.idx.msk [tilespmem:v13+s11+$0x0], $0xffff;
	v13 =	vor.u32 s30, v0  }
0x43b: {  	s5 =	sor.u32 $0x70, s18;
	s18 =	sor.u32 $0x30, s31;
	s31 =	sadd.s32 $0x11, s4;
	[tilespmem:s9+$0xFFFFFF60] =	vst v4;
	v4 =	vld.idx.msk [tilespmem:v10+s11+$0x0], $0xffff;
	v10 =	vor.u32 s30, v1  }
0x43c: {  	[tilespmem:s5+$0xB000] =	vst v9;
	v8 =	vld.idx.msk [tilespmem:v8+s11+$0x0], $0xffff;
	v9 =	vor.u32 s31, v0  }
0x43d: {  	s3 =	sadd.s32 $0x12, s4;
	[tilespmem:s9+$0xFFFFFF80] =	vst v7;
	v7 =	vld.idx.msk [tilespmem:v12+s11+$0x0], $0xffff;
	v12 =	vor.u32 s31, v1  }
0x43e: {  	[tilespmem:s9+$0xFFFFFF90] =	vst v5;
	v5 =	vld.idx.msk [tilespmem:v11+s11+$0x0], $0xffff;
	v11 =	vor.u32 s3, v0  }
0x43f: {  	s5 =	sadd.s32 $0x13, s4;
	[tilespmem:s9+$0xFFFFFFA0] =	vst v3;
	v3 =	vld.idx.msk [tilespmem:v13+s11+$0x0], $0xffff;
	v13 =	vor.u32 s3, v1  }
0x440: {  	[tilespmem:s2+$0xB000] =	vst v6;
	v6 =	vld.idx.msk [tilespmem:v10+s11+$0x0], $0xffff;
	v10 =	vor.u32 s5, v0  }
0x441: {  	s7 =	sadd.s32 $0x14, s4;
	[tilespmem:s9+$0xFFFFFFC0] =	vst v4;
	v4 =	vld.idx.msk [tilespmem:v9+s11+$0x0], $0xffff;
	v9 =	vor.u32 s5, v1  }
0x442: {  	[tilespmem:s8+$0xB000] =	vst v8;
	v8 =	vld.idx.msk [tilespmem:v12+s11+$0x0], $0xffff;
	v12 =	vor.u32 s7, v0  }
0x443: {  	s8 =	sadd.s32 $0x15, s4;
	[tilespmem:s9+$0xFFFFFFE0] =	vst v7;
	v7 =	vld.idx.msk [tilespmem:v11+s11+$0x0], $0xffff;
	v11 =	vor.u32 s7, v1  }
0x444: {  	[tilespmem:s17+$0xB000] =	vst v5;
	v5 =	vld.idx.msk [tilespmem:v13+s11+$0x0], $0xffff;
	v13 =	vor.u32 s8, v0  }
0x445: {  	s13 =	sadd.s32 $0x16, s4;
	[tilespmem:s9+$0x0] =	vst v3;
	v3 =	vld.idx.msk [tilespmem:v10+s11+$0x0], $0xffff;
	v10 =	vor.u32 s8, v1  }
0x446: {  	[tilespmem:s9+$0x10] =	vst v6;
	v6 =	vld.idx.msk [tilespmem:v9+s11+$0x0], $0xffff;
	v9 =	vor.u32 s13, v0  }
0x447: {  	s14 =	sadd.s32 $0x17, s4;
	[tilespmem:s9+$0x20] =	vst v4;
	v4 =	vld.idx.msk [tilespmem:v12+s11+$0x0], $0xffff;
	v12 =	vor.u32 s13, v1  }
0x448: {  	[tilespmem:s10+$0xB000] =	vst v8;
	v8 =	vld.idx.msk [tilespmem:v11+s11+$0x0], $0xffff;
	v11 =	vor.u32 s14, v0  }
0x449: {  	s17 =	sadd.s32 $0x18, s4;
	[tilespmem:s9+$0x40] =	vst v7;
	v7 =	vld.idx.msk [tilespmem:v13+s11+$0x0], $0xffff;
	v13 =	vor.u32 s14, v1  }
0x44a: {  	s25 =	sadd.s32 $0xFFFFFF60, s12;
	[tilespmem:s0+$0xB000] =	vst v5;
	v5 =	vld.idx.msk [tilespmem:v10+s11+$0x0], $0xffff;
	v10 =	vor.u32 s17, v0  }
0x44b: {  	s16 =	sor.u32 $0x50, s25;
	s25 =	sadd.s32 $0x19, s4;
	[tilespmem:s9+$0x60] =	vst v3;
	v3 =	vld.idx.msk [tilespmem:v9+s11+$0x0], $0xffff;
	v9 =	vor.u32 s17, v1  }
0x44c: {  	[tilespmem:s22+$0xB000] =	vst v6;
	v6 =	vld.idx.msk [tilespmem:v12+s11+$0x0], $0xffff;
	v12 =	vor.u32 s25, v0  }
0x44d: {  	s26 =	sadd.s32 $0x1A, s4;
	[tilespmem:s9+$0x80] =	vst v4;
	v4 =	vld.idx.msk [tilespmem:v11+s11+$0x0], $0xffff;
	v11 =	vor.u32 s25, v1  }
0x44e: {  	[tilespmem:s9+$0x90] =	vst v8;
	v8 =	vld.idx.msk [tilespmem:v13+s11+$0x0], $0xffff;
	v13 =	vor.u32 s26, v0  }
0x44f: {  	s28 =	sadd.s32 $0x1B, s4;
	[tilespmem:s9+$0xA0] =	vst v7;
	v7 =	vld.idx.msk [tilespmem:v10+s11+$0x0], $0xffff;
	v10 =	vor.u32 s26, v1  }
0x450: {  	[tilespmem:s21+$0xB000] =	vst v5;
	v5 =	vor.u32 s28, v0;
	v9 =	vld.idx.msk [tilespmem:v9+s11+$0x0], $0xffff  }
0x451: {  	s29 =	sadd.s32 $0x1C, s4;
	[tilespmem:s9+$0xC0] =	vst v3;
	v3 =	vld.idx.msk [tilespmem:v12+s11+$0x0], $0xffff;
	v12 =	vor.u32 s28, v1  }
0x452: {  	v14 =	vor.u32 s29, v0;
	[tilespmem:s20+$0xB000] =	vst v6;
	v11 =	vld.idx.msk [tilespmem:v11+s11+$0x0], $0xffff  }
0x453: {  	s30 =	sadd.s32 $0x1D, s4;
	[tilespmem:s9+$0xE0] =	vst v4;
	v4 =	vor.u32 s29, v1;
	v13 =	vld.idx.msk [tilespmem:v13+s11+$0x0], $0xffff  }
0x454: {  	[tilespmem:s19+$0xB000] =	vst v8;
	v15 =	vld.idx.msk [tilespmem:v10+s11+$0x0], $0xffff;
	v8 =	vor.u32 s30, v0  }
0x455: {  	p1 =	slt.u32 s23, $0x60;
	v16 =	vor.u32 s30, v1;
	[tilespmem:s9+$0x100] =	vst v7;
	v5 =	vld.idx.msk [tilespmem:v5+s11+$0x0], $0xffff  }
.Ltmp8:
0x456: {  	[tilespmem:s9+$0x110] =	vst v9;
	v6 =	vld.idx.msk [tilespmem:v12+s11+$0x0], $0xffff;
	(pc) =	sbr.rel @p1 .LBB2_13-.Ltmp8, $4  }
0x457: {  	[tilespmem:s9+$0x120] =	vst v3;
	v3 =	vld.idx.msk [tilespmem:v14+s11+$0x0], $0xffff  }
0x458: {  	s1 =	sadd.s32 $0xFFFFFFE0, s12;
	s31 =	sadd.s32 $0x1E, s4;
	v4 =	vld.idx.msk [tilespmem:v4+s11+$0x0], $0xffff;
	[tilespmem:s18+$0xB000] =	vst v11  }
0x459: {  	s15 =	sor.u32 $0x50, s1;
	s1 =	sadd.s32 $0x1, s23;
	s8 =	sadd.s32 $0x1F, s23;
	v7 =	vor.u32 s4, v1;
	v9 =	vor.u32 s31, v1;
	v12 =	vor.u32 s31, v0;
	[tilespmem:s9+$0x140] =	vst v13;
	v10 =	vld.idx.msk [tilespmem:v8+s11+$0x0], $0xffff  }
0x45a: {  	s4 =	smov.u32 s23;
	s23 =	sadd.s32 $0x20, s23;
	v11 =	vor.u32 s1, v0;
	v8 =	vor.u32 s8, v0;
	v13 =	vld.idx.msk [tilespmem:v16+s11+$0x0], $0xffff;
	[tilespmem:s16+$0xB000] =	vst v15  }
0x45b: {  	_ =	sdelay $0x3  }
0x45c: {  	v28 =	vor.u32 s8, v1;
	v29 =	vld.idx.msk [tilespmem:v12+s11+$0x0], $0xffff  }
0x45d: {  	[tilespmem:s9+$0x160] =	vst v5;
	v30 =	vor.u32 s1, v1;
	s0 =	sadd.s32 $0x2, s4;
	v9 =	vld.idx.msk [tilespmem:v9+s11+$0x0], $0xffff  }
0x45e: {  	s26 =	sadd.s32 $0x3, s4;
	v7 =	vld.idx.msk [tilespmem:v7+s11+$0x0], $0xffff;
	[tilespmem:s9+$0xFFFFFE00] =	vst v2;
	v31 =	vor.u32 s0, v0  }
0x45f: {  	v34 =	vld.idx.msk [tilespmem:v8+s11+$0x0], $0xffff;
	[tilespmem:s24+$0xB000] =	vst v6;
	v32 =	vor.u32 s26, v0  }
0x460: {  	[tilespmem:s9+$0x180] =	vst v3;
	v3 =	vld.idx.msk [tilespmem:v11+s11+$0x0], $0xffff;
	v33 =	vor.u32 s0, v1  }
0x461: {  	s28 =	sadd.s32 $0x5, s4;
	v37 =	vor.u32 s26, v1;
	[tilespmem:s9+$0x190] =	vst v4;
	v5 =	vld.idx.msk [tilespmem:v28+s11+$0x0], $0xffff  }
0x462: {  	v38 =	vor.u32 s28, v0;
	[tilespmem:s9+$0x1A0] =	vst v10;
	v36 =	vld.idx.msk [tilespmem:v30+s11+$0x0], $0xffff  }
0x463: {  	s29 =	sadd.s32 $0x6, s4;
	v39 =	vor.u32 s28, v1;
	[tilespmem:s6+$0xB000] =	vst v13;
	v10 =	vld.idx.msk [tilespmem:v31+s11+$0x0], $0xffff  }
0x464: {  	s17 =	sadd.s32 $0xE, s4;
	v40 =	vor.u32 s29, v0;
	[tilespmem:s9+$0x1C0] =	vst v29;
	v2 =	vld.idx.msk [tilespmem:v32+s11+$0x0], $0xffff  }
0x465: {  	s19 =	sadd.s32 $0xF, s4;
	v57 =	vor.u32 s17, v0;
	[tilespmem:s9+$0xFFFFFE10] =	vst v7;
	v41 =	vld.idx.msk [tilespmem:v33+s11+$0x0], $0xffff  }
0x466: {  	s31 =	sadd.s32 $0x7, s4;
	v60 =	vor.u32 s19, v0;
	s9 =	sadd.s32 $0x400, s9;
	[tilespmem:s15+$0xB000] =	vst v9;
	v9 =	vld.idx.msk [tilespmem:v37+s11+$0x0], $0xffff  }
0x467: {  	v44 =	vor.u32 s31, v1;
	s6 =	sadd.s32 $0x400, s12;
	[tilespmem:s9+$0x1E0] =	vst v34;
	v45 =	vld.idx.msk [tilespmem:v38+s11+$0x0], $0xffff  }
0x468: {  	v59 =	vor.u32 s17, v1;
	s30 =	sor.u32 $0x70, s6;
	s2 =	sadd.s32 $0xFFFFFC40, s6;
	[tilespmem:s9+$0xFFFFFE20] =	vst v3;
	v7 =	vld.idx.msk [tilespmem:v39+s11+$0x0], $0xffff  }
0x469: {  	v43 =	vor.u32 s29, v1;
	s1 =	sor.u32 $0x30, s2;
	v48 =	vld.idx.msk [tilespmem:v40+s11+$0x0], $0xffff;
	[tilespmem:s30+$0xB000] =	vst v5  }
0x46a: {  	v62 =	vor.u32 s19, v1;
	s12 =	sadd.s32 $0xB, s4;
	v11 =	vld.idx.msk [tilespmem:v57+s11+$0x0], $0xffff;
	[tilespmem:s1+$0xB000] =	vst v36  }
0x46b: {  	v52 =	vor.u32 s12, v0;
	v18 =	vld.idx.msk [tilespmem:v60+s11+$0x0], $0xffff;
	[tilespmem:s9+$0xFFFFFE40] =	vst v10  }
0x46c: {  	s3 =	sadd.s32 $0x9, s4;
	v3 =	vor.u32 s31, v0;
	v51 =	vld.idx.msk [tilespmem:v44+s11+$0x0], $0xffff;
	[tilespmem:s9+$0xFFFFFE60] =	vst v2  }
0x46d: {  	v46 =	vor.u32 s3, v0;
	v17 =	vld.idx.msk [tilespmem:v59+s11+$0x0], $0xffff;
	[tilespmem:s9+$0xFFFFFEA0] =	vst v45  }
0x46e: {  	s8 =	sadd.s32 $0xA, s4;
	v47 =	vor.u32 s3, v1;
	v2 =	vld.idx.msk [tilespmem:v43+s11+$0x0], $0xffff;
	[tilespmem:s9+$0xFFFFFEC0] =	vst v48  }
0x46f: {  	v49 =	vor.u32 s8, v0;
	s5 =	sadd.s32 $0xFFFFFC60, s6;
	v20 =	vld.idx.msk [tilespmem:v62+s11+$0x0], $0xffff;
	[tilespmem:s9+$0xFFFFFFC0] =	vst v11  }
0x470: {  	s14 =	sadd.s32 $0xD, s4;
	s10 =	sadd.s32 $0xFFFFFC80, s6;
	v53 =	vor.u32 s12, v1;
	s1 =	sor.u32 $0x50, s5;
	v58 =	vld.idx.msk [tilespmem:v52+s11+$0x0], $0xffff;
	[tilespmem:s9+$0xFFFFFFE0] =	vst v18  }
0x471: {  	v55 =	vor.u32 s14, v0;
	s13 =	sadd.s32 $0xFFFFFCC0, s6;
	v3 =	vld.idx.msk [tilespmem:v3+s11+$0x0], $0xffff;
	[tilespmem:s1+$0xB000] =	vst v41;
	s1 =	sor.u32 $0x70, s10  }
0x472: {  	s7 =	sadd.s32 $0x4, s4;
	v50 =	vor.u32 s8, v1;
	s15 =	sadd.s32 $0xFFFFFCE0, s6;
	v10 =	vld.idx.msk [tilespmem:v46+s11+$0x0], $0xffff;
	[tilespmem:s1+$0xB000] =	vst v9;
	s1 =	sor.u32 $0x30, s13  }
0x473: {  	v35 =	vor.u32 s7, v0;
	v54 =	vld.idx.msk [tilespmem:v47+s11+$0x0], $0xffff;
	s0 =	sor.u32 $0x50, s15;
	[tilespmem:s1+$0xB000] =	vst v7  }
0x474: {  	s21 =	sadd.s32 $0x11, s4;
	v56 =	vor.u32 s14, v1;
	[tilespmem:s0+$0xB000] =	vst v2;
	v2 =	vld.idx.msk [tilespmem:v49+s11+$0x0], $0xffff  }
0x475: {  	s23 =	sadd.s32 $0x12, s4;
	v63 =	vor.u32 s21, v0;
	v7 =	vld.idx.msk [tilespmem:v53+s11+$0x0], $0xffff;
	[tilespmem:s9+$0xFFFFFF60] =	vst v58  }
0x476: {  	v19 =	vor.u32 s23, v0;
	s16 =	sadd.s32 $0xFFFFFD00, s6;
	v61 =	vld.idx.msk [tilespmem:v55+s11+$0x0], $0xffff;
	[tilespmem:s9+$0xFFFFFEE0] =	vst v3  }
0x477: {  	v16 =	vor.u32 s7, v1;
	s28 =	sadd.s32 $0x15, s4;
	s0 =	sor.u32 $0x70, s16;
	v3 =	vld.idx.msk [tilespmem:v50+s11+$0x0], $0xffff;
	[tilespmem:s9+$0xFFFFFF20] =	vst v10  }
0x478: {  	v24 =	vor.u32 s28, v0;
	v26 =	vor.u32 s28, v1;
	s28 =	sadd.s32 $0x1C, s4;
	s18 =	sadd.s32 $0xFFFFFD40, s6;
	v42 =	vld.idx.msk [tilespmem:v35+s11+$0x0], $0xffff;
	[tilespmem:s0+$0xB000] =	vst v51  }
0x479: {  	v57 =	vor.u32 s28, v1;
	s0 =	sor.u32 $0x30, s18;
	[tilespmem:s9+$0xFFFFFF40] =	vst v2;
	v2 =	vld.idx.msk [tilespmem:v56+s11+$0x0], $0xffff  }
0x47a: {  	v21 =	vor.u32 s23, v1;
	s20 =	sadd.s32 $0xFFFFFD60, s6;
	v8 =	vld.idx.msk [tilespmem:v63+s11+$0x0], $0xffff;
	[tilespmem:s0+$0xB000] =	vst v54  }
0x47b: {  	s22 =	sadd.s32 $0xFFFFFD80, s6;
	v25 =	vld.idx.msk [tilespmem:v19+s11+$0x0], $0xffff;
	s0 =	sor.u32 $0x50, s20;
	[tilespmem:s9+$0xFFFFFFA0] =	vst v61  }
0x47c: {  	s24 =	sadd.s32 $0xFFFFFDC0, s6;
	v23 =	vld.idx.msk [tilespmem:v16+s11+$0x0], $0xffff;
	v56 =	vor.u32 s28, v0;
	[tilespmem:s0+$0xB000] =	vst v3;
	s0 =	sor.u32 $0x70, s22  }
0x47d: {  	s25 =	sadd.s32 $0x13, s4;
	v29 =	vld.idx.msk [tilespmem:v24+s11+$0x0], $0xffff;
	v3 =	vor.u32 s21, v1;
	[tilespmem:s0+$0xB000] =	vst v7;
	s0 =	sor.u32 $0x30, s24  }
0x47e: {  	v62 =	vld.idx.msk [tilespmem:v57+s11+$0x0], $0xffff;
	[tilespmem:s0+$0xB000] =	vst v2;
	v2 =	vor.u32 s25, v0  }
0x47f: {  	v22 =	vor.u32 s25, v1;
	v4 =	vld.idx.msk [tilespmem:v21+s11+$0x0], $0xffff;
	s30 =	sadd.s32 $0x16, s4;
	[tilespmem:s9+$0xFFFFFE80] =	vst v42  }
0x480: {  	s17 =	sadd.s32 $0x8, s4;
	v31 =	vld.idx.msk [tilespmem:v26+s11+$0x0], $0xffff;
	v27 =	vor.u32 s30, v0;
	[tilespmem:s9+$0x40] =	vst v25  }
0x481: {  	s2 =	sadd.s32 $0x17, s4;
	v44 =	vor.u32 s17, v0;
	[tilespmem:s9+$0xFFFFFE90] =	vst v23;
	v61 =	vld.idx.msk [tilespmem:v56+s11+$0x0], $0xffff  }
0x482: {  	s26 =	sadd.s32 $0xFFFFFDE0, s6;
	v30 =	vor.u32 s2, v1;
	[tilespmem:s9+$0xA0] =	vst v29;
	v3 =	vld.idx.msk [tilespmem:v3+s11+$0x0], $0xffff  }
0x483: {  	v28 =	vor.u32 s30, v1;
	s16 =	sadd.s32 $0x1E, s4;
	s0 =	sor.u32 $0x50, s26;
	[tilespmem:s9+$0x190] =	vst v62;
	v2 =	vld.idx.msk [tilespmem:v2+s11+$0x0], $0xffff  }
0x484: {  	s29 =	sadd.s32 $0xFFFFFE00, s6;
	s12 =	sadd.s32 $0x1B, s4;
	v11 =	vld.idx.msk [tilespmem:v22+s11+$0x0], $0xffff;
	v42 =	vor.u32 s16, v0;
	[tilespmem:s0+$0xB000] =	vst v17  }
0x485: {  	s31 =	sadd.s32 $0xFFFFFE40, s6;
	v37 =	vor.u32 s12, v0;
	s5 =	sadd.s32 $0x19, s4;
	v32 =	vld.idx.msk [tilespmem:v27+s11+$0x0], $0xffff;
	s0 =	sor.u32 $0x70, s29;
	[tilespmem:s9+$0x20] =	vst v8  }
0x486: {  	v33 =	vor.u32 s5, v0;
	v12 =	vld.idx.msk [tilespmem:v44+s11+$0x0], $0xffff;
	[tilespmem:s0+$0xB000] =	vst v20;
	s0 =	sor.u32 $0x30, s31  }
0x487: {  	s3 =	sadd.s32 $0xFFFFFE60, s6;
	v6 =	vld.idx.msk [tilespmem:v30+s11+$0x0], $0xffff;
	[tilespmem:s0+$0xB000] =	vst v3;
	v3 =	vor.u32 s2, v0  }
0x488: {  	v34 =	vor.u32 s5, v1;
	s0 =	sor.u32 $0x50, s3;
	[tilespmem:s9+$0x60] =	vst v2;
	v2 =	vld.idx.msk [tilespmem:v28+s11+$0x0], $0xffff  }
0x489: {  	s7 =	sadd.s32 $0xFFFFFE80, s6;
	v43 =	vor.u32 s16, v1;
	v48 =	vld.idx.msk [tilespmem:v42+s11+$0x0], $0xffff;
	[tilespmem:s0+$0xB000] =	vst v4  }
0x48a: {  	v39 =	vor.u32 s12, v1;
	s10 =	sadd.s32 $0xFFFFFEC0, s6;
	v7 =	vld.idx.msk [tilespmem:v37+s11+$0x0], $0xffff;
	s0 =	sor.u32 $0x70, s7;
	[tilespmem:s9+$0xC0] =	vst v32  }
0x48b: {  	s8 =	sadd.s32 $0x1A, s4;
	v45 =	vor.u32 s17, v1;
	s13 =	sadd.s32 $0xFFFFFEE0, s6;
	v38 =	vld.idx.msk [tilespmem:v33+s11+$0x0], $0xffff;
	[tilespmem:s0+$0xB000] =	vst v11;
	s0 =	sor.u32 $0x30, s10  }
0x48c: {  	s14 =	sadd.s32 $0x1D, s4;
	v35 =	vor.u32 s8, v0;
	v3 =	vld.idx.msk [tilespmem:v3+s11+$0x0], $0xffff;
	[tilespmem:s0+$0xB000] =	vst v31;
	s0 =	sor.u32 $0x50, s13  }
0x48d: {  	v40 =	vor.u32 s14, v0;
	[tilespmem:s0+$0xB000] =	vst v2;
	v2 =	vld.idx.msk [tilespmem:v34+s11+$0x0], $0xffff  }
0x48e: {  	s22 =	sadd.s32 $0x10, s4;
	v50 =	vld.idx.msk [tilespmem:v43+s11+$0x0], $0xffff;
	[tilespmem:s9+$0x1C0] =	vst v48  }
0x48f: {  	v9 =	vld.idx.msk [tilespmem:v39+s11+$0x0], $0xffff;
	v51 =	vor.u32 s22, v1;
	[tilespmem:s9+$0x160] =	vst v7  }
0x490: {  	v36 =	vor.u32 s8, v1;
	s18 =	sadd.s32 $0xFFFFFF40, s6;
	v4 =	vld.idx.msk [tilespmem:v45+s11+$0x0], $0xffff;
	[tilespmem:s9+$0x120] =	vst v38  }
0x491: {  	v41 =	vor.u32 s14, v1;
	s1 =	sor.u32 $0x30, s18;
	[tilespmem:s9+$0xE0] =	vst v3;
	v3 =	vld.idx.msk [tilespmem:v35+s11+$0x0], $0xffff  }
0x492: {  	[tilespmem:s1+$0xB000] =	vst v2;
	v2 =	vld.idx.msk [tilespmem:v40+s11+$0x0], $0xffff  }
0x493: {  	[tilespmem:s9+$0x180] =	vst v61  }
0x494: {  	s19 =	sadd.s32 $0xC, s4;
	v49 =	vor.u32 s22, v0;
	v55 =	vld.idx.msk [tilespmem:v51+s11+$0x0], $0xffff;
	[tilespmem:s9+$0xFFFFFF00] =	vst v12  }
0x495: {  	v46 =	vor.u32 s19, v0;
	v5 =	vld.idx.msk [tilespmem:v36+s11+$0x0], $0xffff;
	[tilespmem:s9+$0xFFFFFF10] =	vst v4  }
0x496: {  	v47 =	vor.u32 s19, v1;
	s15 =	sadd.s32 $0xFFFFFF00, s6;
	s24 =	sadd.s32 $0x14, s4;
	[tilespmem:s9+$0x140] =	vst v3;
	v3 =	vld.idx.msk [tilespmem:v41+s11+$0x0], $0xffff  }
0x497: {  	s0 =	sor.u32 $0x70, s15;
	[tilespmem:s9+$0x1A0] =	vst v2;
	v2 =	vor.u32 s24, v1  }
0x498: {  	s20 =	sadd.s32 $0xFFFFFF60, s6;
	v52 =	vor.u32 s24, v0;
	s26 =	sadd.s32 $0x18, s4;
	[tilespmem:s0+$0xB000] =	vst v6  }
0x499: {  	s23 =	sadd.s32 $0xFFFFFFC0, s6;
	v54 =	vor.u32 s26, v1;
	v6 =	vld.idx.msk [tilespmem:v49+s11+$0x0], $0xffff;
	[tilespmem:s9+$0x10] =	vst v55;
	s1 =	sor.u32 $0x50, s20  }
0x49a: {  	v59 =	vor.u32 s4, v0;
	s21 =	sadd.s32 $0xFFFFFF80, s6;
	v8 =	vld.idx.msk [tilespmem:v46+s11+$0x0], $0xffff;
	[tilespmem:s1+$0xB000] =	vst v5;
	s1 =	sor.u32 $0x30, s23  }
0x49b: {  	s25 =	sadd.s32 $0xFFFFFFE0, s6;
	v53 =	vor.u32 s26, v0;
	s0 =	sor.u32 $0x70, s21;
	[tilespmem:s1+$0xB000] =	vst v3;
	v3 =	vld.idx.msk [tilespmem:v47+s11+$0x0], $0xffff  }
0x49c: {  	v60 =	vor.u32 s4, v1;
	[tilespmem:s0+$0xB000] =	vst v9;
	s0 =	sor.u32 $0x50, s25;
	v2 =	vld.idx.msk [tilespmem:v2+s11+$0x0], $0xffff  }
0x49d: {  	v58 =	vld.idx.msk [tilespmem:v52+s11+$0x0], $0xffff;
	[tilespmem:s0+$0xB000] =	vst v50  }
0x49e: {  	[tilespmem:s9+$0x0] =	vst v6;
	v5 =	vld.idx.msk [tilespmem:v54+s11+$0x0], $0xffff  }
0x49f: {  	v63 =	vld.idx.msk [tilespmem:v59+s11+$0x0], $0xffff;
	[tilespmem:s9+$0xFFFFFF80] =	vst v8  }
0x4a0: {  	[tilespmem:s9+$0xFFFFFF90] =	vst v3;
	v3 =	vld.idx.msk [tilespmem:v53+s11+$0x0], $0xffff  }
0x4a1: {  	[tilespmem:s9+$0x90] =	vst v2;
	v2 =	vld.idx.msk [tilespmem:v60+s11+$0x0], $0xffff  }
0x4a2: {  	[tilespmem:s9+$0x80] =	vst v58  }
0x4a3: {  	[tilespmem:s9+$0x110] =	vst v5  }
0x4a4: {  	[tilespmem:s9+$0xFFFFFE00] =	vst v63  }
0x4a5: {  	[tilespmem:s9+$0x100] =	vst v3  }
0x4a6: {  	[tilespmem:s9+$0xFFFFFE10] =	vst v2  }
0x4a7: {  	s30 =	simm.s32 $0xB000;
	s10 =	simm.s32 $0x0;
	s29 =	rddreg [dreg:$0x1a]  }
0x4a8: {  	[hbm4b:s29+s10] =	stream.linear.scatter [tilespmem:s30], [sflag:$0x8], $0x1000, $0x38;
	[tilespmem:$0xC000] =	vst v63  }
.Ltmp9:
0x4a9: {  	s31 =	simm.s32 $0x8;
	(pc) =	sbr.rel .LBB2_15-.Ltmp9, $4  }
0x4aa: {  	_ =	swait.ge [sflag:s31], $0x1000  }
0x4ab: {  	s1 =	sld [smem:$0x7FC]  }
0x4ac: {  	[sflag:s31] =	ssyncset.done $0x0  }
0x4ad: {  	[sflag:s31] =	ssyncadd.s32 $0xFFFFF000  }
.LBB2_16:
0x4ae: {  	_ =	sfence.sel $0x180000  }
0x4af: {  	[bflag:$0x0] =	sbarrier.arrive $0xFFFF  }
0x4b0: {  	_ =	strace $0x90000047  }
0x4b1: {  	s0 =	stileid.u32;
	[bflag:$0x2] =	sbarrier.arrive $0xFFFF  }
0x4b2: {  	p0 =	sne.s32 s0, $0x0;
	s0 =	rddreg [dreg:$0x2]  }
0x4b3: {  	s0 =	sadd.s32 @!p0 $0x100000, s0  }
0x4b4: {  	[sflag:s0] =	ssyncadd.tile.s32 @!p0 $0x1;
	_ =	shalt  }
.Lfunc_end2:
_tile_overlayer_lowered:
.L_overlay_start_2:
0x4b5: {  	(tag) =	ssettag $0x2  }
0x4b6: {  	s0 =	rddreg [dreg:$0x0];
	s2 =	stileid.u32  }
0x4b7: {  	s1 =	rddreg [dreg:$0x1];
	p0 =	sne.s32 s2, $0x0  }
0x4b8: {  	s3 =	rddreg [dreg:$0x2];
	[bflag:$0x3] =	sbarrier.arrive $0xFFFF;
	s2 =	simm.s32 @!p0 $0x1C09  }
0x4b9: {  	[timem:s3], [sflag:s2] =	dma.local @!p0 [hbm:s0], s1  }
0x4ba: {  	s0 =	simm.s32 @!p0 $0x9  }
0x4bb: {  	_ =	swait.ge @!p0 [sflag:s0], s1  }
0x4bc: {  	s1 =	ssub.s32 @!p0 $0x0, s1;
	[sflag:s0] =	ssyncset.done @!p0 $0x0  }
0x4bd: {  	[sflag:s0] =	ssyncadd.s32 @!p0 s1  }
0x4be: {  	[bflag:$0x3] =	sbarrier.arrive $0xFFFF  }
0x4bf: {  	_ =	shalt  }

// kernel: kernel.7.cloned.1.call-start
scs
__scs_entry_jumppad:
0x0: {  	(pc) =	sbr.rel $0x88, $3  }
0x1: {  	(tag) =	ssettag $0x0;
	lr =	simm.s32 $0x1  }
0x2: {  	[smem:$0x3F9F] =	sst lr;
	_ =	strace $0xD0000000  }
0x3: {  	_ = 	snop  }
0x4: {  	_ = 	snop  }
0x5: {  	_ = 	snop  }
0x6: {  	_ = 	snop  }
0x7: {  	_ = 	snop  }
__scs_overlays_trampoline_lowered:
0x8: {  	[smem:$0x3FAE] =	sst s0  }
0x9: {  	[smem:$0x3FAF] =	sst s1  }
0xa: {  	[smem:$0x3FB0] =	sst s2  }
0xb: {  	[smem:$0x3FB1] =	sst s3  }
0xc: {  	[smem:$0x3FB2] =	sst s4  }
0xd: {  	[smem:$0x3FB3] =	sst s5  }
0xe: {  	[smem:$0x3FB4] =	sst s6  }
0xf: {  	[smem:$0x3FB5] =	sst s7  }
0x10: {  	[smem:$0x3FB6] =	sst s8  }
0x11: {  	[smem:$0x3FB7] =	sst s9;
	s0 =	simm.s32 @!p0 $0x0  }
0x12: {  	s1 =	sld [smem:$0x3F9D];
	s0 =	simm.s32 @p0 $0x1  }
0x13: {  	[smem:$0x3FB8] =	sst s0;
	s0 =	simm.s32 @!p1 $0x0  }
0x14: {  	s2 =	sld [smem:$0x3F9C];
	s0 =	simm.s32 @p1 $0x1  }
0x15: {  	[smem:$0x3FB9] =	sst s0;
	s0 =	simm.s32 @!p2 $0x0  }
0x16: {  	s3 =	sld [smem:$0x3FDB];
	s0 =	simm.s32 @p2 $0x1  }
0x17: {  	s4 =	simm.s32 $0x1BF5;
	[smem:$0x3FBB] =	sst s0  }
0x18: {  	s0 =	sld [smem:$0x3F9E];
	_ =	swait.ge [sflag:s4], $0x0  }
0x19: {  	s7 =	sld [smem:$0x3F9F]  }
0x1a: {  	s8 =	sadd.s32 $0xFFFFE003, lr  }
0x1b: {  	s9 =	sadd.s32 $0xFFFFFEF7, lr;
	s5 =	simm.s32 $0xFFFFFFFF;
	p2 =	slt.u32 s8, $0xFFFFF086  }
0x1c: {  	p1 =	slt.u32 s9, $0xF7A;
	s5 =	simm.s32 @!p2 $0x0  }
0x1d: {  	s5 =	simm.s32 @p1 $0x1;
	p0 =	seq.s32 s7, s2  }
0x1e: {  	s7 =	smul.u32 @!p0 $0xF7A, s2;
	p2 =	seq.s32 @!p0 s5, $0x0  }
0x1f: {  	s9 =	smul.u32 $0xF7A, s1;
	s8 =	simm.s32 @!p0 $0x1BF5;
	p2 =	por !p2, p0  }
0x20: {  	[sflag:s8] =	ssyncset.s32 @!p0 $0xFFFFF086;
	s6 =	sadd.s32 @!p0 s3, s7;
	s7 =	simm.s32 @!p0 $0x108  }
0x21: {  	s3 =	sadd.s32 s3, s9;
	s6 =	sadd.s32 @!p0 $0x88, s6;
	s7 =	simm.s32 @p2 $0x1082  }
0x22: {  	[simem:s7], [sflag:s8] =	dma.local @!p0 [hbm:s6], $0xF7A  }
0x23: {  	s9 =	sor.u32 $0xD0000000, s2;
	s6 =	simm.s32 $0x108;
	_ =	swait.ge @!p0 [sflag:s8], $0x0  }
0x24: {  	s3 =	sadd.s32 $0x88, s3;
	s6 =	simm.s32 @!p1 $0x1082;
	[sflag:s4] =	ssyncset.s32 $0xFFFFF086  }
0x25: {  	[simem:s6], [sflag:s4] =	dma.local [hbm:s3], $0xF7A  }
0x26: {  	[smem:$0x3F9F] =	sst s1;
	(tag) =	ssettag s2;
	_ =	strace s9  }
0x27: {  	s1 =	sld [smem:$0x3FAF]  }
0x28: {  	s2 =	sld [smem:$0x3FB0]  }
0x29: {  	s4 =	sld [smem:$0x3FB2]  }
0x2a: {  	p0 =	seq.s32 s5, $0x0;
	s5 =	sld [smem:$0x3FB3]  }
0x2b: {  	s6 =	sld [smem:$0x3FB4]  }
0x2c: {  	s7 =	sld [smem:$0x3FB5]  }
0x2d: {  	s3 =	simm.s32 $0x108;
	s8 =	sld [smem:$0x3FB6]  }
0x2e: {  	s3 =	simm.s32 @!p0 $0x1082;
	s9 =	sld [smem:$0x3FB7]  }
0x2f: {  	lr =	sadd.s32 s0, s3;
	s0 =	sld [smem:$0x3FAE]  }
0x30: {  	s3 =	sld [smem:$0x3FB1]  }
0x31: {  	[smem:$0x3FBA] =	sst s10  }
0x32: {  	s10 =	sld [smem:$0x3FB8];
	_ =	sdelay $0x3  }
0x33: {  	p0 =	seq.s32 s10, $0x1;
	s10 =	sld [smem:$0x3FBA];
	_ =	sdelay $0x3  }
0x34: {  	[smem:$0x3FBA] =	sst s10  }
0x35: {  	s10 =	sld [smem:$0x3FB9];
	_ =	sdelay $0x3  }
0x36: {  	p1 =	seq.s32 s10, $0x1;
	s10 =	sld [smem:$0x3FBA];
	_ =	sdelay $0x3  }
0x37: {  	[smem:$0x3FBA] =	sst s10  }
0x38: {  	s10 =	sld [smem:$0x3FBB]  }
0x39: {  	_ = 	snop;
	(pc) =	sbr.ind lr, $3  }
0x3a: {  	_ = 	snop  }
0x3b: {  	_ = 	snop  }
0x3c: {  	p2 =	seq.s32 s10, $0x1;
	s10 =	sld [smem:$0x3FBA]  }
0x3d: {  	_ =	shalt  }
0x3e: {  	_ =	shalt  }
0x3f: {  	_ =	shalt  }
0x40: {  	_ =	shalt  }
0x41: {  	_ =	shalt  }
0x42: {  	_ =	shalt  }
0x43: {  	_ =	shalt  }
0x44: {  	_ =	shalt  }
0x45: {  	_ =	shalt  }
0x46: {  	_ =	shalt  }
0x47: {  	_ =	shalt  }
0x48: {  	_ =	shalt  }
0x49: {  	_ =	shalt  }
0x4a: {  	_ =	shalt  }
0x4b: {  	_ =	shalt  }
0x4c: {  	_ =	shalt  }
0x4d: {  	_ =	shalt  }
0x4e: {  	_ =	shalt  }
0x4f: {  	_ =	shalt  }
0x50: {  	_ =	shalt  }
0x51: {  	_ =	shalt  }
0x52: {  	_ =	shalt  }
0x53: {  	_ =	shalt  }
0x54: {  	_ =	shalt  }
0x55: {  	_ =	shalt  }
0x56: {  	_ =	shalt  }
0x57: {  	_ =	shalt  }
0x58: {  	_ =	shalt  }
0x59: {  	_ =	shalt  }
0x5a: {  	_ =	shalt  }
0x5b: {  	_ =	shalt  }
0x5c: {  	_ =	shalt  }
0x5d: {  	_ =	shalt  }
0x5e: {  	_ =	shalt  }
0x5f: {  	_ =	shalt  }
0x60: {  	_ =	shalt  }
0x61: {  	_ =	shalt  }
0x62: {  	_ =	shalt  }
0x63: {  	_ =	shalt  }
0x64: {  	_ =	shalt  }
0x65: {  	_ =	shalt  }
0x66: {  	_ =	shalt  }
0x67: {  	_ =	shalt  }
0x68: {  	_ =	shalt  }
0x69: {  	_ =	shalt  }
0x6a: {  	_ =	shalt  }
0x6b: {  	_ =	shalt  }
0x6c: {  	_ =	shalt  }
0x6d: {  	_ =	shalt  }
0x6e: {  	_ =	shalt  }
0x6f: {  	_ =	shalt  }
0x70: {  	_ =	shalt  }
0x71: {  	_ =	shalt  }
0x72: {  	_ =	shalt  }
0x73: {  	_ =	shalt  }
0x74: {  	_ =	shalt  }
0x75: {  	_ =	shalt  }
0x76: {  	_ =	shalt  }
0x77: {  	_ =	shalt  }
0x78: {  	_ =	shalt  }
0x79: {  	_ =	shalt  }
0x7a: {  	_ =	shalt  }
0x7b: {  	_ =	shalt  }
0x7c: {  	_ =	shalt  }
0x7d: {  	_ =	shalt  }
0x7e: {  	_ =	shalt  }
0x7f: {  	_ =	shalt  }
0x80: {  	_ =	shalt  }
0x81: {  	_ =	shalt  }
0x82: {  	_ =	shalt  }
0x83: {  	_ =	shalt  }
0x84: {  	_ =	shalt  }
0x85: {  	_ =	shalt  }
0x86: {  	_ =	shalt  }
0x87: {  	_ =	shalt  }
.Lfunc_end0:
.L_simem_size_0:
called_computation.2_lowered:
.L_overlay_start_0:
0x88: {  	s2 =	sld [smem:$0x3FD9]  }
0x89: {  	s3 =	sld [smem:$0x3FFE];
	_ =	sdelay $0x1  }
0x8a: {  	s1 =	srdreg.scid  }
0x8b: {  	s0 =	sand.u32 $0x1, s1  }
0x8c: {  	s17 =	sshll.u32 s0, $0xA;
	s2 =	sadd.s32 s3, s2  }
0x8d: {  	s2 =	sadd.s32 s2, s17  }
0x8e: {  	[smem:$0x3FC6] =	sst s2  }
0x8f: {  	_ = 	snop  }
0x90: {  	s2 =	sld [smem:$0x3FD0];
	(tm) =	ssettm $0x1  }
0x91: {  	s18 =	sld [smem:$0x3FFB];
	_ =	sdelay $0x3  }
0x92: {  	_ =	strace s18  }
0x93: {  	s3 =	sld [smem:$0x3FFC];
	_ =	sdelay $0x3  }
0x94: {  	_ =	strace s3  }
0x95: {  	s3 =	sld [smem:$0x3FFD];
	_ =	sdelay $0x3  }
0x96: {  	_ =	strace s3  }
0x97: {  	_ =	strace $0x8FFFFFFF  }
0x98: {  	s19 =	sld [smem:$0x3FDB];
	_ =	sdelay $0x1  }
0x99: {  	s4 =	simm.s32 $_scs_section_size  }
0x9a: {  	s5 =	simm.s32 $_size__tile_overlayer_lowered;
	s6 =	simm.s32 $_tile_overlayer_lowered  }
0x9b: {  	s22 =	simm.s32 $0x1BFF;
	s21 =	sshll.u32 s6, $0x1;
	s3 =	sadd.s32 s4, s19  }
0x9c: {  	s7 =	simm.s32 $0x0;
	s20 =	sshll.u32 s5, $0x1;
	s5 =	sadd.s32 s21, s3  }
0x9d: {  	[timem:s7], [sflag:s22] =	dma.local [hbm:s5], s20  }
0x9e: {  	_ =	swait.ge [sflag:s22], s20  }
0x9f: {  	s4 =	ssub.s32 $0x0, s20;
	[sflag:s22] =	ssyncset.done $0x0  }
0xa0: {  	[sflag:s22] =	ssyncadd.s32 s4;
	_ =	sdelay $0x1  }
0xa1: {  	s23 =	simm.s32 $0x1B8B  }
0xa2: {  	_ =	swait.ge [sflag:s23], $0x1  }
0xa3: {  	[sflag:s23] =	ssyncset.done $0x0  }
0xa4: {  	s25 =	simm.s32 $0x1B8E;
	s24 =	sld [smem:$0x3FFE];
	[sflag:s23] =	ssyncadd.s32 $0xFFFFFFFF  }
0xa5: {  	s26 =	simm.s32 $execute0_lowered;
	[smem:$0x3FD2] =	sst s25  }
0xa6: {  	s5 =	sshll.u32 s26, $0x1;
	_ =	strace $0x80000049;
	[dreg:$0x1] =	wrdreg $0xFFFFFFFF  }
0xa7: {  	s28 =	simm.s32 $_size_execute0_lowered;
	s3 =	sadd.s32 s3, s5;
	[dreg:$0x0] =	wrdreg $0x0  }
0xa8: {  	s5 =	sshll.u32 s28, $0x1;
	[dreg:$0x2] =	wrdreg s3  }
0xa9: {  	[dreg:$0x3] =	wrdreg s5  }
0xaa: {  	[dreg:$0x4] =	wrdreg $0xC0  }
0xab: {  	_ =	task [dreg:s7], $0x5FFFF  }
0xac: {  	[dreg:$0x1] =	wrdreg $0xFFFFFFFF  }
0xad: {  	[dreg:$0x0] =	wrdreg $0x60  }
0xae: {  	[dreg:$0x2] =	wrdreg s24  }
0xaf: {  	[dreg:$0x3] =	wrdreg s2  }
0xb0: {  	[dreg:$0x4] =	wrdreg $0x9  }
0xb1: {  	_ =	task.clear_ibuf [dreg:s7], $0x5FFFF;
	_ =	strace $0x90000049  }
0xb2: {  	s29 =	simm.s32 $0x9;
	_ =	strace $0x8000004B  }
0xb3: {  	_ =	swait.ge [sflag:s29], $0x1  }
0xb4: {  	[sflag:s29] =	ssyncadd.s32 $0xFFFFFFFF  }
0xb5: {  	_ =	strace $0x9000004B  }
0xb6: {  	_ =	sfence  }
0xb7: {  	s30 =	sld [smem:$0x0];
	_ =	sdelay $0x2  }
0xb8: {  	s31 =	sshll.u32 s1, $0xD;
	s1 =	sshrl.u32 s1, $0x2  }
0xb9: {  	s3 =	sand.u32 $0x4000, s31;
	s1 =	sadd.s32 s1, s30  }
0xba: {  	s0 =	sor.u32 s3, s0;
	s1 =	sshll.u32 s1, $0x11  }
0xbb: {  	s0 =	sor.u32 s1, s0  }
0xbc: {  	s0 =	sadd.s32 $0x8F2B, s0  }
0xbd: {  	[sflag:s0] =	ssyncadd.remote.s32 $0x1  }
0xbe: {  	_ =	sfence.sel $0xFFFF  }
0xbf: {  	[dreg:$0x0] =	wrdreg $0xFFFFFFFF;
	(pc) =	sbr.abs _section_cstart, $3  }
0xc0: {  	[dreg:$0x1] =	wrdreg $0xFFFFFFFF  }
0xc1: {  	_ =	task.clear_ibuf [dreg:s7], $0x2FFFF;
	_ =	strace $0x9FFFFFFF  }
0xc2: {  	(tm) =	ssettm $0x7FFFFFFF  }
0xc3: {  	_ =	shalt  }
tec
execute0_lowered:
.L_overlay_start_1:
0x0: {  	(tag) =	ssettag $0x1  }
0x1: {  	s0 =	rddreg [dreg:$0x0];
	s2 =	srdreg.scid  }
0x2: {  	s3 =	stileid.u32;
	s1 =	rddreg [dreg:$0x1];
	p0 =	por $0x0, $0x0  }
0x3: {  	s31 =	simm.s32 $0x6;
	s6 =	sand.u32 $0x1, s2;
	s3 =	sshll.u32 s3, $0x1  }
0x4: {  	s2 =	simm.s32 $0x0;
	s11 =	sadd.s32 $0x3D1800, s0;
	s7 =	sor.u32 s6, s3  }
0x5: {  	[smem:$0x7FF] =	sst s2;
	s3 =	sadd.s32 $0xE00, s0;
	s5 =	smul.u32 $0x6400, s7  }
0x6: {  	s6 =	ssub.s32 $0x2, s6;
	_ =	strace $0x8000004A;
	s7 =	smul.u32 $0x19000, s7  }
0x7: {  	s23 =	sshrl.u32 s5, $0x3;
	s8 =	sadd.s32 $0x640, s5;
	s25 =	sadd.s32 $0xC80, s5  }
0x8: {  	s26 =	sadd.s32 s1, s7;
	s14 =	sadd.s32 $0x12C0, s5;
	s17 =	sadd.s32 $0x1900, s5  }
0x9: {  	s22 =	sadd.s32 $0x1F40, s5;
	s0 =	sadd.s32 s11, s23;
	s9 =	sshrl.u32 s8, $0x3  }
0xa: {  	s4 =	sshrl.u32 s25, $0x3;
	[dreg:$0x5] =	wrdreg s26;
	s12 =	sshll.u32 s8, $0x2  }
0xb: {  	s15 =	sshrl.u32 s14, $0x3;
	s16 =	sshll.u32 s25, $0x2;
	s19 =	sshrl.u32 s17, $0x3  }
0xc: {  	s7 =	sshll.u32 s14, $0x2;
	[dreg:$0x3] =	wrdreg s0;
	s24 =	sadd.s32 s11, s9  }
0xd: {  	s23 =	sshrl.u32 s6, $0x1;
	s10 =	sadd.s32 s11, s4;
	[dreg:$0x4] =	wrdreg s24  }
0xe: {  	s14 =	sadd.s32 $0x3200, s5;
	s13 =	sadd.s32 s1, s12;
	[dreg:$0x6] =	wrdreg s10  }
0xf: {  	s0 =	sadd.s32 s11, s15;
	s18 =	sadd.s32 s1, s16;
	[dreg:$0x7] =	wrdreg s13  }
0x10: {  	s20 =	sadd.s32 s11, s19;
	s21 =	sadd.s32 s1, s7;
	[dreg:$0x8] =	wrdreg s0  }
0x11: {  	s9 =	sshll.u32 s17, $0x2;
	s7 =	sshll.u32 s22, $0x2;
	[dreg:$0x9] =	wrdreg s18  }
0x12: {  	s6 =	ssub.s32 s6, s23;
	s15 =	sshrl.u32 s14, $0x3;
	[dreg:$0xa] =	wrdreg s20  }
0x13: {  	s17 =	sadd.s32 $0x3840, s5;
	s19 =	sshll.u32 s14, $0x2;
	[dreg:$0xb] =	wrdreg s21  }
0x14: {  	s24 =	sshrl.u32 s22, $0x3;
	s10 =	sadd.s32 $0x2580, s5;
	s25 =	sadd.s32 s1, s9  }
0x15: {  	s7 =	sadd.s32 s1, s7;
	s9 =	sadd.s32 $0x2BC0, s5;
	s18 =	sshrl.u32 s17, $0x3  }
0x16: {  	s20 =	sadd.s32 $0x3E80, s5;
	s22 =	sadd.s32 $0x44C0, s5;
	[dreg:$0xd] =	wrdreg s25  }
0x17: {  	s0 =	sadd.s32 s11, s24;
	s26 =	sshrl.u32 s10, $0x3;
	[dreg:$0xf] =	wrdreg s7  }
0x18: {  	s12 =	sshrl.u32 s9, $0x3;
	s13 =	sshll.u32 s10, $0x2;
	s16 =	sshll.u32 s9, $0x2  }
0x19: {  	s29 =	sadd.s32 s11, s18;
	s25 =	sadd.s32 s1, s19;
	s21 =	sshrl.u32 s20, $0x3  }
0x1a: {  	s7 =	sshll.u32 s17, $0x2;
	s8 =	sshrl.u32 s22, $0x3;
	s10 =	sadd.s32 $0x4B00, s5  }
0x1b: {  	s17 =	sadd.s32 $0x5780, s5;
	s9 =	simm.s32 $0xD480;
	[dreg:$0xc] =	wrdreg s0  }
0x1c: {  	s4 =	sadd.s32 s11, s26;
	s0 =	sadd.s32 s11, s12;
	s30 =	sadd.s32 s1, s13  }
0x1d: {  	s28 =	sadd.s32 s1, s16;
	s26 =	sadd.s32 s11, s21;
	s23 =	sadd.s32 s1, s7  }
0x1e: {  	s24 =	sadd.s32 s11, s8;
	s12 =	sshrl.u32 s10, $0x3;
	s13 =	sshll.u32 s22, $0x2  }
0x1f: {  	s7 =	sshll.u32 s10, $0x2;
	s8 =	sadd.s32 $0x5DC0, s5;
	[dreg:$0xe] =	wrdreg s4  }
0x20: {  	[dreg:$0x10] =	wrdreg s0;
	s4 =	sadd.s32 s11, s15;
	s0 =	sshll.u32 s20, $0x2  }
0x21: {  	s22 =	sadd.s32 s11, s12;
	s14 =	sadd.s32 s1, s13;
	s15 =	sadd.s32 $0x5140, s5  }
0x22: {  	s20 =	sshrl.u32 s17, $0x3;
	s10 =	sshrl.u32 s8, $0x3;
	s13 =	sshll.u32 s17, $0x2  }
0x23: {  	s17 =	smax.u32 s6, $0x1;
	s21 =	sadd.s32 s1, s0;
	[dreg:$0x12] =	wrdreg s14  }
0x24: {  	s16 =	sshrl.u32 s15, $0x3;
	s18 =	sadd.s32 s11, s20;
	s0 =	sshll.u32 s15, $0x2  }
0x25: {  	s15 =	sadd.s32 s11, s10;
	s10 =	sadd.s32 s1, s13;
	p1 =	sne.s32 s17, $0x1  }
.Ltmp0:
0x26: {  	s14 =	sshll.u32 s8, $0x2;
	s20 =	simm.s32 $0x1;
	(pc) =	sbr.rel @!p1 .LBB2_3-.Ltmp0, $4  }
0x27: {  	s6 =	sadd.s32 $0xFFFFFFFF, s17;
	s17 =	simm.s32 $0x2;
	s8 =	simm.s32 $0x5  }
0x28: {  	s13 =	simm.s32 $0x4;
	s19 =	sadd.s32 s11, s16;
	s16 =	sadd.s32 s1, s7  }
0x29: {  	s12 =	sadd.s32 s1, s0;
	s5 =	sadd.s32 s1, s14;
	s11 =	simm.s32 $0x640  }
0x2a: {  	s7 =	simm.s32 $0xC80;
	s14 =	simm.s32 $0x3;
	s0 =	rddreg [dreg:$0x3]  }
0x2b: {  	[tilespmem:s2], [sflag:$0x1] =	stream.linear.gather [hbm4b:s0+s2], $0x640, $0x38;
	[tilespmem:$0x19C80] =	vst v63  }
0x2c: {  	s1 =	rddreg [dreg:$0x4]  }
0x2d: {  	[tilespmem:s11], [sflag:$0x2] =	stream.linear.gather [hbm4b:s1+s2], $0x640, $0x38;
	[tilespmem:$0x19C80] =	vst v63  }
0x2e: {  	_ =	swait.ge [sflag:s20], $0x640  }
0x2f: {  	[sflag:s20] =	ssyncset.done $0x0  }
0x30: {  	[sflag:s20] =	ssyncadd.s32 $0xFFFFF9C0  }
0x31: {  	[tilespmem:s7], [sflag:$0x3] =	stream.indirect.gather [hbm4b:s3+s11], $0x20, s2, s11, $0xb8;
	[tilespmem:$0x19C80] =	vst v63  }
0x32: {  	_ =	swait.ge [sflag:s17], $0x640  }
0x33: {  	[sflag:s17] =	ssyncset.done $0x0  }
0x34: {  	[sflag:s17] =	ssyncadd.s32 $0xFFFFF9C0  }
0x35: {  	[tilespmem:s9], [sflag:$0x4] =	stream.indirect.gather [hbm4b:s3+s11], $0x20, s11, s11, $0xb8;
	[tilespmem:$0x19C80] =	vst v63  }
0x36: {  	_ =	swait.ge [sflag:s14], $0xC800  }
0x37: {  	[sflag:s14] =	ssyncset.done $0x0  }
0x38: {  	s0 =	rddreg [dreg:$0x5];
	[sflag:s14] =	ssyncadd.s32 $0xFFFF3800  }
0x39: {  	[hbm4b:s0+s2] =	stream.linear.scatter [tilespmem:s7], [sflag:$0x5], $0xC800, $0x38;
	[tilespmem:$0x19C80] =	vst v63  }
0x3a: {  	s1 =	rddreg [dreg:$0x6]  }
0x3b: {  	[tilespmem:s2], [sflag:$0x1] =	stream.linear.gather [hbm4b:s1+s2], $0x640, $0x38;
	[tilespmem:$0x19C80] =	vst v63  }
0x3c: {  	_ =	swait.ge [sflag:s20], $0x640  }
0x3d: {  	[sflag:s20] =	ssyncset.done $0x0  }
0x3e: {  	[sflag:s20] =	ssyncadd.s32 $0xFFFFF9C0  }
0x3f: {  	_ =	swait.ge [sflag:s8], $0xC800  }
0x40: {  	[sflag:s8] =	ssyncset.done $0x0  }
0x41: {  	[sflag:s8] =	ssyncadd.s32 $0xFFFF3800  }
0x42: {  	[tilespmem:s7], [sflag:$0x3] =	stream.indirect.gather [hbm4b:s3+s11], $0x20, s2, s11, $0xb8;
	[tilespmem:$0x19C80] =	vst v63  }
0x43: {  	_ =	swait.ge [sflag:s13], $0xC800  }
0x44: {  	[sflag:s13] =	ssyncset.done $0x0  }
0x45: {  	s0 =	rddreg [dreg:$0x7];
	[sflag:s13] =	ssyncadd.s32 $0xFFFF3800  }
0x46: {  	[hbm4b:s0+s2] =	stream.linear.scatter [tilespmem:s9], [sflag:$0x6], $0xC800, $0x38;
	[tilespmem:$0x19C80] =	vst v63  }
0x47: {  	s1 =	rddreg [dreg:$0x8]  }
0x48: {  	[tilespmem:s11], [sflag:$0x2] =	stream.linear.gather [hbm4b:s1+s2], $0x640, $0x38;
	[tilespmem:$0x19C80] =	vst v63  }
0x49: {  	_ =	swait.ge [sflag:s17], $0x640  }
0x4a: {  	[sflag:s17] =	ssyncset.done $0x0  }
0x4b: {  	[sflag:s17] =	ssyncadd.s32 $0xFFFFF9C0  }
0x4c: {  	_ =	swait.ge [sflag:s31], $0xC800  }
0x4d: {  	[sflag:s31] =	ssyncset.done $0x0  }
0x4e: {  	[sflag:s31] =	ssyncadd.s32 $0xFFFF3800  }
0x4f: {  	[tilespmem:s9], [sflag:$0x4] =	stream.indirect.gather [hbm4b:s3+s11], $0x20, s11, s11, $0xb8;
	[tilespmem:$0x19C80] =	vst v63  }
0x50: {  	_ =	swait.ge [sflag:s14], $0xC800  }
0x51: {  	[sflag:s14] =	ssyncset.done $0x0  }
0x52: {  	s0 =	rddreg [dreg:$0x9];
	[sflag:s14] =	ssyncadd.s32 $0xFFFF3800  }
0x53: {  	[hbm4b:s0+s2] =	stream.linear.scatter [tilespmem:s7], [sflag:$0x5], $0xC800, $0x38;
	[tilespmem:$0x19C80] =	vst v63  }
0x54: {  	s1 =	rddreg [dreg:$0xa]  }
0x55: {  	[tilespmem:s2], [sflag:$0x1] =	stream.linear.gather [hbm4b:s1+s2], $0x640, $0x38;
	[tilespmem:$0x19C80] =	vst v63  }
0x56: {  	_ =	swait.ge [sflag:s20], $0x640  }
0x57: {  	[sflag:s20] =	ssyncset.done $0x0  }
0x58: {  	[sflag:s20] =	ssyncadd.s32 $0xFFFFF9C0  }
0x59: {  	_ =	swait.ge [sflag:s8], $0xC800  }
0x5a: {  	[sflag:s8] =	ssyncset.done $0x0  }
0x5b: {  	[sflag:s8] =	ssyncadd.s32 $0xFFFF3800  }
0x5c: {  	[tilespmem:s7], [sflag:$0x3] =	stream.indirect.gather [hbm4b:s3+s11], $0x20, s2, s11, $0xb8;
	[tilespmem:$0x19C80] =	vst v63  }
0x5d: {  	_ =	swait.ge [sflag:s13], $0xC800  }
0x5e: {  	[sflag:s13] =	ssyncset.done $0x0  }
0x5f: {  	s0 =	rddreg [dreg:$0xb];
	[sflag:s13] =	ssyncadd.s32 $0xFFFF3800  }
0x60: {  	[hbm4b:s0+s2] =	stream.linear.scatter [tilespmem:s9], [sflag:$0x6], $0xC800, $0x38;
	[tilespmem:$0x19C80] =	vst v63  }
0x61: {  	s1 =	rddreg [dreg:$0xc]  }
0x62: {  	[tilespmem:s11], [sflag:$0x2] =	stream.linear.gather [hbm4b:s1+s2], $0x640, $0x38;
	[tilespmem:$0x19C80] =	vst v63  }
0x63: {  	_ =	swait.ge [sflag:s17], $0x640  }
0x64: {  	[sflag:s17] =	ssyncset.done $0x0  }
0x65: {  	[sflag:s17] =	ssyncadd.s32 $0xFFFFF9C0  }
0x66: {  	_ =	swait.ge [sflag:s31], $0xC800  }
0x67: {  	[sflag:s31] =	ssyncset.done $0x0  }
0x68: {  	[sflag:s31] =	ssyncadd.s32 $0xFFFF3800  }
0x69: {  	[tilespmem:s9], [sflag:$0x4] =	stream.indirect.gather [hbm4b:s3+s11], $0x20, s11, s11, $0xb8;
	[tilespmem:$0x19C80] =	vst v63  }
0x6a: {  	_ =	swait.ge [sflag:s14], $0xC800  }
0x6b: {  	[sflag:s14] =	ssyncset.done $0x0  }
0x6c: {  	s0 =	rddreg [dreg:$0xd];
	[sflag:s14] =	ssyncadd.s32 $0xFFFF3800  }
0x6d: {  	[hbm4b:s0+s2] =	stream.linear.scatter [tilespmem:s7], [sflag:$0x5], $0xC800, $0x38;
	[tilespmem:$0x19C80] =	vst v63  }
0x6e: {  	s1 =	rddreg [dreg:$0xe]  }
0x6f: {  	[tilespmem:s2], [sflag:$0x1] =	stream.linear.gather [hbm4b:s1+s2], $0x640, $0x38;
	[tilespmem:$0x19C80] =	vst v63  }
0x70: {  	_ =	swait.ge [sflag:s20], $0x640  }
0x71: {  	[sflag:s20] =	ssyncset.done $0x0  }
0x72: {  	[sflag:s20] =	ssyncadd.s32 $0xFFFFF9C0  }
0x73: {  	_ =	swait.ge [sflag:s8], $0xC800  }
0x74: {  	[sflag:s8] =	ssyncset.done $0x0  }
0x75: {  	[sflag:s8] =	ssyncadd.s32 $0xFFFF3800  }
0x76: {  	[tilespmem:s7], [sflag:$0x3] =	stream.indirect.gather [hbm4b:s3+s11], $0x20, s2, s11, $0xb8;
	[tilespmem:$0x19C80] =	vst v63  }
0x77: {  	_ =	swait.ge [sflag:s13], $0xC800  }
0x78: {  	[sflag:s13] =	ssyncset.done $0x0  }
0x79: {  	s0 =	rddreg [dreg:$0xf];
	[sflag:s13] =	ssyncadd.s32 $0xFFFF3800  }
0x7a: {  	[hbm4b:s0+s2] =	stream.linear.scatter [tilespmem:s9], [sflag:$0x6], $0xC800, $0x38;
	[tilespmem:$0x19C80] =	vst v63  }
0x7b: {  	s1 =	rddreg [dreg:$0x10]  }
0x7c: {  	[tilespmem:s11], [sflag:$0x2] =	stream.linear.gather [hbm4b:s1+s2], $0x640, $0x38;
	[tilespmem:$0x19C80] =	vst v63  }
0x7d: {  	_ =	swait.ge [sflag:s17], $0x640  }
0x7e: {  	[sflag:s17] =	ssyncset.done $0x0  }
0x7f: {  	[sflag:s17] =	ssyncadd.s32 $0xFFFFF9C0  }
0x80: {  	_ =	swait.ge [sflag:s31], $0xC800  }
0x81: {  	[sflag:s31] =	ssyncset.done $0x0  }
0x82: {  	[sflag:s31] =	ssyncadd.s32 $0xFFFF3800  }
0x83: {  	[tilespmem:s9], [sflag:$0x4] =	stream.indirect.gather [hbm4b:s3+s11], $0x20, s11, s11, $0xb8;
	[tilespmem:$0x19C80] =	vst v63  }
0x84: {  	_ =	swait.ge [sflag:s14], $0xC800  }
0x85: {  	[sflag:s14] =	ssyncset.done $0x0  }
0x86: {  	[sflag:s14] =	ssyncadd.s32 $0xFFFF3800  }
0x87: {  	[hbm4b:s30+s2] =	stream.linear.scatter [tilespmem:s7], [sflag:$0x5], $0xC800, $0x38;
	[tilespmem:$0x19C80] =	vst v63  }
0x88: {  	_ = 	snop  }
0x89: {  	[tilespmem:s2], [sflag:$0x1] =	stream.linear.gather [hbm4b:s4+s2], $0x640, $0x38;
	[tilespmem:$0x19C80] =	vst v63  }
0x8a: {  	_ =	swait.ge [sflag:s20], $0x640  }
0x8b: {  	[sflag:s20] =	ssyncset.done $0x0  }
0x8c: {  	[sflag:s20] =	ssyncadd.s32 $0xFFFFF9C0  }
0x8d: {  	_ =	swait.ge [sflag:s8], $0xC800  }
0x8e: {  	[sflag:s8] =	ssyncset.done $0x0  }
0x8f: {  	[sflag:s8] =	ssyncadd.s32 $0xFFFF3800  }
0x90: {  	[tilespmem:s7], [sflag:$0x3] =	stream.indirect.gather [hbm4b:s3+s11], $0x20, s2, s11, $0xb8;
	[tilespmem:$0x19C80] =	vst v63  }
0x91: {  	_ =	swait.ge [sflag:s13], $0xC800  }
0x92: {  	[sflag:s13] =	ssyncset.done $0x0  }
0x93: {  	[sflag:s13] =	ssyncadd.s32 $0xFFFF3800  }
0x94: {  	[hbm4b:s28+s2] =	stream.linear.scatter [tilespmem:s9], [sflag:$0x6], $0xC800, $0x38;
	[tilespmem:$0x19C80] =	vst v63  }
0x95: {  	_ = 	snop  }
0x96: {  	[tilespmem:s11], [sflag:$0x2] =	stream.linear.gather [hbm4b:s29+s2], $0x640, $0x38;
	[tilespmem:$0x19C80] =	vst v63  }
0x97: {  	_ =	swait.ge [sflag:s17], $0x640  }
0x98: {  	[sflag:s17] =	ssyncset.done $0x0  }
0x99: {  	[sflag:s17] =	ssyncadd.s32 $0xFFFFF9C0  }
0x9a: {  	_ =	swait.ge [sflag:s31], $0xC800  }
0x9b: {  	[sflag:s31] =	ssyncset.done $0x0  }
0x9c: {  	[sflag:s31] =	ssyncadd.s32 $0xFFFF3800  }
0x9d: {  	[tilespmem:s9], [sflag:$0x4] =	stream.indirect.gather [hbm4b:s3+s11], $0x20, s11, s11, $0xb8;
	[tilespmem:$0x19C80] =	vst v63  }
0x9e: {  	_ =	swait.ge [sflag:s14], $0xC800  }
0x9f: {  	[sflag:s14] =	ssyncset.done $0x0  }
0xa0: {  	[sflag:s14] =	ssyncadd.s32 $0xFFFF3800  }
0xa1: {  	[hbm4b:s25+s2] =	stream.linear.scatter [tilespmem:s7], [sflag:$0x5], $0xC800, $0x38;
	[tilespmem:$0x19C80] =	vst v63  }
0xa2: {  	_ = 	snop  }
0xa3: {  	[tilespmem:s2], [sflag:$0x1] =	stream.linear.gather [hbm4b:s26+s2], $0x640, $0x38;
	[tilespmem:$0x19C80] =	vst v63  }
0xa4: {  	_ =	swait.ge [sflag:s20], $0x640  }
0xa5: {  	[sflag:s20] =	ssyncset.done $0x0  }
0xa6: {  	[sflag:s20] =	ssyncadd.s32 $0xFFFFF9C0  }
0xa7: {  	_ =	swait.ge [sflag:s8], $0xC800  }
0xa8: {  	[sflag:s8] =	ssyncset.done $0x0  }
0xa9: {  	[sflag:s8] =	ssyncadd.s32 $0xFFFF3800  }
0xaa: {  	[tilespmem:s7], [sflag:$0x3] =	stream.indirect.gather [hbm4b:s3+s11], $0x20, s2, s11, $0xb8;
	[tilespmem:$0x19C80] =	vst v63  }
0xab: {  	_ =	swait.ge [sflag:s13], $0xC800  }
0xac: {  	[sflag:s13] =	ssyncset.done $0x0  }
0xad: {  	[sflag:s13] =	ssyncadd.s32 $0xFFFF3800  }
0xae: {  	[hbm4b:s23+s2] =	stream.linear.scatter [tilespmem:s9], [sflag:$0x6], $0xC800, $0x38;
	[tilespmem:$0x19C80] =	vst v63  }
0xaf: {  	_ = 	snop  }
0xb0: {  	[tilespmem:s11], [sflag:$0x2] =	stream.linear.gather [hbm4b:s24+s2], $0x640, $0x38;
	[tilespmem:$0x19C80] =	vst v63  }
0xb1: {  	_ =	swait.ge [sflag:s17], $0x640  }
0xb2: {  	[sflag:s17] =	ssyncset.done $0x0  }
0xb3: {  	[sflag:s17] =	ssyncadd.s32 $0xFFFFF9C0  }
0xb4: {  	_ =	swait.ge [sflag:s31], $0xC800  }
0xb5: {  	[sflag:s31] =	ssyncset.done $0x0  }
0xb6: {  	[sflag:s31] =	ssyncadd.s32 $0xFFFF3800  }
0xb7: {  	[tilespmem:s9], [sflag:$0x4] =	stream.indirect.gather [hbm4b:s3+s11], $0x20, s11, s11, $0xb8;
	[tilespmem:$0x19C80] =	vst v63  }
0xb8: {  	_ =	swait.ge [sflag:s14], $0xC800  }
0xb9: {  	[sflag:s14] =	ssyncset.done $0x0  }
0xba: {  	[sflag:s14] =	ssyncadd.s32 $0xFFFF3800  }
0xbb: {  	[hbm4b:s21+s2] =	stream.linear.scatter [tilespmem:s7], [sflag:$0x5], $0xC800, $0x38;
	[tilespmem:$0x19C80] =	vst v63  }
0xbc: {  	_ = 	snop  }
0xbd: {  	[tilespmem:s2], [sflag:$0x1] =	stream.linear.gather [hbm4b:s22+s2], $0x640, $0x38;
	[tilespmem:$0x19C80] =	vst v63  }
0xbe: {  	_ =	swait.ge [sflag:s20], $0x640  }
0xbf: {  	[sflag:s20] =	ssyncset.done $0x0  }
0xc0: {  	[sflag:s20] =	ssyncadd.s32 $0xFFFFF9C0  }
0xc1: {  	_ =	swait.ge [sflag:s8], $0xC800  }
0xc2: {  	[sflag:s8] =	ssyncset.done $0x0  }
0xc3: {  	[sflag:s8] =	ssyncadd.s32 $0xFFFF3800  }
0xc4: {  	[tilespmem:s7], [sflag:$0x3] =	stream.indirect.gather [hbm4b:s3+s11], $0x20, s2, s11, $0xb8;
	[tilespmem:$0x19C80] =	vst v63  }
0xc5: {  	_ =	swait.ge [sflag:s13], $0xC800  }
0xc6: {  	[sflag:s13] =	ssyncset.done $0x0  }
0xc7: {  	s1 =	rddreg [dreg:$0x12];
	[sflag:s13] =	ssyncadd.s32 $0xFFFF3800  }
0xc8: {  	[hbm4b:s1+s2] =	stream.linear.scatter [tilespmem:s9], [sflag:$0x6], $0xC800, $0x38;
	[tilespmem:$0x19C80] =	vst v63  }
0xc9: {  	_ = 	snop  }
0xca: {  	[tilespmem:s11], [sflag:$0x2] =	stream.linear.gather [hbm4b:s19+s2], $0x640, $0x38;
	[tilespmem:$0x19C80] =	vst v63  }
0xcb: {  	_ =	swait.ge [sflag:s17], $0x640  }
0xcc: {  	[sflag:s17] =	ssyncset.done $0x0  }
0xcd: {  	[sflag:s17] =	ssyncadd.s32 $0xFFFFF9C0  }
0xce: {  	_ =	swait.ge [sflag:s31], $0xC800  }
0xcf: {  	[sflag:s31] =	ssyncset.done $0x0  }
0xd0: {  	[sflag:s31] =	ssyncadd.s32 $0xFFFF3800  }
0xd1: {  	[tilespmem:s9], [sflag:$0x4] =	stream.indirect.gather [hbm4b:s3+s11], $0x20, s11, s11, $0xb8;
	[tilespmem:$0x19C80] =	vst v63  }
0xd2: {  	_ =	swait.ge [sflag:s14], $0xC800  }
0xd3: {  	[sflag:s14] =	ssyncset.done $0x0  }
0xd4: {  	[sflag:s14] =	ssyncadd.s32 $0xFFFF3800  }
0xd5: {  	[hbm4b:s16+s2] =	stream.linear.scatter [tilespmem:s7], [sflag:$0x5], $0xC800, $0x38;
	[tilespmem:$0x19C80] =	vst v63  }
0xd6: {  	_ = 	snop  }
0xd7: {  	[tilespmem:s2], [sflag:$0x1] =	stream.linear.gather [hbm4b:s18+s2], $0x640, $0x38;
	[tilespmem:$0x19C80] =	vst v63  }
0xd8: {  	_ =	swait.ge [sflag:s20], $0x640  }
0xd9: {  	[sflag:s20] =	ssyncset.done $0x0  }
0xda: {  	[sflag:s20] =	ssyncadd.s32 $0xFFFFF9C0  }
0xdb: {  	_ =	swait.ge [sflag:s8], $0xC800  }
0xdc: {  	[sflag:s8] =	ssyncset.done $0x0  }
0xdd: {  	[sflag:s8] =	ssyncadd.s32 $0xFFFF3800  }
0xde: {  	[tilespmem:s7], [sflag:$0x3] =	stream.indirect.gather [hbm4b:s3+s11], $0x20, s2, s11, $0xb8;
	[tilespmem:$0x19C80] =	vst v63  }
0xdf: {  	_ =	swait.ge [sflag:s13], $0xC800  }
0xe0: {  	[sflag:s13] =	ssyncset.done $0x0  }
0xe1: {  	[sflag:s13] =	ssyncadd.s32 $0xFFFF3800  }
0xe2: {  	[hbm4b:s12+s2] =	stream.linear.scatter [tilespmem:s9], [sflag:$0x6], $0xC800, $0x38;
	[tilespmem:$0x19C80] =	vst v63  }
0xe3: {  	_ = 	snop  }
0xe4: {  	[tilespmem:s11], [sflag:$0x2] =	stream.linear.gather [hbm4b:s15+s2], $0x640, $0x38;
	[tilespmem:$0x19C80] =	vst v63  }
0xe5: {  	_ =	swait.ge [sflag:s17], $0x640  }
0xe6: {  	[sflag:s17] =	ssyncset.done $0x0  }
0xe7: {  	[sflag:s17] =	ssyncadd.s32 $0xFFFFF9C0  }
0xe8: {  	_ =	swait.ge [sflag:s31], $0xC800  }
0xe9: {  	[sflag:s31] =	ssyncset.done $0x0  }
0xea: {  	[sflag:s31] =	ssyncadd.s32 $0xFFFF3800  }
0xeb: {  	[tilespmem:s9], [sflag:$0x4] =	stream.indirect.gather [hbm4b:s3+s11], $0x20, s11, s11, $0xb8;
	[tilespmem:$0x19C80] =	vst v63  }
0xec: {  	_ =	swait.ge [sflag:s14], $0xC800  }
0xed: {  	[sflag:s14] =	ssyncset.done $0x0  }
0xee: {  	[sflag:s14] =	ssyncadd.s32 $0xFFFF3800  }
0xef: {  	[hbm4b:s10+s2] =	stream.linear.scatter [tilespmem:s7], [sflag:$0x5], $0xC800, $0x38;
	[tilespmem:$0x19C80] =	vst v63  }
0xf0: {  	_ =	swait.ge [sflag:s13], $0xC800  }
0xf1: {  	[sflag:s13] =	ssyncset.done $0x0  }
0xf2: {  	p1 =	sne.s32 s6, $0x1;
	[sflag:s13] =	ssyncadd.s32 $0xFFFF3800  }
0xf3: {  	[hbm4b:s5+s2] =	stream.linear.scatter [tilespmem:s9], [sflag:$0x6], $0xC800, $0x38;
	[tilespmem:$0x19C80] =	vst v63  }
.Ltmp1:
0xf4: {  	_ =	swait.ge [sflag:s8], $0xC800;
	(pc) =	sbr.rel @!p1 .LBB2_3-.Ltmp1, $4  }
0xf5: {  	[sflag:s8] =	ssyncset.done $0x0  }
0xf6: {  	[sflag:s8] =	ssyncadd.s32 $0xFFFF3800  }
0xf7: {  	p0 =	por $0x1, $0x1;
	_ =	swait.ge [sflag:s31], $0xC800;
	[dreg:$0x11] =	wrdreg s4  }
0xf8: {  	s1 =	sadd.s32 $0xFFFFFFFF, s6;
	s0 =	rddreg [dreg:$0x3];
	[sflag:s31] =	ssyncset.done $0x0  }
.LBB2_2:
0xf9: {  	[sflag:s31] =	ssyncadd.s32 $0xFFFF3800  }
0xfa: {  	[tilespmem:s2], [sflag:$0x1] =	stream.linear.gather [hbm4b:s0+s2], $0x640, $0x38;
	[tilespmem:$0x19C80] =	vst v63  }
0xfb: {  	s4 =	rddreg [dreg:$0x4]  }
0xfc: {  	[tilespmem:s11], [sflag:$0x2] =	stream.linear.gather [hbm4b:s4+s2], $0x640, $0x38;
	[tilespmem:$0x19C80] =	vst v63  }
0xfd: {  	_ =	swait.ge [sflag:s20], $0x640  }
0xfe: {  	[sflag:s20] =	ssyncset.done $0x0  }
0xff: {  	s9 =	simm.s32 $0xC80;
	[sflag:s20] =	ssyncadd.s32 $0xFFFFF9C0  }
0x100: {  	[tilespmem:s9], [sflag:$0x3] =	stream.indirect.gather [hbm4b:s3+s11], $0x20, s2, s11, $0xb8;
	[tilespmem:$0x19C80] =	vst v63  }
0x101: {  	_ =	swait.ge [sflag:s17], $0x640  }
0x102: {  	[sflag:s17] =	ssyncset.done $0x0  }
0x103: {  	s6 =	simm.s32 $0xD480;
	s7 =	smov.u32 s30;
	[sflag:s17] =	ssyncadd.s32 $0xFFFFF9C0  }
0x104: {  	[tilespmem:s6], [sflag:$0x4] =	stream.indirect.gather [hbm4b:s3+s11], $0x20, s11, s11, $0xb8;
	[tilespmem:$0x19C80] =	vst v63  }
0x105: {  	s30 =	smov.u32 s29;
	s29 =	smov.u32 s28;
	_ =	swait.ge [sflag:s14], $0xC800  }
0x106: {  	s28 =	smov.u32 s26;
	s26 =	smov.u32 s25;
	[sflag:s14] =	ssyncset.done $0x0  }
0x107: {  	s25 =	smov.u32 s24;
	s4 =	rddreg [dreg:$0x5];
	[sflag:s14] =	ssyncadd.s32 $0xFFFF3800  }
0x108: {  	[hbm4b:s4+s2] =	stream.linear.scatter [tilespmem:s9], [sflag:$0x5], $0xC800, $0x38;
	[tilespmem:$0x19C80] =	vst v63  }
0x109: {  	s24 =	smov.u32 s23;
	s23 =	smov.u32 s22;
	s22 =	rddreg [dreg:$0x6]  }
0x10a: {  	[tilespmem:s2], [sflag:$0x1] =	stream.linear.gather [hbm4b:s22+s2], $0x640, $0x38;
	[tilespmem:$0x19C80] =	vst v63  }
0x10b: {  	_ =	swait.ge [sflag:s20], $0x640  }
0x10c: {  	[sflag:s20] =	ssyncset.done $0x0  }
0x10d: {  	[sflag:s20] =	ssyncadd.s32 $0xFFFFF9C0  }
0x10e: {  	_ =	swait.ge [sflag:s8], $0xC800  }
0x10f: {  	[sflag:s8] =	ssyncset.done $0x0  }
0x110: {  	[sflag:s8] =	ssyncadd.s32 $0xFFFF3800  }
0x111: {  	[tilespmem:s9], [sflag:$0x3] =	stream.indirect.gather [hbm4b:s3+s11], $0x20, s2, s11, $0xb8;
	[tilespmem:$0x19C80] =	vst v63  }
0x112: {  	_ =	swait.ge [sflag:s13], $0xC800  }
0x113: {  	[sflag:s13] =	ssyncset.done $0x0  }
0x114: {  	s4 =	rddreg [dreg:$0x7];
	[sflag:s13] =	ssyncadd.s32 $0xFFFF3800  }
0x115: {  	[hbm4b:s4+s2] =	stream.linear.scatter [tilespmem:s6], [sflag:$0x6], $0xC800, $0x38;
	[tilespmem:$0x19C80] =	vst v63  }
0x116: {  	s22 =	rddreg [dreg:$0x8]  }
0x117: {  	[tilespmem:s11], [sflag:$0x2] =	stream.linear.gather [hbm4b:s22+s2], $0x640, $0x38;
	[tilespmem:$0x19C80] =	vst v63  }
0x118: {  	_ =	swait.ge [sflag:s17], $0x640  }
0x119: {  	[sflag:s17] =	ssyncset.done $0x0  }
0x11a: {  	[sflag:s17] =	ssyncadd.s32 $0xFFFFF9C0  }
0x11b: {  	_ =	swait.ge [sflag:s31], $0xC800  }
0x11c: {  	[sflag:s31] =	ssyncset.done $0x0  }
0x11d: {  	[sflag:s31] =	ssyncadd.s32 $0xFFFF3800  }
0x11e: {  	[tilespmem:s6], [sflag:$0x4] =	stream.indirect.gather [hbm4b:s3+s11], $0x20, s11, s11, $0xb8;
	[tilespmem:$0x19C80] =	vst v63  }
0x11f: {  	_ =	swait.ge [sflag:s14], $0xC800  }
0x120: {  	[sflag:s14] =	ssyncset.done $0x0  }
0x121: {  	s4 =	rddreg [dreg:$0x9];
	[sflag:s14] =	ssyncadd.s32 $0xFFFF3800  }
0x122: {  	[hbm4b:s4+s2] =	stream.linear.scatter [tilespmem:s9], [sflag:$0x5], $0xC800, $0x38;
	[tilespmem:$0x19C80] =	vst v63  }
0x123: {  	s22 =	rddreg [dreg:$0xa]  }
0x124: {  	[tilespmem:s2], [sflag:$0x1] =	stream.linear.gather [hbm4b:s22+s2], $0x640, $0x38;
	[tilespmem:$0x19C80] =	vst v63  }
0x125: {  	_ =	swait.ge [sflag:s20], $0x640  }
0x126: {  	[sflag:s20] =	ssyncset.done $0x0  }
0x127: {  	[sflag:s20] =	ssyncadd.s32 $0xFFFFF9C0  }
0x128: {  	_ =	swait.ge [sflag:s8], $0xC800  }
0x129: {  	[sflag:s8] =	ssyncset.done $0x0  }
0x12a: {  	[sflag:s8] =	ssyncadd.s32 $0xFFFF3800  }
0x12b: {  	[tilespmem:s9], [sflag:$0x3] =	stream.indirect.gather [hbm4b:s3+s11], $0x20, s2, s11, $0xb8;
	[tilespmem:$0x19C80] =	vst v63  }
0x12c: {  	_ =	swait.ge [sflag:s13], $0xC800  }
0x12d: {  	[sflag:s13] =	ssyncset.done $0x0  }
0x12e: {  	s4 =	rddreg [dreg:$0xb];
	[sflag:s13] =	ssyncadd.s32 $0xFFFF3800  }
0x12f: {  	[hbm4b:s4+s2] =	stream.linear.scatter [tilespmem:s6], [sflag:$0x6], $0xC800, $0x38;
	[tilespmem:$0x19C80] =	vst v63  }
0x130: {  	s22 =	rddreg [dreg:$0xc]  }
0x131: {  	[tilespmem:s11], [sflag:$0x2] =	stream.linear.gather [hbm4b:s22+s2], $0x640, $0x38;
	[tilespmem:$0x19C80] =	vst v63  }
0x132: {  	_ =	swait.ge [sflag:s17], $0x640  }
0x133: {  	[sflag:s17] =	ssyncset.done $0x0  }
0x134: {  	[sflag:s17] =	ssyncadd.s32 $0xFFFFF9C0  }
0x135: {  	_ =	swait.ge [sflag:s31], $0xC800  }
0x136: {  	[sflag:s31] =	ssyncset.done $0x0  }
0x137: {  	[sflag:s31] =	ssyncadd.s32 $0xFFFF3800  }
0x138: {  	[tilespmem:s6], [sflag:$0x4] =	stream.indirect.gather [hbm4b:s3+s11], $0x20, s11, s11, $0xb8;
	[tilespmem:$0x19C80] =	vst v63  }
0x139: {  	_ =	swait.ge [sflag:s14], $0xC800  }
0x13a: {  	[sflag:s14] =	ssyncset.done $0x0  }
0x13b: {  	s6 =	rddreg [dreg:$0xd];
	[sflag:s14] =	ssyncadd.s32 $0xFFFF3800  }
0x13c: {  	[hbm4b:s6+s2] =	stream.linear.scatter [tilespmem:s9], [sflag:$0x5], $0xC800, $0x38;
	[tilespmem:$0x19C80] =	vst v63  }
0x13d: {  	s22 =	rddreg [dreg:$0xe]  }
0x13e: {  	[tilespmem:s2], [sflag:$0x1] =	stream.linear.gather [hbm4b:s22+s2], $0x640, $0x38;
	[tilespmem:$0x19C80] =	vst v63  }
0x13f: {  	_ =	swait.ge [sflag:s20], $0x640  }
0x140: {  	[sflag:s20] =	ssyncset.done $0x0  }
0x141: {  	[sflag:s20] =	ssyncadd.s32 $0xFFFFF9C0  }
0x142: {  	_ =	swait.ge [sflag:s8], $0xC800  }
0x143: {  	[sflag:s8] =	ssyncset.done $0x0  }
0x144: {  	[sflag:s8] =	ssyncadd.s32 $0xFFFF3800  }
0x145: {  	[tilespmem:s9], [sflag:$0x3] =	stream.indirect.gather [hbm4b:s3+s11], $0x20, s2, s11, $0xb8;
	[tilespmem:$0x19C80] =	vst v63  }
0x146: {  	_ =	swait.ge [sflag:s13], $0xC800  }
0x147: {  	s4 =	rddreg [dreg:$0xf];
	[sflag:s13] =	ssyncset.done $0x0  }
0x148: {  	s9 =	simm.s32 $0xD480;
	s6 =	rddreg [dreg:$0x10];
	[sflag:s13] =	ssyncadd.s32 $0xFFFF3800  }
0x149: {  	[hbm4b:s4+s2] =	stream.linear.scatter [tilespmem:s9], [sflag:$0x6], $0xC800, $0x38;
	[tilespmem:$0x19C80] =	vst v63  }
0x14a: {  	s0 =	smov.u32 s5;
	s5 =	smov.u32 s10;
	s10 =	rddreg [dreg:$0x12]  }
0x14b: {  	[tilespmem:s11], [sflag:$0x2] =	stream.linear.gather [hbm4b:s6+s2], $0x640, $0x38;
	[tilespmem:$0x19C80] =	vst v63  }
0x14c: {  	s4 =	rddreg [dreg:$0x11];
	_ =	swait.ge [sflag:s17], $0x640  }
0x14d: {  	[sflag:s17] =	ssyncset.done $0x0  }
0x14e: {  	[sflag:s17] =	ssyncadd.s32 $0xFFFFF9C0  }
0x14f: {  	_ =	swait.ge [sflag:s31], $0xC800  }
0x150: {  	s22 =	smov.u32 s23;
	[sflag:s31] =	ssyncset.done $0x0  }
0x151: {  	s23 =	smov.u32 s24;
	s24 =	smov.u32 s25;
	[sflag:s31] =	ssyncadd.s32 $0xFFFF3800  }
0x152: {  	[tilespmem:s9], [sflag:$0x4] =	stream.indirect.gather [hbm4b:s3+s11], $0x20, s11, s11, $0xb8;
	[tilespmem:$0x19C80] =	vst v63  }
0x153: {  	s25 =	smov.u32 s26;
	s26 =	smov.u32 s28;
	_ =	swait.ge [sflag:s14], $0xC800  }
0x154: {  	s28 =	smov.u32 s29;
	s29 =	smov.u32 s30;
	[sflag:s14] =	ssyncset.done $0x0  }
0x155: {  	s30 =	smov.u32 s7;
	s7 =	simm.s32 $0xC80;
	[sflag:s14] =	ssyncadd.s32 $0xFFFF3800  }
0x156: {  	[hbm4b:s30+s2] =	stream.linear.scatter [tilespmem:s7], [sflag:$0x5], $0xC800, $0x38;
	[tilespmem:$0x19C80] =	vst v63  }
0x157: {  	_ = 	snop  }
0x158: {  	[tilespmem:s2], [sflag:$0x1] =	stream.linear.gather [hbm4b:s4+s2], $0x640, $0x38;
	[tilespmem:$0x19C80] =	vst v63  }
0x159: {  	_ =	swait.ge [sflag:s20], $0x640  }
0x15a: {  	[sflag:s20] =	ssyncset.done $0x0  }
0x15b: {  	[sflag:s20] =	ssyncadd.s32 $0xFFFFF9C0  }
0x15c: {  	_ =	swait.ge [sflag:s8], $0xC800  }
0x15d: {  	[sflag:s8] =	ssyncset.done $0x0  }
0x15e: {  	[sflag:s8] =	ssyncadd.s32 $0xFFFF3800  }
0x15f: {  	[tilespmem:s7], [sflag:$0x3] =	stream.indirect.gather [hbm4b:s3+s11], $0x20, s2, s11, $0xb8;
	[tilespmem:$0x19C80] =	vst v63  }
0x160: {  	_ =	swait.ge [sflag:s13], $0xC800  }
0x161: {  	[sflag:s13] =	ssyncset.done $0x0  }
0x162: {  	[sflag:s13] =	ssyncadd.s32 $0xFFFF3800  }
0x163: {  	[hbm4b:s28+s2] =	stream.linear.scatter [tilespmem:s9], [sflag:$0x6], $0xC800, $0x38;
	[tilespmem:$0x19C80] =	vst v63  }
0x164: {  	_ = 	snop  }
0x165: {  	[tilespmem:s11], [sflag:$0x2] =	stream.linear.gather [hbm4b:s29+s2], $0x640, $0x38;
	[tilespmem:$0x19C80] =	vst v63  }
0x166: {  	_ =	swait.ge [sflag:s17], $0x640  }
0x167: {  	[sflag:s17] =	ssyncset.done $0x0  }
0x168: {  	[sflag:s17] =	ssyncadd.s32 $0xFFFFF9C0  }
0x169: {  	_ =	swait.ge [sflag:s31], $0xC800  }
0x16a: {  	[sflag:s31] =	ssyncset.done $0x0  }
0x16b: {  	[sflag:s31] =	ssyncadd.s32 $0xFFFF3800  }
0x16c: {  	[tilespmem:s9], [sflag:$0x4] =	stream.indirect.gather [hbm4b:s3+s11], $0x20, s11, s11, $0xb8;
	[tilespmem:$0x19C80] =	vst v63  }
0x16d: {  	_ =	swait.ge [sflag:s14], $0xC800  }
0x16e: {  	[sflag:s14] =	ssyncset.done $0x0  }
0x16f: {  	[sflag:s14] =	ssyncadd.s32 $0xFFFF3800  }
0x170: {  	[hbm4b:s25+s2] =	stream.linear.scatter [tilespmem:s7], [sflag:$0x5], $0xC800, $0x38;
	[tilespmem:$0x19C80] =	vst v63  }
0x171: {  	_ = 	snop  }
0x172: {  	[tilespmem:s2], [sflag:$0x1] =	stream.linear.gather [hbm4b:s26+s2], $0x640, $0x38;
	[tilespmem:$0x19C80] =	vst v63  }
0x173: {  	_ =	swait.ge [sflag:s20], $0x640  }
0x174: {  	[sflag:s20] =	ssyncset.done $0x0  }
0x175: {  	[sflag:s20] =	ssyncadd.s32 $0xFFFFF9C0  }
0x176: {  	_ =	swait.ge [sflag:s8], $0xC800  }
0x177: {  	[sflag:s8] =	ssyncset.done $0x0  }
0x178: {  	[sflag:s8] =	ssyncadd.s32 $0xFFFF3800  }
0x179: {  	[tilespmem:s7], [sflag:$0x3] =	stream.indirect.gather [hbm4b:s3+s11], $0x20, s2, s11, $0xb8;
	[tilespmem:$0x19C80] =	vst v63  }
0x17a: {  	_ =	swait.ge [sflag:s13], $0xC800  }
0x17b: {  	[sflag:s13] =	ssyncset.done $0x0  }
0x17c: {  	[sflag:s13] =	ssyncadd.s32 $0xFFFF3800  }
0x17d: {  	[hbm4b:s23+s2] =	stream.linear.scatter [tilespmem:s9], [sflag:$0x6], $0xC800, $0x38;
	[tilespmem:$0x19C80] =	vst v63  }
0x17e: {  	_ = 	snop  }
0x17f: {  	[tilespmem:s11], [sflag:$0x2] =	stream.linear.gather [hbm4b:s24+s2], $0x640, $0x38;
	[tilespmem:$0x19C80] =	vst v63  }
0x180: {  	_ =	swait.ge [sflag:s17], $0x640  }
0x181: {  	[sflag:s17] =	ssyncset.done $0x0  }
0x182: {  	[sflag:s17] =	ssyncadd.s32 $0xFFFFF9C0  }
0x183: {  	_ =	swait.ge [sflag:s31], $0xC800  }
0x184: {  	[sflag:s31] =	ssyncset.done $0x0  }
0x185: {  	[sflag:s31] =	ssyncadd.s32 $0xFFFF3800  }
0x186: {  	[tilespmem:s9], [sflag:$0x4] =	stream.indirect.gather [hbm4b:s3+s11], $0x20, s11, s11, $0xb8;
	[tilespmem:$0x19C80] =	vst v63  }
0x187: {  	_ =	swait.ge [sflag:s14], $0xC800  }
0x188: {  	[sflag:s14] =	ssyncset.done $0x0  }
0x189: {  	[sflag:s14] =	ssyncadd.s32 $0xFFFF3800  }
0x18a: {  	[hbm4b:s21+s2] =	stream.linear.scatter [tilespmem:s7], [sflag:$0x5], $0xC800, $0x38;
	[tilespmem:$0x19C80] =	vst v63  }
0x18b: {  	_ = 	snop  }
0x18c: {  	[tilespmem:s2], [sflag:$0x1] =	stream.linear.gather [hbm4b:s22+s2], $0x640, $0x38;
	[tilespmem:$0x19C80] =	vst v63  }
0x18d: {  	_ =	swait.ge [sflag:s20], $0x640  }
0x18e: {  	[sflag:s20] =	ssyncset.done $0x0  }
0x18f: {  	[sflag:s20] =	ssyncadd.s32 $0xFFFFF9C0  }
0x190: {  	_ =	swait.ge [sflag:s8], $0xC800  }
0x191: {  	[sflag:s8] =	ssyncset.done $0x0  }
0x192: {  	[sflag:s8] =	ssyncadd.s32 $0xFFFF3800  }
0x193: {  	[tilespmem:s7], [sflag:$0x3] =	stream.indirect.gather [hbm4b:s3+s11], $0x20, s2, s11, $0xb8;
	[tilespmem:$0x19C80] =	vst v63  }
0x194: {  	_ =	swait.ge [sflag:s13], $0xC800  }
0x195: {  	[sflag:s13] =	ssyncset.done $0x0  }
0x196: {  	[sflag:s13] =	ssyncadd.s32 $0xFFFF3800  }
0x197: {  	[hbm4b:s10+s2] =	stream.linear.scatter [tilespmem:s9], [sflag:$0x6], $0xC800, $0x38;
	[tilespmem:$0x19C80] =	vst v63  }
0x198: {  	_ = 	snop  }
0x199: {  	[tilespmem:s11], [sflag:$0x2] =	stream.linear.gather [hbm4b:s19+s2], $0x640, $0x38;
	[tilespmem:$0x19C80] =	vst v63  }
0x19a: {  	_ =	swait.ge [sflag:s17], $0x640  }
0x19b: {  	[sflag:s17] =	ssyncset.done $0x0  }
0x19c: {  	[sflag:s17] =	ssyncadd.s32 $0xFFFFF9C0  }
0x19d: {  	_ =	swait.ge [sflag:s31], $0xC800  }
0x19e: {  	[sflag:s31] =	ssyncset.done $0x0  }
0x19f: {  	[sflag:s31] =	ssyncadd.s32 $0xFFFF3800  }
0x1a0: {  	[tilespmem:s9], [sflag:$0x4] =	stream.indirect.gather [hbm4b:s3+s11], $0x20, s11, s11, $0xb8;
	[tilespmem:$0x19C80] =	vst v63  }
0x1a1: {  	_ =	swait.ge [sflag:s14], $0xC800  }
0x1a2: {  	[sflag:s14] =	ssyncset.done $0x0  }
0x1a3: {  	s6 =	smov.u32 s12;
	s12 =	smov.u32 s16;
	[sflag:s14] =	ssyncadd.s32 $0xFFFF3800  }
0x1a4: {  	[hbm4b:s12+s2] =	stream.linear.scatter [tilespmem:s7], [sflag:$0x5], $0xC800, $0x38;
	[tilespmem:$0x19C80] =	vst v63  }
0x1a5: {  	_ = 	snop  }
0x1a6: {  	[tilespmem:s2], [sflag:$0x1] =	stream.linear.gather [hbm4b:s18+s2], $0x640, $0x38;
	[tilespmem:$0x19C80] =	vst v63  }
0x1a7: {  	_ =	swait.ge [sflag:s20], $0x640  }
0x1a8: {  	[sflag:s20] =	ssyncset.done $0x0  }
0x1a9: {  	[sflag:s20] =	ssyncadd.s32 $0xFFFFF9C0  }
0x1aa: {  	_ =	swait.ge [sflag:s8], $0xC800  }
0x1ab: {  	[sflag:s8] =	ssyncset.done $0x0  }
0x1ac: {  	[sflag:s8] =	ssyncadd.s32 $0xFFFF3800  }
0x1ad: {  	[tilespmem:s7], [sflag:$0x3] =	stream.indirect.gather [hbm4b:s3+s11], $0x20, s2, s11, $0xb8;
	[tilespmem:$0x19C80] =	vst v63  }
0x1ae: {  	_ =	swait.ge [sflag:s13], $0xC800  }
0x1af: {  	[sflag:s13] =	ssyncset.done $0x0  }
0x1b0: {  	[sflag:s13] =	ssyncadd.s32 $0xFFFF3800  }
0x1b1: {  	[hbm4b:s6+s2] =	stream.linear.scatter [tilespmem:s9], [sflag:$0x6], $0xC800, $0x38;
	[tilespmem:$0x19C80] =	vst v63  }
0x1b2: {  	_ = 	snop  }
0x1b3: {  	[tilespmem:s11], [sflag:$0x2] =	stream.linear.gather [hbm4b:s15+s2], $0x640, $0x38;
	[tilespmem:$0x19C80] =	vst v63  }
0x1b4: {  	_ =	swait.ge [sflag:s17], $0x640  }
0x1b5: {  	[sflag:s17] =	ssyncset.done $0x0  }
0x1b6: {  	[sflag:s17] =	ssyncadd.s32 $0xFFFFF9C0  }
0x1b7: {  	_ =	swait.ge [sflag:s31], $0xC800  }
0x1b8: {  	[sflag:s31] =	ssyncset.done $0x0  }
0x1b9: {  	[sflag:s31] =	ssyncadd.s32 $0xFFFF3800  }
0x1ba: {  	[tilespmem:s9], [sflag:$0x4] =	stream.indirect.gather [hbm4b:s3+s11], $0x20, s11, s11, $0xb8;
	[tilespmem:$0x19C80] =	vst v63  }
0x1bb: {  	_ =	swait.ge [sflag:s14], $0xC800  }
0x1bc: {  	[sflag:s14] =	ssyncset.done $0x0  }
0x1bd: {  	[sflag:s14] =	ssyncadd.s32 $0xFFFF3800  }
0x1be: {  	[hbm4b:s5+s2] =	stream.linear.scatter [tilespmem:s7], [sflag:$0x5], $0xC800, $0x38;
	[tilespmem:$0x19C80] =	vst v63  }
0x1bf: {  	_ =	swait.ge [sflag:s13], $0xC800  }
0x1c0: {  	[sflag:s13] =	ssyncset.done $0x0  }
0x1c1: {  	p1 =	sne.s32 s1, $0x1;
	[sflag:s13] =	ssyncadd.s32 $0xFFFF3800  }
0x1c2: {  	[hbm4b:s0+s2] =	stream.linear.scatter [tilespmem:s9], [sflag:$0x6], $0xC800, $0x38;
	[tilespmem:$0x19C80] =	vst v63  }
.Ltmp2:
0x1c3: {  	_ =	swait.ge [sflag:s8], $0xC800;
	(pc) =	sbr.rel @p1 .LBB2_2-.Ltmp2, $4  }
0x1c4: {  	[sflag:s8] =	ssyncset.done $0x0  }
0x1c5: {  	s1 =	sadd.s32 $0xFFFFFFFF, s1;
	s16 =	smov.u32 s12;
	[sflag:s8] =	ssyncadd.s32 $0xFFFF3800  }
0x1c6: {  	s10 =	smov.u32 s5;
	s12 =	smov.u32 s6;
	_ =	swait.ge [sflag:s31], $0xC800  }
0x1c7: {  	s5 =	smov.u32 s0;
	s0 =	rddreg [dreg:$0x3];
	[sflag:s31] =	ssyncset.done $0x0  }
.LBB2_3:
0x1c8: {  	[sflag:s31] =	ssyncadd.s32 @p0 $0xFFFF3800  }
0x1c9: {  	[tilespmem:s2], [sflag:$0x1] =	stream.linear.gather [hbm4b:s0+s2], $0x640, $0x38;
	[tilespmem:$0x19C80] =	vst v63  }
0x1ca: {  	s1 =	rddreg [dreg:$0x4]  }
0x1cb: {  	[tilespmem:s11], [sflag:$0x2] =	stream.linear.gather [hbm4b:s1+s2], $0x640, $0x38;
	[tilespmem:$0x19C80] =	vst v63  }
0x1cc: {  	_ =	swait.ge [sflag:s20], $0x640  }
0x1cd: {  	[sflag:s20] =	ssyncset.done $0x0  }
0x1ce: {  	[sflag:s20] =	ssyncadd.s32 $0xFFFFF9C0  }
0x1cf: {  	[tilespmem:s7], [sflag:$0x3] =	stream.indirect.gather [hbm4b:s3+s11], $0x20, s2, s11, $0xb8;
	[tilespmem:$0x19C80] =	vst v63  }
0x1d0: {  	_ =	swait.ge [sflag:s17], $0x640  }
0x1d1: {  	[sflag:s17] =	ssyncset.done $0x0  }
0x1d2: {  	[sflag:s17] =	ssyncadd.s32 $0xFFFFF9C0  }
0x1d3: {  	[tilespmem:s9], [sflag:$0x4] =	stream.indirect.gather [hbm4b:s3+s11], $0x20, s11, s11, $0xb8;
	[tilespmem:$0x19C80] =	vst v63  }
0x1d4: {  	_ =	swait.ge [sflag:s14], $0xC800  }
0x1d5: {  	[sflag:s14] =	ssyncset.done $0x0  }
0x1d6: {  	s1 =	rddreg [dreg:$0x5];
	[sflag:s14] =	ssyncadd.s32 $0xFFFF3800  }
0x1d7: {  	[hbm4b:s1+s2] =	stream.linear.scatter [tilespmem:s7], [sflag:$0x5], $0xC800, $0x38;
	[tilespmem:$0x19C80] =	vst v63  }
0x1d8: {  	s6 =	rddreg [dreg:$0x6]  }
0x1d9: {  	[tilespmem:s2], [sflag:$0x1] =	stream.linear.gather [hbm4b:s6+s2], $0x640, $0x38;
	[tilespmem:$0x19C80] =	vst v63  }
0x1da: {  	_ =	swait.ge [sflag:s20], $0x640  }
0x1db: {  	[sflag:s20] =	ssyncset.done $0x0  }
0x1dc: {  	[sflag:s20] =	ssyncadd.s32 $0xFFFFF9C0  }
0x1dd: {  	_ =	swait.ge [sflag:s8], $0xC800  }
0x1de: {  	[sflag:s8] =	ssyncset.done $0x0  }
0x1df: {  	[sflag:s8] =	ssyncadd.s32 $0xFFFF3800  }
0x1e0: {  	[tilespmem:s7], [sflag:$0x3] =	stream.indirect.gather [hbm4b:s3+s11], $0x20, s2, s11, $0xb8;
	[tilespmem:$0x19C80] =	vst v63  }
0x1e1: {  	_ =	swait.ge [sflag:s13], $0xC800  }
0x1e2: {  	[sflag:s13] =	ssyncset.done $0x0  }
0x1e3: {  	s1 =	rddreg [dreg:$0x7];
	[sflag:s13] =	ssyncadd.s32 $0xFFFF3800  }
0x1e4: {  	[hbm4b:s1+s2] =	stream.linear.scatter [tilespmem:s9], [sflag:$0x6], $0xC800, $0x38;
	[tilespmem:$0x19C80] =	vst v63  }
0x1e5: {  	s6 =	rddreg [dreg:$0x8]  }
0x1e6: {  	[tilespmem:s11], [sflag:$0x2] =	stream.linear.gather [hbm4b:s6+s2], $0x640, $0x38;
	[tilespmem:$0x19C80] =	vst v63  }
0x1e7: {  	_ =	swait.ge [sflag:s17], $0x640  }
0x1e8: {  	[sflag:s17] =	ssyncset.done $0x0  }
0x1e9: {  	[sflag:s17] =	ssyncadd.s32 $0xFFFFF9C0  }
0x1ea: {  	_ =	swait.ge [sflag:s31], $0xC800  }
0x1eb: {  	[sflag:s31] =	ssyncset.done $0x0  }
0x1ec: {  	[sflag:s31] =	ssyncadd.s32 $0xFFFF3800  }
0x1ed: {  	[tilespmem:s9], [sflag:$0x4] =	stream.indirect.gather [hbm4b:s3+s11], $0x20, s11, s11, $0xb8;
	[tilespmem:$0x19C80] =	vst v63  }
0x1ee: {  	_ =	swait.ge [sflag:s14], $0xC800  }
0x1ef: {  	[sflag:s14] =	ssyncset.done $0x0  }
0x1f0: {  	s1 =	rddreg [dreg:$0x9];
	[sflag:s14] =	ssyncadd.s32 $0xFFFF3800  }
0x1f1: {  	[hbm4b:s1+s2] =	stream.linear.scatter [tilespmem:s7], [sflag:$0x5], $0xC800, $0x38;
	[tilespmem:$0x19C80] =	vst v63  }
0x1f2: {  	s6 =	rddreg [dreg:$0xa]  }
0x1f3: {  	[tilespmem:s2], [sflag:$0x1] =	stream.linear.gather [hbm4b:s6+s2], $0x640, $0x38;
	[tilespmem:$0x19C80] =	vst v63  }
0x1f4: {  	_ =	swait.ge [sflag:s20], $0x640  }
0x1f5: {  	[sflag:s20] =	ssyncset.done $0x0  }
0x1f6: {  	[sflag:s20] =	ssyncadd.s32 $0xFFFFF9C0  }
0x1f7: {  	_ =	swait.ge [sflag:s8], $0xC800  }
0x1f8: {  	[sflag:s8] =	ssyncset.done $0x0  }
0x1f9: {  	[sflag:s8] =	ssyncadd.s32 $0xFFFF3800  }
0x1fa: {  	[tilespmem:s7], [sflag:$0x3] =	stream.indirect.gather [hbm4b:s3+s11], $0x20, s2, s11, $0xb8;
	[tilespmem:$0x19C80] =	vst v63  }
0x1fb: {  	_ =	swait.ge [sflag:s13], $0xC800  }
0x1fc: {  	[sflag:s13] =	ssyncset.done $0x0  }
0x1fd: {  	s1 =	rddreg [dreg:$0xb];
	[sflag:s13] =	ssyncadd.s32 $0xFFFF3800  }
0x1fe: {  	[hbm4b:s1+s2] =	stream.linear.scatter [tilespmem:s9], [sflag:$0x6], $0xC800, $0x38;
	[tilespmem:$0x19C80] =	vst v63  }
0x1ff: {  	s6 =	rddreg [dreg:$0xc]  }
0x200: {  	[tilespmem:s11], [sflag:$0x2] =	stream.linear.gather [hbm4b:s6+s2], $0x640, $0x38;
	[tilespmem:$0x19C80] =	vst v63  }
0x201: {  	_ =	swait.ge [sflag:s17], $0x640  }
0x202: {  	[sflag:s17] =	ssyncset.done $0x0  }
0x203: {  	[sflag:s17] =	ssyncadd.s32 $0xFFFFF9C0  }
0x204: {  	_ =	swait.ge [sflag:s31], $0xC800  }
0x205: {  	[sflag:s31] =	ssyncset.done $0x0  }
0x206: {  	[sflag:s31] =	ssyncadd.s32 $0xFFFF3800  }
0x207: {  	[tilespmem:s9], [sflag:$0x4] =	stream.indirect.gather [hbm4b:s3+s11], $0x20, s11, s11, $0xb8;
	[tilespmem:$0x19C80] =	vst v63  }
0x208: {  	_ =	swait.ge [sflag:s14], $0xC800  }
0x209: {  	[sflag:s14] =	ssyncset.done $0x0  }
0x20a: {  	s1 =	rddreg [dreg:$0xd];
	[sflag:s14] =	ssyncadd.s32 $0xFFFF3800  }
0x20b: {  	[hbm4b:s1+s2] =	stream.linear.scatter [tilespmem:s7], [sflag:$0x5], $0xC800, $0x38;
	[tilespmem:$0x19C80] =	vst v63  }
0x20c: {  	s6 =	rddreg [dreg:$0xe]  }
0x20d: {  	[tilespmem:s2], [sflag:$0x1] =	stream.linear.gather [hbm4b:s6+s2], $0x640, $0x38;
	[tilespmem:$0x19C80] =	vst v63  }
0x20e: {  	_ =	swait.ge [sflag:s20], $0x640  }
0x20f: {  	[sflag:s20] =	ssyncset.done $0x0  }
0x210: {  	[sflag:s20] =	ssyncadd.s32 $0xFFFFF9C0  }
0x211: {  	_ =	swait.ge [sflag:s8], $0xC800  }
0x212: {  	[sflag:s8] =	ssyncset.done $0x0  }
0x213: {  	[sflag:s8] =	ssyncadd.s32 $0xFFFF3800  }
0x214: {  	[tilespmem:s7], [sflag:$0x3] =	stream.indirect.gather [hbm4b:s3+s11], $0x20, s2, s11, $0xb8;
	[tilespmem:$0x19C80] =	vst v63  }
0x215: {  	_ =	swait.ge [sflag:s13], $0xC800  }
0x216: {  	[sflag:s13] =	ssyncset.done $0x0  }
0x217: {  	s1 =	rddreg [dreg:$0xf];
	[sflag:s13] =	ssyncadd.s32 $0xFFFF3800  }
0x218: {  	[hbm4b:s1+s2] =	stream.linear.scatter [tilespmem:s9], [sflag:$0x6], $0xC800, $0x38;
	[tilespmem:$0x19C80] =	vst v63  }
0x219: {  	s6 =	rddreg [dreg:$0x10]  }
0x21a: {  	[tilespmem:s11], [sflag:$0x2] =	stream.linear.gather [hbm4b:s6+s2], $0x640, $0x38;
	[tilespmem:$0x19C80] =	vst v63  }
0x21b: {  	_ =	swait.ge [sflag:s17], $0x640  }
0x21c: {  	[sflag:s17] =	ssyncset.done $0x0  }
0x21d: {  	[sflag:s17] =	ssyncadd.s32 $0xFFFFF9C0  }
0x21e: {  	_ =	swait.ge [sflag:s31], $0xC800  }
0x21f: {  	[sflag:s31] =	ssyncset.done $0x0  }
0x220: {  	[sflag:s31] =	ssyncadd.s32 $0xFFFF3800  }
0x221: {  	[tilespmem:s9], [sflag:$0x4] =	stream.indirect.gather [hbm4b:s3+s11], $0x20, s11, s11, $0xb8;
	[tilespmem:$0x19C80] =	vst v63  }
0x222: {  	_ =	swait.ge [sflag:s14], $0xC800  }
0x223: {  	[sflag:s14] =	ssyncset.done $0x0  }
0x224: {  	[sflag:s14] =	ssyncadd.s32 $0xFFFF3800  }
0x225: {  	[hbm4b:s30+s2] =	stream.linear.scatter [tilespmem:s7], [sflag:$0x5], $0xC800, $0x38;
	[tilespmem:$0x19C80] =	vst v63  }
0x226: {  	_ = 	snop  }
0x227: {  	[tilespmem:s2], [sflag:$0x1] =	stream.linear.gather [hbm4b:s4+s2], $0x640, $0x38;
	[tilespmem:$0x19C80] =	vst v63  }
0x228: {  	_ =	swait.ge [sflag:s20], $0x640  }
0x229: {  	[sflag:s20] =	ssyncset.done $0x0  }
0x22a: {  	[sflag:s20] =	ssyncadd.s32 $0xFFFFF9C0  }
0x22b: {  	_ =	swait.ge [sflag:s8], $0xC800  }
0x22c: {  	[sflag:s8] =	ssyncset.done $0x0  }
0x22d: {  	[sflag:s8] =	ssyncadd.s32 $0xFFFF3800  }
0x22e: {  	[tilespmem:s7], [sflag:$0x3] =	stream.indirect.gather [hbm4b:s3+s11], $0x20, s2, s11, $0xb8;
	[tilespmem:$0x19C80] =	vst v63  }
0x22f: {  	_ =	swait.ge [sflag:s13], $0xC800  }
0x230: {  	[sflag:s13] =	ssyncset.done $0x0  }
0x231: {  	[sflag:s13] =	ssyncadd.s32 $0xFFFF3800  }
0x232: {  	[hbm4b:s28+s2] =	stream.linear.scatter [tilespmem:s9], [sflag:$0x6], $0xC800, $0x38;
	[tilespmem:$0x19C80] =	vst v63  }
0x233: {  	_ = 	snop  }
0x234: {  	[tilespmem:s11], [sflag:$0x2] =	stream.linear.gather [hbm4b:s29+s2], $0x640, $0x38;
	[tilespmem:$0x19C80] =	vst v63  }
0x235: {  	_ =	swait.ge [sflag:s17], $0x640  }
0x236: {  	[sflag:s17] =	ssyncset.done $0x0  }
0x237: {  	[sflag:s17] =	ssyncadd.s32 $0xFFFFF9C0  }
0x238: {  	_ =	swait.ge [sflag:s31], $0xC800  }
0x239: {  	[sflag:s31] =	ssyncset.done $0x0  }
0x23a: {  	[sflag:s31] =	ssyncadd.s32 $0xFFFF3800  }
0x23b: {  	[tilespmem:s9], [sflag:$0x4] =	stream.indirect.gather [hbm4b:s3+s11], $0x20, s11, s11, $0xb8;
	[tilespmem:$0x19C80] =	vst v63  }
0x23c: {  	_ =	swait.ge [sflag:s14], $0xC800  }
0x23d: {  	[sflag:s14] =	ssyncset.done $0x0  }
0x23e: {  	[sflag:s14] =	ssyncadd.s32 $0xFFFF3800  }
0x23f: {  	[hbm4b:s25+s2] =	stream.linear.scatter [tilespmem:s7], [sflag:$0x5], $0xC800, $0x38;
	[tilespmem:$0x19C80] =	vst v63  }
0x240: {  	_ = 	snop  }
0x241: {  	[tilespmem:s2], [sflag:$0x1] =	stream.linear.gather [hbm4b:s26+s2], $0x640, $0x38;
	[tilespmem:$0x19C80] =	vst v63  }
0x242: {  	_ =	swait.ge [sflag:s20], $0x640  }
0x243: {  	[sflag:s20] =	ssyncset.done $0x0  }
0x244: {  	[sflag:s20] =	ssyncadd.s32 $0xFFFFF9C0  }
0x245: {  	_ =	swait.ge [sflag:s8], $0xC800  }
0x246: {  	[sflag:s8] =	ssyncset.done $0x0  }
0x247: {  	[sflag:s8] =	ssyncadd.s32 $0xFFFF3800  }
0x248: {  	[tilespmem:s7], [sflag:$0x3] =	stream.indirect.gather [hbm4b:s3+s11], $0x20, s2, s11, $0xb8;
	[tilespmem:$0x19C80] =	vst v63  }
0x249: {  	_ =	swait.ge [sflag:s13], $0xC800  }
0x24a: {  	[sflag:s13] =	ssyncset.done $0x0  }
0x24b: {  	[sflag:s13] =	ssyncadd.s32 $0xFFFF3800  }
0x24c: {  	[hbm4b:s23+s2] =	stream.linear.scatter [tilespmem:s9], [sflag:$0x6], $0xC800, $0x38;
	[tilespmem:$0x19C80] =	vst v63  }
0x24d: {  	_ = 	snop  }
0x24e: {  	[tilespmem:s11], [sflag:$0x2] =	stream.linear.gather [hbm4b:s24+s2], $0x640, $0x38;
	[tilespmem:$0x19C80] =	vst v63  }
0x24f: {  	_ =	swait.ge [sflag:s17], $0x640  }
0x250: {  	[sflag:s17] =	ssyncset.done $0x0  }
0x251: {  	[sflag:s17] =	ssyncadd.s32 $0xFFFFF9C0  }
0x252: {  	_ =	swait.ge [sflag:s31], $0xC800  }
0x253: {  	[sflag:s31] =	ssyncset.done $0x0  }
0x254: {  	[sflag:s31] =	ssyncadd.s32 $0xFFFF3800  }
0x255: {  	[tilespmem:s9], [sflag:$0x4] =	stream.indirect.gather [hbm4b:s3+s11], $0x20, s11, s11, $0xb8;
	[tilespmem:$0x19C80] =	vst v63  }
0x256: {  	_ =	swait.ge [sflag:s14], $0xC800  }
0x257: {  	[sflag:s14] =	ssyncset.done $0x0  }
0x258: {  	[sflag:s14] =	ssyncadd.s32 $0xFFFF3800  }
0x259: {  	[hbm4b:s21+s2] =	stream.linear.scatter [tilespmem:s7], [sflag:$0x5], $0xC800, $0x38;
	[tilespmem:$0x19C80] =	vst v63  }
0x25a: {  	_ = 	snop  }
0x25b: {  	[tilespmem:s2], [sflag:$0x1] =	stream.linear.gather [hbm4b:s22+s2], $0x640, $0x38;
	[tilespmem:$0x19C80] =	vst v63  }
0x25c: {  	_ =	swait.ge [sflag:s20], $0x640  }
0x25d: {  	[sflag:s20] =	ssyncset.done $0x0  }
0x25e: {  	[sflag:s20] =	ssyncadd.s32 $0xFFFFF9C0  }
0x25f: {  	_ =	swait.ge [sflag:s8], $0xC800  }
0x260: {  	[sflag:s8] =	ssyncset.done $0x0  }
0x261: {  	[sflag:s8] =	ssyncadd.s32 $0xFFFF3800  }
0x262: {  	[tilespmem:s7], [sflag:$0x3] =	stream.indirect.gather [hbm4b:s3+s11], $0x20, s2, s11, $0xb8;
	[tilespmem:$0x19C80] =	vst v63  }
0x263: {  	_ =	swait.ge [sflag:s13], $0xC800  }
0x264: {  	[sflag:s13] =	ssyncset.done $0x0  }
0x265: {  	s30 =	rddreg [dreg:$0x12];
	[sflag:s13] =	ssyncadd.s32 $0xFFFF3800  }
0x266: {  	[hbm4b:s30+s2] =	stream.linear.scatter [tilespmem:s9], [sflag:$0x6], $0xC800, $0x38;
	[tilespmem:$0x19C80] =	vst v63  }
0x267: {  	_ = 	snop  }
0x268: {  	[tilespmem:s11], [sflag:$0x2] =	stream.linear.gather [hbm4b:s19+s2], $0x640, $0x38;
	[tilespmem:$0x19C80] =	vst v63  }
0x269: {  	_ =	swait.ge [sflag:s17], $0x640  }
0x26a: {  	[sflag:s17] =	ssyncset.done $0x0  }
0x26b: {  	[sflag:s17] =	ssyncadd.s32 $0xFFFFF9C0  }
0x26c: {  	_ =	swait.ge [sflag:s31], $0xC800  }
0x26d: {  	[sflag:s31] =	ssyncset.done $0x0  }
0x26e: {  	[sflag:s31] =	ssyncadd.s32 $0xFFFF3800  }
0x26f: {  	[tilespmem:s9], [sflag:$0x4] =	stream.indirect.gather [hbm4b:s3+s11], $0x20, s11, s11, $0xb8;
	[tilespmem:$0x19C80] =	vst v63  }
0x270: {  	_ =	swait.ge [sflag:s14], $0xC800  }
0x271: {  	[sflag:s14] =	ssyncset.done $0x0  }
0x272: {  	[sflag:s14] =	ssyncadd.s32 $0xFFFF3800  }
0x273: {  	[hbm4b:s16+s2] =	stream.linear.scatter [tilespmem:s7], [sflag:$0x5], $0xC800, $0x38;
	[tilespmem:$0x19C80] =	vst v63  }
0x274: {  	_ = 	snop  }
0x275: {  	[tilespmem:s2], [sflag:$0x1] =	stream.linear.gather [hbm4b:s18+s2], $0x640, $0x38;
	[tilespmem:$0x19C80] =	vst v63  }
0x276: {  	_ =	swait.ge [sflag:s20], $0x640  }
0x277: {  	[sflag:s20] =	ssyncset.done $0x0  }
0x278: {  	[sflag:s20] =	ssyncadd.s32 $0xFFFFF9C0  }
0x279: {  	_ =	swait.ge [sflag:s8], $0xC800  }
0x27a: {  	[sflag:s8] =	ssyncset.done $0x0  }
0x27b: {  	[sflag:s8] =	ssyncadd.s32 $0xFFFF3800  }
0x27c: {  	[tilespmem:s7], [sflag:$0x3] =	stream.indirect.gather [hbm4b:s3+s11], $0x20, s2, s11, $0xb8;
	[tilespmem:$0x19C80] =	vst v63  }
0x27d: {  	_ =	swait.ge [sflag:s13], $0xC800  }
0x27e: {  	[sflag:s13] =	ssyncset.done $0x0  }
0x27f: {  	[sflag:s13] =	ssyncadd.s32 $0xFFFF3800  }
0x280: {  	[hbm4b:s12+s2] =	stream.linear.scatter [tilespmem:s9], [sflag:$0x6], $0xC800, $0x38;
	[tilespmem:$0x19C80] =	vst v63  }
0x281: {  	_ = 	snop  }
0x282: {  	[tilespmem:s11], [sflag:$0x2] =	stream.linear.gather [hbm4b:s15+s2], $0x640, $0x38;
	[tilespmem:$0x19C80] =	vst v63  }
0x283: {  	_ =	swait.ge [sflag:s17], $0x640  }
0x284: {  	[sflag:s17] =	ssyncset.done $0x0  }
0x285: {  	[sflag:s17] =	ssyncadd.s32 $0xFFFFF9C0  }
0x286: {  	_ =	swait.ge [sflag:s31], $0xC800  }
0x287: {  	[sflag:s31] =	ssyncset.done $0x0  }
0x288: {  	[sflag:s31] =	ssyncadd.s32 $0xFFFF3800  }
0x289: {  	[tilespmem:s9], [sflag:$0x4] =	stream.indirect.gather [hbm4b:s3+s11], $0x20, s11, s11, $0xb8;
	[tilespmem:$0x19C80] =	vst v63  }
0x28a: {  	_ =	swait.ge [sflag:s14], $0xC800  }
0x28b: {  	[sflag:s14] =	ssyncset.done $0x0  }
0x28c: {  	[sflag:s14] =	ssyncadd.s32 $0xFFFF3800  }
0x28d: {  	[hbm4b:s10+s2] =	stream.linear.scatter [tilespmem:s7], [sflag:$0x5], $0xC800, $0x38;
	[tilespmem:$0x19C80] =	vst v63  }
0x28e: {  	_ =	swait.ge [sflag:s13], $0xC800  }
0x28f: {  	[sflag:s13] =	ssyncset.done $0x0  }
0x290: {  	[sflag:s13] =	ssyncadd.s32 $0xFFFF3800  }
0x291: {  	[hbm4b:s5+s2] =	stream.linear.scatter [tilespmem:s9], [sflag:$0x6], $0xC800, $0x38;
	[tilespmem:$0x19C80] =	vst v63  }
0x292: {  	_ =	swait.ge [sflag:s8], $0xC800  }
0x293: {  	[sflag:s8] =	ssyncset.done $0x0  }
0x294: {  	[sflag:s8] =	ssyncadd.s32 $0xFFFF3800  }
0x295: {  	_ =	swait.ge [sflag:s31], $0xC800  }
0x296: {  	[sflag:s31] =	ssyncset.done $0x0  }
0x297: {  	[sflag:s31] =	ssyncadd.s32 $0xFFFF3800  }
0x298: {  	_ =	sfence.sel $0x180000  }
0x299: {  	[bflag:$0x0] =	sbarrier.arrive $0xFFFF  }
0x29a: {  	_ =	strace $0x9000004A  }
0x29b: {  	s31 =	stileid.u32;
	[bflag:$0x2] =	sbarrier.arrive $0xFFFF  }
0x29c: {  	p0 =	sne.s32 s31, $0x0;
	s0 =	rddreg [dreg:$0x2]  }
0x29d: {  	s0 =	sadd.s32 @!p0 $0x100000, s0  }
0x29e: {  	[sflag:s0] =	ssyncadd.tile.s32 @!p0 $0x1;
	_ =	shalt  }
.Lfunc_end2:
_tile_overlayer_lowered:
.L_overlay_start_2:
0x29f: {  	(tag) =	ssettag $0x2  }
0x2a0: {  	s0 =	rddreg [dreg:$0x0];
	s2 =	stileid.u32  }
0x2a1: {  	s1 =	rddreg [dreg:$0x1];
	p0 =	sne.s32 s2, $0x0  }
0x2a2: {  	s3 =	rddreg [dreg:$0x2];
	[bflag:$0x3] =	sbarrier.arrive $0xFFFF;
	s2 =	simm.s32 @!p0 $0x1C07  }
0x2a3: {  	[timem:s3], [sflag:s2] =	dma.local @!p0 [hbm:s0], s1  }
0x2a4: {  	s0 =	simm.s32 @!p0 $0x7  }
0x2a5: {  	_ =	swait.ge @!p0 [sflag:s0], s1  }
0x2a6: {  	s1 =	ssub.s32 @!p0 $0x0, s1;
	[sflag:s0] =	ssyncset.done @!p0 $0x0  }
0x2a7: {  	[sflag:s0] =	ssyncadd.s32 @!p0 s1  }
0x2a8: {  	[bflag:$0x3] =	sbarrier.arrive $0xFFFF  }
0x2a9: {  	_ =	shalt  }

// kernel: sparse-core-data-format-call.cloned.1.call-start
scs
called_computation_lowered:
.L_overlay_start_0:
0x0: {  	s2 =	sld [smem:$0x3FD9]  }
0x1: {  	s3 =	sld [smem:$0x3FFE];
	_ =	sdelay $0x1  }
0x2: {  	s1 =	srdreg.scid  }
0x3: {  	s0 =	sand.u32 $0x1, s1  }
0x4: {  	s18 =	sshll.u32 s0, $0xA;
	s2 =	sadd.s32 s3, s2  }
0x5: {  	s2 =	sadd.s32 s2, s18  }
0x6: {  	[smem:$0x3FC6] =	sst s2  }
0x7: {  	_ = 	snop  }
0x8: {  	s2 =	sld [smem:$0x3FD0];
	(tm) =	ssettm $0x1  }
0x9: {  	s19 =	sld [smem:$0x3FFB];
	_ =	sdelay $0x3  }
0xa: {  	_ =	strace s19  }
0xb: {  	s3 =	sld [smem:$0x3FFC];
	_ =	sdelay $0x3  }
0xc: {  	_ =	strace s3  }
0xd: {  	s3 =	sld [smem:$0x3FFD];
	_ =	sdelay $0x3  }
0xe: {  	_ =	strace s3  }
0xf: {  	_ =	strace $0x8FFFFFFF  }
0x10: {  	s20 =	sld [smem:$0x3FDB];
	_ =	sdelay $0x1  }
0x11: {  	s4 =	simm.s32 $_scs_section_size  }
0x12: {  	s5 =	simm.s32 $_size__tile_overlayer_lowered;
	s6 =	simm.s32 $_tile_overlayer_lowered  }
0x13: {  	s23 =	simm.s32 $0x1BFF;
	s22 =	sshll.u32 s6, $0x1;
	s3 =	sadd.s32 s4, s20  }
0x14: {  	s7 =	simm.s32 $0x0;
	s21 =	sshll.u32 s5, $0x1;
	s5 =	sadd.s32 s22, s3  }
0x15: {  	[timem:s7], [sflag:s23] =	dma.local [hbm:s5], s21  }
0x16: {  	_ =	swait.ge [sflag:s23], s21  }
0x17: {  	s4 =	ssub.s32 $0x0, s21;
	[sflag:s23] =	ssyncset.done $0x0  }
0x18: {  	[sflag:s23] =	ssyncadd.s32 s4;
	_ =	sdelay $0x1  }
0x19: {  	s24 =	simm.s32 $0x1B8B  }
0x1a: {  	_ =	swait.ge [sflag:s24], $0x1  }
0x1b: {  	[sflag:s24] =	ssyncset.done $0x0  }
0x1c: {  	s26 =	simm.s32 $0x1B8E;
	s25 =	sld [smem:$0x3FFE];
	[sflag:s24] =	ssyncadd.s32 $0xFFFFFFFF  }
0x1d: {  	s27 =	simm.s32 $execute0_lowered;
	[smem:$0x3FD2] =	sst s26  }
0x1e: {  	s5 =	sshll.u32 s27, $0x1;
	_ =	strace $0x8000004C;
	[dreg:$0x1] =	wrdreg $0xFFFFFFFF  }
0x1f: {  	s28 =	simm.s32 $_size_execute0_lowered;
	s3 =	sadd.s32 s3, s5;
	[dreg:$0x0] =	wrdreg $0x0  }
0x20: {  	s5 =	sshll.u32 s28, $0x1;
	[dreg:$0x2] =	wrdreg s3  }
0x21: {  	[dreg:$0x3] =	wrdreg s5  }
0x22: {  	[dreg:$0x4] =	wrdreg $0xC0  }
0x23: {  	_ =	task [dreg:s7], $0x5FFFF  }
0x24: {  	[dreg:$0x1] =	wrdreg $0xFFFFFFFF  }
0x25: {  	[dreg:$0x0] =	wrdreg $0x60  }
0x26: {  	[dreg:$0x2] =	wrdreg s25  }
0x27: {  	[dreg:$0x3] =	wrdreg s2  }
0x28: {  	[dreg:$0x4] =	wrdreg $0x9  }
0x29: {  	_ =	task.clear_ibuf [dreg:s7], $0x5FFFF;
	_ =	strace $0x9000004C  }
0x2a: {  	s29 =	simm.s32 $0x9;
	_ =	strace $0x8000004E  }
0x2b: {  	_ =	swait.ge [sflag:s29], $0x1  }
0x2c: {  	[sflag:s29] =	ssyncadd.s32 $0xFFFFFFFF  }
0x2d: {  	_ =	strace $0x9000004E  }
0x2e: {  	_ =	sfence  }
0x2f: {  	s30 =	sld [smem:$0x0];
	_ =	sdelay $0x2  }
0x30: {  	s31 =	sshll.u32 s1, $0xD;
	s1 =	sshrl.u32 s1, $0x2  }
0x31: {  	s3 =	sand.u32 $0x4000, s31;
	s1 =	sadd.s32 s1, s30  }
0x32: {  	s0 =	sor.u32 s3, s0;
	s1 =	sshll.u32 s1, $0x11  }
0x33: {  	s0 =	sor.u32 s1, s0  }
0x34: {  	s0 =	sadd.s32 $0x8F2B, s0  }
0x35: {  	[sflag:s0] =	ssyncadd.remote.s32 $0x1  }
0x36: {  	_ =	sfence.sel $0xFFFF  }
0x37: {  	[dreg:$0x0] =	wrdreg $0xFFFFFFFF;
	(pc) =	sbr.abs _section_cstart, $3  }
0x38: {  	[dreg:$0x1] =	wrdreg $0xFFFFFFFF  }
0x39: {  	_ =	task.clear_ibuf [dreg:s7], $0x2FFFF;
	_ =	strace $0x9FFFFFFF  }
0x3a: {  	(tm) =	ssettm $0x7FFFFFFF  }
0x3b: {  	_ =	shalt  }
tec
execute0_lowered:
.L_overlay_start_1:
0x0: {  	(tag) =	ssettag $0x1  }
0x1: {  	s0 =	srdreg.scid  }
0x2: {  	s1 =	sshll.u32 s0, $0x4  }
0x3: {  	s0 =	stileid.u32;
	s1 =	sand.u32 $0x10, s1  }
0x4: {  	s1 =	sor.u32 s0, s1  }
0x5: {  	s6 =	rddreg [dreg:$0x0];
	s4 =	simm.s32 $0x1;
	s2 =	sshll.u32 s1, $0x7  }
0x6: {  	s7 =	simm.s32 $0x2;
	s12 =	simm.s32 $0x0;
	s1 =	ssub.s32 $0x1000, s2  }
0x7: {  	s8 =	simm.s32 $0x8000;
	s13 =	simm.s32 $0x0;
	s3 =	sand.u32 $0xF80, s1  }
0x8: {  	s9 =	simm.s32 $0x0;
	s5 =	sshrl.u32 s1, $0xC;
	p0 =	sne.s32 s3, $0x0  }
.Ltmp0:
0x9: {  	s1 =	rddreg [dreg:$0x2];
	s4 =	simm.s32 @!p0 $0x0;
	(pc) =	sbr.rel .LBB1_1-.Ltmp0, $4  }
0xa: {  	s11 =	simm.s32 $0x0;
	s3 =	rddreg [dreg:$0x1];
	s5 =	sadd.s32 s4, s5  }
0xb: {  	_ =	strace $0x8000004D;
	s4 =	simm.s32 $0x1;
	s5 =	smul.u32 $0xC8, s5  }
0xc: {  	s6 =	sadd.s32 $0xE00, s6;
	s10 =	smov.u32 s2;
	[sflag:s4] =	ssyncpa.u1 $0x0  }
0xd: {  	p0 =	por $0x0, $0x0;
	[sflag:s7] =	ssyncpa.u1 $0x0;
	s7 =	sor.u32 $0x1, s5  }
.LBB1_4:
0xe: {  	s16 =	sshll.u32 s13, $0x3;
	s17 =	sand.u32 $0x78, s13  }
0xf: {  	s30 =	sand.u32 $0x3E00, s13;
	s12 =	sshll.u32 s12, $0xE;
	s16 =	sand.u32 $0xC00, s16  }
0x10: {  	s31 =	sand.u32 $0x7, s13;
	s16 =	sor.u32 s17, s16;
	s17 =	sadd.s32 s3, s30  }
0x11: {  	s13 =	sshll.u32 s31, $0x12;
	s16 =	sshrl.u32 s16, $0x3;
	s12 =	sadd.s32 s12, s17  }
0x12: {  	[tilespmem:s15+$0x0 ss:$0x81] =	vst.msk $0xffff, v0;
	s13 =	sor.u32 $0x400, s13;
	s12 =	sadd.s32 s16, s12  }
0x13: {  	[hbm4b:s12+s13] =	stream.strided.scatter [tilespmem:s14], [sflag:$0x2], $0x1000, s8, s13, $0x20;
	[tilespmem:$0x4040] =	vst v63  }
.LBB1_5:
0x14: {  	s14 =	sadd.s32 $0x1, s9  }
0x15: {  	s12 =	sadd.s32 $0x1000, s10;
	s16 =	smov.u32 s10;
	p2 =	sgt.s32 s14, $0xC7  }
0x16: {  	s16 =	smov.u32 @p2 s12  }
0x17: {  	s14 =	simm.s32 @p2 $0x0;
	p2 =	sgt.s32 s16, $0xFFF  }
0x18: {  	s16 =	smov.u32 @p2 s2;
	p2 =	sne.s32 s11, s7  }
.Ltmp1:
0x19: {  	p1 =	slt.u32 s11, $0x2;
	(pc) =	sbr.rel @!p2 .LBB1_6-.Ltmp1, $4  }
0x1a: {  	s15 =	simm.s32 @!p1 $0x2  }
0x1b: {  	s13 =	smov.u32 s10;
	p0 =	por !p0, !p0;
	_ =	swait.ge @!p1 [sflag:s15], $0x1000  }
0x1c: {  	s12 =	smov.u32 s9;
	[sflag:s15] =	ssyncset.done @!p1 $0x0;
	s9 =	smov.u32 s14  }
0x1d: {  	s11 =	sadd.s32 $0x1, s11;
	[sflag:s15] =	ssyncadd.s32 @!p1 $0xFFFFF000;
	s10 =	smov.u32 s16  }
.LBB1_1:
0x1e: {  	p1 =	sge.u32 s11, s5  }
0x1f: {  	s14 =	sand.u32 @!p1 $0x1FFFFFF, s9  }
0x20: {  	s15 =	smulhi.u32 @!p1 $0x147AE15, s14;
	_ =	sdelay $0x1  }
0x21: {  	s15 =	smul.u32 @!p1 $0xC8, s15  }
0x22: {  	s16 =	sxor.u32 @!p1 $0xFFFFFFFF, s11;
	s17 =	smul.u32 @!p1 $0xC80, s10  }
0x23: {  	s31 =	sadd.s32 $0xFFFFFFFF, s11;
	s16 =	sshll.u32 @!p1 s16, $0xC;
	s14 =	ssub.s32 @!p1 s14, s15  }
0x24: {  	s15 =	sand.u32 @!p1 $0x1000, s16;
	s16 =	sadd.s32 @!p1 s6, s17;
	s14 =	sshll.u32 @!p1 s14, $0x4  }
0x25: {  	s17 =	simm.s32 @!p1 $0x6400;
	s14 =	sadd.s32 @!p1 s14, s16;
	s16 =	simm.s32 @!p1 $0x20  }
0x26: {  	[tilespmem:s15], [sflag:$0x1] =	stream.strided.gather @!p1 [hbm4b:s14+s16], $0x1000, s17, s16, $0x38;
	[tilespmem:$0x4040] =	vst v63  }
0x27: {  	p1 =	sge.u32 s31, s5  }
.Ltmp2:
0x28: {  	_ = 	snop;
	(pc) =	sbr.rel @p1 .LBB1_5-.Ltmp2, $1  }
0x29: {  	_ =	sdelay $0x3  }
0x2a: {  	s14 =	simm.s32 $0x1  }
0x2b: {  	_ =	swait.ge [sflag:s4], $0x1000;
	s14 =	simm.s32 @!p0 $0x0  }
0x2c: {  	[sflag:s4] =	ssyncset.done $0x0;
	s15 =	sshll.u32 s14, $0xC  }
0x2d: {  	[sflag:s4] =	ssyncadd.s32 $0xFFFFF000;
	s18 =	sor.u32 $0x10, s15  }
0x2e: {  	s14 =	smul.u32 $0x4080, s14;
	v1 =	vld [tilespmem:s18+$0x0]  }
0x2f: {  	s30 =	sand.u32 $0x1, s11;
	v0 =	vld [tilespmem:s18+$0xFFFFFFF0]  }
0x30: {  	s15 =	smul.u32 $0x4080, s30;
	s14 =	sshrl.u32 s14, $0x2  }
0x31: {  	s16 =	sor.u32 $0x2000, s14  }
0x32: {  	s31 =	sshrl.u32 s15, $0x2;
	s15 =	sadd.s32 $0x0, s16  }
0x33: {  	s17 =	simm.s32 $0x4;
	s18 =	sadd.s32 $0x20, s18;
	s14 =	sor.u32 $0x2000, s31;
	[tilespmem:s15+$0x810 ss:$0x81] =	vst.msk $0xffff, v1  }
.LBB1_3:
0x34: {  	v1 =	vld [tilespmem:s18+$0x0];
	p1 =	sne.s32 s17, $0x1FC;
	[tilespmem:s15+$0x0 ss:$0x81] =	vst.msk $0xffff, v0;
	s15 =	smov.u32 s17;
	s17 =	sadd.s32 $0x4, s17  }
.Ltmp3:
0x35: {  	v0 =	vld [tilespmem:s18+$0xFFFFFFF0];
	(pc) =	sbr.rel @p1 .LBB1_3-.Ltmp3, $4  }
0x36: {  	_ = 	snop  }
0x37: {  	s15 =	sshra.s32 s15, $0x2  }
0x38: {  	s15 =	sadd.s32 s15, s16  }
0x39: {  	s18 =	sadd.s32 $0x20, s18;
	[tilespmem:s15+$0x810 ss:$0x81] =	vst.msk $0xffff, v1  }
.Ltmp4:
0x3a: {  	_ = 	snop;
	(pc) =	sbr.rel .LBB1_4-.Ltmp4, $1  }
0x3b: {  	_ =	sdelay $0x3  }
.LBB1_6:
0x3c: {  	_ =	sfence.sel $0x180000  }
0x3d: {  	s2 =	simm.s32 $0x1;
	[bflag:$0x0] =	sbarrier.arrive $0xFFFF  }
0x3e: {  	s31 =	simm.s32 $0x2;
	[sflag:s2] =	ssyncpa.u1 $0x1  }
0x3f: {  	[sflag:s31] =	ssyncpa.u1 $0x1  }
0x40: {  	p0 =	sne.s32 s0, $0x0;
	_ =	strace $0x9000004D  }
0x41: {  	s0 =	sadd.s32 @!p0 $0x100000, s1;
	[bflag:$0x2] =	sbarrier.arrive $0xFFFF  }
0x42: {  	[sflag:s0] =	ssyncadd.tile.s32 @!p0 $0x1;
	_ =	shalt  }
.Lfunc_end1:
_tile_overlayer_lowered:
.L_overlay_start_2:
0x43: {  	(tag) =	ssettag $0x2  }
0x44: {  	s0 =	rddreg [dreg:$0x0];
	s2 =	stileid.u32  }
0x45: {  	s1 =	rddreg [dreg:$0x1];
	p0 =	sne.s32 s2, $0x0  }
0x46: {  	s3 =	rddreg [dreg:$0x2];
	[bflag:$0x3] =	sbarrier.arrive $0xFFFF;
	s2 =	simm.s32 @!p0 $0x1C01  }
0x47: {  	[timem:s3], [sflag:s2] =	dma.local @!p0 [hbm:s0], s1  }
0x48: {  	s0 =	simm.s32 @!p0 $0x1  }
0x49: {  	_ =	swait.ge @!p0 [sflag:s0], s1  }
0x4a: {  	s1 =	ssub.s32 @!p0 $0x0, s1;
	[sflag:s0] =	ssyncset.done @!p0 $0x0  }
0x4b: {  	[sflag:s0] =	ssyncadd.s32 @!p0 s1  }
0x4c: {  	[bflag:$0x3] =	sbarrier.arrive $0xFFFF  }
0x4d: {  	_ =	shalt  }

</sc_bundles>
